<compile_context>
chip_gen: v7x
topology: tpu7x:2x2x1
jax: 0.10.2.dev20260603
libtpu: 0.0.44.dev20260713+nightly
codegen_flags: <defaults>
</compile_context>

<pallas_src>
import functools
import math

import jax
import jax.numpy as jnp
from jax import lax
from jax.experimental import pallas as pl
from jax.experimental.pallas import tpu as pltpu, tpu_sc as plsc

_C = 160
_G = _C // 16
_HID = 128
_HG = _HID // 16
_NW = 32


@functools.partial(jax.jit, static_argnums=(2, 3))
def _run(tree_flat, conn_flat, node_num, total_rows):
    num_chunks = total_rows // _C
    inv_s = 1.0 / math.sqrt(_HID)

    mesh = plsc.VectorSubcoreMesh(core_axis_name="c", subcore_axis_name="s")

    @functools.partial(
        pl.kernel,
        out_type=jax.ShapeDtypeStruct((total_rows, _HID), jnp.float32),
        mesh=mesh,
        scratch_types=[
            pltpu.VMEM((_C,), jnp.int32),
            pltpu.VMEM((_C,), jnp.int32),
            pltpu.VMEM((_C, _HID), jnp.float32),
            pltpu.VMEM((_C, _HID), jnp.float32),
            pltpu.VMEM((_C, _HID), jnp.float32),
            pltpu.VMEM((_C, _HID), jnp.float32),
            pltpu.SemaphoreType.DMA,
            pltpu.SemaphoreType.DMA,
            pltpu.SemaphoreType.DMA,
            pltpu.SemaphoreType.DMA,
        ],
    )
    def k(tree_hbm, conn_hbm, out_hbm, idx_a, idx_b, x_a, x_b, p_a, p_b,
          sem_a, sem_b, semo_a, semo_b):
        wid = lax.axis_index("s") * 2 + lax.axis_index("c")
        n_iter = (num_chunks - 1 - wid) // _NW + 1
        buf_a = (idx_a, x_a, p_a, sem_a, semo_a)
        buf_b = (idx_b, x_b, p_b, sem_b, semo_b)

        def fire_loads(buf, cid):
            idx_v, x_v, p_v, sem, _ = buf
            base = cid * _C
            pltpu.async_copy(tree_hbm.at[pl.ds(base, _C)], x_v, sem)
            pltpu.sync_copy(conn_hbm.at[pl.ds(base, _C)], idx_v)
            for j in range(_G):
                batch_base = ((base + j * 16) // node_num) * node_num
                flat_idx = idx_v[pl.ds(j * 16, 16)] + batch_base
                pltpu.async_copy(
                    tree_hbm.at[flat_idx], p_v.at[pl.ds(j * 16, 16)], sem)

        def drain_loads(buf):
            idx_v, x_v, p_v, sem, _ = buf
            pltpu.make_async_copy(tree_hbm.at[pl.ds(0, _C)], x_v, sem).wait()
            zeros = jnp.zeros((16,), jnp.int32)
            for j in range(_G):
                pltpu.make_async_copy(
                    tree_hbm.at[zeros], p_v.at[pl.ds(j * 16, 16)], sem).wait()

        def drain_out(buf):
            _, _, p_v, _, semo = buf
            pltpu.make_async_copy(p_v, out_hbm.at[pl.ds(0, _C)], semo).wait()

        def compute_store(buf, cid):
            _, x_v, p_v, _, semo = buf

            @plsc.parallel_loop(0, _C, unroll=1)
            def _row(r):
                xs = []
                ss = []
                ms = []
                for c in range(_HG):
                    xc = x_v[r, pl.ds(c * 16, 16)]
                    sc = p_v[r, pl.ds(c * 16, 16)] - xc
                    xs.append(xc)
                    ss.append(sc)
                    ms.append(sc * xc)
                t0 = [ms[0] + ms[1], ms[2] + ms[3], ms[4] + ms[5], ms[6] + ms[7]]
                t1 = [t0[0] + t0[1], t0[2] + t0[3]]
                acc = t1[0] + t1[1]
                lane = lax.iota(jnp.int32, 16)
                d = acc
                for kk in (8, 4, 2, 1):
                    d = d + d.at[lane ^ kk].get(mode="promise_in_bounds")
                w = 1.0 / (1.0 + jnp.exp(d * (-inv_s)))
                for c in range(_HG):
                    p_v[r, pl.ds(c * 16, 16)] = xs[c] + w * ss[c]

            pltpu.async_copy(p_v, out_hbm.at[pl.ds(cid * _C, _C)], semo)

        def do_step(cur, nxt, t):
            cid = wid + t * _NW
            @pl.when(t >= 1)
            def _do():
                drain_out(nxt)

            @pl.when(t + 1 < n_iter)
            def _pf():
                fire_loads(nxt, cid + _NW)

            drain_loads(cur)
            compute_store(cur, cid)

        def body(t, carry):
            @pl.when(t % 2 == 0)
            def _even():
                do_step(buf_a, buf_b, t)

            @pl.when(t % 2 == 1)
            def _odd():
                do_step(buf_b, buf_a, t)

            return carry

        fire_loads(buf_a, wid)
        lax.fori_loop(0, n_iter, body, 0)

        @pl.when((n_iter - 1) % 2 == 0)
        def _fin_a():
            drain_out(buf_a)

        @pl.when((n_iter - 1) % 2 == 1)
        def _fin_b():
            drain_out(buf_b)

    return k(tree_flat, conn_flat)


def kernel(tree_embedding, node_connection, node_mask):
    batch, node_num, hid = tree_embedding.shape
    assert hid == _HID and node_num % 16 == 0
    total_rows = batch * node_num
    assert total_rows % _C == 0
    tree_flat = tree_embedding.reshape(total_rows, hid)
    conn_flat = node_connection.astype(jnp.int32).reshape(total_rows)
    out = _run(tree_flat, conn_flat, node_num, total_rows)
    return out.reshape(batch, node_num, hid)

# --- scband reference (transcript-rebuilt; emitter-appended) ---
"""Pipeline reference for scband-single-step-dot-prod-75797582839908 (READ-ONLY COPY).

The authoritative reference and input builder live on the scoring server;
editing this copy changes nothing except your own understanding.
"""

import jax, jax.numpy as jnp
import numpy as np
import math


def setup_inputs(seed: int = 0) -> dict:
    key = jax.random.key(seed)
    k1, k2 = jax.random.split(key)
    batch, node_num, hid = 8, 10000, 128
    tree_embedding = jax.random.normal(k1, (batch, node_num, hid), dtype=jnp.float32)
    node_connection = jax.random.randint(k2, (batch, node_num), 0, node_num, dtype=jnp.int64)
    node_mask = jnp.ones((batch, node_num), dtype=jnp.bool_)
    return {"tree_embedding": tree_embedding, "node_connection": node_connection, "node_mask": node_mask}


def reference(tree_embedding, node_connection, node_mask):
    batch, node_num, hid_sz = tree_embedding.shape
    # tree_embedding[batch_index[:, None], node_connection]
    parent_h = jnp.take_along_axis(tree_embedding, node_connection[:, :, None], axis=1)
    alpha = jnp.exp(jnp.sum(parent_h * tree_embedding, axis=-1, keepdims=True) / math.sqrt(hid_sz))
    beta = jnp.exp(jnp.sum(tree_embedding * tree_embedding, axis=-1, keepdims=True) / math.sqrt(hid_sz))
    w_h = (alpha + 1e-15) / (alpha + beta + 1e-15)
    w_x = beta / (alpha + beta + 1e-15)
    h = w_h * parent_h + w_x * tree_embedding
    return h

if __name__ == "__main__":
    import jax
    _d = setup_inputs()
    print(jax.jit(kernel)(*tuple(_d.values())))

</pallas_src>

<mosaic_0001>
#map = affine_map<(d0, d1) -> (0, 0)>
#map1 = affine_map<(d0, d1) -> (0)>
module attributes {stable_mosaic.version = 14 : i64} {
  func.func @k(%arg0: i32, %arg1: i32, %arg2: memref<80000x128xf32, #tpu.memory_space<hbm>>, %arg3: memref<80000xi32, #tpu.memory_space<hbm>>, %arg4: memref<80000x128xf32, #tpu.memory_space<hbm>>, %arg5: memref<160xi32, #tpu.memory_space<vmem>>, %arg6: memref<160xi32, #tpu.memory_space<vmem>>, %arg7: memref<160x128xf32, #tpu.memory_space<vmem>>, %arg8: memref<160x128xf32, #tpu.memory_space<vmem>>, %arg9: memref<160x128xf32, #tpu.memory_space<vmem>>, %arg10: memref<160x128xf32, #tpu.memory_space<vmem>>, %arg11: memref<!tpu.dma_semaphore, #tpu.memory_space<semaphore_mem>>, %arg12: memref<!tpu.dma_semaphore, #tpu.memory_space<semaphore_mem>>, %arg13: memref<!tpu.dma_semaphore, #tpu.memory_space<semaphore_mem>>, %arg14: memref<!tpu.dma_semaphore, #tpu.memory_space<semaphore_mem>>) attributes {dimension_semantics = [#tpu.dimension_semantics<core_parallel>, #tpu.dimension_semantics<subcore_parallel>], iteration_bounds = array<i64: 2, 16>, scalar_prefetch = 0 : i64, scratch_operands = 10 : i64, tpu.core_type = #tpu.core_type<sc_vector_subcore>, window_params = [{transform_indices = #map}, {transform_indices = #map1}, {transform_indices = #map}]} {
    %mul3A = arith.constant 2 : i32
    %mul3A_0 = arith.muli %arg1, %mul3A : i32
    %add3A = arith.addi %mul3A_0, %arg0 : i32
    %sub3A = arith.constant 499 : i32
    %sub3A_1 = arith.subi %sub3A, %add3A : i32
    %jit3A = arith.constant 32 : i32
    %div3A = arith.divsi %sub3A_1, %jit3A : i32
    %sign3A = arith.constant 0 : i32
    %sign3A_2 = arith.cmpi sgt, %sub3A_1, %sign3A : i32
    %sign3A_3 = arith.extui %sign3A_2 : i1 to i32
    %sign3A_4 = arith.constant 0 : i32
    %sign3A_5 = arith.cmpi slt, %sub3A_1, %sign3A_4 : i32
    %sign3A_6 = arith.extui %sign3A_5 : i1 to i32
    %sign3A_7 = arith.subi %sign3A_3, %sign3A_6 : i32
    %sign3A_8 = arith.constant 0 : i32
    %sign3A_9 = arith.cmpi sgt, %jit3A, %sign3A_8 : i32
    %sign3A_10 = arith.extui %sign3A_9 : i1 to i32
    %sign3A_11 = arith.constant 0 : i32
    %sign3A_12 = arith.cmpi slt, %jit3A, %sign3A_11 : i32
    %sign3A_13 = arith.extui %sign3A_12 : i1 to i32
    %sign3A_14 = arith.subi %sign3A_10, %sign3A_13 : i32
    %ne3A = arith.cmpi ne, %sign3A_7, %sign3A_14 : i32
    %rem3A = arith.remsi %sub3A_1, %jit3A : i32
    %ne3A_15 = arith.constant 0 : i32
    %ne3A_16 = arith.cmpi ne, %rem3A, %ne3A_15 : i32
    %and3A = arith.andi %ne3A, %ne3A_16 : i1
    %sub3A_17 = arith.constant 1 : i32
    %sub3A_18 = arith.subi %div3A, %sub3A_17 : i32
    %select_n3A = arith.select %and3A, %sub3A_18, %div3A : i32
    %add3A_19 = arith.constant 1 : i32
    %add3A_20 = arith.addi %select_n3A, %add3A_19 : i32
    %mul3A_21 = arith.constant 160 : i32
    %mul3A_22 = arith.muli %add3A, %mul3A_21 : i32
    %dma_start3A = arith.constant 0 : i32
    %dma_start3A_23 = tpu.memref_slice %arg2[%mul3A_22, %dma_start3A] : memref<80000x128xf32, #tpu.memory_space<hbm>> -> memref<160x128xf32, #tpu.memory_space<hbm>>
    %dma_start3A_24 = arith.constant 0 : i32
    %dma_start3A_25 = tpu.memref_slice %arg2[%mul3A_22, %dma_start3A_24] : memref<80000x128xf32, #tpu.memory_space<hbm>> -> memref<160x128xf32, #tpu.memory_space<hbm>>
    tpu.enqueue_dma source(%dma_start3A_25 : memref<160x128xf32, #tpu.memory_space<hbm>>) target(%arg7 : memref<160x128xf32, #tpu.memory_space<vmem>>) target_semaphore(%arg11 : memref<!tpu.dma_semaphore, #tpu.memory_space<semaphore_mem>>)
    "tpu.region"() ({
      %run_scoped3A = tpu.sem_alloc : memref<!tpu.dma_semaphore, #tpu.memory_space<semaphore_mem>>
      %dma_start3A_466 = tpu.memref_slice %arg3[%mul3A_22] : memref<80000xi32, #tpu.memory_space<hbm>> -> memref<160xi32, #tpu.memory_space<hbm>>
      %dma_start3A_467 = tpu.memref_slice %arg3[%mul3A_22] : memref<80000xi32, #tpu.memory_space<hbm>> -> memref<160xi32, #tpu.memory_space<hbm>>
      tpu.enqueue_dma source(%dma_start3A_467 : memref<160xi32, #tpu.memory_space<hbm>>) target(%arg5 : memref<160xi32, #tpu.memory_space<vmem>>) target_semaphore(%run_scoped3A : memref<!tpu.dma_semaphore, #tpu.memory_space<semaphore_mem>>)
      %dma_wait3A = tpu.memref_slice %arg3[%mul3A_22] : memref<80000xi32, #tpu.memory_space<hbm>> -> memref<160xi32, #tpu.memory_space<hbm>>
      %dma_wait3A_468 = tpu.memref_slice %arg3[%mul3A_22] : memref<80000xi32, #tpu.memory_space<hbm>> -> memref<160xi32, #tpu.memory_space<hbm>>
      tpu.wait_dma2 semaphore(%run_scoped3A : memref<!tpu.dma_semaphore, #tpu.memory_space<semaphore_mem>>) src(%dma_wait3A_468 : memref<160xi32, #tpu.memory_space<hbm>>) dst(%arg5 : memref<160xi32, #tpu.memory_space<vmem>>)
      tpu.yield
    }) : () -> ()
    %add3A_26 = arith.constant 0 : i32
    %add3A_27 = arith.addi %mul3A_22, %add3A_26 : i32
    %jit3A_28 = arith.constant 10000 : i32
    %div3A_29 = arith.divsi %add3A_27, %jit3A_28 : i32
    %sign3A_30 = arith.constant 0 : i32
    %sign3A_31 = arith.cmpi sgt, %add3A_27, %sign3A_30 : i32
    %sign3A_32 = arith.extui %sign3A_31 : i1 to i32
    %sign3A_33 = arith.constant 0 : i32
    %sign3A_34 = arith.cmpi slt, %add3A_27, %sign3A_33 : i32
    %sign3A_35 = arith.extui %sign3A_34 : i1 to i32
    %sign3A_36 = arith.subi %sign3A_32, %sign3A_35 : i32
    %sign3A_37 = arith.constant 0 : i32
    %sign3A_38 = arith.cmpi sgt, %jit3A_28, %sign3A_37 : i32
    %sign3A_39 = arith.extui %sign3A_38 : i1 to i32
    %sign3A_40 = arith.constant 0 : i32
    %sign3A_41 = arith.cmpi slt, %jit3A_28, %sign3A_40 : i32
    %sign3A_42 = arith.extui %sign3A_41 : i1 to i32
    %sign3A_43 = arith.subi %sign3A_39, %sign3A_42 : i32
    %ne3A_44 = arith.cmpi ne, %sign3A_36, %sign3A_43 : i32
    %rem3A_45 = arith.remsi %add3A_27, %jit3A_28 : i32
    %ne3A_46 = arith.constant 0 : i32
    %ne3A_47 = arith.cmpi ne, %rem3A_45, %ne3A_46 : i32
    %and3A_48 = arith.andi %ne3A_44, %ne3A_47 : i1
    %sub3A_49 = arith.constant 1 : i32
    %sub3A_50 = arith.subi %div3A_29, %sub3A_49 : i32
    %select_n3A_51 = arith.select %and3A_48, %sub3A_50, %div3A_29 : i32
    %mul3A_52 = arith.constant 10000 : i32
    %mul3A_53 = arith.muli %select_n3A_51, %mul3A_52 : i32
    %get3A = arith.constant 0 : index
    %get3A_54 = tpu.vector_load %arg5[%get3A] {strides = array<i32>} : memref<160xi32, #tpu.memory_space<vmem>>, vector<16xi32>,
    %get3A_55 = vector.shape_cast %get3A_54 : vector<16xi32> to vector<16xi32>
    %add3A_56 = vector.broadcast %mul3A_53 : i32 to vector<16xi32>
    %add3A_57 = arith.addi %get3A_55, %add3A_56 : vector<16xi32>
    %dma_start3A_58 = arith.constant 0 : i32
    %dma_start3A_59 = arith.constant 0 : i32
    %dma_start3A_60 = tpu.memref_slice %arg9[%dma_start3A_58, %dma_start3A_59] : memref<160x128xf32, #tpu.memory_space<vmem>> -> memref<16x128xf32, #tpu.memory_space<vmem>>
    %dma_start3A_61 = arith.constant 0 : i32
    %dma_start3A_62 = arith.constant 0 : i32
    %dma_start3A_63 = tpu.memref_slice %arg2[%dma_start3A_61, %dma_start3A_62] : memref<80000x128xf32, #tpu.memory_space<hbm>> -> memref<80000x128xf32, #tpu.memory_space<hbm>>
    tpu.enqueue_indirect_dma source(%dma_start3A_63 : memref<80000x128xf32, #tpu.memory_space<hbm>>) target(%dma_start3A_60 : memref<16x128xf32, #tpu.memory_space<vmem>>) offsets(%add3A_57 : vector<16xi32>) semaphore(%arg11 : memref<!tpu.dma_semaphore, #tpu.memory_space<semaphore_mem>>)
    %add3A_64 = arith.constant 16 : i32
    %add3A_65 = arith.addi %mul3A_22, %add3A_64 : i32
    %jit3A_66 = arith.constant 10000 : i32
    %div3A_67 = arith.divsi %add3A_65, %jit3A_66 : i32
    %sign3A_68 = arith.constant 0 : i32
    %sign3A_69 = arith.cmpi sgt, %add3A_65, %sign3A_68 : i32
    %sign3A_70 = arith.extui %sign3A_69 : i1 to i32
    %sign3A_71 = arith.constant 0 : i32
    %sign3A_72 = arith.cmpi slt, %add3A_65, %sign3A_71 : i32
    %sign3A_73 = arith.extui %sign3A_72 : i1 to i32
    %sign3A_74 = arith.subi %sign3A_70, %sign3A_73 : i32
    %sign3A_75 = arith.constant 0 : i32
    %sign3A_76 = arith.cmpi sgt, %jit3A_66, %sign3A_75 : i32
    %sign3A_77 = arith.extui %sign3A_76 : i1 to i32
    %sign3A_78 = arith.constant 0 : i32
    %sign3A_79 = arith.cmpi slt, %jit3A_66, %sign3A_78 : i32
    %sign3A_80 = arith.extui %sign3A_79 : i1 to i32
    %sign3A_81 = arith.subi %sign3A_77, %sign3A_80 : i32
    %ne3A_82 = arith.cmpi ne, %sign3A_74, %sign3A_81 : i32
    %rem3A_83 = arith.remsi %add3A_65, %jit3A_66 : i32
    %ne3A_84 = arith.constant 0 : i32
    %ne3A_85 = arith.cmpi ne, %rem3A_83, %ne3A_84 : i32
    %and3A_86 = arith.andi %ne3A_82, %ne3A_85 : i1
    %sub3A_87 = arith.constant 1 : i32
    %sub3A_88 = arith.subi %div3A_67, %sub3A_87 : i32
    %select_n3A_89 = arith.select %and3A_86, %sub3A_88, %div3A_67 : i32
    %mul3A_90 = arith.constant 10000 : i32
    %mul3A_91 = arith.muli %select_n3A_89, %mul3A_90 : i32
    %get3A_92 = arith.constant 16 : index
    %get3A_93 = tpu.vector_load %arg5[%get3A_92] {strides = array<i32>} : memref<160xi32, #tpu.memory_space<vmem>>, vector<16xi32>,
    %get3A_94 = vector.shape_cast %get3A_93 : vector<16xi32> to vector<16xi32>
    %add3A_95 = vector.broadcast %mul3A_91 : i32 to vector<16xi32>
    %add3A_96 = arith.addi %get3A_94, %add3A_95 : vector<16xi32>
    %dma_start3A_97 = arith.constant 16 : i32
    %dma_start3A_98 = arith.constant 0 : i32
    %dma_start3A_99 = tpu.memref_slice %arg9[%dma_start3A_97, %dma_start3A_98] : memref<160x128xf32, #tpu.memory_space<vmem>> -> memref<16x128xf32, #tpu.memory_space<vmem>>
    %dma_start3A_100 = arith.constant 0 : i32
    %dma_start3A_101 = arith.constant 0 : i32
    %dma_start3A_102 = tpu.memref_slice %arg2[%dma_start3A_100, %dma_start3A_101] : memref<80000x128xf32, #tpu.memory_space<hbm>> -> memref<80000x128xf32, #tpu.memory_space<hbm>>
    tpu.enqueue_indirect_dma source(%dma_start3A_102 : memref<80000x128xf32, #tpu.memory_space<hbm>>) target(%dma_start3A_99 : memref<16x128xf32, #tpu.memory_space<vmem>>) offsets(%add3A_96 : vector<16xi32>) semaphore(%arg11 : memref<!tpu.dma_semaphore, #tpu.memory_space<semaphore_mem>>)
    %add3A_103 = arith.constant 32 : i32
    %add3A_104 = arith.addi %mul3A_22, %add3A_103 : i32
    %jit3A_105 = arith.constant 10000 : i32
    %div3A_106 = arith.divsi %add3A_104, %jit3A_105 : i32
    %sign3A_107 = arith.constant 0 : i32
    %sign3A_108 = arith.cmpi sgt, %add3A_104, %sign3A_107 : i32
    %sign3A_109 = arith.extui %sign3A_108 : i1 to i32
    %sign3A_110 = arith.constant 0 : i32
    %sign3A_111 = arith.cmpi slt, %add3A_104, %sign3A_110 : i32
    %sign3A_112 = arith.extui %sign3A_111 : i1 to i32
    %sign3A_113 = arith.subi %sign3A_109, %sign3A_112 : i32
    %sign3A_114 = arith.constant 0 : i32
    %sign3A_115 = arith.cmpi sgt, %jit3A_105, %sign3A_114 : i32
    %sign3A_116 = arith.extui %sign3A_115 : i1 to i32
    %sign3A_117 = arith.constant 0 : i32
    %sign3A_118 = arith.cmpi slt, %jit3A_105, %sign3A_117 : i32
    %sign3A_119 = arith.extui %sign3A_118 : i1 to i32
    %sign3A_120 = arith.subi %sign3A_116, %sign3A_119 : i32
    %ne3A_121 = arith.cmpi ne, %sign3A_113, %sign3A_120 : i32
    %rem3A_122 = arith.remsi %add3A_104, %jit3A_105 : i32
    %ne3A_123 = arith.constant 0 : i32
    %ne3A_124 = arith.cmpi ne, %rem3A_122, %ne3A_123 : i32
    %and3A_125 = arith.andi %ne3A_121, %ne3A_124 : i1
    %sub3A_126 = arith.constant 1 : i32
    %sub3A_127 = arith.subi %div3A_106, %sub3A_126 : i32
    %select_n3A_128 = arith.select %and3A_125, %sub3A_127, %div3A_106 : i32
    %mul3A_129 = arith.constant 10000 : i32
    %mul3A_130 = arith.muli %select_n3A_128, %mul3A_129 : i32
    %get3A_131 = arith.constant 32 : index
    %get3A_132 = tpu.vector_load %arg5[%get3A_131] {strides = array<i32>} : memref<160xi32, #tpu.memory_space<vmem>>, vector<16xi32>,
    %get3A_133 = vector.shape_cast %get3A_132 : vector<16xi32> to vector<16xi32>
    %add3A_134 = vector.broadcast %mul3A_130 : i32 to vector<16xi32>
    %add3A_135 = arith.addi %get3A_133, %add3A_134 : vector<16xi32>
    %dma_start3A_136 = arith.constant 32 : i32
    %dma_start3A_137 = arith.constant 0 : i32
    %dma_start3A_138 = tpu.memref_slice %arg9[%dma_start3A_136, %dma_start3A_137] : memref<160x128xf32, #tpu.memory_space<vmem>> -> memref<16x128xf32, #tpu.memory_space<vmem>>
    %dma_start3A_139 = arith.constant 0 : i32
    %dma_start3A_140 = arith.constant 0 : i32
    %dma_start3A_141 = tpu.memref_slice %arg2[%dma_start3A_139, %dma_start3A_140] : memref<80000x128xf32, #tpu.memory_space<hbm>> -> memref<80000x128xf32, #tpu.memory_space<hbm>>
    tpu.enqueue_indirect_dma source(%dma_start3A_141 : memref<80000x128xf32, #tpu.memory_space<hbm>>) target(%dma_start3A_138 : memref<16x128xf32, #tpu.memory_space<vmem>>) offsets(%add3A_135 : vector<16xi32>) semaphore(%arg11 : memref<!tpu.dma_semaphore, #tpu.memory_space<semaphore_mem>>)
    %add3A_142 = arith.constant 48 : i32
    %add3A_143 = arith.addi %mul3A_22, %add3A_142 : i32
    %jit3A_144 = arith.constant 10000 : i32
    %div3A_145 = arith.divsi %add3A_143, %jit3A_144 : i32
    %sign3A_146 = arith.constant 0 : i32
    %sign3A_147 = arith.cmpi sgt, %add3A_143, %sign3A_146 : i32
    %sign3A_148 = arith.extui %sign3A_147 : i1 to i32
    %sign3A_149 = arith.constant 0 : i32
    %sign3A_150 = arith.cmpi slt, %add3A_143, %sign3A_149 : i32
    %sign3A_151 = arith.extui %sign3A_150 : i1 to i32
    %sign3A_152 = arith.subi %sign3A_148, %sign3A_151 : i32
    %sign3A_153 = arith.constant 0 : i32
    %sign3A_154 = arith.cmpi sgt, %jit3A_144, %sign3A_153 : i32
    %sign3A_155 = arith.extui %sign3A_154 : i1 to i32
    %sign3A_156 = arith.constant 0 : i32
    %sign3A_157 = arith.cmpi slt, %jit3A_144, %sign3A_156 : i32
    %sign3A_158 = arith.extui %sign3A_157 : i1 to i32
    %sign3A_159 = arith.subi %sign3A_155, %sign3A_158 : i32
    %ne3A_160 = arith.cmpi ne, %sign3A_152, %sign3A_159 : i32
    %rem3A_161 = arith.remsi %add3A_143, %jit3A_144 : i32
    %ne3A_162 = arith.constant 0 : i32
    %ne3A_163 = arith.cmpi ne, %rem3A_161, %ne3A_162 : i32
    %and3A_164 = arith.andi %ne3A_160, %ne3A_163 : i1
    %sub3A_165 = arith.constant 1 : i32
    %sub3A_166 = arith.subi %div3A_145, %sub3A_165 : i32
    %select_n3A_167 = arith.select %and3A_164, %sub3A_166, %div3A_145 : i32
    %mul3A_168 = arith.constant 10000 : i32
    %mul3A_169 = arith.muli %select_n3A_167, %mul3A_168 : i32
    %get3A_170 = arith.constant 48 : index
    %get3A_171 = tpu.vector_load %arg5[%get3A_170] {strides = array<i32>} : memref<160xi32, #tpu.memory_space<vmem>>, vector<16xi32>,
    %get3A_172 = vector.shape_cast %get3A_171 : vector<16xi32> to vector<16xi32>
    %add3A_173 = vector.broadcast %mul3A_169 : i32 to vector<16xi32>
    %add3A_174 = arith.addi %get3A_172, %add3A_173 : vector<16xi32>
    %dma_start3A_175 = arith.constant 48 : i32
    %dma_start3A_176 = arith.constant 0 : i32
    %dma_start3A_177 = tpu.memref_slice %arg9[%dma_start3A_175, %dma_start3A_176] : memref<160x128xf32, #tpu.memory_space<vmem>> -> memref<16x128xf32, #tpu.memory_space<vmem>>
    %dma_start3A_178 = arith.constant 0 : i32
    %dma_start3A_179 = arith.constant 0 : i32
    %dma_start3A_180 = tpu.memref_slice %arg2[%dma_start3A_178, %dma_start3A_179] : memref<80000x128xf32, #tpu.memory_space<hbm>> -> memref<80000x128xf32, #tpu.memory_space<hbm>>
    tpu.enqueue_indirect_dma source(%dma_start3A_180 : memref<80000x128xf32, #tpu.memory_space<hbm>>) target(%dma_start3A_177 : memref<16x128xf32, #tpu.memory_space<vmem>>) offsets(%add3A_174 : vector<16xi32>) semaphore(%arg11 : memref<!tpu.dma_semaphore, #tpu.memory_space<semaphore_mem>>)
    %add3A_181 = arith.constant 64 : i32
    %add3A_182 = arith.addi %mul3A_22, %add3A_181 : i32
    %jit3A_183 = arith.constant 10000 : i32
    %div3A_184 = arith.divsi %add3A_182, %jit3A_183 : i32
    %sign3A_185 = arith.constant 0 : i32
    %sign3A_186 = arith.cmpi sgt, %add3A_182, %sign3A_185 : i32
    %sign3A_187 = arith.extui %sign3A_186 : i1 to i32
    %sign3A_188 = arith.constant 0 : i32
    %sign3A_189 = arith.cmpi slt, %add3A_182, %sign3A_188 : i32
    %sign3A_190 = arith.extui %sign3A_189 : i1 to i32
    %sign3A_191 = arith.subi %sign3A_187, %sign3A_190 : i32
    %sign3A_192 = arith.constant 0 : i32
    %sign3A_193 = arith.cmpi sgt, %jit3A_183, %sign3A_192 : i32
    %sign3A_194 = arith.extui %sign3A_193 : i1 to i32
    %sign3A_195 = arith.constant 0 : i32
    %sign3A_196 = arith.cmpi slt, %jit3A_183, %sign3A_195 : i32
    %sign3A_197 = arith.extui %sign3A_196 : i1 to i32
    %sign3A_198 = arith.subi %sign3A_194, %sign3A_197 : i32
    %ne3A_199 = arith.cmpi ne, %sign3A_191, %sign3A_198 : i32
    %rem3A_200 = arith.remsi %add3A_182, %jit3A_183 : i32
    %ne3A_201 = arith.constant 0 : i32
    %ne3A_202 = arith.cmpi ne, %rem3A_200, %ne3A_201 : i32
    %and3A_203 = arith.andi %ne3A_199, %ne3A_202 : i1
    %sub3A_204 = arith.constant 1 : i32
    %sub3A_205 = arith.subi %div3A_184, %sub3A_204 : i32
    %select_n3A_206 = arith.select %and3A_203, %sub3A_205, %div3A_184 : i32
    %mul3A_207 = arith.constant 10000 : i32
    %mul3A_208 = arith.muli %select_n3A_206, %mul3A_207 : i32
    %get3A_209 = arith.constant 64 : index
    %get3A_210 = tpu.vector_load %arg5[%get3A_209] {strides = array<i32>} : memref<160xi32, #tpu.memory_space<vmem>>, vector<16xi32>,
    %get3A_211 = vector.shape_cast %get3A_210 : vector<16xi32> to vector<16xi32>
    %add3A_212 = vector.broadcast %mul3A_208 : i32 to vector<16xi32>
    %add3A_213 = arith.addi %get3A_211, %add3A_212 : vector<16xi32>
    %dma_start3A_214 = arith.constant 64 : i32
    %dma_start3A_215 = arith.constant 0 : i32
    %dma_start3A_216 = tpu.memref_slice %arg9[%dma_start3A_214, %dma_start3A_215] : memref<160x128xf32, #tpu.memory_space<vmem>> -> memref<16x128xf32, #tpu.memory_space<vmem>>
    %dma_start3A_217 = arith.constant 0 : i32
    %dma_start3A_218 = arith.constant 0 : i32
    %dma_start3A_219 = tpu.memref_slice %arg2[%dma_start3A_217, %dma_start3A_218] : memref<80000x128xf32, #tpu.memory_space<hbm>> -> memref<80000x128xf32, #tpu.memory_space<hbm>>
    tpu.enqueue_indirect_dma source(%dma_start3A_219 : memref<80000x128xf32, #tpu.memory_space<hbm>>) target(%dma_start3A_216 : memref<16x128xf32, #tpu.memory_space<vmem>>) offsets(%add3A_213 : vector<16xi32>) semaphore(%arg11 : memref<!tpu.dma_semaphore, #tpu.memory_space<semaphore_mem>>)
    %add3A_220 = arith.constant 80 : i32
    %add3A_221 = arith.addi %mul3A_22, %add3A_220 : i32
    %jit3A_222 = arith.constant 10000 : i32
    %div3A_223 = arith.divsi %add3A_221, %jit3A_222 : i32
    %sign3A_224 = arith.constant 0 : i32
    %sign3A_225 = arith.cmpi sgt, %add3A_221, %sign3A_224 : i32
    %sign3A_226 = arith.extui %sign3A_225 : i1 to i32
    %sign3A_227 = arith.constant 0 : i32
    %sign3A_228 = arith.cmpi slt, %add3A_221, %sign3A_227 : i32
    %sign3A_229 = arith.extui %sign3A_228 : i1 to i32
    %sign3A_230 = arith.subi %sign3A_226, %sign3A_229 : i32
    %sign3A_231 = arith.constant 0 : i32
    %sign3A_232 = arith.cmpi sgt, %jit3A_222, %sign3A_231 : i32
    %sign3A_233 = arith.extui %sign3A_232 : i1 to i32
    %sign3A_234 = arith.constant 0 : i32
    %sign3A_235 = arith.cmpi slt, %jit3A_222, %sign3A_234 : i32
    %sign3A_236 = arith.extui %sign3A_235 : i1 to i32
    %sign3A_237 = arith.subi %sign3A_233, %sign3A_236 : i32
    %ne3A_238 = arith.cmpi ne, %sign3A_230, %sign3A_237 : i32
    %rem3A_239 = arith.remsi %add3A_221, %jit3A_222 : i32
    %ne3A_240 = arith.constant 0 : i32
    %ne3A_241 = arith.cmpi ne, %rem3A_239, %ne3A_240 : i32
    %and3A_242 = arith.andi %ne3A_238, %ne3A_241 : i1
    %sub3A_243 = arith.constant 1 : i32
    %sub3A_244 = arith.subi %div3A_223, %sub3A_243 : i32
    %select_n3A_245 = arith.select %and3A_242, %sub3A_244, %div3A_223 : i32
    %mul3A_246 = arith.constant 10000 : i32
    %mul3A_247 = arith.muli %select_n3A_245, %mul3A_246 : i32
    %get3A_248 = arith.constant 80 : index
    %get3A_249 = tpu.vector_load %arg5[%get3A_248] {strides = array<i32>} : memref<160xi32, #tpu.memory_space<vmem>>, vector<16xi32>,
    %get3A_250 = vector.shape_cast %get3A_249 : vector<16xi32> to vector<16xi32>
    %add3A_251 = vector.broadcast %mul3A_247 : i32 to vector<16xi32>
    %add3A_252 = arith.addi %get3A_250, %add3A_251 : vector<16xi32>
    %dma_start3A_253 = arith.constant 80 : i32
    %dma_start3A_254 = arith.constant 0 : i32
    %dma_start3A_255 = tpu.memref_slice %arg9[%dma_start3A_253, %dma_start3A_254] : memref<160x128xf32, #tpu.memory_space<vmem>> -> memref<16x128xf32, #tpu.memory_space<vmem>>
    %dma_start3A_256 = arith.constant 0 : i32
    %dma_start3A_257 = arith.constant 0 : i32
    %dma_start3A_258 = tpu.memref_slice %arg2[%dma_start3A_256, %dma_start3A_257] : memref<80000x128xf32, #tpu.memory_space<hbm>> -> memref<80000x128xf32, #tpu.memory_space<hbm>>
    tpu.enqueue_indirect_dma source(%dma_start3A_258 : memref<80000x128xf32, #tpu.memory_space<hbm>>) target(%dma_start3A_255 : memref<16x128xf32, #tpu.memory_space<vmem>>) offsets(%add3A_252 : vector<16xi32>) semaphore(%arg11 : memref<!tpu.dma_semaphore, #tpu.memory_space<semaphore_mem>>)
    %add3A_259 = arith.constant 96 : i32
    %add3A_260 = arith.addi %mul3A_22, %add3A_259 : i32
    %jit3A_261 = arith.constant 10000 : i32
    %div3A_262 = arith.divsi %add3A_260, %jit3A_261 : i32
    %sign3A_263 = arith.constant 0 : i32
    %sign3A_264 = arith.cmpi sgt, %add3A_260, %sign3A_263 : i32
    %sign3A_265 = arith.extui %sign3A_264 : i1 to i32
    %sign3A_266 = arith.constant 0 : i32
    %sign3A_267 = arith.cmpi slt, %add3A_260, %sign3A_266 : i32
    %sign3A_268 = arith.extui %sign3A_267 : i1 to i32
    %sign3A_269 = arith.subi %sign3A_265, %sign3A_268 : i32
    %sign3A_270 = arith.constant 0 : i32
    %sign3A_271 = arith.cmpi sgt, %jit3A_261, %sign3A_270 : i32
    %sign3A_272 = arith.extui %sign3A_271 : i1 to i32
    %sign3A_273 = arith.constant 0 : i32
    %sign3A_274 = arith.cmpi slt, %jit3A_261, %sign3A_273 : i32
    %sign3A_275 = arith.extui %sign3A_274 : i1 to i32
    %sign3A_276 = arith.subi %sign3A_272, %sign3A_275 : i32
    %ne3A_277 = arith.cmpi ne, %sign3A_269, %sign3A_276 : i32
    %rem3A_278 = arith.remsi %add3A_260, %jit3A_261 : i32
    %ne3A_279 = arith.constant 0 : i32
    %ne3A_280 = arith.cmpi ne, %rem3A_278, %ne3A_279 : i32
    %and3A_281 = arith.andi %ne3A_277, %ne3A_280 : i1
    %sub3A_282 = arith.constant 1 : i32
    %sub3A_283 = arith.subi %div3A_262, %sub3A_282 : i32
    %select_n3A_284 = arith.select %and3A_281, %sub3A_283, %div3A_262 : i32
    %mul3A_285 = arith.constant 10000 : i32
    %mul3A_286 = arith.muli %select_n3A_284, %mul3A_285 : i32
    %get3A_287 = arith.constant 96 : index
    %get3A_288 = tpu.vector_load %arg5[%get3A_287] {strides = array<i32>} : memref<160xi32, #tpu.memory_space<vmem>>, vector<16xi32>,
    %get3A_289 = vector.shape_cast %get3A_288 : vector<16xi32> to vector<16xi32>
    %add3A_290 = vector.broadcast %mul3A_286 : i32 to vector<16xi32>
    %add3A_291 = arith.addi %get3A_289, %add3A_290 : vector<16xi32>
    %dma_start3A_292 = arith.constant 96 : i32
    %dma_start3A_293 = arith.constant 0 : i32
    %dma_start3A_294 = tpu.memref_slice %arg9[%dma_start3A_292, %dma_start3A_293] : memref<160x128xf32, #tpu.memory_space<vmem>> -> memref<16x128xf32, #tpu.memory_space<vmem>>
    %dma_start3A_295 = arith.constant 0 : i32
    %dma_start3A_296 = arith.constant 0 : i32
    %dma_start3A_297 = tpu.memref_slice %arg2[%dma_start3A_295, %dma_start3A_296] : memref<80000x128xf32, #tpu.memory_space<hbm>> -> memref<80000x128xf32, #tpu.memory_space<hbm>>
    tpu.enqueue_indirect_dma source(%dma_start3A_297 : memref<80000x128xf32, #tpu.memory_space<hbm>>) target(%dma_start3A_294 : memref<16x128xf32, #tpu.memory_space<vmem>>) offsets(%add3A_291 : vector<16xi32>) semaphore(%arg11 : memref<!tpu.dma_semaphore, #tpu.memory_space<semaphore_mem>>)
    %add3A_298 = arith.constant 112 : i32
    %add3A_299 = arith.addi %mul3A_22, %add3A_298 : i32
    %jit3A_300 = arith.constant 10000 : i32
    %div3A_301 = arith.divsi %add3A_299, %jit3A_300 : i32
    %sign3A_302 = arith.constant 0 : i32
    %sign3A_303 = arith.cmpi sgt, %add3A_299, %sign3A_302 : i32
    %sign3A_304 = arith.extui %sign3A_303 : i1 to i32
    %sign3A_305 = arith.constant 0 : i32
    %sign3A_306 = arith.cmpi slt, %add3A_299, %sign3A_305 : i32
    %sign3A_307 = arith.extui %sign3A_306 : i1 to i32
    %sign3A_308 = arith.subi %sign3A_304, %sign3A_307 : i32
    %sign3A_309 = arith.constant 0 : i32
    %sign3A_310 = arith.cmpi sgt, %jit3A_300, %sign3A_309 : i32
    %sign3A_311 = arith.extui %sign3A_310 : i1 to i32
    %sign3A_312 = arith.constant 0 : i32
    %sign3A_313 = arith.cmpi slt, %jit3A_300, %sign3A_312 : i32
    %sign3A_314 = arith.extui %sign3A_313 : i1 to i32
    %sign3A_315 = arith.subi %sign3A_311, %sign3A_314 : i32
    %ne3A_316 = arith.cmpi ne, %sign3A_308, %sign3A_315 : i32
    %rem3A_317 = arith.remsi %add3A_299, %jit3A_300 : i32
    %ne3A_318 = arith.constant 0 : i32
    %ne3A_319 = arith.cmpi ne, %rem3A_317, %ne3A_318 : i32
    %and3A_320 = arith.andi %ne3A_316, %ne3A_319 : i1
    %sub3A_321 = arith.constant 1 : i32
    %sub3A_322 = arith.subi %div3A_301, %sub3A_321 : i32
    %select_n3A_323 = arith.select %and3A_320, %sub3A_322, %div3A_301 : i32
    %mul3A_324 = arith.constant 10000 : i32
    %mul3A_325 = arith.muli %select_n3A_323, %mul3A_324 : i32
    %get3A_326 = arith.constant 112 : index
    %get3A_327 = tpu.vector_load %arg5[%get3A_326] {strides = array<i32>} : memref<160xi32, #tpu.memory_space<vmem>>, vector<16xi32>,
    %get3A_328 = vector.shape_cast %get3A_327 : vector<16xi32> to vector<16xi32>
    %add3A_329 = vector.broadcast %mul3A_325 : i32 to vector<16xi32>
    %add3A_330 = arith.addi %get3A_328, %add3A_329 : vector<16xi32>
    %dma_start3A_331 = arith.constant 112 : i32
    %dma_start3A_332 = arith.constant 0 : i32
    %dma_start3A_333 = tpu.memref_slice %arg9[%dma_start3A_331, %dma_start3A_332] : memref<160x128xf32, #tpu.memory_space<vmem>> -> memref<16x128xf32, #tpu.memory_space<vmem>>
    %dma_start3A_334 = arith.constant 0 : i32
    %dma_start3A_335 = arith.constant 0 : i32
    %dma_start3A_336 = tpu.memref_slice %arg2[%dma_start3A_334, %dma_start3A_335] : memref<80000x128xf32, #tpu.memory_space<hbm>> -> memref<80000x128xf32, #tpu.memory_space<hbm>>
    tpu.enqueue_indirect_dma source(%dma_start3A_336 : memref<80000x128xf32, #tpu.memory_space<hbm>>) target(%dma_start3A_333 : memref<16x128xf32, #tpu.memory_space<vmem>>) offsets(%add3A_330 : vector<16xi32>) semaphore(%arg11 : memref<!tpu.dma_semaphore, #tpu.memory_space<semaphore_mem>>)
    %add3A_337 = arith.constant 128 : i32
    %add3A_338 = arith.addi %mul3A_22, %add3A_337 : i32
    %jit3A_339 = arith.constant 10000 : i32
    %div3A_340 = arith.divsi %add3A_338, %jit3A_339 : i32
    %sign3A_341 = arith.constant 0 : i32
    %sign3A_342 = arith.cmpi sgt, %add3A_338, %sign3A_341 : i32
    %sign3A_343 = arith.extui %sign3A_342 : i1 to i32
    %sign3A_344 = arith.constant 0 : i32
    %sign3A_345 = arith.cmpi slt, %add3A_338, %sign3A_344 : i32
    %sign3A_346 = arith.extui %sign3A_345 : i1 to i32
    %sign3A_347 = arith.subi %sign3A_343, %sign3A_346 : i32
    %sign3A_348 = arith.constant 0 : i32
    %sign3A_349 = arith.cmpi sgt, %jit3A_339, %sign3A_348 : i32
    %sign3A_350 = arith.extui %sign3A_349 : i1 to i32
    %sign3A_351 = arith.constant 0 : i32
    %sign3A_352 = arith.cmpi slt, %jit3A_339, %sign3A_351 : i32
    %sign3A_353 = arith.extui %sign3A_352 : i1 to i32
    %sign3A_354 = arith.subi %sign3A_350, %sign3A_353 : i32
    %ne3A_355 = arith.cmpi ne, %sign3A_347, %sign3A_354 : i32
    %rem3A_356 = arith.remsi %add3A_338, %jit3A_339 : i32
    %ne3A_357 = arith.constant 0 : i32
    %ne3A_358 = arith.cmpi ne, %rem3A_356, %ne3A_357 : i32
    %and3A_359 = arith.andi %ne3A_355, %ne3A_358 : i1
    %sub3A_360 = arith.constant 1 : i32
    %sub3A_361 = arith.subi %div3A_340, %sub3A_360 : i32
    %select_n3A_362 = arith.select %and3A_359, %sub3A_361, %div3A_340 : i32
    %mul3A_363 = arith.constant 10000 : i32
    %mul3A_364 = arith.muli %select_n3A_362, %mul3A_363 : i32
    %get3A_365 = arith.constant 128 : index
    %get3A_366 = tpu.vector_load %arg5[%get3A_365] {strides = array<i32>} : memref<160xi32, #tpu.memory_space<vmem>>, vector<16xi32>,
    %get3A_367 = vector.shape_cast %get3A_366 : vector<16xi32> to vector<16xi32>
    %add3A_368 = vector.broadcast %mul3A_364 : i32 to vector<16xi32>
    %add3A_369 = arith.addi %get3A_367, %add3A_368 : vector<16xi32>
    %dma_start3A_370 = arith.constant 128 : i32
    %dma_start3A_371 = arith.constant 0 : i32
    %dma_start3A_372 = tpu.memref_slice %arg9[%dma_start3A_370, %dma_start3A_371] : memref<160x128xf32, #tpu.memory_space<vmem>> -> memref<16x128xf32, #tpu.memory_space<vmem>>
    %dma_start3A_373 = arith.constant 0 : i32
    %dma_start3A_374 = arith.constant 0 : i32
    %dma_start3A_375 = tpu.memref_slice %arg2[%dma_start3A_373, %dma_start3A_374] : memref<80000x128xf32, #tpu.memory_space<hbm>> -> memref<80000x128xf32, #tpu.memory_space<hbm>>
    tpu.enqueue_indirect_dma source(%dma_start3A_375 : memref<80000x128xf32, #tpu.memory_space<hbm>>) target(%dma_start3A_372 : memref<16x128xf32, #tpu.memory_space<vmem>>) offsets(%add3A_369 : vector<16xi32>) semaphore(%arg11 : memref<!tpu.dma_semaphore, #tpu.memory_space<semaphore_mem>>)
    %add3A_376 = arith.constant 144 : i32
    %add3A_377 = arith.addi %mul3A_22, %add3A_376 : i32
    %jit3A_378 = arith.constant 10000 : i32
    %div3A_379 = arith.divsi %add3A_377, %jit3A_378 : i32
    %sign3A_380 = arith.constant 0 : i32
    %sign3A_381 = arith.cmpi sgt, %add3A_377, %sign3A_380 : i32
    %sign3A_382 = arith.extui %sign3A_381 : i1 to i32
    %sign3A_383 = arith.constant 0 : i32
    %sign3A_384 = arith.cmpi slt, %add3A_377, %sign3A_383 : i32
    %sign3A_385 = arith.extui %sign3A_384 : i1 to i32
    %sign3A_386 = arith.subi %sign3A_382, %sign3A_385 : i32
    %sign3A_387 = arith.constant 0 : i32
    %sign3A_388 = arith.cmpi sgt, %jit3A_378, %sign3A_387 : i32
    %sign3A_389 = arith.extui %sign3A_388 : i1 to i32
    %sign3A_390 = arith.constant 0 : i32
    %sign3A_391 = arith.cmpi slt, %jit3A_378, %sign3A_390 : i32
    %sign3A_392 = arith.extui %sign3A_391 : i1 to i32
    %sign3A_393 = arith.subi %sign3A_389, %sign3A_392 : i32
    %ne3A_394 = arith.cmpi ne, %sign3A_386, %sign3A_393 : i32
    %rem3A_395 = arith.remsi %add3A_377, %jit3A_378 : i32
    %ne3A_396 = arith.constant 0 : i32
    %ne3A_397 = arith.cmpi ne, %rem3A_395, %ne3A_396 : i32
    %and3A_398 = arith.andi %ne3A_394, %ne3A_397 : i1
    %sub3A_399 = arith.constant 1 : i32
    %sub3A_400 = arith.subi %div3A_379, %sub3A_399 : i32
    %select_n3A_401 = arith.select %and3A_398, %sub3A_400, %div3A_379 : i32
    %mul3A_402 = arith.constant 10000 : i32
    %mul3A_403 = arith.muli %select_n3A_401, %mul3A_402 : i32
    %get3A_404 = arith.constant 144 : index
    %get3A_405 = tpu.vector_load %arg5[%get3A_404] {strides = array<i32>} : memref<160xi32, #tpu.memory_space<vmem>>, vector<16xi32>,
    %get3A_406 = vector.shape_cast %get3A_405 : vector<16xi32> to vector<16xi32>
    %add3A_407 = vector.broadcast %mul3A_403 : i32 to vector<16xi32>
    %add3A_408 = arith.addi %get3A_406, %add3A_407 : vector<16xi32>
    %dma_start3A_409 = arith.constant 144 : i32
    %dma_start3A_410 = arith.constant 0 : i32
    %dma_start3A_411 = tpu.memref_slice %arg9[%dma_start3A_409, %dma_start3A_410] : memref<160x128xf32, #tpu.memory_space<vmem>> -> memref<16x128xf32, #tpu.memory_space<vmem>>
    %dma_start3A_412 = arith.constant 0 : i32
    %dma_start3A_413 = arith.constant 0 : i32
    %dma_start3A_414 = tpu.memref_slice %arg2[%dma_start3A_412, %dma_start3A_413] : memref<80000x128xf32, #tpu.memory_space<hbm>> -> memref<80000x128xf32, #tpu.memory_space<hbm>>
    tpu.enqueue_indirect_dma source(%dma_start3A_414 : memref<80000x128xf32, #tpu.memory_space<hbm>>) target(%dma_start3A_411 : memref<16x128xf32, #tpu.memory_space<vmem>>) offsets(%add3A_408 : vector<16xi32>) semaphore(%arg11 : memref<!tpu.dma_semaphore, #tpu.memory_space<semaphore_mem>>)
    %while3A = arith.constant 0 : i32
    %while3A_415 = arith.constant 0 : i32
    %while3A_416 = arith.subi %add3A_20, %while3A_415 : i32
    %while3A_417 = arith.addi %while3A_415, %while3A_416 : i32
    %while3A_418 = arith.constant 1 : i32
    %while3A_419 = arith.divsi %while3A_416, %while3A_418 : i32
    %while3A_420 = arith.muli %while3A_419, %while3A_418 : i32
    %while3A_421 = arith.addi %while3A_415, %while3A_420 : i32
    %while3A_422 = arith.constant 1 : i32
    scf.for %while3A_466 = %while3A_415 to %while3A_421 step %while3A_422  : i32 {
      %jit3A_467 = arith.constant 2 : i32
      %eq3A_468 = arith.constant 0 : i32
      %eq3A_469 = arith.cmpi eq, %jit3A_467, %eq3A_468 : i32
      %jit3A_470 = arith.constant 1 : i32
      %select_n3A_471 = arith.select %eq3A_469, %jit3A_470, %jit3A_467 : i32
      %rem3A_472 = arith.remsi %while3A_466, %select_n3A_471 : i32
      %ne3A_473 = arith.constant 0 : i32
      %ne3A_474 = arith.cmpi ne, %rem3A_472, %ne3A_473 : i32
      %lt3A_475 = arith.constant 0 : i32
      %lt3A_476 = arith.cmpi slt, %rem3A_472, %lt3A_475 : i32
      %lt3A_477 = arith.constant 0 : i32
      %lt3A_478 = arith.cmpi slt, %select_n3A_471, %lt3A_477 : i32
      %ne3A_479 = arith.xori %lt3A_476, %lt3A_478 : i1
      %and3A_480 = arith.andi %ne3A_479, %ne3A_474 : i1
      %add3A_481 = arith.addi %rem3A_472, %select_n3A_471 : i32
      %select_n3A_482 = arith.select %and3A_480, %add3A_481, %rem3A_472 : i32
      %eq3A_483 = arith.constant 0 : i32
      %eq3A_484 = arith.cmpi eq, %select_n3A_482, %eq3A_483 : i32
      %convert_element_type3A_485 = arith.extui %eq3A_484 : i1 to i32
      %cond3A_486 = arith.constant 0 : i32
      %cond3A_487 = arith.cmpi ne, %convert_element_type3A_485, %cond3A_486 : i32
      scf.if %cond3A_487 {
        %mul3A_509 = arith.constant 32 : i32
        %mul3A_510 = arith.muli %while3A_466, %mul3A_509 : i32
        %add3A_511 = arith.addi %add3A, %mul3A_510 : i32
        %ge3A = arith.constant 1 : i32
        %ge3A_512 = arith.cmpi sge, %while3A_466, %ge3A : i32
        %convert_element_type3A_513 = arith.extui %ge3A_512 : i1 to i32
        %cond3A_514 = arith.constant 0 : i32
        %cond3A_515 = arith.cmpi ne, %convert_element_type3A_513, %cond3A_514 : i32
        scf.if %cond3A_515 {
          %dma_wait3A_596 = arith.constant 0 : i32
          %dma_wait3A_597 = arith.constant 0 : i32
          %dma_wait3A_598 = tpu.memref_slice %arg4[%dma_wait3A_596, %dma_wait3A_597] : memref<80000x128xf32, #tpu.memory_space<hbm>> -> memref<160x128xf32, #tpu.memory_space<hbm>>
          %dma_wait3A_599 = arith.constant 0 : i32
          %dma_wait3A_600 = arith.constant 0 : i32
          %dma_wait3A_601 = tpu.memref_slice %arg4[%dma_wait3A_599, %dma_wait3A_600] : memref<80000x128xf32, #tpu.memory_space<hbm>> -> memref<160x128xf32, #tpu.memory_space<hbm>>
          tpu.wait_dma2 semaphore(%arg14 : memref<!tpu.dma_semaphore, #tpu.memory_space<semaphore_mem>>) src(%arg10 : memref<160x128xf32, #tpu.memory_space<vmem>>) dst(%dma_wait3A_601 : memref<160x128xf32, #tpu.memory_space<hbm>>)
        } else {
        }
        %add3A_516 = arith.constant 1 : i32
        %add3A_517 = arith.addi %while3A_466, %add3A_516 : i32
        %lt3A_518 = arith.cmpi slt, %add3A_517, %add3A_20 : i32
        %convert_element_type3A_519 = arith.extui %lt3A_518 : i1 to i32
        %cond3A_520 = arith.constant 0 : i32
        %cond3A_521 = arith.cmpi ne, %convert_element_type3A_519, %cond3A_520 : i32
        scf.if %cond3A_521 {
          %add3A_596 = arith.constant 32 : i32
          %add3A_597 = arith.addi %add3A_511, %add3A_596 : i32
          %mul3A_598 = arith.constant 160 : i32
          %mul3A_599 = arith.muli %add3A_597, %mul3A_598 : i32
          %dma_start3A_600 = arith.constant 0 : i32
          %dma_start3A_601 = tpu.memref_slice %arg2[%mul3A_599, %dma_start3A_600] : memref<80000x128xf32, #tpu.memory_space<hbm>> -> memref<160x128xf32, #tpu.memory_space<hbm>>
          %dma_start3A_602 = arith.constant 0 : i32
          %dma_start3A_603 = tpu.memref_slice %arg2[%mul3A_599, %dma_start3A_602] : memref<80000x128xf32, #tpu.memory_space<hbm>> -> memref<160x128xf32, #tpu.memory_space<hbm>>
          tpu.enqueue_dma source(%dma_start3A_603 : memref<160x128xf32, #tpu.memory_space<hbm>>) target(%arg8 : memref<160x128xf32, #tpu.memory_space<vmem>>) target_semaphore(%arg12 : memref<!tpu.dma_semaphore, #tpu.memory_space<semaphore_mem>>)
          "tpu.region"() ({
            %run_scoped3A = tpu.sem_alloc : memref<!tpu.dma_semaphore, #tpu.memory_space<semaphore_mem>>
            %dma_start3A_994 = tpu.memref_slice %arg3[%mul3A_599] : memref<80000xi32, #tpu.memory_space<hbm>> -> memref<160xi32, #tpu.memory_space<hbm>>
            %dma_start3A_995 = tpu.memref_slice %arg3[%mul3A_599] : memref<80000xi32, #tpu.memory_space<hbm>> -> memref<160xi32, #tpu.memory_space<hbm>>
            tpu.enqueue_dma source(%dma_start3A_995 : memref<160xi32, #tpu.memory_space<hbm>>) target(%arg6 : memref<160xi32, #tpu.memory_space<vmem>>) target_semaphore(%run_scoped3A : memref<!tpu.dma_semaphore, #tpu.memory_space<semaphore_mem>>)
            %dma_wait3A_996 = tpu.memref_slice %arg3[%mul3A_599] : memref<80000xi32, #tpu.memory_space<hbm>> -> memref<160xi32, #tpu.memory_space<hbm>>
            %dma_wait3A_997 = tpu.memref_slice %arg3[%mul3A_599] : memref<80000xi32, #tpu.memory_space<hbm>> -> memref<160xi32, #tpu.memory_space<hbm>>
            tpu.wait_dma2 semaphore(%run_scoped3A : memref<!tpu.dma_semaphore, #tpu.memory_space<semaphore_mem>>) src(%dma_wait3A_997 : memref<160xi32, #tpu.memory_space<hbm>>) dst(%arg6 : memref<160xi32, #tpu.memory_space<vmem>>)
            tpu.yield
          }) : () -> ()
          %add3A_604 = arith.constant 0 : i32
          %add3A_605 = arith.addi %mul3A_599, %add3A_604 : i32
          %jit3A_606 = arith.constant 10000 : i32
          %div3A_607 = arith.divsi %add3A_605, %jit3A_606 : i32
          %sign3A_608 = arith.constant 0 : i32
          %sign3A_609 = arith.cmpi sgt, %add3A_605, %sign3A_608 : i32
          %sign3A_610 = arith.extui %sign3A_609 : i1 to i32
          %sign3A_611 = arith.constant 0 : i32
          %sign3A_612 = arith.cmpi slt, %add3A_605, %sign3A_611 : i32
          %sign3A_613 = arith.extui %sign3A_612 : i1 to i32
          %sign3A_614 = arith.subi %sign3A_610, %sign3A_613 : i32
          %sign3A_615 = arith.constant 0 : i32
          %sign3A_616 = arith.cmpi sgt, %jit3A_606, %sign3A_615 : i32
          %sign3A_617 = arith.extui %sign3A_616 : i1 to i32
          %sign3A_618 = arith.constant 0 : i32
          %sign3A_619 = arith.cmpi slt, %jit3A_606, %sign3A_618 : i32
          %sign3A_620 = arith.extui %sign3A_619 : i1 to i32
          %sign3A_621 = arith.subi %sign3A_617, %sign3A_620 : i32
          %ne3A_622 = arith.cmpi ne, %sign3A_614, %sign3A_621 : i32
          %rem3A_623 = arith.remsi %add3A_605, %jit3A_606 : i32
          %ne3A_624 = arith.constant 0 : i32
          %ne3A_625 = arith.cmpi ne, %rem3A_623, %ne3A_624 : i32
          %and3A_626 = arith.andi %ne3A_622, %ne3A_625 : i1
          %sub3A_627 = arith.constant 1 : i32
          %sub3A_628 = arith.subi %div3A_607, %sub3A_627 : i32
          %select_n3A_629 = arith.select %and3A_626, %sub3A_628, %div3A_607 : i32
          %mul3A_630 = arith.constant 10000 : i32
          %mul3A_631 = arith.muli %select_n3A_629, %mul3A_630 : i32
          %get3A_632 = arith.constant 0 : index
          %get3A_633 = tpu.vector_load %arg6[%get3A_632] {strides = array<i32>} : memref<160xi32, #tpu.memory_space<vmem>>, vector<16xi32>,
          %get3A_634 = vector.shape_cast %get3A_633 : vector<16xi32> to vector<16xi32>
          %add3A_635 = vector.broadcast %mul3A_631 : i32 to vector<16xi32>
          %add3A_636 = arith.addi %get3A_634, %add3A_635 : vector<16xi32>
          %dma_start3A_637 = arith.constant 0 : i32
          %dma_start3A_638 = arith.constant 0 : i32
          %dma_start3A_639 = tpu.memref_slice %arg10[%dma_start3A_637, %dma_start3A_638] : memref<160x128xf32, #tpu.memory_space<vmem>> -> memref<16x128xf32, #tpu.memory_space<vmem>>
          %dma_start3A_640 = arith.constant 0 : i32
          %dma_start3A_641 = arith.constant 0 : i32
          %dma_start3A_642 = tpu.memref_slice %arg2[%dma_start3A_640, %dma_start3A_641] : memref<80000x128xf32, #tpu.memory_space<hbm>> -> memref<80000x128xf32, #tpu.memory_space<hbm>>
          tpu.enqueue_indirect_dma source(%dma_start3A_642 : memref<80000x128xf32, #tpu.memory_space<hbm>>) target(%dma_start3A_639 : memref<16x128xf32, #tpu.memory_space<vmem>>) offsets(%add3A_636 : vector<16xi32>) semaphore(%arg12 : memref<!tpu.dma_semaphore, #tpu.memory_space<semaphore_mem>>)
          %add3A_643 = arith.constant 16 : i32
          %add3A_644 = arith.addi %mul3A_599, %add3A_643 : i32
          %jit3A_645 = arith.constant 10000 : i32
          %div3A_646 = arith.divsi %add3A_644, %jit3A_645 : i32
          %sign3A_647 = arith.constant 0 : i32
          %sign3A_648 = arith.cmpi sgt, %add3A_644, %sign3A_647 : i32
          %sign3A_649 = arith.extui %sign3A_648 : i1 to i32
          %sign3A_650 = arith.constant 0 : i32
          %sign3A_651 = arith.cmpi slt, %add3A_644, %sign3A_650 : i32
          %sign3A_652 = arith.extui %sign3A_651 : i1 to i32
          %sign3A_653 = arith.subi %sign3A_649, %sign3A_652 : i32
          %sign3A_654 = arith.constant 0 : i32
          %sign3A_655 = arith.cmpi sgt, %jit3A_645, %sign3A_654 : i32
          %sign3A_656 = arith.extui %sign3A_655 : i1 to i32
          %sign3A_657 = arith.constant 0 : i32
          %sign3A_658 = arith.cmpi slt, %jit3A_645, %sign3A_657 : i32
          %sign3A_659 = arith.extui %sign3A_658 : i1 to i32
          %sign3A_660 = arith.subi %sign3A_656, %sign3A_659 : i32
          %ne3A_661 = arith.cmpi ne, %sign3A_653, %sign3A_660 : i32
          %rem3A_662 = arith.remsi %add3A_644, %jit3A_645 : i32
          %ne3A_663 = arith.constant 0 : i32
          %ne3A_664 = arith.cmpi ne, %rem3A_662, %ne3A_663 : i32
          %and3A_665 = arith.andi %ne3A_661, %ne3A_664 : i1
          %sub3A_666 = arith.constant 1 : i32
          %sub3A_667 = arith.subi %div3A_646, %sub3A_666 : i32
          %select_n3A_668 = arith.select %and3A_665, %sub3A_667, %div3A_646 : i32
          %mul3A_669 = arith.constant 10000 : i32
          %mul3A_670 = arith.muli %select_n3A_668, %mul3A_669 : i32
          %get3A_671 = arith.constant 16 : index
          %get3A_672 = tpu.vector_load %arg6[%get3A_671] {strides = array<i32>} : memref<160xi32, #tpu.memory_space<vmem>>, vector<16xi32>,
          %get3A_673 = vector.shape_cast %get3A_672 : vector<16xi32> to vector<16xi32>
          %add3A_674 = vector.broadcast %mul3A_670 : i32 to vector<16xi32>
          %add3A_675 = arith.addi %get3A_673, %add3A_674 : vector<16xi32>
          %dma_start3A_676 = arith.constant 16 : i32
          %dma_start3A_677 = arith.constant 0 : i32
          %dma_start3A_678 = tpu.memref_slice %arg10[%dma_start3A_676, %dma_start3A_677] : memref<160x128xf32, #tpu.memory_space<vmem>> -> memref<16x128xf32, #tpu.memory_space<vmem>>
          %dma_start3A_679 = arith.constant 0 : i32
          %dma_start3A_680 = arith.constant 0 : i32
          %dma_start3A_681 = tpu.memref_slice %arg2[%dma_start3A_679, %dma_start3A_680] : memref<80000x128xf32, #tpu.memory_space<hbm>> -> memref<80000x128xf32, #tpu.memory_space<hbm>>
          tpu.enqueue_indirect_dma source(%dma_start3A_681 : memref<80000x128xf32, #tpu.memory_space<hbm>>) target(%dma_start3A_678 : memref<16x128xf32, #tpu.memory_space<vmem>>) offsets(%add3A_675 : vector<16xi32>) semaphore(%arg12 : memref<!tpu.dma_semaphore, #tpu.memory_space<semaphore_mem>>)
          %add3A_682 = arith.constant 32 : i32
          %add3A_683 = arith.addi %mul3A_599, %add3A_682 : i32
          %jit3A_684 = arith.constant 10000 : i32
          %div3A_685 = arith.divsi %add3A_683, %jit3A_684 : i32
          %sign3A_686 = arith.constant 0 : i32
          %sign3A_687 = arith.cmpi sgt, %add3A_683, %sign3A_686 : i32
          %sign3A_688 = arith.extui %sign3A_687 : i1 to i32
          %sign3A_689 = arith.constant 0 : i32
          %sign3A_690 = arith.cmpi slt, %add3A_683, %sign3A_689 : i32
          %sign3A_691 = arith.extui %sign3A_690 : i1 to i32
          %sign3A_692 = arith.subi %sign3A_688, %sign3A_691 : i32
          %sign3A_693 = arith.constant 0 : i32
          %sign3A_694 = arith.cmpi sgt, %jit3A_684, %sign3A_693 : i32
          %sign3A_695 = arith.extui %sign3A_694 : i1 to i32
          %sign3A_696 = arith.constant 0 : i32
          %sign3A_697 = arith.cmpi slt, %jit3A_684, %sign3A_696 : i32
          %sign3A_698 = arith.extui %sign3A_697 : i1 to i32
          %sign3A_699 = arith.subi %sign3A_695, %sign3A_698 : i32
          %ne3A_700 = arith.cmpi ne, %sign3A_692, %sign3A_699 : i32
          %rem3A_701 = arith.remsi %add3A_683, %jit3A_684 : i32
          %ne3A_702 = arith.constant 0 : i32
          %ne3A_703 = arith.cmpi ne, %rem3A_701, %ne3A_702 : i32
          %and3A_704 = arith.andi %ne3A_700, %ne3A_703 : i1
          %sub3A_705 = arith.constant 1 : i32
          %sub3A_706 = arith.subi %div3A_685, %sub3A_705 : i32
          %select_n3A_707 = arith.select %and3A_704, %sub3A_706, %div3A_685 : i32
          %mul3A_708 = arith.constant 10000 : i32
          %mul3A_709 = arith.muli %select_n3A_707, %mul3A_708 : i32
          %get3A_710 = arith.constant 32 : index
          %get3A_711 = tpu.vector_load %arg6[%get3A_710] {strides = array<i32>} : memref<160xi32, #tpu.memory_space<vmem>>, vector<16xi32>,
          %get3A_712 = vector.shape_cast %get3A_711 : vector<16xi32> to vector<16xi32>
          %add3A_713 = vector.broadcast %mul3A_709 : i32 to vector<16xi32>
          %add3A_714 = arith.addi %get3A_712, %add3A_713 : vector<16xi32>
          %dma_start3A_715 = arith.constant 32 : i32
          %dma_start3A_716 = arith.constant 0 : i32
          %dma_start3A_717 = tpu.memref_slice %arg10[%dma_start3A_715, %dma_start3A_716] : memref<160x128xf32, #tpu.memory_space<vmem>> -> memref<16x128xf32, #tpu.memory_space<vmem>>
          %dma_start3A_718 = arith.constant 0 : i32
          %dma_start3A_719 = arith.constant 0 : i32
          %dma_start3A_720 = tpu.memref_slice %arg2[%dma_start3A_718, %dma_start3A_719] : memref<80000x128xf32, #tpu.memory_space<hbm>> -> memref<80000x128xf32, #tpu.memory_space<hbm>>
          tpu.enqueue_indirect_dma source(%dma_start3A_720 : memref<80000x128xf32, #tpu.memory_space<hbm>>) target(%dma_start3A_717 : memref<16x128xf32, #tpu.memory_space<vmem>>) offsets(%add3A_714 : vector<16xi32>) semaphore(%arg12 : memref<!tpu.dma_semaphore, #tpu.memory_space<semaphore_mem>>)
          %add3A_721 = arith.constant 48 : i32
          %add3A_722 = arith.addi %mul3A_599, %add3A_721 : i32
          %jit3A_723 = arith.constant 10000 : i32
          %div3A_724 = arith.divsi %add3A_722, %jit3A_723 : i32
          %sign3A_725 = arith.constant 0 : i32
          %sign3A_726 = arith.cmpi sgt, %add3A_722, %sign3A_725 : i32
          %sign3A_727 = arith.extui %sign3A_726 : i1 to i32
          %sign3A_728 = arith.constant 0 : i32
          %sign3A_729 = arith.cmpi slt, %add3A_722, %sign3A_728 : i32
          %sign3A_730 = arith.extui %sign3A_729 : i1 to i32
          %sign3A_731 = arith.subi %sign3A_727, %sign3A_730 : i32
          %sign3A_732 = arith.constant 0 : i32
          %sign3A_733 = arith.cmpi sgt, %jit3A_723, %sign3A_732 : i32
          %sign3A_734 = arith.extui %sign3A_733 : i1 to i32
          %sign3A_735 = arith.constant 0 : i32
          %sign3A_736 = arith.cmpi slt, %jit3A_723, %sign3A_735 : i32
          %sign3A_737 = arith.extui %sign3A_736 : i1 to i32
          %sign3A_738 = arith.subi %sign3A_734, %sign3A_737 : i32
          %ne3A_739 = arith.cmpi ne, %sign3A_731, %sign3A_738 : i32
          %rem3A_740 = arith.remsi %add3A_722, %jit3A_723 : i32
          %ne3A_741 = arith.constant 0 : i32
          %ne3A_742 = arith.cmpi ne, %rem3A_740, %ne3A_741 : i32
          %and3A_743 = arith.andi %ne3A_739, %ne3A_742 : i1
          %sub3A_744 = arith.constant 1 : i32
          %sub3A_745 = arith.subi %div3A_724, %sub3A_744 : i32
          %select_n3A_746 = arith.select %and3A_743, %sub3A_745, %div3A_724 : i32
          %mul3A_747 = arith.constant 10000 : i32
          %mul3A_748 = arith.muli %select_n3A_746, %mul3A_747 : i32
          %get3A_749 = arith.constant 48 : index
          %get3A_750 = tpu.vector_load %arg6[%get3A_749] {strides = array<i32>} : memref<160xi32, #tpu.memory_space<vmem>>, vector<16xi32>,
          %get3A_751 = vector.shape_cast %get3A_750 : vector<16xi32> to vector<16xi32>
          %add3A_752 = vector.broadcast %mul3A_748 : i32 to vector<16xi32>
          %add3A_753 = arith.addi %get3A_751, %add3A_752 : vector<16xi32>
          %dma_start3A_754 = arith.constant 48 : i32
          %dma_start3A_755 = arith.constant 0 : i32
          %dma_start3A_756 = tpu.memref_slice %arg10[%dma_start3A_754, %dma_start3A_755] : memref<160x128xf32, #tpu.memory_space<vmem>> -> memref<16x128xf32, #tpu.memory_space<vmem>>
          %dma_start3A_757 = arith.constant 0 : i32
          %dma_start3A_758 = arith.constant 0 : i32
          %dma_start3A_759 = tpu.memref_slice %arg2[%dma_start3A_757, %dma_start3A_758] : memref<80000x128xf32, #tpu.memory_space<hbm>> -> memref<80000x128xf32, #tpu.memory_space<hbm>>
          tpu.enqueue_indirect_dma source(%dma_start3A_759 : memref<80000x128xf32, #tpu.memory_space<hbm>>) target(%dma_start3A_756 : memref<16x128xf32, #tpu.memory_space<vmem>>) offsets(%add3A_753 : vector<16xi32>) semaphore(%arg12 : memref<!tpu.dma_semaphore, #tpu.memory_space<semaphore_mem>>)
          %add3A_760 = arith.constant 64 : i32
          %add3A_761 = arith.addi %mul3A_599, %add3A_760 : i32
          %jit3A_762 = arith.constant 10000 : i32
          %div3A_763 = arith.divsi %add3A_761, %jit3A_762 : i32
          %sign3A_764 = arith.constant 0 : i32
          %sign3A_765 = arith.cmpi sgt, %add3A_761, %sign3A_764 : i32
          %sign3A_766 = arith.extui %sign3A_765 : i1 to i32
          %sign3A_767 = arith.constant 0 : i32
          %sign3A_768 = arith.cmpi slt, %add3A_761, %sign3A_767 : i32
          %sign3A_769 = arith.extui %sign3A_768 : i1 to i32
          %sign3A_770 = arith.subi %sign3A_766, %sign3A_769 : i32
          %sign3A_771 = arith.constant 0 : i32
          %sign3A_772 = arith.cmpi sgt, %jit3A_762, %sign3A_771 : i32
          %sign3A_773 = arith.extui %sign3A_772 : i1 to i32
          %sign3A_774 = arith.constant 0 : i32
          %sign3A_775 = arith.cmpi slt, %jit3A_762, %sign3A_774 : i32
          %sign3A_776 = arith.extui %sign3A_775 : i1 to i32
          %sign3A_777 = arith.subi %sign3A_773, %sign3A_776 : i32
          %ne3A_778 = arith.cmpi ne, %sign3A_770, %sign3A_777 : i32
          %rem3A_779 = arith.remsi %add3A_761, %jit3A_762 : i32
          %ne3A_780 = arith.constant 0 : i32
          %ne3A_781 = arith.cmpi ne, %rem3A_779, %ne3A_780 : i32
          %and3A_782 = arith.andi %ne3A_778, %ne3A_781 : i1
          %sub3A_783 = arith.constant 1 : i32
          %sub3A_784 = arith.subi %div3A_763, %sub3A_783 : i32
          %select_n3A_785 = arith.select %and3A_782, %sub3A_784, %div3A_763 : i32
          %mul3A_786 = arith.constant 10000 : i32
          %mul3A_787 = arith.muli %select_n3A_785, %mul3A_786 : i32
          %get3A_788 = arith.constant 64 : index
          %get3A_789 = tpu.vector_load %arg6[%get3A_788] {strides = array<i32>} : memref<160xi32, #tpu.memory_space<vmem>>, vector<16xi32>,
          %get3A_790 = vector.shape_cast %get3A_789 : vector<16xi32> to vector<16xi32>
          %add3A_791 = vector.broadcast %mul3A_787 : i32 to vector<16xi32>
          %add3A_792 = arith.addi %get3A_790, %add3A_791 : vector<16xi32>
          %dma_start3A_793 = arith.constant 64 : i32
          %dma_start3A_794 = arith.constant 0 : i32
          %dma_start3A_795 = tpu.memref_slice %arg10[%dma_start3A_793, %dma_start3A_794] : memref<160x128xf32, #tpu.memory_space<vmem>> -> memref<16x128xf32, #tpu.memory_space<vmem>>
          %dma_start3A_796 = arith.constant 0 : i32
          %dma_start3A_797 = arith.constant 0 : i32
          %dma_start3A_798 = tpu.memref_slice %arg2[%dma_start3A_796, %dma_start3A_797] : memref<80000x128xf32, #tpu.memory_space<hbm>> -> memref<80000x128xf32, #tpu.memory_space<hbm>>
          tpu.enqueue_indirect_dma source(%dma_start3A_798 : memref<80000x128xf32, #tpu.memory_space<hbm>>) target(%dma_start3A_795 : memref<16x128xf32, #tpu.memory_space<vmem>>) offsets(%add3A_792 : vector<16xi32>) semaphore(%arg12 : memref<!tpu.dma_semaphore, #tpu.memory_space<semaphore_mem>>)
          %add3A_799 = arith.constant 80 : i32
          %add3A_800 = arith.addi %mul3A_599, %add3A_799 : i32
          %jit3A_801 = arith.constant 10000 : i32
          %div3A_802 = arith.divsi %add3A_800, %jit3A_801 : i32
          %sign3A_803 = arith.constant 0 : i32
          %sign3A_804 = arith.cmpi sgt, %add3A_800, %sign3A_803 : i32
          %sign3A_805 = arith.extui %sign3A_804 : i1 to i32
          %sign3A_806 = arith.constant 0 : i32
          %sign3A_807 = arith.cmpi slt, %add3A_800, %sign3A_806 : i32
          %sign3A_808 = arith.extui %sign3A_807 : i1 to i32
          %sign3A_809 = arith.subi %sign3A_805, %sign3A_808 : i32
          %sign3A_810 = arith.constant 0 : i32
          %sign3A_811 = arith.cmpi sgt, %jit3A_801, %sign3A_810 : i32
          %sign3A_812 = arith.extui %sign3A_811 : i1 to i32
          %sign3A_813 = arith.constant 0 : i32
          %sign3A_814 = arith.cmpi slt, %jit3A_801, %sign3A_813 : i32
          %sign3A_815 = arith.extui %sign3A_814 : i1 to i32
          %sign3A_816 = arith.subi %sign3A_812, %sign3A_815 : i32
          %ne3A_817 = arith.cmpi ne, %sign3A_809, %sign3A_816 : i32
          %rem3A_818 = arith.remsi %add3A_800, %jit3A_801 : i32
          %ne3A_819 = arith.constant 0 : i32
          %ne3A_820 = arith.cmpi ne, %rem3A_818, %ne3A_819 : i32
          %and3A_821 = arith.andi %ne3A_817, %ne3A_820 : i1
          %sub3A_822 = arith.constant 1 : i32
          %sub3A_823 = arith.subi %div3A_802, %sub3A_822 : i32
          %select_n3A_824 = arith.select %and3A_821, %sub3A_823, %div3A_802 : i32
          %mul3A_825 = arith.constant 10000 : i32
          %mul3A_826 = arith.muli %select_n3A_824, %mul3A_825 : i32
          %get3A_827 = arith.constant 80 : index
          %get3A_828 = tpu.vector_load %arg6[%get3A_827] {strides = array<i32>} : memref<160xi32, #tpu.memory_space<vmem>>, vector<16xi32>,
          %get3A_829 = vector.shape_cast %get3A_828 : vector<16xi32> to vector<16xi32>
          %add3A_830 = vector.broadcast %mul3A_826 : i32 to vector<16xi32>
          %add3A_831 = arith.addi %get3A_829, %add3A_830 : vector<16xi32>
          %dma_start3A_832 = arith.constant 80 : i32
          %dma_start3A_833 = arith.constant 0 : i32
          %dma_start3A_834 = tpu.memref_slice %arg10[%dma_start3A_832, %dma_start3A_833] : memref<160x128xf32, #tpu.memory_space<vmem>> -> memref<16x128xf32, #tpu.memory_space<vmem>>
          %dma_start3A_835 = arith.constant 0 : i32
          %dma_start3A_836 = arith.constant 0 : i32
          %dma_start3A_837 = tpu.memref_slice %arg2[%dma_start3A_835, %dma_start3A_836] : memref<80000x128xf32, #tpu.memory_space<hbm>> -> memref<80000x128xf32, #tpu.memory_space<hbm>>
          tpu.enqueue_indirect_dma source(%dma_start3A_837 : memref<80000x128xf32, #tpu.memory_space<hbm>>) target(%dma_start3A_834 : memref<16x128xf32, #tpu.memory_space<vmem>>) offsets(%add3A_831 : vector<16xi32>) semaphore(%arg12 : memref<!tpu.dma_semaphore, #tpu.memory_space<semaphore_mem>>)
          %add3A_838 = arith.constant 96 : i32
          %add3A_839 = arith.addi %mul3A_599, %add3A_838 : i32
          %jit3A_840 = arith.constant 10000 : i32
          %div3A_841 = arith.divsi %add3A_839, %jit3A_840 : i32
          %sign3A_842 = arith.constant 0 : i32
          %sign3A_843 = arith.cmpi sgt, %add3A_839, %sign3A_842 : i32
          %sign3A_844 = arith.extui %sign3A_843 : i1 to i32
          %sign3A_845 = arith.constant 0 : i32
          %sign3A_846 = arith.cmpi slt, %add3A_839, %sign3A_845 : i32
          %sign3A_847 = arith.extui %sign3A_846 : i1 to i32
          %sign3A_848 = arith.subi %sign3A_844, %sign3A_847 : i32
          %sign3A_849 = arith.constant 0 : i32
          %sign3A_850 = arith.cmpi sgt, %jit3A_840, %sign3A_849 : i32
          %sign3A_851 = arith.extui %sign3A_850 : i1 to i32
          %sign3A_852 = arith.constant 0 : i32
          %sign3A_853 = arith.cmpi slt, %jit3A_840, %sign3A_852 : i32
          %sign3A_854 = arith.extui %sign3A_853 : i1 to i32
          %sign3A_855 = arith.subi %sign3A_851, %sign3A_854 : i32
          %ne3A_856 = arith.cmpi ne, %sign3A_848, %sign3A_855 : i32
          %rem3A_857 = arith.remsi %add3A_839, %jit3A_840 : i32
          %ne3A_858 = arith.constant 0 : i32
          %ne3A_859 = arith.cmpi ne, %rem3A_857, %ne3A_858 : i32
          %and3A_860 = arith.andi %ne3A_856, %ne3A_859 : i1
          %sub3A_861 = arith.constant 1 : i32
          %sub3A_862 = arith.subi %div3A_841, %sub3A_861 : i32
          %select_n3A_863 = arith.select %and3A_860, %sub3A_862, %div3A_841 : i32
          %mul3A_864 = arith.constant 10000 : i32
          %mul3A_865 = arith.muli %select_n3A_863, %mul3A_864 : i32
          %get3A_866 = arith.constant 96 : index
          %get3A_867 = tpu.vector_load %arg6[%get3A_866] {strides = array<i32>} : memref<160xi32, #tpu.memory_space<vmem>>, vector<16xi32>,
          %get3A_868 = vector.shape_cast %get3A_867 : vector<16xi32> to vector<16xi32>
          %add3A_869 = vector.broadcast %mul3A_865 : i32 to vector<16xi32>
          %add3A_870 = arith.addi %get3A_868, %add3A_869 : vector<16xi32>
          %dma_start3A_871 = arith.constant 96 : i32
          %dma_start3A_872 = arith.constant 0 : i32
          %dma_start3A_873 = tpu.memref_slice %arg10[%dma_start3A_871, %dma_start3A_872] : memref<160x128xf32, #tpu.memory_space<vmem>> -> memref<16x128xf32, #tpu.memory_space<vmem>>
          %dma_start3A_874 = arith.constant 0 : i32
          %dma_start3A_875 = arith.constant 0 : i32
          %dma_start3A_876 = tpu.memref_slice %arg2[%dma_start3A_874, %dma_start3A_875] : memref<80000x128xf32, #tpu.memory_space<hbm>> -> memref<80000x128xf32, #tpu.memory_space<hbm>>
          tpu.enqueue_indirect_dma source(%dma_start3A_876 : memref<80000x128xf32, #tpu.memory_space<hbm>>) target(%dma_start3A_873 : memref<16x128xf32, #tpu.memory_space<vmem>>) offsets(%add3A_870 : vector<16xi32>) semaphore(%arg12 : memref<!tpu.dma_semaphore, #tpu.memory_space<semaphore_mem>>)
          %add3A_877 = arith.constant 112 : i32
          %add3A_878 = arith.addi %mul3A_599, %add3A_877 : i32
          %jit3A_879 = arith.constant 10000 : i32
          %div3A_880 = arith.divsi %add3A_878, %jit3A_879 : i32
          %sign3A_881 = arith.constant 0 : i32
          %sign3A_882 = arith.cmpi sgt, %add3A_878, %sign3A_881 : i32
          %sign3A_883 = arith.extui %sign3A_882 : i1 to i32
          %sign3A_884 = arith.constant 0 : i32
          %sign3A_885 = arith.cmpi slt, %add3A_878, %sign3A_884 : i32
          %sign3A_886 = arith.extui %sign3A_885 : i1 to i32
          %sign3A_887 = arith.subi %sign3A_883, %sign3A_886 : i32
          %sign3A_888 = arith.constant 0 : i32
          %sign3A_889 = arith.cmpi sgt, %jit3A_879, %sign3A_888 : i32
          %sign3A_890 = arith.extui %sign3A_889 : i1 to i32
          %sign3A_891 = arith.constant 0 : i32
          %sign3A_892 = arith.cmpi slt, %jit3A_879, %sign3A_891 : i32
          %sign3A_893 = arith.extui %sign3A_892 : i1 to i32
          %sign3A_894 = arith.subi %sign3A_890, %sign3A_893 : i32
          %ne3A_895 = arith.cmpi ne, %sign3A_887, %sign3A_894 : i32
          %rem3A_896 = arith.remsi %add3A_878, %jit3A_879 : i32
          %ne3A_897 = arith.constant 0 : i32
          %ne3A_898 = arith.cmpi ne, %rem3A_896, %ne3A_897 : i32
          %and3A_899 = arith.andi %ne3A_895, %ne3A_898 : i1
          %sub3A_900 = arith.constant 1 : i32
          %sub3A_901 = arith.subi %div3A_880, %sub3A_900 : i32
          %select_n3A_902 = arith.select %and3A_899, %sub3A_901, %div3A_880 : i32
          %mul3A_903 = arith.constant 10000 : i32
          %mul3A_904 = arith.muli %select_n3A_902, %mul3A_903 : i32
          %get3A_905 = arith.constant 112 : index
          %get3A_906 = tpu.vector_load %arg6[%get3A_905] {strides = array<i32>} : memref<160xi32, #tpu.memory_space<vmem>>, vector<16xi32>,
          %get3A_907 = vector.shape_cast %get3A_906 : vector<16xi32> to vector<16xi32>
          %add3A_908 = vector.broadcast %mul3A_904 : i32 to vector<16xi32>
          %add3A_909 = arith.addi %get3A_907, %add3A_908 : vector<16xi32>
          %dma_start3A_910 = arith.constant 112 : i32
          %dma_start3A_911 = arith.constant 0 : i32
          %dma_start3A_912 = tpu.memref_slice %arg10[%dma_start3A_910, %dma_start3A_911] : memref<160x128xf32, #tpu.memory_space<vmem>> -> memref<16x128xf32, #tpu.memory_space<vmem>>
          %dma_start3A_913 = arith.constant 0 : i32
          %dma_start3A_914 = arith.constant 0 : i32
          %dma_start3A_915 = tpu.memref_slice %arg2[%dma_start3A_913, %dma_start3A_914] : memref<80000x128xf32, #tpu.memory_space<hbm>> -> memref<80000x128xf32, #tpu.memory_space<hbm>>
          tpu.enqueue_indirect_dma source(%dma_start3A_915 : memref<80000x128xf32, #tpu.memory_space<hbm>>) target(%dma_start3A_912 : memref<16x128xf32, #tpu.memory_space<vmem>>) offsets(%add3A_909 : vector<16xi32>) semaphore(%arg12 : memref<!tpu.dma_semaphore, #tpu.memory_space<semaphore_mem>>)
          %add3A_916 = arith.constant 128 : i32
          %add3A_917 = arith.addi %mul3A_599, %add3A_916 : i32
          %jit3A_918 = arith.constant 10000 : i32
          %div3A_919 = arith.divsi %add3A_917, %jit3A_918 : i32
          %sign3A_920 = arith.constant 0 : i32
          %sign3A_921 = arith.cmpi sgt, %add3A_917, %sign3A_920 : i32
          %sign3A_922 = arith.extui %sign3A_921 : i1 to i32
          %sign3A_923 = arith.constant 0 : i32
          %sign3A_924 = arith.cmpi slt, %add3A_917, %sign3A_923 : i32
          %sign3A_925 = arith.extui %sign3A_924 : i1 to i32
          %sign3A_926 = arith.subi %sign3A_922, %sign3A_925 : i32
          %sign3A_927 = arith.constant 0 : i32
          %sign3A_928 = arith.cmpi sgt, %jit3A_918, %sign3A_927 : i32
          %sign3A_929 = arith.extui %sign3A_928 : i1 to i32
          %sign3A_930 = arith.constant 0 : i32
          %sign3A_931 = arith.cmpi slt, %jit3A_918, %sign3A_930 : i32
          %sign3A_932 = arith.extui %sign3A_931 : i1 to i32
          %sign3A_933 = arith.subi %sign3A_929, %sign3A_932 : i32
          %ne3A_934 = arith.cmpi ne, %sign3A_926, %sign3A_933 : i32
          %rem3A_935 = arith.remsi %add3A_917, %jit3A_918 : i32
          %ne3A_936 = arith.constant 0 : i32
          %ne3A_937 = arith.cmpi ne, %rem3A_935, %ne3A_936 : i32
          %and3A_938 = arith.andi %ne3A_934, %ne3A_937 : i1
          %sub3A_939 = arith.constant 1 : i32
          %sub3A_940 = arith.subi %div3A_919, %sub3A_939 : i32
          %select_n3A_941 = arith.select %and3A_938, %sub3A_940, %div3A_919 : i32
          %mul3A_942 = arith.constant 10000 : i32
          %mul3A_943 = arith.muli %select_n3A_941, %mul3A_942 : i32
          %get3A_944 = arith.constant 128 : index
          %get3A_945 = tpu.vector_load %arg6[%get3A_944] {strides = array<i32>} : memref<160xi32, #tpu.memory_space<vmem>>, vector<16xi32>,
          %get3A_946 = vector.shape_cast %get3A_945 : vector<16xi32> to vector<16xi32>
          %add3A_947 = vector.broadcast %mul3A_943 : i32 to vector<16xi32>
          %add3A_948 = arith.addi %get3A_946, %add3A_947 : vector<16xi32>
          %dma_start3A_949 = arith.constant 128 : i32
          %dma_start3A_950 = arith.constant 0 : i32
          %dma_start3A_951 = tpu.memref_slice %arg10[%dma_start3A_949, %dma_start3A_950] : memref<160x128xf32, #tpu.memory_space<vmem>> -> memref<16x128xf32, #tpu.memory_space<vmem>>
          %dma_start3A_952 = arith.constant 0 : i32
          %dma_start3A_953 = arith.constant 0 : i32
          %dma_start3A_954 = tpu.memref_slice %arg2[%dma_start3A_952, %dma_start3A_953] : memref<80000x128xf32, #tpu.memory_space<hbm>> -> memref<80000x128xf32, #tpu.memory_space<hbm>>
          tpu.enqueue_indirect_dma source(%dma_start3A_954 : memref<80000x128xf32, #tpu.memory_space<hbm>>) target(%dma_start3A_951 : memref<16x128xf32, #tpu.memory_space<vmem>>) offsets(%add3A_948 : vector<16xi32>) semaphore(%arg12 : memref<!tpu.dma_semaphore, #tpu.memory_space<semaphore_mem>>)
          %add3A_955 = arith.constant 144 : i32
          %add3A_956 = arith.addi %mul3A_599, %add3A_955 : i32
          %jit3A_957 = arith.constant 10000 : i32
          %div3A_958 = arith.divsi %add3A_956, %jit3A_957 : i32
          %sign3A_959 = arith.constant 0 : i32
          %sign3A_960 = arith.cmpi sgt, %add3A_956, %sign3A_959 : i32
          %sign3A_961 = arith.extui %sign3A_960 : i1 to i32
          %sign3A_962 = arith.constant 0 : i32
          %sign3A_963 = arith.cmpi slt, %add3A_956, %sign3A_962 : i32
          %sign3A_964 = arith.extui %sign3A_963 : i1 to i32
          %sign3A_965 = arith.subi %sign3A_961, %sign3A_964 : i32
          %sign3A_966 = arith.constant 0 : i32
          %sign3A_967 = arith.cmpi sgt, %jit3A_957, %sign3A_966 : i32
          %sign3A_968 = arith.extui %sign3A_967 : i1 to i32
          %sign3A_969 = arith.constant 0 : i32
          %sign3A_970 = arith.cmpi slt, %jit3A_957, %sign3A_969 : i32
          %sign3A_971 = arith.extui %sign3A_970 : i1 to i32
          %sign3A_972 = arith.subi %sign3A_968, %sign3A_971 : i32
          %ne3A_973 = arith.cmpi ne, %sign3A_965, %sign3A_972 : i32
          %rem3A_974 = arith.remsi %add3A_956, %jit3A_957 : i32
          %ne3A_975 = arith.constant 0 : i32
          %ne3A_976 = arith.cmpi ne, %rem3A_974, %ne3A_975 : i32
          %and3A_977 = arith.andi %ne3A_973, %ne3A_976 : i1
          %sub3A_978 = arith.constant 1 : i32
          %sub3A_979 = arith.subi %div3A_958, %sub3A_978 : i32
          %select_n3A_980 = arith.select %and3A_977, %sub3A_979, %div3A_958 : i32
          %mul3A_981 = arith.constant 10000 : i32
          %mul3A_982 = arith.muli %select_n3A_980, %mul3A_981 : i32
          %get3A_983 = arith.constant 144 : index
          %get3A_984 = tpu.vector_load %arg6[%get3A_983] {strides = array<i32>} : memref<160xi32, #tpu.memory_space<vmem>>, vector<16xi32>,
          %get3A_985 = vector.shape_cast %get3A_984 : vector<16xi32> to vector<16xi32>
          %add3A_986 = vector.broadcast %mul3A_982 : i32 to vector<16xi32>
          %add3A_987 = arith.addi %get3A_985, %add3A_986 : vector<16xi32>
          %dma_start3A_988 = arith.constant 144 : i32
          %dma_start3A_989 = arith.constant 0 : i32
          %dma_start3A_990 = tpu.memref_slice %arg10[%dma_start3A_988, %dma_start3A_989] : memref<160x128xf32, #tpu.memory_space<vmem>> -> memref<16x128xf32, #tpu.memory_space<vmem>>
          %dma_start3A_991 = arith.constant 0 : i32
          %dma_start3A_992 = arith.constant 0 : i32
          %dma_start3A_993 = tpu.memref_slice %arg2[%dma_start3A_991, %dma_start3A_992] : memref<80000x128xf32, #tpu.memory_space<hbm>> -> memref<80000x128xf32, #tpu.memory_space<hbm>>
          tpu.enqueue_indirect_dma source(%dma_start3A_993 : memref<80000x128xf32, #tpu.memory_space<hbm>>) target(%dma_start3A_990 : memref<16x128xf32, #tpu.memory_space<vmem>>) offsets(%add3A_987 : vector<16xi32>) semaphore(%arg12 : memref<!tpu.dma_semaphore, #tpu.memory_space<semaphore_mem>>)
        } else {
        }
        %dma_wait3A = arith.constant 0 : i32
        %dma_wait3A_522 = arith.constant 0 : i32
        %dma_wait3A_523 = tpu.memref_slice %arg2[%dma_wait3A, %dma_wait3A_522] : memref<80000x128xf32, #tpu.memory_space<hbm>> -> memref<160x128xf32, #tpu.memory_space<hbm>>
        %dma_wait3A_524 = arith.constant 0 : i32
        %dma_wait3A_525 = arith.constant 0 : i32
        %dma_wait3A_526 = tpu.memref_slice %arg2[%dma_wait3A_524, %dma_wait3A_525] : memref<80000x128xf32, #tpu.memory_space<hbm>> -> memref<160x128xf32, #tpu.memory_space<hbm>>
        tpu.wait_dma2 semaphore(%arg11 : memref<!tpu.dma_semaphore, #tpu.memory_space<semaphore_mem>>) src(%dma_wait3A_526 : memref<160x128xf32, #tpu.memory_space<hbm>>) dst(%arg7 : memref<160x128xf32, #tpu.memory_space<vmem>>)
        %broadcast_in_dim3A = arith.constant 0 : i32
        %broadcast_in_dim3A_527 = vector.broadcast %broadcast_in_dim3A : i32 to vector<16xi32>
        %dma_wait3A_528 = arith.constant 0 : i32
        %dma_wait3A_529 = arith.constant 0 : i32
        %dma_wait3A_530 = tpu.memref_slice %arg9[%dma_wait3A_528, %dma_wait3A_529] : memref<160x128xf32, #tpu.memory_space<vmem>> -> memref<16x128xf32, #tpu.memory_space<vmem>>
        %dma_wait3A_531 = arith.constant 0 : i32
        %dma_wait3A_532 = arith.constant 0 : i32
        %dma_wait3A_533 = tpu.memref_slice %arg2[%dma_wait3A_531, %dma_wait3A_532] : memref<80000x128xf32, #tpu.memory_space<hbm>> -> memref<80000x128xf32, #tpu.memory_space<hbm>>
        tpu.wait_indirect_dma semaphore(%arg11 : memref<!tpu.dma_semaphore, #tpu.memory_space<semaphore_mem>>) src(%dma_wait3A_533 : memref<80000x128xf32, #tpu.memory_space<hbm>>) dst(%dma_wait3A_530 : memref<16x128xf32, #tpu.memory_space<vmem>>)
        %dma_wait3A_534 = arith.constant 16 : i32
        %dma_wait3A_535 = arith.constant 0 : i32
        %dma_wait3A_536 = tpu.memref_slice %arg9[%dma_wait3A_534, %dma_wait3A_535] : memref<160x128xf32, #tpu.memory_space<vmem>> -> memref<16x128xf32, #tpu.memory_space<vmem>>
        %dma_wait3A_537 = arith.constant 0 : i32
        %dma_wait3A_538 = arith.constant 0 : i32
        %dma_wait3A_539 = tpu.memref_slice %arg2[%dma_wait3A_537, %dma_wait3A_538] : memref<80000x128xf32, #tpu.memory_space<hbm>> -> memref<80000x128xf32, #tpu.memory_space<hbm>>
        tpu.wait_indirect_dma semaphore(%arg11 : memref<!tpu.dma_semaphore, #tpu.memory_space<semaphore_mem>>) src(%dma_wait3A_539 : memref<80000x128xf32, #tpu.memory_space<hbm>>) dst(%dma_wait3A_536 : memref<16x128xf32, #tpu.memory_space<vmem>>)
        %dma_wait3A_540 = arith.constant 32 : i32
        %dma_wait3A_541 = arith.constant 0 : i32
        %dma_wait3A_542 = tpu.memref_slice %arg9[%dma_wait3A_540, %dma_wait3A_541] : memref<160x128xf32, #tpu.memory_space<vmem>> -> memref<16x128xf32, #tpu.memory_space<vmem>>
        %dma_wait3A_543 = arith.constant 0 : i32
        %dma_wait3A_544 = arith.constant 0 : i32
        %dma_wait3A_545 = tpu.memref_slice %arg2[%dma_wait3A_543, %dma_wait3A_544] : memref<80000x128xf32, #tpu.memory_space<hbm>> -> memref<80000x128xf32, #tpu.memory_space<hbm>>
        tpu.wait_indirect_dma semaphore(%arg11 : memref<!tpu.dma_semaphore, #tpu.memory_space<semaphore_mem>>) src(%dma_wait3A_545 : memref<80000x128xf32, #tpu.memory_space<hbm>>) dst(%dma_wait3A_542 : memref<16x128xf32, #tpu.memory_space<vmem>>)
        %dma_wait3A_546 = arith.constant 48 : i32
        %dma_wait3A_547 = arith.constant 0 : i32
        %dma_wait3A_548 = tpu.memref_slice %arg9[%dma_wait3A_546, %dma_wait3A_547] : memref<160x128xf32, #tpu.memory_space<vmem>> -> memref<16x128xf32, #tpu.memory_space<vmem>>
        %dma_wait3A_549 = arith.constant 0 : i32
        %dma_wait3A_550 = arith.constant 0 : i32
        %dma_wait3A_551 = tpu.memref_slice %arg2[%dma_wait3A_549, %dma_wait3A_550] : memref<80000x128xf32, #tpu.memory_space<hbm>> -> memref<80000x128xf32, #tpu.memory_space<hbm>>
        tpu.wait_indirect_dma semaphore(%arg11 : memref<!tpu.dma_semaphore, #tpu.memory_space<semaphore_mem>>) src(%dma_wait3A_551 : memref<80000x128xf32, #tpu.memory_space<hbm>>) dst(%dma_wait3A_548 : memref<16x128xf32, #tpu.memory_space<vmem>>)
        %dma_wait3A_552 = arith.constant 64 : i32
        %dma_wait3A_553 = arith.constant 0 : i32
        %dma_wait3A_554 = tpu.memref_slice %arg9[%dma_wait3A_552, %dma_wait3A_553] : memref<160x128xf32, #tpu.memory_space<vmem>> -> memref<16x128xf32, #tpu.memory_space<vmem>>
        %dma_wait3A_555 = arith.constant 0 : i32
        %dma_wait3A_556 = arith.constant 0 : i32
        %dma_wait3A_557 = tpu.memref_slice %arg2[%dma_wait3A_555, %dma_wait3A_556] : memref<80000x128xf32, #tpu.memory_space<hbm>> -> memref<80000x128xf32, #tpu.memory_space<hbm>>
        tpu.wait_indirect_dma semaphore(%arg11 : memref<!tpu.dma_semaphore, #tpu.memory_space<semaphore_mem>>) src(%dma_wait3A_557 : memref<80000x128xf32, #tpu.memory_space<hbm>>) dst(%dma_wait3A_554 : memref<16x128xf32, #tpu.memory_space<vmem>>)
        %dma_wait3A_558 = arith.constant 80 : i32
        %dma_wait3A_559 = arith.constant 0 : i32
        %dma_wait3A_560 = tpu.memref_slice %arg9[%dma_wait3A_558, %dma_wait3A_559] : memref<160x128xf32, #tpu.memory_space<vmem>> -> memref<16x128xf32, #tpu.memory_space<vmem>>
        %dma_wait3A_561 = arith.constant 0 : i32
        %dma_wait3A_562 = arith.constant 0 : i32
        %dma_wait3A_563 = tpu.memref_slice %arg2[%dma_wait3A_561, %dma_wait3A_562] : memref<80000x128xf32, #tpu.memory_space<hbm>> -> memref<80000x128xf32, #tpu.memory_space<hbm>>
        tpu.wait_indirect_dma semaphore(%arg11 : memref<!tpu.dma_semaphore, #tpu.memory_space<semaphore_mem>>) src(%dma_wait3A_563 : memref<80000x128xf32, #tpu.memory_space<hbm>>) dst(%dma_wait3A_560 : memref<16x128xf32, #tpu.memory_space<vmem>>)
        %dma_wait3A_564 = arith.constant 96 : i32
        %dma_wait3A_565 = arith.constant 0 : i32
        %dma_wait3A_566 = tpu.memref_slice %arg9[%dma_wait3A_564, %dma_wait3A_565] : memref<160x128xf32, #tpu.memory_space<vmem>> -> memref<16x128xf32, #tpu.memory_space<vmem>>
        %dma_wait3A_567 = arith.constant 0 : i32
        %dma_wait3A_568 = arith.constant 0 : i32
        %dma_wait3A_569 = tpu.memref_slice %arg2[%dma_wait3A_567, %dma_wait3A_568] : memref<80000x128xf32, #tpu.memory_space<hbm>> -> memref<80000x128xf32, #tpu.memory_space<hbm>>
        tpu.wait_indirect_dma semaphore(%arg11 : memref<!tpu.dma_semaphore, #tpu.memory_space<semaphore_mem>>) src(%dma_wait3A_569 : memref<80000x128xf32, #tpu.memory_space<hbm>>) dst(%dma_wait3A_566 : memref<16x128xf32, #tpu.memory_space<vmem>>)
        %dma_wait3A_570 = arith.constant 112 : i32
        %dma_wait3A_571 = arith.constant 0 : i32
        %dma_wait3A_572 = tpu.memref_slice %arg9[%dma_wait3A_570, %dma_wait3A_571] : memref<160x128xf32, #tpu.memory_space<vmem>> -> memref<16x128xf32, #tpu.memory_space<vmem>>
        %dma_wait3A_573 = arith.constant 0 : i32
        %dma_wait3A_574 = arith.constant 0 : i32
        %dma_wait3A_575 = tpu.memref_slice %arg2[%dma_wait3A_573, %dma_wait3A_574] : memref<80000x128xf32, #tpu.memory_space<hbm>> -> memref<80000x128xf32, #tpu.memory_space<hbm>>
        tpu.wait_indirect_dma semaphore(%arg11 : memref<!tpu.dma_semaphore, #tpu.memory_space<semaphore_mem>>) src(%dma_wait3A_575 : memref<80000x128xf32, #tpu.memory_space<hbm>>) dst(%dma_wait3A_572 : memref<16x128xf32, #tpu.memory_space<vmem>>)
        %dma_wait3A_576 = arith.constant 128 : i32
        %dma_wait3A_577 = arith.constant 0 : i32
        %dma_wait3A_578 = tpu.memref_slice %arg9[%dma_wait3A_576, %dma_wait3A_577] : memref<160x128xf32, #tpu.memory_space<vmem>> -> memref<16x128xf32, #tpu.memory_space<vmem>>
        %dma_wait3A_579 = arith.constant 0 : i32
        %dma_wait3A_580 = arith.constant 0 : i32
        %dma_wait3A_581 = tpu.memref_slice %arg2[%dma_wait3A_579, %dma_wait3A_580] : memref<80000x128xf32, #tpu.memory_space<hbm>> -> memref<80000x128xf32, #tpu.memory_space<hbm>>
        tpu.wait_indirect_dma semaphore(%arg11 : memref<!tpu.dma_semaphore, #tpu.memory_space<semaphore_mem>>) src(%dma_wait3A_581 : memref<80000x128xf32, #tpu.memory_space<hbm>>) dst(%dma_wait3A_578 : memref<16x128xf32, #tpu.memory_space<vmem>>)
        %dma_wait3A_582 = arith.constant 144 : i32
        %dma_wait3A_583 = arith.constant 0 : i32
        %dma_wait3A_584 = tpu.memref_slice %arg9[%dma_wait3A_582, %dma_wait3A_583] : memref<160x128xf32, #tpu.memory_space<vmem>> -> memref<16x128xf32, #tpu.memory_space<vmem>>
        %dma_wait3A_585 = arith.constant 0 : i32
        %dma_wait3A_586 = arith.constant 0 : i32
        %dma_wait3A_587 = tpu.memref_slice %arg2[%dma_wait3A_585, %dma_wait3A_586] : memref<80000x128xf32, #tpu.memory_space<hbm>> -> memref<80000x128xf32, #tpu.memory_space<hbm>>
        tpu.wait_indirect_dma semaphore(%arg11 : memref<!tpu.dma_semaphore, #tpu.memory_space<semaphore_mem>>) src(%dma_wait3A_587 : memref<80000x128xf32, #tpu.memory_space<hbm>>) dst(%dma_wait3A_584 : memref<16x128xf32, #tpu.memory_space<vmem>>)
        %parallel_loop3A = arith.constant 0 : i32
        %parallel_loop3A_588 = arith.constant 160 : i32
        %parallel_loop3A_589 = arith.constant 1 : i32
        scf.for %parallel_loop3A_596 = %parallel_loop3A to %parallel_loop3A_588 step %parallel_loop3A_589  : i32 {
          %parallel_loop3A_597 = arith.index_cast %parallel_loop3A_596 : i32 to index
          %parallel_loop3A_598 = arith.constant 0 : index
          %parallel_loop3A_599 = tpu.vector_load %arg7[%parallel_loop3A_597, %parallel_loop3A_598] {strides = array<i32>} : memref<160x128xf32, #tpu.memory_space<vmem>>, vector<1x16xf32>,
          %parallel_loop3A_600 = vector.shape_cast %parallel_loop3A_599 : vector<1x16xf32> to vector<16xf32>
          %parallel_loop3A_601 = arith.index_cast %parallel_loop3A_596 : i32 to index
          %parallel_loop3A_602 = arith.constant 0 : index
          %parallel_loop3A_603 = tpu.vector_load %arg9[%parallel_loop3A_601, %parallel_loop3A_602] {strides = array<i32>} : memref<160x128xf32, #tpu.memory_space<vmem>>, vector<1x16xf32>,
          %parallel_loop3A_604 = vector.shape_cast %parallel_loop3A_603 : vector<1x16xf32> to vector<16xf32>
          %parallel_loop3A_605 = arith.subf %parallel_loop3A_604, %parallel_loop3A_600 : vector<16xf32>
          %parallel_loop3A_606 = arith.mulf %parallel_loop3A_605, %parallel_loop3A_600 : vector<16xf32>
          %parallel_loop3A_607 = arith.index_cast %parallel_loop3A_596 : i32 to index
          %parallel_loop3A_608 = arith.constant 16 : index
          %parallel_loop3A_609 = tpu.vector_load %arg7[%parallel_loop3A_607, %parallel_loop3A_608] {strides = array<i32>} : memref<160x128xf32, #tpu.memory_space<vmem>>, vector<1x16xf32>,
          %parallel_loop3A_610 = vector.shape_cast %parallel_loop3A_609 : vector<1x16xf32> to vector<16xf32>
          %parallel_loop3A_611 = arith.index_cast %parallel_loop3A_596 : i32 to index
          %parallel_loop3A_612 = arith.constant 16 : index
          %parallel_loop3A_613 = tpu.vector_load %arg9[%parallel_loop3A_611, %parallel_loop3A_612] {strides = array<i32>} : memref<160x128xf32, #tpu.memory_space<vmem>>, vector<1x16xf32>,
          %parallel_loop3A_614 = vector.shape_cast %parallel_loop3A_613 : vector<1x16xf32> to vector<16xf32>
          %parallel_loop3A_615 = arith.subf %parallel_loop3A_614, %parallel_loop3A_610 : vector<16xf32>
          %parallel_loop3A_616 = arith.mulf %parallel_loop3A_615, %parallel_loop3A_610 : vector<16xf32>
          %parallel_loop3A_617 = arith.index_cast %parallel_loop3A_596 : i32 to index
          %parallel_loop3A_618 = arith.constant 32 : index
          %parallel_loop3A_619 = tpu.vector_load %arg7[%parallel_loop3A_617, %parallel_loop3A_618] {strides = array<i32>} : memref<160x128xf32, #tpu.memory_space<vmem>>, vector<1x16xf32>,
          %parallel_loop3A_620 = vector.shape_cast %parallel_loop3A_619 : vector<1x16xf32> to vector<16xf32>
          %parallel_loop3A_621 = arith.index_cast %parallel_loop3A_596 : i32 to index
          %parallel_loop3A_622 = arith.constant 32 : index
          %parallel_loop3A_623 = tpu.vector_load %arg9[%parallel_loop3A_621, %parallel_loop3A_622] {strides = array<i32>} : memref<160x128xf32, #tpu.memory_space<vmem>>, vector<1x16xf32>,
          %parallel_loop3A_624 = vector.shape_cast %parallel_loop3A_623 : vector<1x16xf32> to vector<16xf32>
          %parallel_loop3A_625 = arith.subf %parallel_loop3A_624, %parallel_loop3A_620 : vector<16xf32>
          %parallel_loop3A_626 = arith.mulf %parallel_loop3A_625, %parallel_loop3A_620 : vector<16xf32>
          %parallel_loop3A_627 = arith.index_cast %parallel_loop3A_596 : i32 to index
          %parallel_loop3A_628 = arith.constant 48 : index
          %parallel_loop3A_629 = tpu.vector_load %arg7[%parallel_loop3A_627, %parallel_loop3A_628] {strides = array<i32>} : memref<160x128xf32, #tpu.memory_space<vmem>>, vector<1x16xf32>,
          %parallel_loop3A_630 = vector.shape_cast %parallel_loop3A_629 : vector<1x16xf32> to vector<16xf32>
          %parallel_loop3A_631 = arith.index_cast %parallel_loop3A_596 : i32 to index
          %parallel_loop3A_632 = arith.constant 48 : index
          %parallel_loop3A_633 = tpu.vector_load %arg9[%parallel_loop3A_631, %parallel_loop3A_632] {strides = array<i32>} : memref<160x128xf32, #tpu.memory_space<vmem>>, vector<1x16xf32>,
          %parallel_loop3A_634 = vector.shape_cast %parallel_loop3A_633 : vector<1x16xf32> to vector<16xf32>
          %parallel_loop3A_635 = arith.subf %parallel_loop3A_634, %parallel_loop3A_630 : vector<16xf32>
          %parallel_loop3A_636 = arith.mulf %parallel_loop3A_635, %parallel_loop3A_630 : vector<16xf32>
          %parallel_loop3A_637 = arith.index_cast %parallel_loop3A_596 : i32 to index
          %parallel_loop3A_638 = arith.constant 64 : index
          %parallel_loop3A_639 = tpu.vector_load %arg7[%parallel_loop3A_637, %parallel_loop3A_638] {strides = array<i32>} : memref<160x128xf32, #tpu.memory_space<vmem>>, vector<1x16xf32>,
          %parallel_loop3A_640 = vector.shape_cast %parallel_loop3A_639 : vector<1x16xf32> to vector<16xf32>
          %parallel_loop3A_641 = arith.index_cast %parallel_loop3A_596 : i32 to index
          %parallel_loop3A_642 = arith.constant 64 : index
          %parallel_loop3A_643 = tpu.vector_load %arg9[%parallel_loop3A_641, %parallel_loop3A_642] {strides = array<i32>} : memref<160x128xf32, #tpu.memory_space<vmem>>, vector<1x16xf32>,
          %parallel_loop3A_644 = vector.shape_cast %parallel_loop3A_643 : vector<1x16xf32> to vector<16xf32>
          %parallel_loop3A_645 = arith.subf %parallel_loop3A_644, %parallel_loop3A_640 : vector<16xf32>
          %parallel_loop3A_646 = arith.mulf %parallel_loop3A_645, %parallel_loop3A_640 : vector<16xf32>
          %parallel_loop3A_647 = arith.index_cast %parallel_loop3A_596 : i32 to index
          %parallel_loop3A_648 = arith.constant 80 : index
          %parallel_loop3A_649 = tpu.vector_load %arg7[%parallel_loop3A_647, %parallel_loop3A_648] {strides = array<i32>} : memref<160x128xf32, #tpu.memory_space<vmem>>, vector<1x16xf32>,
          %parallel_loop3A_650 = vector.shape_cast %parallel_loop3A_649 : vector<1x16xf32> to vector<16xf32>
          %parallel_loop3A_651 = arith.index_cast %parallel_loop3A_596 : i32 to index
          %parallel_loop3A_652 = arith.constant 80 : index
          %parallel_loop3A_653 = tpu.vector_load %arg9[%parallel_loop3A_651, %parallel_loop3A_652] {strides = array<i32>} : memref<160x128xf32, #tpu.memory_space<vmem>>, vector<1x16xf32>,
          %parallel_loop3A_654 = vector.shape_cast %parallel_loop3A_653 : vector<1x16xf32> to vector<16xf32>
          %parallel_loop3A_655 = arith.subf %parallel_loop3A_654, %parallel_loop3A_650 : vector<16xf32>
          %parallel_loop3A_656 = arith.mulf %parallel_loop3A_655, %parallel_loop3A_650 : vector<16xf32>
          %parallel_loop3A_657 = arith.index_cast %parallel_loop3A_596 : i32 to index
          %parallel_loop3A_658 = arith.constant 96 : index
          %parallel_loop3A_659 = tpu.vector_load %arg7[%parallel_loop3A_657, %parallel_loop3A_658] {strides = array<i32>} : memref<160x128xf32, #tpu.memory_space<vmem>>, vector<1x16xf32>,
          %parallel_loop3A_660 = vector.shape_cast %parallel_loop3A_659 : vector<1x16xf32> to vector<16xf32>
          %parallel_loop3A_661 = arith.index_cast %parallel_loop3A_596 : i32 to index
          %parallel_loop3A_662 = arith.constant 96 : index
          %parallel_loop3A_663 = tpu.vector_load %arg9[%parallel_loop3A_661, %parallel_loop3A_662] {strides = array<i32>} : memref<160x128xf32, #tpu.memory_space<vmem>>, vector<1x16xf32>,
          %parallel_loop3A_664 = vector.shape_cast %parallel_loop3A_663 : vector<1x16xf32> to vector<16xf32>
          %parallel_loop3A_665 = arith.subf %parallel_loop3A_664, %parallel_loop3A_660 : vector<16xf32>
          %parallel_loop3A_666 = arith.mulf %parallel_loop3A_665, %parallel_loop3A_660 : vector<16xf32>
          %parallel_loop3A_667 = arith.index_cast %parallel_loop3A_596 : i32 to index
          %parallel_loop3A_668 = arith.constant 112 : index
          %parallel_loop3A_669 = tpu.vector_load %arg7[%parallel_loop3A_667, %parallel_loop3A_668] {strides = array<i32>} : memref<160x128xf32, #tpu.memory_space<vmem>>, vector<1x16xf32>,
          %parallel_loop3A_670 = vector.shape_cast %parallel_loop3A_669 : vector<1x16xf32> to vector<16xf32>
          %parallel_loop3A_671 = arith.index_cast %parallel_loop3A_596 : i32 to index
          %parallel_loop3A_672 = arith.constant 112 : index
          %parallel_loop3A_673 = tpu.vector_load %arg9[%parallel_loop3A_671, %parallel_loop3A_672] {strides = array<i32>} : memref<160x128xf32, #tpu.memory_space<vmem>>, vector<1x16xf32>,
          %parallel_loop3A_674 = vector.shape_cast %parallel_loop3A_673 : vector<1x16xf32> to vector<16xf32>
          %parallel_loop3A_675 = arith.subf %parallel_loop3A_674, %parallel_loop3A_670 : vector<16xf32>
          %parallel_loop3A_676 = arith.mulf %parallel_loop3A_675, %parallel_loop3A_670 : vector<16xf32>
          %parallel_loop3A_677 = arith.addf %parallel_loop3A_606, %parallel_loop3A_616 : vector<16xf32>
          %parallel_loop3A_678 = arith.addf %parallel_loop3A_626, %parallel_loop3A_636 : vector<16xf32>
          %parallel_loop3A_679 = arith.addf %parallel_loop3A_646, %parallel_loop3A_656 : vector<16xf32>
          %parallel_loop3A_680 = arith.addf %parallel_loop3A_666, %parallel_loop3A_676 : vector<16xf32>
          %parallel_loop3A_681 = arith.addf %parallel_loop3A_677, %parallel_loop3A_678 : vector<16xf32>
          %parallel_loop3A_682 = arith.addf %parallel_loop3A_679, %parallel_loop3A_680 : vector<16xf32>
          %parallel_loop3A_683 = arith.addf %parallel_loop3A_681, %parallel_loop3A_682 : vector<16xf32>
          %parallel_loop3A_684 = tpu.iota {dimensions = array<i32: 0>} : vector<16xi32>
          %parallel_loop3A_685 = arith.constant 8 : i32
          %parallel_loop3A_686 = vector.broadcast %parallel_loop3A_685 : i32 to vector<16xi32>
          %parallel_loop3A_687 = arith.xori %parallel_loop3A_684, %parallel_loop3A_686 : vector<16xi32>
          %parallel_loop3A_688 = arith.constant 0 : i32
          %parallel_loop3A_689 = vector.broadcast %parallel_loop3A_688 : i32 to vector<16xi32>
          %parallel_loop3A_690 = arith.cmpi slt, %parallel_loop3A_687, %parallel_loop3A_689 : vector<16xi32>
          %parallel_loop3A_691 = arith.constant 16 : i32
          %parallel_loop3A_692 = vector.broadcast %parallel_loop3A_691 : i32 to vector<16xi32>
          %parallel_loop3A_693 = arith.addi %parallel_loop3A_687, %parallel_loop3A_692 : vector<16xi32>
          %parallel_loop3A_694 = arith.select %parallel_loop3A_690, %parallel_loop3A_693, %parallel_loop3A_687 : vector<16xi1>, vector<16xi32>
          %parallel_loop3A_695 = vector.shape_cast %parallel_loop3A_694 : vector<16xi32> to vector<16x1xi32>
          %parallel_loop3A_696 = vector.shape_cast %parallel_loop3A_695 : vector<16x1xi32> to vector<16xi32>
          %parallel_loop3A_697 = tpu.dynamic_gather %parallel_loop3A_683[%parallel_loop3A_696] in [0] : vector<16xf32>, vector<16xi32> -> vector<16xf32>
          %parallel_loop3A_698 = arith.addf %parallel_loop3A_683, %parallel_loop3A_697 : vector<16xf32>
          %parallel_loop3A_699 = arith.constant 4 : i32
          %parallel_loop3A_700 = vector.broadcast %parallel_loop3A_699 : i32 to vector<16xi32>
          %parallel_loop3A_701 = arith.xori %parallel_loop3A_684, %parallel_loop3A_700 : vector<16xi32>
          %parallel_loop3A_702 = arith.constant 0 : i32
          %parallel_loop3A_703 = vector.broadcast %parallel_loop3A_702 : i32 to vector<16xi32>
          %parallel_loop3A_704 = arith.cmpi slt, %parallel_loop3A_701, %parallel_loop3A_703 : vector<16xi32>
          %parallel_loop3A_705 = arith.constant 16 : i32
          %parallel_loop3A_706 = vector.broadcast %parallel_loop3A_705 : i32 to vector<16xi32>
          %parallel_loop3A_707 = arith.addi %parallel_loop3A_701, %parallel_loop3A_706 : vector<16xi32>
          %parallel_loop3A_708 = arith.select %parallel_loop3A_704, %parallel_loop3A_707, %parallel_loop3A_701 : vector<16xi1>, vector<16xi32>
          %parallel_loop3A_709 = vector.shape_cast %parallel_loop3A_708 : vector<16xi32> to vector<16x1xi32>
          %parallel_loop3A_710 = vector.shape_cast %parallel_loop3A_709 : vector<16x1xi32> to vector<16xi32>
          %parallel_loop3A_711 = tpu.dynamic_gather %parallel_loop3A_698[%parallel_loop3A_710] in [0] : vector<16xf32>, vector<16xi32> -> vector<16xf32>
          %parallel_loop3A_712 = arith.addf %parallel_loop3A_698, %parallel_loop3A_711 : vector<16xf32>
          %parallel_loop3A_713 = arith.constant 2 : i32
          %parallel_loop3A_714 = vector.broadcast %parallel_loop3A_713 : i32 to vector<16xi32>
          %parallel_loop3A_715 = arith.xori %parallel_loop3A_684, %parallel_loop3A_714 : vector<16xi32>
          %parallel_loop3A_716 = arith.constant 0 : i32
          %parallel_loop3A_717 = vector.broadcast %parallel_loop3A_716 : i32 to vector<16xi32>
          %parallel_loop3A_718 = arith.cmpi slt, %parallel_loop3A_715, %parallel_loop3A_717 : vector<16xi32>
          %parallel_loop3A_719 = arith.constant 16 : i32
          %parallel_loop3A_720 = vector.broadcast %parallel_loop3A_719 : i32 to vector<16xi32>
          %parallel_loop3A_721 = arith.addi %parallel_loop3A_715, %parallel_loop3A_720 : vector<16xi32>
          %parallel_loop3A_722 = arith.select %parallel_loop3A_718, %parallel_loop3A_721, %parallel_loop3A_715 : vector<16xi1>, vector<16xi32>
          %parallel_loop3A_723 = vector.shape_cast %parallel_loop3A_722 : vector<16xi32> to vector<16x1xi32>
          %parallel_loop3A_724 = vector.shape_cast %parallel_loop3A_723 : vector<16x1xi32> to vector<16xi32>
          %parallel_loop3A_725 = tpu.dynamic_gather %parallel_loop3A_712[%parallel_loop3A_724] in [0] : vector<16xf32>, vector<16xi32> -> vector<16xf32>
          %parallel_loop3A_726 = arith.addf %parallel_loop3A_712, %parallel_loop3A_725 : vector<16xf32>
          %parallel_loop3A_727 = arith.constant 1 : i32
          %parallel_loop3A_728 = vector.broadcast %parallel_loop3A_727 : i32 to vector<16xi32>
          %parallel_loop3A_729 = arith.xori %parallel_loop3A_684, %parallel_loop3A_728 : vector<16xi32>
          %parallel_loop3A_730 = arith.constant 0 : i32
          %parallel_loop3A_731 = vector.broadcast %parallel_loop3A_730 : i32 to vector<16xi32>
          %parallel_loop3A_732 = arith.cmpi slt, %parallel_loop3A_729, %parallel_loop3A_731 : vector<16xi32>
          %parallel_loop3A_733 = arith.constant 16 : i32
          %parallel_loop3A_734 = vector.broadcast %parallel_loop3A_733 : i32 to vector<16xi32>
          %parallel_loop3A_735 = arith.addi %parallel_loop3A_729, %parallel_loop3A_734 : vector<16xi32>
          %parallel_loop3A_736 = arith.select %parallel_loop3A_732, %parallel_loop3A_735, %parallel_loop3A_729 : vector<16xi1>, vector<16xi32>
          %parallel_loop3A_737 = vector.shape_cast %parallel_loop3A_736 : vector<16xi32> to vector<16x1xi32>
          %parallel_loop3A_738 = vector.shape_cast %parallel_loop3A_737 : vector<16x1xi32> to vector<16xi32>
          %parallel_loop3A_739 = tpu.dynamic_gather %parallel_loop3A_726[%parallel_loop3A_738] in [0] : vector<16xf32>, vector<16xi32> -> vector<16xf32>
          %parallel_loop3A_740 = arith.addf %parallel_loop3A_726, %parallel_loop3A_739 : vector<16xf32>
          %parallel_loop3A_741 = arith.constant -0.0883883461 : f32
          %parallel_loop3A_742 = vector.broadcast %parallel_loop3A_741 : f32 to vector<16xf32>
          %parallel_loop3A_743 = arith.mulf %parallel_loop3A_740, %parallel_loop3A_742 : vector<16xf32>
          %parallel_loop3A_744 = math.exp %parallel_loop3A_743 : vector<16xf32>
          %parallel_loop3A_745 = arith.constant 1.000000e+00 : f32
          %parallel_loop3A_746 = vector.broadcast %parallel_loop3A_745 : f32 to vector<16xf32>
          %parallel_loop3A_747 = arith.addf %parallel_loop3A_746, %parallel_loop3A_744 : vector<16xf32>
          %parallel_loop3A_748 = arith.constant 1.000000e+00 : f32
          %parallel_loop3A_749 = vector.broadcast %parallel_loop3A_748 : f32 to vector<16xf32>
          %parallel_loop3A_750 = arith.divf %parallel_loop3A_749, %parallel_loop3A_747 : vector<16xf32>
          %parallel_loop3A_751 = arith.mulf %parallel_loop3A_750, %parallel_loop3A_605 : vector<16xf32>
          %parallel_loop3A_752 = arith.addf %parallel_loop3A_600, %parallel_loop3A_751 : vector<16xf32>
          %parallel_loop3A_753 = arith.index_cast %parallel_loop3A_596 : i32 to index
          %parallel_loop3A_754 = arith.constant 0 : index
          %parallel_loop3A_755 = tpu.vector_load %arg9[%parallel_loop3A_753, %parallel_loop3A_754] {strides = array<i32>} : memref<160x128xf32, #tpu.memory_space<vmem>>, vector<1x16xf32>,
          %parallel_loop3A_756 = vector.shape_cast %parallel_loop3A_755 : vector<1x16xf32> to vector<16xf32>
          %parallel_loop3A_757 = vector.shape_cast %parallel_loop3A_752 : vector<16xf32> to vector<1x16xf32>
          tpu.vector_store %arg9[%parallel_loop3A_753, %parallel_loop3A_754], %parallel_loop3A_757 {strides = array<i32>} : memref<160x128xf32, #tpu.memory_space<vmem>>, vector<1x16xf32>,
          %parallel_loop3A_758 = arith.mulf %parallel_loop3A_750, %parallel_loop3A_615 : vector<16xf32>
          %parallel_loop3A_759 = arith.addf %parallel_loop3A_610, %parallel_loop3A_758 : vector<16xf32>
          %parallel_loop3A_760 = arith.index_cast %parallel_loop3A_596 : i32 to index
          %parallel_loop3A_761 = arith.constant 16 : index
          %parallel_loop3A_762 = tpu.vector_load %arg9[%parallel_loop3A_760, %parallel_loop3A_761] {strides = array<i32>} : memref<160x128xf32, #tpu.memory_space<vmem>>, vector<1x16xf32>,
          %parallel_loop3A_763 = vector.shape_cast %parallel_loop3A_762 : vector<1x16xf32> to vector<16xf32>
          %parallel_loop3A_764 = vector.shape_cast %parallel_loop3A_759 : vector<16xf32> to vector<1x16xf32>
          tpu.vector_store %arg9[%parallel_loop3A_760, %parallel_loop3A_761], %parallel_loop3A_764 {strides = array<i32>} : memref<160x128xf32, #tpu.memory_space<vmem>>, vector<1x16xf32>,
          %parallel_loop3A_765 = arith.mulf %parallel_loop3A_750, %parallel_loop3A_625 : vector<16xf32>
          %parallel_loop3A_766 = arith.addf %parallel_loop3A_620, %parallel_loop3A_765 : vector<16xf32>
          %parallel_loop3A_767 = arith.index_cast %parallel_loop3A_596 : i32 to index
          %parallel_loop3A_768 = arith.constant 32 : index
          %parallel_loop3A_769 = tpu.vector_load %arg9[%parallel_loop3A_767, %parallel_loop3A_768] {strides = array<i32>} : memref<160x128xf32, #tpu.memory_space<vmem>>, vector<1x16xf32>,
          %parallel_loop3A_770 = vector.shape_cast %parallel_loop3A_769 : vector<1x16xf32> to vector<16xf32>
          %parallel_loop3A_771 = vector.shape_cast %parallel_loop3A_766 : vector<16xf32> to vector<1x16xf32>
          tpu.vector_store %arg9[%parallel_loop3A_767, %parallel_loop3A_768], %parallel_loop3A_771 {strides = array<i32>} : memref<160x128xf32, #tpu.memory_space<vmem>>, vector<1x16xf32>,
          %parallel_loop3A_772 = arith.mulf %parallel_loop3A_750, %parallel_loop3A_635 : vector<16xf32>
          %parallel_loop3A_773 = arith.addf %parallel_loop3A_630, %parallel_loop3A_772 : vector<16xf32>
          %parallel_loop3A_774 = arith.index_cast %parallel_loop3A_596 : i32 to index
          %parallel_loop3A_775 = arith.constant 48 : index
          %parallel_loop3A_776 = tpu.vector_load %arg9[%parallel_loop3A_774, %parallel_loop3A_775] {strides = array<i32>} : memref<160x128xf32, #tpu.memory_space<vmem>>, vector<1x16xf32>,
          %parallel_loop3A_777 = vector.shape_cast %parallel_loop3A_776 : vector<1x16xf32> to vector<16xf32>
          %parallel_loop3A_778 = vector.shape_cast %parallel_loop3A_773 : vector<16xf32> to vector<1x16xf32>
          tpu.vector_store %arg9[%parallel_loop3A_774, %parallel_loop3A_775], %parallel_loop3A_778 {strides = array<i32>} : memref<160x128xf32, #tpu.memory_space<vmem>>, vector<1x16xf32>,
          %parallel_loop3A_779 = arith.mulf %parallel_loop3A_750, %parallel_loop3A_645 : vector<16xf32>
          %parallel_loop3A_780 = arith.addf %parallel_loop3A_640, %parallel_loop3A_779 : vector<16xf32>
          %parallel_loop3A_781 = arith.index_cast %parallel_loop3A_596 : i32 to index
          %parallel_loop3A_782 = arith.constant 64 : index
          %parallel_loop3A_783 = tpu.vector_load %arg9[%parallel_loop3A_781, %parallel_loop3A_782] {strides = array<i32>} : memref<160x128xf32, #tpu.memory_space<vmem>>, vector<1x16xf32>,
          %parallel_loop3A_784 = vector.shape_cast %parallel_loop3A_783 : vector<1x16xf32> to vector<16xf32>
          %parallel_loop3A_785 = vector.shape_cast %parallel_loop3A_780 : vector<16xf32> to vector<1x16xf32>
          tpu.vector_store %arg9[%parallel_loop3A_781, %parallel_loop3A_782], %parallel_loop3A_785 {strides = array<i32>} : memref<160x128xf32, #tpu.memory_space<vmem>>, vector<1x16xf32>,
          %parallel_loop3A_786 = arith.mulf %parallel_loop3A_750, %parallel_loop3A_655 : vector<16xf32>
          %parallel_loop3A_787 = arith.addf %parallel_loop3A_650, %parallel_loop3A_786 : vector<16xf32>
          %parallel_loop3A_788 = arith.index_cast %parallel_loop3A_596 : i32 to index
          %parallel_loop3A_789 = arith.constant 80 : index
          %parallel_loop3A_790 = tpu.vector_load %arg9[%parallel_loop3A_788, %parallel_loop3A_789] {strides = array<i32>} : memref<160x128xf32, #tpu.memory_space<vmem>>, vector<1x16xf32>,
          %parallel_loop3A_791 = vector.shape_cast %parallel_loop3A_790 : vector<1x16xf32> to vector<16xf32>
          %parallel_loop3A_792 = vector.shape_cast %parallel_loop3A_787 : vector<16xf32> to vector<1x16xf32>
          tpu.vector_store %arg9[%parallel_loop3A_788, %parallel_loop3A_789], %parallel_loop3A_792 {strides = array<i32>} : memref<160x128xf32, #tpu.memory_space<vmem>>, vector<1x16xf32>,
          %parallel_loop3A_793 = arith.mulf %parallel_loop3A_750, %parallel_loop3A_665 : vector<16xf32>
          %parallel_loop3A_794 = arith.addf %parallel_loop3A_660, %parallel_loop3A_793 : vector<16xf32>
          %parallel_loop3A_795 = arith.index_cast %parallel_loop3A_596 : i32 to index
          %parallel_loop3A_796 = arith.constant 96 : index
          %parallel_loop3A_797 = tpu.vector_load %arg9[%parallel_loop3A_795, %parallel_loop3A_796] {strides = array<i32>} : memref<160x128xf32, #tpu.memory_space<vmem>>, vector<1x16xf32>,
          %parallel_loop3A_798 = vector.shape_cast %parallel_loop3A_797 : vector<1x16xf32> to vector<16xf32>
          %parallel_loop3A_799 = vector.shape_cast %parallel_loop3A_794 : vector<16xf32> to vector<1x16xf32>
          tpu.vector_store %arg9[%parallel_loop3A_795, %parallel_loop3A_796], %parallel_loop3A_799 {strides = array<i32>} : memref<160x128xf32, #tpu.memory_space<vmem>>, vector<1x16xf32>,
          %parallel_loop3A_800 = arith.mulf %parallel_loop3A_750, %parallel_loop3A_675 : vector<16xf32>
          %parallel_loop3A_801 = arith.addf %parallel_loop3A_670, %parallel_loop3A_800 : vector<16xf32>
          %parallel_loop3A_802 = arith.index_cast %parallel_loop3A_596 : i32 to index
          %parallel_loop3A_803 = arith.constant 112 : index
          %parallel_loop3A_804 = tpu.vector_load %arg9[%parallel_loop3A_802, %parallel_loop3A_803] {strides = array<i32>} : memref<160x128xf32, #tpu.memory_space<vmem>>, vector<1x16xf32>,
          %parallel_loop3A_805 = vector.shape_cast %parallel_loop3A_804 : vector<1x16xf32> to vector<16xf32>
          %parallel_loop3A_806 = vector.shape_cast %parallel_loop3A_801 : vector<16xf32> to vector<1x16xf32>
          tpu.vector_store %arg9[%parallel_loop3A_802, %parallel_loop3A_803], %parallel_loop3A_806 {strides = array<i32>} : memref<160x128xf32, #tpu.memory_space<vmem>>, vector<1x16xf32>,
        } {sc.loop_unroll_factor = 1 : i64, sc.parallel_access}
        %mul3A_590 = arith.constant 160 : i32
        %mul3A_591 = arith.muli %add3A_511, %mul3A_590 : i32
        %dma_start3A_592 = arith.constant 0 : i32
        %dma_start3A_593 = tpu.memref_slice %arg4[%mul3A_591, %dma_start3A_592] : memref<80000x128xf32, #tpu.memory_space<hbm>> -> memref<160x128xf32, #tpu.memory_space<hbm>>
        %dma_start3A_594 = arith.constant 0 : i32
        %dma_start3A_595 = tpu.memref_slice %arg4[%mul3A_591, %dma_start3A_594] : memref<80000x128xf32, #tpu.memory_space<hbm>> -> memref<160x128xf32, #tpu.memory_space<hbm>>
        tpu.enqueue_dma source(%arg9 : memref<160x128xf32, #tpu.memory_space<vmem>>) target(%dma_start3A_595 : memref<160x128xf32, #tpu.memory_space<hbm>>) target_semaphore(%arg13 : memref<!tpu.dma_semaphore, #tpu.memory_space<semaphore_mem>>)
      } else {
      }
      %jit3A_488 = arith.constant 2 : i32
      %eq3A_489 = arith.constant 0 : i32
      %eq3A_490 = arith.cmpi eq, %jit3A_488, %eq3A_489 : i32
      %jit3A_491 = arith.constant 1 : i32
      %select_n3A_492 = arith.select %eq3A_490, %jit3A_491, %jit3A_488 : i32
      %rem3A_493 = arith.remsi %while3A_466, %select_n3A_492 : i32
      %ne3A_494 = arith.constant 0 : i32
      %ne3A_495 = arith.cmpi ne, %rem3A_493, %ne3A_494 : i32
      %lt3A_496 = arith.constant 0 : i32
      %lt3A_497 = arith.cmpi slt, %rem3A_493, %lt3A_496 : i32
      %lt3A_498 = arith.constant 0 : i32
      %lt3A_499 = arith.cmpi slt, %select_n3A_492, %lt3A_498 : i32
      %ne3A_500 = arith.xori %lt3A_497, %lt3A_499 : i1
      %and3A_501 = arith.andi %ne3A_500, %ne3A_495 : i1
      %add3A_502 = arith.addi %rem3A_493, %select_n3A_492 : i32
      %select_n3A_503 = arith.select %and3A_501, %add3A_502, %rem3A_493 : i32
      %eq3A_504 = arith.constant 1 : i32
      %eq3A_505 = arith.cmpi eq, %select_n3A_503, %eq3A_504 : i32
      %convert_element_type3A_506 = arith.extui %eq3A_505 : i1 to i32
      %cond3A_507 = arith.constant 0 : i32
      %cond3A_508 = arith.cmpi ne, %convert_element_type3A_506, %cond3A_507 : i32
      scf.if %cond3A_508 {
        %mul3A_509 = arith.constant 32 : i32
        %mul3A_510 = arith.muli %while3A_466, %mul3A_509 : i32
        %add3A_511 = arith.addi %add3A, %mul3A_510 : i32
        %ge3A = arith.constant 1 : i32
        %ge3A_512 = arith.cmpi sge, %while3A_466, %ge3A : i32
        %convert_element_type3A_513 = arith.extui %ge3A_512 : i1 to i32
        %cond3A_514 = arith.constant 0 : i32
        %cond3A_515 = arith.cmpi ne, %convert_element_type3A_513, %cond3A_514 : i32
        scf.if %cond3A_515 {
          %dma_wait3A_596 = arith.constant 0 : i32
          %dma_wait3A_597 = arith.constant 0 : i32
          %dma_wait3A_598 = tpu.memref_slice %arg4[%dma_wait3A_596, %dma_wait3A_597] : memref<80000x128xf32, #tpu.memory_space<hbm>> -> memref<160x128xf32, #tpu.memory_space<hbm>>
          %dma_wait3A_599 = arith.constant 0 : i32
          %dma_wait3A_600 = arith.constant 0 : i32
          %dma_wait3A_601 = tpu.memref_slice %arg4[%dma_wait3A_599, %dma_wait3A_600] : memref<80000x128xf32, #tpu.memory_space<hbm>> -> memref<160x128xf32, #tpu.memory_space<hbm>>
          tpu.wait_dma2 semaphore(%arg13 : memref<!tpu.dma_semaphore, #tpu.memory_space<semaphore_mem>>) src(%arg9 : memref<160x128xf32, #tpu.memory_space<vmem>>) dst(%dma_wait3A_601 : memref<160x128xf32, #tpu.memory_space<hbm>>)
        } else {
        }
        %add3A_516 = arith.constant 1 : i32
        %add3A_517 = arith.addi %while3A_466, %add3A_516 : i32
        %lt3A_518 = arith.cmpi slt, %add3A_517, %add3A_20 : i32
        %convert_element_type3A_519 = arith.extui %lt3A_518 : i1 to i32
        %cond3A_520 = arith.constant 0 : i32
        %cond3A_521 = arith.cmpi ne, %convert_element_type3A_519, %cond3A_520 : i32
        scf.if %cond3A_521 {
          %add3A_596 = arith.constant 32 : i32
          %add3A_597 = arith.addi %add3A_511, %add3A_596 : i32
          %mul3A_598 = arith.constant 160 : i32
          %mul3A_599 = arith.muli %add3A_597, %mul3A_598 : i32
          %dma_start3A_600 = arith.constant 0 : i32
          %dma_start3A_601 = tpu.memref_slice %arg2[%mul3A_599, %dma_start3A_600] : memref<80000x128xf32, #tpu.memory_space<hbm>> -> memref<160x128xf32, #tpu.memory_space<hbm>>
          %dma_start3A_602 = arith.constant 0 : i32
          %dma_start3A_603 = tpu.memref_slice %arg2[%mul3A_599, %dma_start3A_602] : memref<80000x128xf32, #tpu.memory_space<hbm>> -> memref<160x128xf32, #tpu.memory_space<hbm>>
          tpu.enqueue_dma source(%dma_start3A_603 : memref<160x128xf32, #tpu.memory_space<hbm>>) target(%arg7 : memref<160x128xf32, #tpu.memory_space<vmem>>) target_semaphore(%arg11 : memref<!tpu.dma_semaphore, #tpu.memory_space<semaphore_mem>>)
          "tpu.region"() ({
            %run_scoped3A = tpu.sem_alloc : memref<!tpu.dma_semaphore, #tpu.memory_space<semaphore_mem>>
            %dma_start3A_994 = tpu.memref_slice %arg3[%mul3A_599] : memref<80000xi32, #tpu.memory_space<hbm>> -> memref<160xi32, #tpu.memory_space<hbm>>
            %dma_start3A_995 = tpu.memref_slice %arg3[%mul3A_599] : memref<80000xi32, #tpu.memory_space<hbm>> -> memref<160xi32, #tpu.memory_space<hbm>>
            tpu.enqueue_dma source(%dma_start3A_995 : memref<160xi32, #tpu.memory_space<hbm>>) target(%arg5 : memref<160xi32, #tpu.memory_space<vmem>>) target_semaphore(%run_scoped3A : memref<!tpu.dma_semaphore, #tpu.memory_space<semaphore_mem>>)
            %dma_wait3A_996 = tpu.memref_slice %arg3[%mul3A_599] : memref<80000xi32, #tpu.memory_space<hbm>> -> memref<160xi32, #tpu.memory_space<hbm>>
            %dma_wait3A_997 = tpu.memref_slice %arg3[%mul3A_599] : memref<80000xi32, #tpu.memory_space<hbm>> -> memref<160xi32, #tpu.memory_space<hbm>>
            tpu.wait_dma2 semaphore(%run_scoped3A : memref<!tpu.dma_semaphore, #tpu.memory_space<semaphore_mem>>) src(%dma_wait3A_997 : memref<160xi32, #tpu.memory_space<hbm>>) dst(%arg5 : memref<160xi32, #tpu.memory_space<vmem>>)
            tpu.yield
          }) : () -> ()
          %add3A_604 = arith.constant 0 : i32
          %add3A_605 = arith.addi %mul3A_599, %add3A_604 : i32
          %jit3A_606 = arith.constant 10000 : i32
          %div3A_607 = arith.divsi %add3A_605, %jit3A_606 : i32
          %sign3A_608 = arith.constant 0 : i32
          %sign3A_609 = arith.cmpi sgt, %add3A_605, %sign3A_608 : i32
          %sign3A_610 = arith.extui %sign3A_609 : i1 to i32
          %sign3A_611 = arith.constant 0 : i32
          %sign3A_612 = arith.cmpi slt, %add3A_605, %sign3A_611 : i32
          %sign3A_613 = arith.extui %sign3A_612 : i1 to i32
          %sign3A_614 = arith.subi %sign3A_610, %sign3A_613 : i32
          %sign3A_615 = arith.constant 0 : i32
          %sign3A_616 = arith.cmpi sgt, %jit3A_606, %sign3A_615 : i32
          %sign3A_617 = arith.extui %sign3A_616 : i1 to i32
          %sign3A_618 = arith.constant 0 : i32
          %sign3A_619 = arith.cmpi slt, %jit3A_606, %sign3A_618 : i32
          %sign3A_620 = arith.extui %sign3A_619 : i1 to i32
          %sign3A_621 = arith.subi %sign3A_617, %sign3A_620 : i32
          %ne3A_622 = arith.cmpi ne, %sign3A_614, %sign3A_621 : i32
          %rem3A_623 = arith.remsi %add3A_605, %jit3A_606 : i32
          %ne3A_624 = arith.constant 0 : i32
          %ne3A_625 = arith.cmpi ne, %rem3A_623, %ne3A_624 : i32
          %and3A_626 = arith.andi %ne3A_622, %ne3A_625 : i1
          %sub3A_627 = arith.constant 1 : i32
          %sub3A_628 = arith.subi %div3A_607, %sub3A_627 : i32
          %select_n3A_629 = arith.select %and3A_626, %sub3A_628, %div3A_607 : i32
          %mul3A_630 = arith.constant 10000 : i32
          %mul3A_631 = arith.muli %select_n3A_629, %mul3A_630 : i32
          %get3A_632 = arith.constant 0 : index
          %get3A_633 = tpu.vector_load %arg5[%get3A_632] {strides = array<i32>} : memref<160xi32, #tpu.memory_space<vmem>>, vector<16xi32>,
          %get3A_634 = vector.shape_cast %get3A_633 : vector<16xi32> to vector<16xi32>
          %add3A_635 = vector.broadcast %mul3A_631 : i32 to vector<16xi32>
          %add3A_636 = arith.addi %get3A_634, %add3A_635 : vector<16xi32>
          %dma_start3A_637 = arith.constant 0 : i32
          %dma_start3A_638 = arith.constant 0 : i32
          %dma_start3A_639 = tpu.memref_slice %arg9[%dma_start3A_637, %dma_start3A_638] : memref<160x128xf32, #tpu.memory_space<vmem>> -> memref<16x128xf32, #tpu.memory_space<vmem>>
          %dma_start3A_640 = arith.constant 0 : i32
          %dma_start3A_641 = arith.constant 0 : i32
          %dma_start3A_642 = tpu.memref_slice %arg2[%dma_start3A_640, %dma_start3A_641] : memref<80000x128xf32, #tpu.memory_space<hbm>> -> memref<80000x128xf32, #tpu.memory_space<hbm>>
          tpu.enqueue_indirect_dma source(%dma_start3A_642 : memref<80000x128xf32, #tpu.memory_space<hbm>>) target(%dma_start3A_639 : memref<16x128xf32, #tpu.memory_space<vmem>>) offsets(%add3A_636 : vector<16xi32>) semaphore(%arg11 : memref<!tpu.dma_semaphore, #tpu.memory_space<semaphore_mem>>)
          %add3A_643 = arith.constant 16 : i32
          %add3A_644 = arith.addi %mul3A_599, %add3A_643 : i32
          %jit3A_645 = arith.constant 10000 : i32
          %div3A_646 = arith.divsi %add3A_644, %jit3A_645 : i32
          %sign3A_647 = arith.constant 0 : i32
          %sign3A_648 = arith.cmpi sgt, %add3A_644, %sign3A_647 : i32
          %sign3A_649 = arith.extui %sign3A_648 : i1 to i32
          %sign3A_650 = arith.constant 0 : i32
          %sign3A_651 = arith.cmpi slt, %add3A_644, %sign3A_650 : i32
          %sign3A_652 = arith.extui %sign3A_651 : i1 to i32
          %sign3A_653 = arith.subi %sign3A_649, %sign3A_652 : i32
          %sign3A_654 = arith.constant 0 : i32
          %sign3A_655 = arith.cmpi sgt, %jit3A_645, %sign3A_654 : i32
          %sign3A_656 = arith.extui %sign3A_655 : i1 to i32
          %sign3A_657 = arith.constant 0 : i32
          %sign3A_658 = arith.cmpi slt, %jit3A_645, %sign3A_657 : i32
          %sign3A_659 = arith.extui %sign3A_658 : i1 to i32
          %sign3A_660 = arith.subi %sign3A_656, %sign3A_659 : i32
          %ne3A_661 = arith.cmpi ne, %sign3A_653, %sign3A_660 : i32
          %rem3A_662 = arith.remsi %add3A_644, %jit3A_645 : i32
          %ne3A_663 = arith.constant 0 : i32
          %ne3A_664 = arith.cmpi ne, %rem3A_662, %ne3A_663 : i32
          %and3A_665 = arith.andi %ne3A_661, %ne3A_664 : i1
          %sub3A_666 = arith.constant 1 : i32
          %sub3A_667 = arith.subi %div3A_646, %sub3A_666 : i32
          %select_n3A_668 = arith.select %and3A_665, %sub3A_667, %div3A_646 : i32
          %mul3A_669 = arith.constant 10000 : i32
          %mul3A_670 = arith.muli %select_n3A_668, %mul3A_669 : i32
          %get3A_671 = arith.constant 16 : index
          %get3A_672 = tpu.vector_load %arg5[%get3A_671] {strides = array<i32>} : memref<160xi32, #tpu.memory_space<vmem>>, vector<16xi32>,
          %get3A_673 = vector.shape_cast %get3A_672 : vector<16xi32> to vector<16xi32>
          %add3A_674 = vector.broadcast %mul3A_670 : i32 to vector<16xi32>
          %add3A_675 = arith.addi %get3A_673, %add3A_674 : vector<16xi32>
          %dma_start3A_676 = arith.constant 16 : i32
          %dma_start3A_677 = arith.constant 0 : i32
          %dma_start3A_678 = tpu.memref_slice %arg9[%dma_start3A_676, %dma_start3A_677] : memref<160x128xf32, #tpu.memory_space<vmem>> -> memref<16x128xf32, #tpu.memory_space<vmem>>
          %dma_start3A_679 = arith.constant 0 : i32
          %dma_start3A_680 = arith.constant 0 : i32
          %dma_start3A_681 = tpu.memref_slice %arg2[%dma_start3A_679, %dma_start3A_680] : memref<80000x128xf32, #tpu.memory_space<hbm>> -> memref<80000x128xf32, #tpu.memory_space<hbm>>
          tpu.enqueue_indirect_dma source(%dma_start3A_681 : memref<80000x128xf32, #tpu.memory_space<hbm>>) target(%dma_start3A_678 : memref<16x128xf32, #tpu.memory_space<vmem>>) offsets(%add3A_675 : vector<16xi32>) semaphore(%arg11 : memref<!tpu.dma_semaphore, #tpu.memory_space<semaphore_mem>>)
          %add3A_682 = arith.constant 32 : i32
          %add3A_683 = arith.addi %mul3A_599, %add3A_682 : i32
          %jit3A_684 = arith.constant 10000 : i32
          %div3A_685 = arith.divsi %add3A_683, %jit3A_684 : i32
          %sign3A_686 = arith.constant 0 : i32
          %sign3A_687 = arith.cmpi sgt, %add3A_683, %sign3A_686 : i32
          %sign3A_688 = arith.extui %sign3A_687 : i1 to i32
          %sign3A_689 = arith.constant 0 : i32
          %sign3A_690 = arith.cmpi slt, %add3A_683, %sign3A_689 : i32
          %sign3A_691 = arith.extui %sign3A_690 : i1 to i32
          %sign3A_692 = arith.subi %sign3A_688, %sign3A_691 : i32
          %sign3A_693 = arith.constant 0 : i32
          %sign3A_694 = arith.cmpi sgt, %jit3A_684, %sign3A_693 : i32
          %sign3A_695 = arith.extui %sign3A_694 : i1 to i32
          %sign3A_696 = arith.constant 0 : i32
          %sign3A_697 = arith.cmpi slt, %jit3A_684, %sign3A_696 : i32
          %sign3A_698 = arith.extui %sign3A_697 : i1 to i32
          %sign3A_699 = arith.subi %sign3A_695, %sign3A_698 : i32
          %ne3A_700 = arith.cmpi ne, %sign3A_692, %sign3A_699 : i32
          %rem3A_701 = arith.remsi %add3A_683, %jit3A_684 : i32
          %ne3A_702 = arith.constant 0 : i32
          %ne3A_703 = arith.cmpi ne, %rem3A_701, %ne3A_702 : i32
          %and3A_704 = arith.andi %ne3A_700, %ne3A_703 : i1
          %sub3A_705 = arith.constant 1 : i32
          %sub3A_706 = arith.subi %div3A_685, %sub3A_705 : i32
          %select_n3A_707 = arith.select %and3A_704, %sub3A_706, %div3A_685 : i32
          %mul3A_708 = arith.constant 10000 : i32
          %mul3A_709 = arith.muli %select_n3A_707, %mul3A_708 : i32
          %get3A_710 = arith.constant 32 : index
          %get3A_711 = tpu.vector_load %arg5[%get3A_710] {strides = array<i32>} : memref<160xi32, #tpu.memory_space<vmem>>, vector<16xi32>,
          %get3A_712 = vector.shape_cast %get3A_711 : vector<16xi32> to vector<16xi32>
          %add3A_713 = vector.broadcast %mul3A_709 : i32 to vector<16xi32>
          %add3A_714 = arith.addi %get3A_712, %add3A_713 : vector<16xi32>
          %dma_start3A_715 = arith.constant 32 : i32
          %dma_start3A_716 = arith.constant 0 : i32
          %dma_start3A_717 = tpu.memref_slice %arg9[%dma_start3A_715, %dma_start3A_716] : memref<160x128xf32, #tpu.memory_space<vmem>> -> memref<16x128xf32, #tpu.memory_space<vmem>>
          %dma_start3A_718 = arith.constant 0 : i32
          %dma_start3A_719 = arith.constant 0 : i32
          %dma_start3A_720 = tpu.memref_slice %arg2[%dma_start3A_718, %dma_start3A_719] : memref<80000x128xf32, #tpu.memory_space<hbm>> -> memref<80000x128xf32, #tpu.memory_space<hbm>>
          tpu.enqueue_indirect_dma source(%dma_start3A_720 : memref<80000x128xf32, #tpu.memory_space<hbm>>) target(%dma_start3A_717 : memref<16x128xf32, #tpu.memory_space<vmem>>) offsets(%add3A_714 : vector<16xi32>) semaphore(%arg11 : memref<!tpu.dma_semaphore, #tpu.memory_space<semaphore_mem>>)
          %add3A_721 = arith.constant 48 : i32
          %add3A_722 = arith.addi %mul3A_599, %add3A_721 : i32
          %jit3A_723 = arith.constant 10000 : i32
          %div3A_724 = arith.divsi %add3A_722, %jit3A_723 : i32
          %sign3A_725 = arith.constant 0 : i32
          %sign3A_726 = arith.cmpi sgt, %add3A_722, %sign3A_725 : i32
          %sign3A_727 = arith.extui %sign3A_726 : i1 to i32
          %sign3A_728 = arith.constant 0 : i32
          %sign3A_729 = arith.cmpi slt, %add3A_722, %sign3A_728 : i32
          %sign3A_730 = arith.extui %sign3A_729 : i1 to i32
          %sign3A_731 = arith.subi %sign3A_727, %sign3A_730 : i32
          %sign3A_732 = arith.constant 0 : i32
          %sign3A_733 = arith.cmpi sgt, %jit3A_723, %sign3A_732 : i32
          %sign3A_734 = arith.extui %sign3A_733 : i1 to i32
          %sign3A_735 = arith.constant 0 : i32
          %sign3A_736 = arith.cmpi slt, %jit3A_723, %sign3A_735 : i32
          %sign3A_737 = arith.extui %sign3A_736 : i1 to i32
          %sign3A_738 = arith.subi %sign3A_734, %sign3A_737 : i32
          %ne3A_739 = arith.cmpi ne, %sign3A_731, %sign3A_738 : i32
          %rem3A_740 = arith.remsi %add3A_722, %jit3A_723 : i32
          %ne3A_741 = arith.constant 0 : i32
          %ne3A_742 = arith.cmpi ne, %rem3A_740, %ne3A_741 : i32
          %and3A_743 = arith.andi %ne3A_739, %ne3A_742 : i1
          %sub3A_744 = arith.constant 1 : i32
          %sub3A_745 = arith.subi %div3A_724, %sub3A_744 : i32
          %select_n3A_746 = arith.select %and3A_743, %sub3A_745, %div3A_724 : i32
          %mul3A_747 = arith.constant 10000 : i32
          %mul3A_748 = arith.muli %select_n3A_746, %mul3A_747 : i32
          %get3A_749 = arith.constant 48 : index
          %get3A_750 = tpu.vector_load %arg5[%get3A_749] {strides = array<i32>} : memref<160xi32, #tpu.memory_space<vmem>>, vector<16xi32>,
          %get3A_751 = vector.shape_cast %get3A_750 : vector<16xi32> to vector<16xi32>
          %add3A_752 = vector.broadcast %mul3A_748 : i32 to vector<16xi32>
          %add3A_753 = arith.addi %get3A_751, %add3A_752 : vector<16xi32>
          %dma_start3A_754 = arith.constant 48 : i32
          %dma_start3A_755 = arith.constant 0 : i32
          %dma_start3A_756 = tpu.memref_slice %arg9[%dma_start3A_754, %dma_start3A_755] : memref<160x128xf32, #tpu.memory_space<vmem>> -> memref<16x128xf32, #tpu.memory_space<vmem>>
          %dma_start3A_757 = arith.constant 0 : i32
          %dma_start3A_758 = arith.constant 0 : i32
          %dma_start3A_759 = tpu.memref_slice %arg2[%dma_start3A_757, %dma_start3A_758] : memref<80000x128xf32, #tpu.memory_space<hbm>> -> memref<80000x128xf32, #tpu.memory_space<hbm>>
          tpu.enqueue_indirect_dma source(%dma_start3A_759 : memref<80000x128xf32, #tpu.memory_space<hbm>>) target(%dma_start3A_756 : memref<16x128xf32, #tpu.memory_space<vmem>>) offsets(%add3A_753 : vector<16xi32>) semaphore(%arg11 : memref<!tpu.dma_semaphore, #tpu.memory_space<semaphore_mem>>)
          %add3A_760 = arith.constant 64 : i32
          %add3A_761 = arith.addi %mul3A_599, %add3A_760 : i32
          %jit3A_762 = arith.constant 10000 : i32
          %div3A_763 = arith.divsi %add3A_761, %jit3A_762 : i32
          %sign3A_764 = arith.constant 0 : i32
          %sign3A_765 = arith.cmpi sgt, %add3A_761, %sign3A_764 : i32
          %sign3A_766 = arith.extui %sign3A_765 : i1 to i32
          %sign3A_767 = arith.constant 0 : i32
          %sign3A_768 = arith.cmpi slt, %add3A_761, %sign3A_767 : i32
          %sign3A_769 = arith.extui %sign3A_768 : i1 to i32
          %sign3A_770 = arith.subi %sign3A_766, %sign3A_769 : i32
          %sign3A_771 = arith.constant 0 : i32
          %sign3A_772 = arith.cmpi sgt, %jit3A_762, %sign3A_771 : i32
          %sign3A_773 = arith.extui %sign3A_772 : i1 to i32
          %sign3A_774 = arith.constant 0 : i32
          %sign3A_775 = arith.cmpi slt, %jit3A_762, %sign3A_774 : i32
          %sign3A_776 = arith.extui %sign3A_775 : i1 to i32
          %sign3A_777 = arith.subi %sign3A_773, %sign3A_776 : i32
          %ne3A_778 = arith.cmpi ne, %sign3A_770, %sign3A_777 : i32
          %rem3A_779 = arith.remsi %add3A_761, %jit3A_762 : i32
          %ne3A_780 = arith.constant 0 : i32
          %ne3A_781 = arith.cmpi ne, %rem3A_779, %ne3A_780 : i32
          %and3A_782 = arith.andi %ne3A_778, %ne3A_781 : i1
          %sub3A_783 = arith.constant 1 : i32
          %sub3A_784 = arith.subi %div3A_763, %sub3A_783 : i32
          %select_n3A_785 = arith.select %and3A_782, %sub3A_784, %div3A_763 : i32
          %mul3A_786 = arith.constant 10000 : i32
          %mul3A_787 = arith.muli %select_n3A_785, %mul3A_786 : i32
          %get3A_788 = arith.constant 64 : index
          %get3A_789 = tpu.vector_load %arg5[%get3A_788] {strides = array<i32>} : memref<160xi32, #tpu.memory_space<vmem>>, vector<16xi32>,
          %get3A_790 = vector.shape_cast %get3A_789 : vector<16xi32> to vector<16xi32>
          %add3A_791 = vector.broadcast %mul3A_787 : i32 to vector<16xi32>
          %add3A_792 = arith.addi %get3A_790, %add3A_791 : vector<16xi32>
          %dma_start3A_793 = arith.constant 64 : i32
          %dma_start3A_794 = arith.constant 0 : i32
          %dma_start3A_795 = tpu.memref_slice %arg9[%dma_start3A_793, %dma_start3A_794] : memref<160x128xf32, #tpu.memory_space<vmem>> -> memref<16x128xf32, #tpu.memory_space<vmem>>
          %dma_start3A_796 = arith.constant 0 : i32
          %dma_start3A_797 = arith.constant 0 : i32
          %dma_start3A_798 = tpu.memref_slice %arg2[%dma_start3A_796, %dma_start3A_797] : memref<80000x128xf32, #tpu.memory_space<hbm>> -> memref<80000x128xf32, #tpu.memory_space<hbm>>
          tpu.enqueue_indirect_dma source(%dma_start3A_798 : memref<80000x128xf32, #tpu.memory_space<hbm>>) target(%dma_start3A_795 : memref<16x128xf32, #tpu.memory_space<vmem>>) offsets(%add3A_792 : vector<16xi32>) semaphore(%arg11 : memref<!tpu.dma_semaphore, #tpu.memory_space<semaphore_mem>>)
          %add3A_799 = arith.constant 80 : i32
          %add3A_800 = arith.addi %mul3A_599, %add3A_799 : i32
          %jit3A_801 = arith.constant 10000 : i32
          %div3A_802 = arith.divsi %add3A_800, %jit3A_801 : i32
          %sign3A_803 = arith.constant 0 : i32
          %sign3A_804 = arith.cmpi sgt, %add3A_800, %sign3A_803 : i32
          %sign3A_805 = arith.extui %sign3A_804 : i1 to i32
          %sign3A_806 = arith.constant 0 : i32
          %sign3A_807 = arith.cmpi slt, %add3A_800, %sign3A_806 : i32
          %sign3A_808 = arith.extui %sign3A_807 : i1 to i32
          %sign3A_809 = arith.subi %sign3A_805, %sign3A_808 : i32
          %sign3A_810 = arith.constant 0 : i32
          %sign3A_811 = arith.cmpi sgt, %jit3A_801, %sign3A_810 : i32
          %sign3A_812 = arith.extui %sign3A_811 : i1 to i32
          %sign3A_813 = arith.constant 0 : i32
          %sign3A_814 = arith.cmpi slt, %jit3A_801, %sign3A_813 : i32
          %sign3A_815 = arith.extui %sign3A_814 : i1 to i32
          %sign3A_816 = arith.subi %sign3A_812, %sign3A_815 : i32
          %ne3A_817 = arith.cmpi ne, %sign3A_809, %sign3A_816 : i32
          %rem3A_818 = arith.remsi %add3A_800, %jit3A_801 : i32
          %ne3A_819 = arith.constant 0 : i32
          %ne3A_820 = arith.cmpi ne, %rem3A_818, %ne3A_819 : i32
          %and3A_821 = arith.andi %ne3A_817, %ne3A_820 : i1
          %sub3A_822 = arith.constant 1 : i32
          %sub3A_823 = arith.subi %div3A_802, %sub3A_822 : i32
          %select_n3A_824 = arith.select %and3A_821, %sub3A_823, %div3A_802 : i32
          %mul3A_825 = arith.constant 10000 : i32
          %mul3A_826 = arith.muli %select_n3A_824, %mul3A_825 : i32
          %get3A_827 = arith.constant 80 : index
          %get3A_828 = tpu.vector_load %arg5[%get3A_827] {strides = array<i32>} : memref<160xi32, #tpu.memory_space<vmem>>, vector<16xi32>,
          %get3A_829 = vector.shape_cast %get3A_828 : vector<16xi32> to vector<16xi32>
          %add3A_830 = vector.broadcast %mul3A_826 : i32 to vector<16xi32>
          %add3A_831 = arith.addi %get3A_829, %add3A_830 : vector<16xi32>
          %dma_start3A_832 = arith.constant 80 : i32
          %dma_start3A_833 = arith.constant 0 : i32
          %dma_start3A_834 = tpu.memref_slice %arg9[%dma_start3A_832, %dma_start3A_833] : memref<160x128xf32, #tpu.memory_space<vmem>> -> memref<16x128xf32, #tpu.memory_space<vmem>>
          %dma_start3A_835 = arith.constant 0 : i32
          %dma_start3A_836 = arith.constant 0 : i32
          %dma_start3A_837 = tpu.memref_slice %arg2[%dma_start3A_835, %dma_start3A_836] : memref<80000x128xf32, #tpu.memory_space<hbm>> -> memref<80000x128xf32, #tpu.memory_space<hbm>>
          tpu.enqueue_indirect_dma source(%dma_start3A_837 : memref<80000x128xf32, #tpu.memory_space<hbm>>) target(%dma_start3A_834 : memref<16x128xf32, #tpu.memory_space<vmem>>) offsets(%add3A_831 : vector<16xi32>) semaphore(%arg11 : memref<!tpu.dma_semaphore, #tpu.memory_space<semaphore_mem>>)
          %add3A_838 = arith.constant 96 : i32
          %add3A_839 = arith.addi %mul3A_599, %add3A_838 : i32
          %jit3A_840 = arith.constant 10000 : i32
          %div3A_841 = arith.divsi %add3A_839, %jit3A_840 : i32
          %sign3A_842 = arith.constant 0 : i32
          %sign3A_843 = arith.cmpi sgt, %add3A_839, %sign3A_842 : i32
          %sign3A_844 = arith.extui %sign3A_843 : i1 to i32
          %sign3A_845 = arith.constant 0 : i32
          %sign3A_846 = arith.cmpi slt, %add3A_839, %sign3A_845 : i32
          %sign3A_847 = arith.extui %sign3A_846 : i1 to i32
          %sign3A_848 = arith.subi %sign3A_844, %sign3A_847 : i32
          %sign3A_849 = arith.constant 0 : i32
          %sign3A_850 = arith.cmpi sgt, %jit3A_840, %sign3A_849 : i32
          %sign3A_851 = arith.extui %sign3A_850 : i1 to i32
          %sign3A_852 = arith.constant 0 : i32
          %sign3A_853 = arith.cmpi slt, %jit3A_840, %sign3A_852 : i32
          %sign3A_854 = arith.extui %sign3A_853 : i1 to i32
          %sign3A_855 = arith.subi %sign3A_851, %sign3A_854 : i32
          %ne3A_856 = arith.cmpi ne, %sign3A_848, %sign3A_855 : i32
          %rem3A_857 = arith.remsi %add3A_839, %jit3A_840 : i32
          %ne3A_858 = arith.constant 0 : i32
          %ne3A_859 = arith.cmpi ne, %rem3A_857, %ne3A_858 : i32
          %and3A_860 = arith.andi %ne3A_856, %ne3A_859 : i1
          %sub3A_861 = arith.constant 1 : i32
          %sub3A_862 = arith.subi %div3A_841, %sub3A_861 : i32
          %select_n3A_863 = arith.select %and3A_860, %sub3A_862, %div3A_841 : i32
          %mul3A_864 = arith.constant 10000 : i32
          %mul3A_865 = arith.muli %select_n3A_863, %mul3A_864 : i32
          %get3A_866 = arith.constant 96 : index
          %get3A_867 = tpu.vector_load %arg5[%get3A_866] {strides = array<i32>} : memref<160xi32, #tpu.memory_space<vmem>>, vector<16xi32>,
          %get3A_868 = vector.shape_cast %get3A_867 : vector<16xi32> to vector<16xi32>
          %add3A_869 = vector.broadcast %mul3A_865 : i32 to vector<16xi32>
          %add3A_870 = arith.addi %get3A_868, %add3A_869 : vector<16xi32>
          %dma_start3A_871 = arith.constant 96 : i32
          %dma_start3A_872 = arith.constant 0 : i32
          %dma_start3A_873 = tpu.memref_slice %arg9[%dma_start3A_871, %dma_start3A_872] : memref<160x128xf32, #tpu.memory_space<vmem>> -> memref<16x128xf32, #tpu.memory_space<vmem>>
          %dma_start3A_874 = arith.constant 0 : i32
          %dma_start3A_875 = arith.constant 0 : i32
          %dma_start3A_876 = tpu.memref_slice %arg2[%dma_start3A_874, %dma_start3A_875] : memref<80000x128xf32, #tpu.memory_space<hbm>> -> memref<80000x128xf32, #tpu.memory_space<hbm>>
          tpu.enqueue_indirect_dma source(%dma_start3A_876 : memref<80000x128xf32, #tpu.memory_space<hbm>>) target(%dma_start3A_873 : memref<16x128xf32, #tpu.memory_space<vmem>>) offsets(%add3A_870 : vector<16xi32>) semaphore(%arg11 : memref<!tpu.dma_semaphore, #tpu.memory_space<semaphore_mem>>)
          %add3A_877 = arith.constant 112 : i32
          %add3A_878 = arith.addi %mul3A_599, %add3A_877 : i32
          %jit3A_879 = arith.constant 10000 : i32
          %div3A_880 = arith.divsi %add3A_878, %jit3A_879 : i32
          %sign3A_881 = arith.constant 0 : i32
          %sign3A_882 = arith.cmpi sgt, %add3A_878, %sign3A_881 : i32
          %sign3A_883 = arith.extui %sign3A_882 : i1 to i32
          %sign3A_884 = arith.constant 0 : i32
          %sign3A_885 = arith.cmpi slt, %add3A_878, %sign3A_884 : i32
          %sign3A_886 = arith.extui %sign3A_885 : i1 to i32
          %sign3A_887 = arith.subi %sign3A_883, %sign3A_886 : i32
          %sign3A_888 = arith.constant 0 : i32
          %sign3A_889 = arith.cmpi sgt, %jit3A_879, %sign3A_888 : i32
          %sign3A_890 = arith.extui %sign3A_889 : i1 to i32
          %sign3A_891 = arith.constant 0 : i32
          %sign3A_892 = arith.cmpi slt, %jit3A_879, %sign3A_891 : i32
          %sign3A_893 = arith.extui %sign3A_892 : i1 to i32
          %sign3A_894 = arith.subi %sign3A_890, %sign3A_893 : i32
          %ne3A_895 = arith.cmpi ne, %sign3A_887, %sign3A_894 : i32
          %rem3A_896 = arith.remsi %add3A_878, %jit3A_879 : i32
          %ne3A_897 = arith.constant 0 : i32
          %ne3A_898 = arith.cmpi ne, %rem3A_896, %ne3A_897 : i32
          %and3A_899 = arith.andi %ne3A_895, %ne3A_898 : i1
          %sub3A_900 = arith.constant 1 : i32
          %sub3A_901 = arith.subi %div3A_880, %sub3A_900 : i32
          %select_n3A_902 = arith.select %and3A_899, %sub3A_901, %div3A_880 : i32
          %mul3A_903 = arith.constant 10000 : i32
          %mul3A_904 = arith.muli %select_n3A_902, %mul3A_903 : i32
          %get3A_905 = arith.constant 112 : index
          %get3A_906 = tpu.vector_load %arg5[%get3A_905] {strides = array<i32>} : memref<160xi32, #tpu.memory_space<vmem>>, vector<16xi32>,
          %get3A_907 = vector.shape_cast %get3A_906 : vector<16xi32> to vector<16xi32>
          %add3A_908 = vector.broadcast %mul3A_904 : i32 to vector<16xi32>
          %add3A_909 = arith.addi %get3A_907, %add3A_908 : vector<16xi32>
          %dma_start3A_910 = arith.constant 112 : i32
          %dma_start3A_911 = arith.constant 0 : i32
          %dma_start3A_912 = tpu.memref_slice %arg9[%dma_start3A_910, %dma_start3A_911] : memref<160x128xf32, #tpu.memory_space<vmem>> -> memref<16x128xf32, #tpu.memory_space<vmem>>
          %dma_start3A_913 = arith.constant 0 : i32
          %dma_start3A_914 = arith.constant 0 : i32
          %dma_start3A_915 = tpu.memref_slice %arg2[%dma_start3A_913, %dma_start3A_914] : memref<80000x128xf32, #tpu.memory_space<hbm>> -> memref<80000x128xf32, #tpu.memory_space<hbm>>
          tpu.enqueue_indirect_dma source(%dma_start3A_915 : memref<80000x128xf32, #tpu.memory_space<hbm>>) target(%dma_start3A_912 : memref<16x128xf32, #tpu.memory_space<vmem>>) offsets(%add3A_909 : vector<16xi32>) semaphore(%arg11 : memref<!tpu.dma_semaphore, #tpu.memory_space<semaphore_mem>>)
          %add3A_916 = arith.constant 128 : i32
          %add3A_917 = arith.addi %mul3A_599, %add3A_916 : i32
          %jit3A_918 = arith.constant 10000 : i32
          %div3A_919 = arith.divsi %add3A_917, %jit3A_918 : i32
          %sign3A_920 = arith.constant 0 : i32
          %sign3A_921 = arith.cmpi sgt, %add3A_917, %sign3A_920 : i32
          %sign3A_922 = arith.extui %sign3A_921 : i1 to i32
          %sign3A_923 = arith.constant 0 : i32
          %sign3A_924 = arith.cmpi slt, %add3A_917, %sign3A_923 : i32
          %sign3A_925 = arith.extui %sign3A_924 : i1 to i32
          %sign3A_926 = arith.subi %sign3A_922, %sign3A_925 : i32
          %sign3A_927 = arith.constant 0 : i32
          %sign3A_928 = arith.cmpi sgt, %jit3A_918, %sign3A_927 : i32
          %sign3A_929 = arith.extui %sign3A_928 : i1 to i32
          %sign3A_930 = arith.constant 0 : i32
          %sign3A_931 = arith.cmpi slt, %jit3A_918, %sign3A_930 : i32
          %sign3A_932 = arith.extui %sign3A_931 : i1 to i32
          %sign3A_933 = arith.subi %sign3A_929, %sign3A_932 : i32
          %ne3A_934 = arith.cmpi ne, %sign3A_926, %sign3A_933 : i32
          %rem3A_935 = arith.remsi %add3A_917, %jit3A_918 : i32
          %ne3A_936 = arith.constant 0 : i32
          %ne3A_937 = arith.cmpi ne, %rem3A_935, %ne3A_936 : i32
          %and3A_938 = arith.andi %ne3A_934, %ne3A_937 : i1
          %sub3A_939 = arith.constant 1 : i32
          %sub3A_940 = arith.subi %div3A_919, %sub3A_939 : i32
          %select_n3A_941 = arith.select %and3A_938, %sub3A_940, %div3A_919 : i32
          %mul3A_942 = arith.constant 10000 : i32
          %mul3A_943 = arith.muli %select_n3A_941, %mul3A_942 : i32
          %get3A_944 = arith.constant 128 : index
          %get3A_945 = tpu.vector_load %arg5[%get3A_944] {strides = array<i32>} : memref<160xi32, #tpu.memory_space<vmem>>, vector<16xi32>,
          %get3A_946 = vector.shape_cast %get3A_945 : vector<16xi32> to vector<16xi32>
          %add3A_947 = vector.broadcast %mul3A_943 : i32 to vector<16xi32>
          %add3A_948 = arith.addi %get3A_946, %add3A_947 : vector<16xi32>
          %dma_start3A_949 = arith.constant 128 : i32
          %dma_start3A_950 = arith.constant 0 : i32
          %dma_start3A_951 = tpu.memref_slice %arg9[%dma_start3A_949, %dma_start3A_950] : memref<160x128xf32, #tpu.memory_space<vmem>> -> memref<16x128xf32, #tpu.memory_space<vmem>>
          %dma_start3A_952 = arith.constant 0 : i32
          %dma_start3A_953 = arith.constant 0 : i32
          %dma_start3A_954 = tpu.memref_slice %arg2[%dma_start3A_952, %dma_start3A_953] : memref<80000x128xf32, #tpu.memory_space<hbm>> -> memref<80000x128xf32, #tpu.memory_space<hbm>>
          tpu.enqueue_indirect_dma source(%dma_start3A_954 : memref<80000x128xf32, #tpu.memory_space<hbm>>) target(%dma_start3A_951 : memref<16x128xf32, #tpu.memory_space<vmem>>) offsets(%add3A_948 : vector<16xi32>) semaphore(%arg11 : memref<!tpu.dma_semaphore, #tpu.memory_space<semaphore_mem>>)
          %add3A_955 = arith.constant 144 : i32
          %add3A_956 = arith.addi %mul3A_599, %add3A_955 : i32
          %jit3A_957 = arith.constant 10000 : i32
          %div3A_958 = arith.divsi %add3A_956, %jit3A_957 : i32
          %sign3A_959 = arith.constant 0 : i32
          %sign3A_960 = arith.cmpi sgt, %add3A_956, %sign3A_959 : i32
          %sign3A_961 = arith.extui %sign3A_960 : i1 to i32
          %sign3A_962 = arith.constant 0 : i32
          %sign3A_963 = arith.cmpi slt, %add3A_956, %sign3A_962 : i32
          %sign3A_964 = arith.extui %sign3A_963 : i1 to i32
          %sign3A_965 = arith.subi %sign3A_961, %sign3A_964 : i32
          %sign3A_966 = arith.constant 0 : i32
          %sign3A_967 = arith.cmpi sgt, %jit3A_957, %sign3A_966 : i32
          %sign3A_968 = arith.extui %sign3A_967 : i1 to i32
          %sign3A_969 = arith.constant 0 : i32
          %sign3A_970 = arith.cmpi slt, %jit3A_957, %sign3A_969 : i32
          %sign3A_971 = arith.extui %sign3A_970 : i1 to i32
          %sign3A_972 = arith.subi %sign3A_968, %sign3A_971 : i32
          %ne3A_973 = arith.cmpi ne, %sign3A_965, %sign3A_972 : i32
          %rem3A_974 = arith.remsi %add3A_956, %jit3A_957 : i32
          %ne3A_975 = arith.constant 0 : i32
          %ne3A_976 = arith.cmpi ne, %rem3A_974, %ne3A_975 : i32
          %and3A_977 = arith.andi %ne3A_973, %ne3A_976 : i1
          %sub3A_978 = arith.constant 1 : i32
          %sub3A_979 = arith.subi %div3A_958, %sub3A_978 : i32
          %select_n3A_980 = arith.select %and3A_977, %sub3A_979, %div3A_958 : i32
          %mul3A_981 = arith.constant 10000 : i32
          %mul3A_982 = arith.muli %select_n3A_980, %mul3A_981 : i32
          %get3A_983 = arith.constant 144 : index
          %get3A_984 = tpu.vector_load %arg5[%get3A_983] {strides = array<i32>} : memref<160xi32, #tpu.memory_space<vmem>>, vector<16xi32>,
          %get3A_985 = vector.shape_cast %get3A_984 : vector<16xi32> to vector<16xi32>
          %add3A_986 = vector.broadcast %mul3A_982 : i32 to vector<16xi32>
          %add3A_987 = arith.addi %get3A_985, %add3A_986 : vector<16xi32>
          %dma_start3A_988 = arith.constant 144 : i32
          %dma_start3A_989 = arith.constant 0 : i32
          %dma_start3A_990 = tpu.memref_slice %arg9[%dma_start3A_988, %dma_start3A_989] : memref<160x128xf32, #tpu.memory_space<vmem>> -> memref<16x128xf32, #tpu.memory_space<vmem>>
          %dma_start3A_991 = arith.constant 0 : i32
          %dma_start3A_992 = arith.constant 0 : i32
          %dma_start3A_993 = tpu.memref_slice %arg2[%dma_start3A_991, %dma_start3A_992] : memref<80000x128xf32, #tpu.memory_space<hbm>> -> memref<80000x128xf32, #tpu.memory_space<hbm>>
          tpu.enqueue_indirect_dma source(%dma_start3A_993 : memref<80000x128xf32, #tpu.memory_space<hbm>>) target(%dma_start3A_990 : memref<16x128xf32, #tpu.memory_space<vmem>>) offsets(%add3A_987 : vector<16xi32>) semaphore(%arg11 : memref<!tpu.dma_semaphore, #tpu.memory_space<semaphore_mem>>)
        } else {
        }
        %dma_wait3A = arith.constant 0 : i32
        %dma_wait3A_522 = arith.constant 0 : i32
        %dma_wait3A_523 = tpu.memref_slice %arg2[%dma_wait3A, %dma_wait3A_522] : memref<80000x128xf32, #tpu.memory_space<hbm>> -> memref<160x128xf32, #tpu.memory_space<hbm>>
        %dma_wait3A_524 = arith.constant 0 : i32
        %dma_wait3A_525 = arith.constant 0 : i32
        %dma_wait3A_526 = tpu.memref_slice %arg2[%dma_wait3A_524, %dma_wait3A_525] : memref<80000x128xf32, #tpu.memory_space<hbm>> -> memref<160x128xf32, #tpu.memory_space<hbm>>
        tpu.wait_dma2 semaphore(%arg12 : memref<!tpu.dma_semaphore, #tpu.memory_space<semaphore_mem>>) src(%dma_wait3A_526 : memref<160x128xf32, #tpu.memory_space<hbm>>) dst(%arg8 : memref<160x128xf32, #tpu.memory_space<vmem>>)
        %broadcast_in_dim3A = arith.constant 0 : i32
        %broadcast_in_dim3A_527 = vector.broadcast %broadcast_in_dim3A : i32 to vector<16xi32>
        %dma_wait3A_528 = arith.constant 0 : i32
        %dma_wait3A_529 = arith.constant 0 : i32
        %dma_wait3A_530 = tpu.memref_slice %arg10[%dma_wait3A_528, %dma_wait3A_529] : memref<160x128xf32, #tpu.memory_space<vmem>> -> memref<16x128xf32, #tpu.memory_space<vmem>>
        %dma_wait3A_531 = arith.constant 0 : i32
        %dma_wait3A_532 = arith.constant 0 : i32
        %dma_wait3A_533 = tpu.memref_slice %arg2[%dma_wait3A_531, %dma_wait3A_532] : memref<80000x128xf32, #tpu.memory_space<hbm>> -> memref<80000x128xf32, #tpu.memory_space<hbm>>
        tpu.wait_indirect_dma semaphore(%arg12 : memref<!tpu.dma_semaphore, #tpu.memory_space<semaphore_mem>>) src(%dma_wait3A_533 : memref<80000x128xf32, #tpu.memory_space<hbm>>) dst(%dma_wait3A_530 : memref<16x128xf32, #tpu.memory_space<vmem>>)
        %dma_wait3A_534 = arith.constant 16 : i32
        %dma_wait3A_535 = arith.constant 0 : i32
        %dma_wait3A_536 = tpu.memref_slice %arg10[%dma_wait3A_534, %dma_wait3A_535] : memref<160x128xf32, #tpu.memory_space<vmem>> -> memref<16x128xf32, #tpu.memory_space<vmem>>
        %dma_wait3A_537 = arith.constant 0 : i32
        %dma_wait3A_538 = arith.constant 0 : i32
        %dma_wait3A_539 = tpu.memref_slice %arg2[%dma_wait3A_537, %dma_wait3A_538] : memref<80000x128xf32, #tpu.memory_space<hbm>> -> memref<80000x128xf32, #tpu.memory_space<hbm>>
        tpu.wait_indirect_dma semaphore(%arg12 : memref<!tpu.dma_semaphore, #tpu.memory_space<semaphore_mem>>) src(%dma_wait3A_539 : memref<80000x128xf32, #tpu.memory_space<hbm>>) dst(%dma_wait3A_536 : memref<16x128xf32, #tpu.memory_space<vmem>>)
        %dma_wait3A_540 = arith.constant 32 : i32
        %dma_wait3A_541 = arith.constant 0 : i32
        %dma_wait3A_542 = tpu.memref_slice %arg10[%dma_wait3A_540, %dma_wait3A_541] : memref<160x128xf32, #tpu.memory_space<vmem>> -> memref<16x128xf32, #tpu.memory_space<vmem>>
        %dma_wait3A_543 = arith.constant 0 : i32
        %dma_wait3A_544 = arith.constant 0 : i32
        %dma_wait3A_545 = tpu.memref_slice %arg2[%dma_wait3A_543, %dma_wait3A_544] : memref<80000x128xf32, #tpu.memory_space<hbm>> -> memref<80000x128xf32, #tpu.memory_space<hbm>>
        tpu.wait_indirect_dma semaphore(%arg12 : memref<!tpu.dma_semaphore, #tpu.memory_space<semaphore_mem>>) src(%dma_wait3A_545 : memref<80000x128xf32, #tpu.memory_space<hbm>>) dst(%dma_wait3A_542 : memref<16x128xf32, #tpu.memory_space<vmem>>)
        %dma_wait3A_546 = arith.constant 48 : i32
        %dma_wait3A_547 = arith.constant 0 : i32
        %dma_wait3A_548 = tpu.memref_slice %arg10[%dma_wait3A_546, %dma_wait3A_547] : memref<160x128xf32, #tpu.memory_space<vmem>> -> memref<16x128xf32, #tpu.memory_space<vmem>>
        %dma_wait3A_549 = arith.constant 0 : i32
        %dma_wait3A_550 = arith.constant 0 : i32
        %dma_wait3A_551 = tpu.memref_slice %arg2[%dma_wait3A_549, %dma_wait3A_550] : memref<80000x128xf32, #tpu.memory_space<hbm>> -> memref<80000x128xf32, #tpu.memory_space<hbm>>
        tpu.wait_indirect_dma semaphore(%arg12 : memref<!tpu.dma_semaphore, #tpu.memory_space<semaphore_mem>>) src(%dma_wait3A_551 : memref<80000x128xf32, #tpu.memory_space<hbm>>) dst(%dma_wait3A_548 : memref<16x128xf32, #tpu.memory_space<vmem>>)
        %dma_wait3A_552 = arith.constant 64 : i32
        %dma_wait3A_553 = arith.constant 0 : i32
        %dma_wait3A_554 = tpu.memref_slice %arg10[%dma_wait3A_552, %dma_wait3A_553] : memref<160x128xf32, #tpu.memory_space<vmem>> -> memref<16x128xf32, #tpu.memory_space<vmem>>
        %dma_wait3A_555 = arith.constant 0 : i32
        %dma_wait3A_556 = arith.constant 0 : i32
        %dma_wait3A_557 = tpu.memref_slice %arg2[%dma_wait3A_555, %dma_wait3A_556] : memref<80000x128xf32, #tpu.memory_space<hbm>> -> memref<80000x128xf32, #tpu.memory_space<hbm>>
        tpu.wait_indirect_dma semaphore(%arg12 : memref<!tpu.dma_semaphore, #tpu.memory_space<semaphore_mem>>) src(%dma_wait3A_557 : memref<80000x128xf32, #tpu.memory_space<hbm>>) dst(%dma_wait3A_554 : memref<16x128xf32, #tpu.memory_space<vmem>>)
        %dma_wait3A_558 = arith.constant 80 : i32
        %dma_wait3A_559 = arith.constant 0 : i32
        %dma_wait3A_560 = tpu.memref_slice %arg10[%dma_wait3A_558, %dma_wait3A_559] : memref<160x128xf32, #tpu.memory_space<vmem>> -> memref<16x128xf32, #tpu.memory_space<vmem>>
        %dma_wait3A_561 = arith.constant 0 : i32
        %dma_wait3A_562 = arith.constant 0 : i32
        %dma_wait3A_563 = tpu.memref_slice %arg2[%dma_wait3A_561, %dma_wait3A_562] : memref<80000x128xf32, #tpu.memory_space<hbm>> -> memref<80000x128xf32, #tpu.memory_space<hbm>>
        tpu.wait_indirect_dma semaphore(%arg12 : memref<!tpu.dma_semaphore, #tpu.memory_space<semaphore_mem>>) src(%dma_wait3A_563 : memref<80000x128xf32, #tpu.memory_space<hbm>>) dst(%dma_wait3A_560 : memref<16x128xf32, #tpu.memory_space<vmem>>)
        %dma_wait3A_564 = arith.constant 96 : i32
        %dma_wait3A_565 = arith.constant 0 : i32
        %dma_wait3A_566 = tpu.memref_slice %arg10[%dma_wait3A_564, %dma_wait3A_565] : memref<160x128xf32, #tpu.memory_space<vmem>> -> memref<16x128xf32, #tpu.memory_space<vmem>>
        %dma_wait3A_567 = arith.constant 0 : i32
        %dma_wait3A_568 = arith.constant 0 : i32
        %dma_wait3A_569 = tpu.memref_slice %arg2[%dma_wait3A_567, %dma_wait3A_568] : memref<80000x128xf32, #tpu.memory_space<hbm>> -> memref<80000x128xf32, #tpu.memory_space<hbm>>
        tpu.wait_indirect_dma semaphore(%arg12 : memref<!tpu.dma_semaphore, #tpu.memory_space<semaphore_mem>>) src(%dma_wait3A_569 : memref<80000x128xf32, #tpu.memory_space<hbm>>) dst(%dma_wait3A_566 : memref<16x128xf32, #tpu.memory_space<vmem>>)
        %dma_wait3A_570 = arith.constant 112 : i32
        %dma_wait3A_571 = arith.constant 0 : i32
        %dma_wait3A_572 = tpu.memref_slice %arg10[%dma_wait3A_570, %dma_wait3A_571] : memref<160x128xf32, #tpu.memory_space<vmem>> -> memref<16x128xf32, #tpu.memory_space<vmem>>
        %dma_wait3A_573 = arith.constant 0 : i32
        %dma_wait3A_574 = arith.constant 0 : i32
        %dma_wait3A_575 = tpu.memref_slice %arg2[%dma_wait3A_573, %dma_wait3A_574] : memref<80000x128xf32, #tpu.memory_space<hbm>> -> memref<80000x128xf32, #tpu.memory_space<hbm>>
        tpu.wait_indirect_dma semaphore(%arg12 : memref<!tpu.dma_semaphore, #tpu.memory_space<semaphore_mem>>) src(%dma_wait3A_575 : memref<80000x128xf32, #tpu.memory_space<hbm>>) dst(%dma_wait3A_572 : memref<16x128xf32, #tpu.memory_space<vmem>>)
        %dma_wait3A_576 = arith.constant 128 : i32
        %dma_wait3A_577 = arith.constant 0 : i32
        %dma_wait3A_578 = tpu.memref_slice %arg10[%dma_wait3A_576, %dma_wait3A_577] : memref<160x128xf32, #tpu.memory_space<vmem>> -> memref<16x128xf32, #tpu.memory_space<vmem>>
        %dma_wait3A_579 = arith.constant 0 : i32
        %dma_wait3A_580 = arith.constant 0 : i32
        %dma_wait3A_581 = tpu.memref_slice %arg2[%dma_wait3A_579, %dma_wait3A_580] : memref<80000x128xf32, #tpu.memory_space<hbm>> -> memref<80000x128xf32, #tpu.memory_space<hbm>>
        tpu.wait_indirect_dma semaphore(%arg12 : memref<!tpu.dma_semaphore, #tpu.memory_space<semaphore_mem>>) src(%dma_wait3A_581 : memref<80000x128xf32, #tpu.memory_space<hbm>>) dst(%dma_wait3A_578 : memref<16x128xf32, #tpu.memory_space<vmem>>)
        %dma_wait3A_582 = arith.constant 144 : i32
        %dma_wait3A_583 = arith.constant 0 : i32
        %dma_wait3A_584 = tpu.memref_slice %arg10[%dma_wait3A_582, %dma_wait3A_583] : memref<160x128xf32, #tpu.memory_space<vmem>> -> memref<16x128xf32, #tpu.memory_space<vmem>>
        %dma_wait3A_585 = arith.constant 0 : i32
        %dma_wait3A_586 = arith.constant 0 : i32
        %dma_wait3A_587 = tpu.memref_slice %arg2[%dma_wait3A_585, %dma_wait3A_586] : memref<80000x128xf32, #tpu.memory_space<hbm>> -> memref<80000x128xf32, #tpu.memory_space<hbm>>
        tpu.wait_indirect_dma semaphore(%arg12 : memref<!tpu.dma_semaphore, #tpu.memory_space<semaphore_mem>>) src(%dma_wait3A_587 : memref<80000x128xf32, #tpu.memory_space<hbm>>) dst(%dma_wait3A_584 : memref<16x128xf32, #tpu.memory_space<vmem>>)
        %parallel_loop3A = arith.constant 0 : i32
        %parallel_loop3A_588 = arith.constant 160 : i32
        %parallel_loop3A_589 = arith.constant 1 : i32
        scf.for %parallel_loop3A_596 = %parallel_loop3A to %parallel_loop3A_588 step %parallel_loop3A_589  : i32 {
          %parallel_loop3A_597 = arith.index_cast %parallel_loop3A_596 : i32 to index
          %parallel_loop3A_598 = arith.constant 0 : index
          %parallel_loop3A_599 = tpu.vector_load %arg8[%parallel_loop3A_597, %parallel_loop3A_598] {strides = array<i32>} : memref<160x128xf32, #tpu.memory_space<vmem>>, vector<1x16xf32>,
          %parallel_loop3A_600 = vector.shape_cast %parallel_loop3A_599 : vector<1x16xf32> to vector<16xf32>
          %parallel_loop3A_601 = arith.index_cast %parallel_loop3A_596 : i32 to index
          %parallel_loop3A_602 = arith.constant 0 : index
          %parallel_loop3A_603 = tpu.vector_load %arg10[%parallel_loop3A_601, %parallel_loop3A_602] {strides = array<i32>} : memref<160x128xf32, #tpu.memory_space<vmem>>, vector<1x16xf32>,
          %parallel_loop3A_604 = vector.shape_cast %parallel_loop3A_603 : vector<1x16xf32> to vector<16xf32>
          %parallel_loop3A_605 = arith.subf %parallel_loop3A_604, %parallel_loop3A_600 : vector<16xf32>
          %parallel_loop3A_606 = arith.mulf %parallel_loop3A_605, %parallel_loop3A_600 : vector<16xf32>
          %parallel_loop3A_607 = arith.index_cast %parallel_loop3A_596 : i32 to index
          %parallel_loop3A_608 = arith.constant 16 : index
          %parallel_loop3A_609 = tpu.vector_load %arg8[%parallel_loop3A_607, %parallel_loop3A_608] {strides = array<i32>} : memref<160x128xf32, #tpu.memory_space<vmem>>, vector<1x16xf32>,
          %parallel_loop3A_610 = vector.shape_cast %parallel_loop3A_609 : vector<1x16xf32> to vector<16xf32>
          %parallel_loop3A_611 = arith.index_cast %parallel_loop3A_596 : i32 to index
          %parallel_loop3A_612 = arith.constant 16 : index
          %parallel_loop3A_613 = tpu.vector_load %arg10[%parallel_loop3A_611, %parallel_loop3A_612] {strides = array<i32>} : memref<160x128xf32, #tpu.memory_space<vmem>>, vector<1x16xf32>,
          %parallel_loop3A_614 = vector.shape_cast %parallel_loop3A_613 : vector<1x16xf32> to vector<16xf32>
          %parallel_loop3A_615 = arith.subf %parallel_loop3A_614, %parallel_loop3A_610 : vector<16xf32>
          %parallel_loop3A_616 = arith.mulf %parallel_loop3A_615, %parallel_loop3A_610 : vector<16xf32>
          %parallel_loop3A_617 = arith.index_cast %parallel_loop3A_596 : i32 to index
          %parallel_loop3A_618 = arith.constant 32 : index
          %parallel_loop3A_619 = tpu.vector_load %arg8[%parallel_loop3A_617, %parallel_loop3A_618] {strides = array<i32>} : memref<160x128xf32, #tpu.memory_space<vmem>>, vector<1x16xf32>,
          %parallel_loop3A_620 = vector.shape_cast %parallel_loop3A_619 : vector<1x16xf32> to vector<16xf32>
          %parallel_loop3A_621 = arith.index_cast %parallel_loop3A_596 : i32 to index
          %parallel_loop3A_622 = arith.constant 32 : index
          %parallel_loop3A_623 = tpu.vector_load %arg10[%parallel_loop3A_621, %parallel_loop3A_622] {strides = array<i32>} : memref<160x128xf32, #tpu.memory_space<vmem>>, vector<1x16xf32>,
          %parallel_loop3A_624 = vector.shape_cast %parallel_loop3A_623 : vector<1x16xf32> to vector<16xf32>
          %parallel_loop3A_625 = arith.subf %parallel_loop3A_624, %parallel_loop3A_620 : vector<16xf32>
          %parallel_loop3A_626 = arith.mulf %parallel_loop3A_625, %parallel_loop3A_620 : vector<16xf32>
          %parallel_loop3A_627 = arith.index_cast %parallel_loop3A_596 : i32 to index
          %parallel_loop3A_628 = arith.constant 48 : index
          %parallel_loop3A_629 = tpu.vector_load %arg8[%parallel_loop3A_627, %parallel_loop3A_628] {strides = array<i32>} : memref<160x128xf32, #tpu.memory_space<vmem>>, vector<1x16xf32>,
          %parallel_loop3A_630 = vector.shape_cast %parallel_loop3A_629 : vector<1x16xf32> to vector<16xf32>
          %parallel_loop3A_631 = arith.index_cast %parallel_loop3A_596 : i32 to index
          %parallel_loop3A_632 = arith.constant 48 : index
          %parallel_loop3A_633 = tpu.vector_load %arg10[%parallel_loop3A_631, %parallel_loop3A_632] {strides = array<i32>} : memref<160x128xf32, #tpu.memory_space<vmem>>, vector<1x16xf32>,
          %parallel_loop3A_634 = vector.shape_cast %parallel_loop3A_633 : vector<1x16xf32> to vector<16xf32>
          %parallel_loop3A_635 = arith.subf %parallel_loop3A_634, %parallel_loop3A_630 : vector<16xf32>
          %parallel_loop3A_636 = arith.mulf %parallel_loop3A_635, %parallel_loop3A_630 : vector<16xf32>
          %parallel_loop3A_637 = arith.index_cast %parallel_loop3A_596 : i32 to index
          %parallel_loop3A_638 = arith.constant 64 : index
          %parallel_loop3A_639 = tpu.vector_load %arg8[%parallel_loop3A_637, %parallel_loop3A_638] {strides = array<i32>} : memref<160x128xf32, #tpu.memory_space<vmem>>, vector<1x16xf32>,
          %parallel_loop3A_640 = vector.shape_cast %parallel_loop3A_639 : vector<1x16xf32> to vector<16xf32>
          %parallel_loop3A_641 = arith.index_cast %parallel_loop3A_596 : i32 to index
          %parallel_loop3A_642 = arith.constant 64 : index
          %parallel_loop3A_643 = tpu.vector_load %arg10[%parallel_loop3A_641, %parallel_loop3A_642] {strides = array<i32>} : memref<160x128xf32, #tpu.memory_space<vmem>>, vector<1x16xf32>,
          %parallel_loop3A_644 = vector.shape_cast %parallel_loop3A_643 : vector<1x16xf32> to vector<16xf32>
          %parallel_loop3A_645 = arith.subf %parallel_loop3A_644, %parallel_loop3A_640 : vector<16xf32>
          %parallel_loop3A_646 = arith.mulf %parallel_loop3A_645, %parallel_loop3A_640 : vector<16xf32>
          %parallel_loop3A_647 = arith.index_cast %parallel_loop3A_596 : i32 to index
          %parallel_loop3A_648 = arith.constant 80 : index
          %parallel_loop3A_649 = tpu.vector_load %arg8[%parallel_loop3A_647, %parallel_loop3A_648] {strides = array<i32>} : memref<160x128xf32, #tpu.memory_space<vmem>>, vector<1x16xf32>,
          %parallel_loop3A_650 = vector.shape_cast %parallel_loop3A_649 : vector<1x16xf32> to vector<16xf32>
          %parallel_loop3A_651 = arith.index_cast %parallel_loop3A_596 : i32 to index
          %parallel_loop3A_652 = arith.constant 80 : index
          %parallel_loop3A_653 = tpu.vector_load %arg10[%parallel_loop3A_651, %parallel_loop3A_652] {strides = array<i32>} : memref<160x128xf32, #tpu.memory_space<vmem>>, vector<1x16xf32>,
          %parallel_loop3A_654 = vector.shape_cast %parallel_loop3A_653 : vector<1x16xf32> to vector<16xf32>
          %parallel_loop3A_655 = arith.subf %parallel_loop3A_654, %parallel_loop3A_650 : vector<16xf32>
          %parallel_loop3A_656 = arith.mulf %parallel_loop3A_655, %parallel_loop3A_650 : vector<16xf32>
          %parallel_loop3A_657 = arith.index_cast %parallel_loop3A_596 : i32 to index
          %parallel_loop3A_658 = arith.constant 96 : index
          %parallel_loop3A_659 = tpu.vector_load %arg8[%parallel_loop3A_657, %parallel_loop3A_658] {strides = array<i32>} : memref<160x128xf32, #tpu.memory_space<vmem>>, vector<1x16xf32>,
          %parallel_loop3A_660 = vector.shape_cast %parallel_loop3A_659 : vector<1x16xf32> to vector<16xf32>
          %parallel_loop3A_661 = arith.index_cast %parallel_loop3A_596 : i32 to index
          %parallel_loop3A_662 = arith.constant 96 : index
          %parallel_loop3A_663 = tpu.vector_load %arg10[%parallel_loop3A_661, %parallel_loop3A_662] {strides = array<i32>} : memref<160x128xf32, #tpu.memory_space<vmem>>, vector<1x16xf32>,
          %parallel_loop3A_664 = vector.shape_cast %parallel_loop3A_663 : vector<1x16xf32> to vector<16xf32>
          %parallel_loop3A_665 = arith.subf %parallel_loop3A_664, %parallel_loop3A_660 : vector<16xf32>
          %parallel_loop3A_666 = arith.mulf %parallel_loop3A_665, %parallel_loop3A_660 : vector<16xf32>
          %parallel_loop3A_667 = arith.index_cast %parallel_loop3A_596 : i32 to index
          %parallel_loop3A_668 = arith.constant 112 : index
          %parallel_loop3A_669 = tpu.vector_load %arg8[%parallel_loop3A_667, %parallel_loop3A_668] {strides = array<i32>} : memref<160x128xf32, #tpu.memory_space<vmem>>, vector<1x16xf32>,
          %parallel_loop3A_670 = vector.shape_cast %parallel_loop3A_669 : vector<1x16xf32> to vector<16xf32>
          %parallel_loop3A_671 = arith.index_cast %parallel_loop3A_596 : i32 to index
          %parallel_loop3A_672 = arith.constant 112 : index
          %parallel_loop3A_673 = tpu.vector_load %arg10[%parallel_loop3A_671, %parallel_loop3A_672] {strides = array<i32>} : memref<160x128xf32, #tpu.memory_space<vmem>>, vector<1x16xf32>,
          %parallel_loop3A_674 = vector.shape_cast %parallel_loop3A_673 : vector<1x16xf32> to vector<16xf32>
          %parallel_loop3A_675 = arith.subf %parallel_loop3A_674, %parallel_loop3A_670 : vector<16xf32>
          %parallel_loop3A_676 = arith.mulf %parallel_loop3A_675, %parallel_loop3A_670 : vector<16xf32>
          %parallel_loop3A_677 = arith.addf %parallel_loop3A_606, %parallel_loop3A_616 : vector<16xf32>
          %parallel_loop3A_678 = arith.addf %parallel_loop3A_626, %parallel_loop3A_636 : vector<16xf32>
          %parallel_loop3A_679 = arith.addf %parallel_loop3A_646, %parallel_loop3A_656 : vector<16xf32>
          %parallel_loop3A_680 = arith.addf %parallel_loop3A_666, %parallel_loop3A_676 : vector<16xf32>
          %parallel_loop3A_681 = arith.addf %parallel_loop3A_677, %parallel_loop3A_678 : vector<16xf32>
          %parallel_loop3A_682 = arith.addf %parallel_loop3A_679, %parallel_loop3A_680 : vector<16xf32>
          %parallel_loop3A_683 = arith.addf %parallel_loop3A_681, %parallel_loop3A_682 : vector<16xf32>
          %parallel_loop3A_684 = tpu.iota {dimensions = array<i32: 0>} : vector<16xi32>
          %parallel_loop3A_685 = arith.constant 8 : i32
          %parallel_loop3A_686 = vector.broadcast %parallel_loop3A_685 : i32 to vector<16xi32>
          %parallel_loop3A_687 = arith.xori %parallel_loop3A_684, %parallel_loop3A_686 : vector<16xi32>
          %parallel_loop3A_688 = arith.constant 0 : i32
          %parallel_loop3A_689 = vector.broadcast %parallel_loop3A_688 : i32 to vector<16xi32>
          %parallel_loop3A_690 = arith.cmpi slt, %parallel_loop3A_687, %parallel_loop3A_689 : vector<16xi32>
          %parallel_loop3A_691 = arith.constant 16 : i32
          %parallel_loop3A_692 = vector.broadcast %parallel_loop3A_691 : i32 to vector<16xi32>
          %parallel_loop3A_693 = arith.addi %parallel_loop3A_687, %parallel_loop3A_692 : vector<16xi32>
          %parallel_loop3A_694 = arith.select %parallel_loop3A_690, %parallel_loop3A_693, %parallel_loop3A_687 : vector<16xi1>, vector<16xi32>
          %parallel_loop3A_695 = vector.shape_cast %parallel_loop3A_694 : vector<16xi32> to vector<16x1xi32>
          %parallel_loop3A_696 = vector.shape_cast %parallel_loop3A_695 : vector<16x1xi32> to vector<16xi32>
          %parallel_loop3A_697 = tpu.dynamic_gather %parallel_loop3A_683[%parallel_loop3A_696] in [0] : vector<16xf32>, vector<16xi32> -> vector<16xf32>
          %parallel_loop3A_698 = arith.addf %parallel_loop3A_683, %parallel_loop3A_697 : vector<16xf32>
          %parallel_loop3A_699 = arith.constant 4 : i32
          %parallel_loop3A_700 = vector.broadcast %parallel_loop3A_699 : i32 to vector<16xi32>
          %parallel_loop3A_701 = arith.xori %parallel_loop3A_684, %parallel_loop3A_700 : vector<16xi32>
          %parallel_loop3A_702 = arith.constant 0 : i32
          %parallel_loop3A_703 = vector.broadcast %parallel_loop3A_702 : i32 to vector<16xi32>
          %parallel_loop3A_704 = arith.cmpi slt, %parallel_loop3A_701, %parallel_loop3A_703 : vector<16xi32>
          %parallel_loop3A_705 = arith.constant 16 : i32
          %parallel_loop3A_706 = vector.broadcast %parallel_loop3A_705 : i32 to vector<16xi32>
          %parallel_loop3A_707 = arith.addi %parallel_loop3A_701, %parallel_loop3A_706 : vector<16xi32>
          %parallel_loop3A_708 = arith.select %parallel_loop3A_704, %parallel_loop3A_707, %parallel_loop3A_701 : vector<16xi1>, vector<16xi32>
          %parallel_loop3A_709 = vector.shape_cast %parallel_loop3A_708 : vector<16xi32> to vector<16x1xi32>
          %parallel_loop3A_710 = vector.shape_cast %parallel_loop3A_709 : vector<16x1xi32> to vector<16xi32>
          %parallel_loop3A_711 = tpu.dynamic_gather %parallel_loop3A_698[%parallel_loop3A_710] in [0] : vector<16xf32>, vector<16xi32> -> vector<16xf32>
          %parallel_loop3A_712 = arith.addf %parallel_loop3A_698, %parallel_loop3A_711 : vector<16xf32>
          %parallel_loop3A_713 = arith.constant 2 : i32
          %parallel_loop3A_714 = vector.broadcast %parallel_loop3A_713 : i32 to vector<16xi32>
          %parallel_loop3A_715 = arith.xori %parallel_loop3A_684, %parallel_loop3A_714 : vector<16xi32>
          %parallel_loop3A_716 = arith.constant 0 : i32
          %parallel_loop3A_717 = vector.broadcast %parallel_loop3A_716 : i32 to vector<16xi32>
          %parallel_loop3A_718 = arith.cmpi slt, %parallel_loop3A_715, %parallel_loop3A_717 : vector<16xi32>
          %parallel_loop3A_719 = arith.constant 16 : i32
          %parallel_loop3A_720 = vector.broadcast %parallel_loop3A_719 : i32 to vector<16xi32>
          %parallel_loop3A_721 = arith.addi %parallel_loop3A_715, %parallel_loop3A_720 : vector<16xi32>
          %parallel_loop3A_722 = arith.select %parallel_loop3A_718, %parallel_loop3A_721, %parallel_loop3A_715 : vector<16xi1>, vector<16xi32>
          %parallel_loop3A_723 = vector.shape_cast %parallel_loop3A_722 : vector<16xi32> to vector<16x1xi32>
          %parallel_loop3A_724 = vector.shape_cast %parallel_loop3A_723 : vector<16x1xi32> to vector<16xi32>
          %parallel_loop3A_725 = tpu.dynamic_gather %parallel_loop3A_712[%parallel_loop3A_724] in [0] : vector<16xf32>, vector<16xi32> -> vector<16xf32>
          %parallel_loop3A_726 = arith.addf %parallel_loop3A_712, %parallel_loop3A_725 : vector<16xf32>
          %parallel_loop3A_727 = arith.constant 1 : i32
          %parallel_loop3A_728 = vector.broadcast %parallel_loop3A_727 : i32 to vector<16xi32>
          %parallel_loop3A_729 = arith.xori %parallel_loop3A_684, %parallel_loop3A_728 : vector<16xi32>
          %parallel_loop3A_730 = arith.constant 0 : i32
          %parallel_loop3A_731 = vector.broadcast %parallel_loop3A_730 : i32 to vector<16xi32>
          %parallel_loop3A_732 = arith.cmpi slt, %parallel_loop3A_729, %parallel_loop3A_731 : vector<16xi32>
          %parallel_loop3A_733 = arith.constant 16 : i32
          %parallel_loop3A_734 = vector.broadcast %parallel_loop3A_733 : i32 to vector<16xi32>
          %parallel_loop3A_735 = arith.addi %parallel_loop3A_729, %parallel_loop3A_734 : vector<16xi32>
          %parallel_loop3A_736 = arith.select %parallel_loop3A_732, %parallel_loop3A_735, %parallel_loop3A_729 : vector<16xi1>, vector<16xi32>
          %parallel_loop3A_737 = vector.shape_cast %parallel_loop3A_736 : vector<16xi32> to vector<16x1xi32>
          %parallel_loop3A_738 = vector.shape_cast %parallel_loop3A_737 : vector<16x1xi32> to vector<16xi32>
          %parallel_loop3A_739 = tpu.dynamic_gather %parallel_loop3A_726[%parallel_loop3A_738] in [0] : vector<16xf32>, vector<16xi32> -> vector<16xf32>
          %parallel_loop3A_740 = arith.addf %parallel_loop3A_726, %parallel_loop3A_739 : vector<16xf32>
          %parallel_loop3A_741 = arith.constant -0.0883883461 : f32
          %parallel_loop3A_742 = vector.broadcast %parallel_loop3A_741 : f32 to vector<16xf32>
          %parallel_loop3A_743 = arith.mulf %parallel_loop3A_740, %parallel_loop3A_742 : vector<16xf32>
          %parallel_loop3A_744 = math.exp %parallel_loop3A_743 : vector<16xf32>
          %parallel_loop3A_745 = arith.constant 1.000000e+00 : f32
          %parallel_loop3A_746 = vector.broadcast %parallel_loop3A_745 : f32 to vector<16xf32>
          %parallel_loop3A_747 = arith.addf %parallel_loop3A_746, %parallel_loop3A_744 : vector<16xf32>
          %parallel_loop3A_748 = arith.constant 1.000000e+00 : f32
          %parallel_loop3A_749 = vector.broadcast %parallel_loop3A_748 : f32 to vector<16xf32>
          %parallel_loop3A_750 = arith.divf %parallel_loop3A_749, %parallel_loop3A_747 : vector<16xf32>
          %parallel_loop3A_751 = arith.mulf %parallel_loop3A_750, %parallel_loop3A_605 : vector<16xf32>
          %parallel_loop3A_752 = arith.addf %parallel_loop3A_600, %parallel_loop3A_751 : vector<16xf32>
          %parallel_loop3A_753 = arith.index_cast %parallel_loop3A_596 : i32 to index
          %parallel_loop3A_754 = arith.constant 0 : index
          %parallel_loop3A_755 = tpu.vector_load %arg10[%parallel_loop3A_753, %parallel_loop3A_754] {strides = array<i32>} : memref<160x128xf32, #tpu.memory_space<vmem>>, vector<1x16xf32>,
          %parallel_loop3A_756 = vector.shape_cast %parallel_loop3A_755 : vector<1x16xf32> to vector<16xf32>
          %parallel_loop3A_757 = vector.shape_cast %parallel_loop3A_752 : vector<16xf32> to vector<1x16xf32>
          tpu.vector_store %arg10[%parallel_loop3A_753, %parallel_loop3A_754], %parallel_loop3A_757 {strides = array<i32>} : memref<160x128xf32, #tpu.memory_space<vmem>>, vector<1x16xf32>,
          %parallel_loop3A_758 = arith.mulf %parallel_loop3A_750, %parallel_loop3A_615 : vector<16xf32>
          %parallel_loop3A_759 = arith.addf %parallel_loop3A_610, %parallel_loop3A_758 : vector<16xf32>
          %parallel_loop3A_760 = arith.index_cast %parallel_loop3A_596 : i32 to index
          %parallel_loop3A_761 = arith.constant 16 : index
          %parallel_loop3A_762 = tpu.vector_load %arg10[%parallel_loop3A_760, %parallel_loop3A_761] {strides = array<i32>} : memref<160x128xf32, #tpu.memory_space<vmem>>, vector<1x16xf32>,
          %parallel_loop3A_763 = vector.shape_cast %parallel_loop3A_762 : vector<1x16xf32> to vector<16xf32>
          %parallel_loop3A_764 = vector.shape_cast %parallel_loop3A_759 : vector<16xf32> to vector<1x16xf32>
          tpu.vector_store %arg10[%parallel_loop3A_760, %parallel_loop3A_761], %parallel_loop3A_764 {strides = array<i32>} : memref<160x128xf32, #tpu.memory_space<vmem>>, vector<1x16xf32>,
          %parallel_loop3A_765 = arith.mulf %parallel_loop3A_750, %parallel_loop3A_625 : vector<16xf32>
          %parallel_loop3A_766 = arith.addf %parallel_loop3A_620, %parallel_loop3A_765 : vector<16xf32>
          %parallel_loop3A_767 = arith.index_cast %parallel_loop3A_596 : i32 to index
          %parallel_loop3A_768 = arith.constant 32 : index
          %parallel_loop3A_769 = tpu.vector_load %arg10[%parallel_loop3A_767, %parallel_loop3A_768] {strides = array<i32>} : memref<160x128xf32, #tpu.memory_space<vmem>>, vector<1x16xf32>,
          %parallel_loop3A_770 = vector.shape_cast %parallel_loop3A_769 : vector<1x16xf32> to vector<16xf32>
          %parallel_loop3A_771 = vector.shape_cast %parallel_loop3A_766 : vector<16xf32> to vector<1x16xf32>
          tpu.vector_store %arg10[%parallel_loop3A_767, %parallel_loop3A_768], %parallel_loop3A_771 {strides = array<i32>} : memref<160x128xf32, #tpu.memory_space<vmem>>, vector<1x16xf32>,
          %parallel_loop3A_772 = arith.mulf %parallel_loop3A_750, %parallel_loop3A_635 : vector<16xf32>
          %parallel_loop3A_773 = arith.addf %parallel_loop3A_630, %parallel_loop3A_772 : vector<16xf32>
          %parallel_loop3A_774 = arith.index_cast %parallel_loop3A_596 : i32 to index
          %parallel_loop3A_775 = arith.constant 48 : index
          %parallel_loop3A_776 = tpu.vector_load %arg10[%parallel_loop3A_774, %parallel_loop3A_775] {strides = array<i32>} : memref<160x128xf32, #tpu.memory_space<vmem>>, vector<1x16xf32>,
          %parallel_loop3A_777 = vector.shape_cast %parallel_loop3A_776 : vector<1x16xf32> to vector<16xf32>
          %parallel_loop3A_778 = vector.shape_cast %parallel_loop3A_773 : vector<16xf32> to vector<1x16xf32>
          tpu.vector_store %arg10[%parallel_loop3A_774, %parallel_loop3A_775], %parallel_loop3A_778 {strides = array<i32>} : memref<160x128xf32, #tpu.memory_space<vmem>>, vector<1x16xf32>,
          %parallel_loop3A_779 = arith.mulf %parallel_loop3A_750, %parallel_loop3A_645 : vector<16xf32>
          %parallel_loop3A_780 = arith.addf %parallel_loop3A_640, %parallel_loop3A_779 : vector<16xf32>
          %parallel_loop3A_781 = arith.index_cast %parallel_loop3A_596 : i32 to index
          %parallel_loop3A_782 = arith.constant 64 : index
          %parallel_loop3A_783 = tpu.vector_load %arg10[%parallel_loop3A_781, %parallel_loop3A_782] {strides = array<i32>} : memref<160x128xf32, #tpu.memory_space<vmem>>, vector<1x16xf32>,
          %parallel_loop3A_784 = vector.shape_cast %parallel_loop3A_783 : vector<1x16xf32> to vector<16xf32>
          %parallel_loop3A_785 = vector.shape_cast %parallel_loop3A_780 : vector<16xf32> to vector<1x16xf32>
          tpu.vector_store %arg10[%parallel_loop3A_781, %parallel_loop3A_782], %parallel_loop3A_785 {strides = array<i32>} : memref<160x128xf32, #tpu.memory_space<vmem>>, vector<1x16xf32>,
          %parallel_loop3A_786 = arith.mulf %parallel_loop3A_750, %parallel_loop3A_655 : vector<16xf32>
          %parallel_loop3A_787 = arith.addf %parallel_loop3A_650, %parallel_loop3A_786 : vector<16xf32>
          %parallel_loop3A_788 = arith.index_cast %parallel_loop3A_596 : i32 to index
          %parallel_loop3A_789 = arith.constant 80 : index
          %parallel_loop3A_790 = tpu.vector_load %arg10[%parallel_loop3A_788, %parallel_loop3A_789] {strides = array<i32>} : memref<160x128xf32, #tpu.memory_space<vmem>>, vector<1x16xf32>,
          %parallel_loop3A_791 = vector.shape_cast %parallel_loop3A_790 : vector<1x16xf32> to vector<16xf32>
          %parallel_loop3A_792 = vector.shape_cast %parallel_loop3A_787 : vector<16xf32> to vector<1x16xf32>
          tpu.vector_store %arg10[%parallel_loop3A_788, %parallel_loop3A_789], %parallel_loop3A_792 {strides = array<i32>} : memref<160x128xf32, #tpu.memory_space<vmem>>, vector<1x16xf32>,
          %parallel_loop3A_793 = arith.mulf %parallel_loop3A_750, %parallel_loop3A_665 : vector<16xf32>
          %parallel_loop3A_794 = arith.addf %parallel_loop3A_660, %parallel_loop3A_793 : vector<16xf32>
          %parallel_loop3A_795 = arith.index_cast %parallel_loop3A_596 : i32 to index
          %parallel_loop3A_796 = arith.constant 96 : index
          %parallel_loop3A_797 = tpu.vector_load %arg10[%parallel_loop3A_795, %parallel_loop3A_796] {strides = array<i32>} : memref<160x128xf32, #tpu.memory_space<vmem>>, vector<1x16xf32>,
          %parallel_loop3A_798 = vector.shape_cast %parallel_loop3A_797 : vector<1x16xf32> to vector<16xf32>
          %parallel_loop3A_799 = vector.shape_cast %parallel_loop3A_794 : vector<16xf32> to vector<1x16xf32>
          tpu.vector_store %arg10[%parallel_loop3A_795, %parallel_loop3A_796], %parallel_loop3A_799 {strides = array<i32>} : memref<160x128xf32, #tpu.memory_space<vmem>>, vector<1x16xf32>,
          %parallel_loop3A_800 = arith.mulf %parallel_loop3A_750, %parallel_loop3A_675 : vector<16xf32>
          %parallel_loop3A_801 = arith.addf %parallel_loop3A_670, %parallel_loop3A_800 : vector<16xf32>
          %parallel_loop3A_802 = arith.index_cast %parallel_loop3A_596 : i32 to index
          %parallel_loop3A_803 = arith.constant 112 : index
          %parallel_loop3A_804 = tpu.vector_load %arg10[%parallel_loop3A_802, %parallel_loop3A_803] {strides = array<i32>} : memref<160x128xf32, #tpu.memory_space<vmem>>, vector<1x16xf32>,
          %parallel_loop3A_805 = vector.shape_cast %parallel_loop3A_804 : vector<1x16xf32> to vector<16xf32>
          %parallel_loop3A_806 = vector.shape_cast %parallel_loop3A_801 : vector<16xf32> to vector<1x16xf32>
          tpu.vector_store %arg10[%parallel_loop3A_802, %parallel_loop3A_803], %parallel_loop3A_806 {strides = array<i32>} : memref<160x128xf32, #tpu.memory_space<vmem>>, vector<1x16xf32>,
        } {sc.loop_unroll_factor = 1 : i64, sc.parallel_access}
        %mul3A_590 = arith.constant 160 : i32
        %mul3A_591 = arith.muli %add3A_511, %mul3A_590 : i32
        %dma_start3A_592 = arith.constant 0 : i32
        %dma_start3A_593 = tpu.memref_slice %arg4[%mul3A_591, %dma_start3A_592] : memref<80000x128xf32, #tpu.memory_space<hbm>> -> memref<160x128xf32, #tpu.memory_space<hbm>>
        %dma_start3A_594 = arith.constant 0 : i32
        %dma_start3A_595 = tpu.memref_slice %arg4[%mul3A_591, %dma_start3A_594] : memref<80000x128xf32, #tpu.memory_space<hbm>> -> memref<160x128xf32, #tpu.memory_space<hbm>>
        tpu.enqueue_dma source(%arg10 : memref<160x128xf32, #tpu.memory_space<vmem>>) target(%dma_start3A_595 : memref<160x128xf32, #tpu.memory_space<hbm>>) target_semaphore(%arg14 : memref<!tpu.dma_semaphore, #tpu.memory_space<semaphore_mem>>)
      } else {
      }
    }
    %while3A_423 = arith.constant 1 : i32
    scf.for %while3A_466 = %while3A_421 to %while3A_417 step %while3A_423  : i32 {
      %jit3A_467 = arith.constant 2 : i32
      %eq3A_468 = arith.constant 0 : i32
      %eq3A_469 = arith.cmpi eq, %jit3A_467, %eq3A_468 : i32
      %jit3A_470 = arith.constant 1 : i32
      %select_n3A_471 = arith.select %eq3A_469, %jit3A_470, %jit3A_467 : i32
      %rem3A_472 = arith.remsi %while3A_466, %select_n3A_471 : i32
      %ne3A_473 = arith.constant 0 : i32
      %ne3A_474 = arith.cmpi ne, %rem3A_472, %ne3A_473 : i32
      %lt3A_475 = arith.constant 0 : i32
      %lt3A_476 = arith.cmpi slt, %rem3A_472, %lt3A_475 : i32
      %lt3A_477 = arith.constant 0 : i32
      %lt3A_478 = arith.cmpi slt, %select_n3A_471, %lt3A_477 : i32
      %ne3A_479 = arith.xori %lt3A_476, %lt3A_478 : i1
      %and3A_480 = arith.andi %ne3A_479, %ne3A_474 : i1
      %add3A_481 = arith.addi %rem3A_472, %select_n3A_471 : i32
      %select_n3A_482 = arith.select %and3A_480, %add3A_481, %rem3A_472 : i32
      %eq3A_483 = arith.constant 0 : i32
      %eq3A_484 = arith.cmpi eq, %select_n3A_482, %eq3A_483 : i32
      %convert_element_type3A_485 = arith.extui %eq3A_484 : i1 to i32
      %cond3A_486 = arith.constant 0 : i32
      %cond3A_487 = arith.cmpi ne, %convert_element_type3A_485, %cond3A_486 : i32
      scf.if %cond3A_487 {
        %mul3A_509 = arith.constant 32 : i32
        %mul3A_510 = arith.muli %while3A_466, %mul3A_509 : i32
        %add3A_511 = arith.addi %add3A, %mul3A_510 : i32
        %ge3A = arith.constant 1 : i32
        %ge3A_512 = arith.cmpi sge, %while3A_466, %ge3A : i32
        %convert_element_type3A_513 = arith.extui %ge3A_512 : i1 to i32
        %cond3A_514 = arith.constant 0 : i32
        %cond3A_515 = arith.cmpi ne, %convert_element_type3A_513, %cond3A_514 : i32
        scf.if %cond3A_515 {
          %dma_wait3A_596 = arith.constant 0 : i32
          %dma_wait3A_597 = arith.constant 0 : i32
          %dma_wait3A_598 = tpu.memref_slice %arg4[%dma_wait3A_596, %dma_wait3A_597] : memref<80000x128xf32, #tpu.memory_space<hbm>> -> memref<160x128xf32, #tpu.memory_space<hbm>>
          %dma_wait3A_599 = arith.constant 0 : i32
          %dma_wait3A_600 = arith.constant 0 : i32
          %dma_wait3A_601 = tpu.memref_slice %arg4[%dma_wait3A_599, %dma_wait3A_600] : memref<80000x128xf32, #tpu.memory_space<hbm>> -> memref<160x128xf32, #tpu.memory_space<hbm>>
          tpu.wait_dma2 semaphore(%arg14 : memref<!tpu.dma_semaphore, #tpu.memory_space<semaphore_mem>>) src(%arg10 : memref<160x128xf32, #tpu.memory_space<vmem>>) dst(%dma_wait3A_601 : memref<160x128xf32, #tpu.memory_space<hbm>>)
        } else {
        }
        %add3A_516 = arith.constant 1 : i32
        %add3A_517 = arith.addi %while3A_466, %add3A_516 : i32
        %lt3A_518 = arith.cmpi slt, %add3A_517, %add3A_20 : i32
        %convert_element_type3A_519 = arith.extui %lt3A_518 : i1 to i32
        %cond3A_520 = arith.constant 0 : i32
        %cond3A_521 = arith.cmpi ne, %convert_element_type3A_519, %cond3A_520 : i32
        scf.if %cond3A_521 {
          %add3A_596 = arith.constant 32 : i32
          %add3A_597 = arith.addi %add3A_511, %add3A_596 : i32
          %mul3A_598 = arith.constant 160 : i32
          %mul3A_599 = arith.muli %add3A_597, %mul3A_598 : i32
          %dma_start3A_600 = arith.constant 0 : i32
          %dma_start3A_601 = tpu.memref_slice %arg2[%mul3A_599, %dma_start3A_600] : memref<80000x128xf32, #tpu.memory_space<hbm>> -> memref<160x128xf32, #tpu.memory_space<hbm>>
          %dma_start3A_602 = arith.constant 0 : i32
          %dma_start3A_603 = tpu.memref_slice %arg2[%mul3A_599, %dma_start3A_602] : memref<80000x128xf32, #tpu.memory_space<hbm>> -> memref<160x128xf32, #tpu.memory_space<hbm>>
          tpu.enqueue_dma source(%dma_start3A_603 : memref<160x128xf32, #tpu.memory_space<hbm>>) target(%arg8 : memref<160x128xf32, #tpu.memory_space<vmem>>) target_semaphore(%arg12 : memref<!tpu.dma_semaphore, #tpu.memory_space<semaphore_mem>>)
          "tpu.region"() ({
            %run_scoped3A = tpu.sem_alloc : memref<!tpu.dma_semaphore, #tpu.memory_space<semaphore_mem>>
            %dma_start3A_994 = tpu.memref_slice %arg3[%mul3A_599] : memref<80000xi32, #tpu.memory_space<hbm>> -> memref<160xi32, #tpu.memory_space<hbm>>
            %dma_start3A_995 = tpu.memref_slice %arg3[%mul3A_599] : memref<80000xi32, #tpu.memory_space<hbm>> -> memref<160xi32, #tpu.memory_space<hbm>>
            tpu.enqueue_dma source(%dma_start3A_995 : memref<160xi32, #tpu.memory_space<hbm>>) target(%arg6 : memref<160xi32, #tpu.memory_space<vmem>>) target_semaphore(%run_scoped3A : memref<!tpu.dma_semaphore, #tpu.memory_space<semaphore_mem>>)
            %dma_wait3A_996 = tpu.memref_slice %arg3[%mul3A_599] : memref<80000xi32, #tpu.memory_space<hbm>> -> memref<160xi32, #tpu.memory_space<hbm>>
            %dma_wait3A_997 = tpu.memref_slice %arg3[%mul3A_599] : memref<80000xi32, #tpu.memory_space<hbm>> -> memref<160xi32, #tpu.memory_space<hbm>>
            tpu.wait_dma2 semaphore(%run_scoped3A : memref<!tpu.dma_semaphore, #tpu.memory_space<semaphore_mem>>) src(%dma_wait3A_997 : memref<160xi32, #tpu.memory_space<hbm>>) dst(%arg6 : memref<160xi32, #tpu.memory_space<vmem>>)
            tpu.yield
          }) : () -> ()
          %add3A_604 = arith.constant 0 : i32
          %add3A_605 = arith.addi %mul3A_599, %add3A_604 : i32
          %jit3A_606 = arith.constant 10000 : i32
          %div3A_607 = arith.divsi %add3A_605, %jit3A_606 : i32
          %sign3A_608 = arith.constant 0 : i32
          %sign3A_609 = arith.cmpi sgt, %add3A_605, %sign3A_608 : i32
          %sign3A_610 = arith.extui %sign3A_609 : i1 to i32
          %sign3A_611 = arith.constant 0 : i32
          %sign3A_612 = arith.cmpi slt, %add3A_605, %sign3A_611 : i32
          %sign3A_613 = arith.extui %sign3A_612 : i1 to i32
          %sign3A_614 = arith.subi %sign3A_610, %sign3A_613 : i32
          %sign3A_615 = arith.constant 0 : i32
          %sign3A_616 = arith.cmpi sgt, %jit3A_606, %sign3A_615 : i32
          %sign3A_617 = arith.extui %sign3A_616 : i1 to i32
          %sign3A_618 = arith.constant 0 : i32
          %sign3A_619 = arith.cmpi slt, %jit3A_606, %sign3A_618 : i32
          %sign3A_620 = arith.extui %sign3A_619 : i1 to i32
          %sign3A_621 = arith.subi %sign3A_617, %sign3A_620 : i32
          %ne3A_622 = arith.cmpi ne, %sign3A_614, %sign3A_621 : i32
          %rem3A_623 = arith.remsi %add3A_605, %jit3A_606 : i32
          %ne3A_624 = arith.constant 0 : i32
          %ne3A_625 = arith.cmpi ne, %rem3A_623, %ne3A_624 : i32
          %and3A_626 = arith.andi %ne3A_622, %ne3A_625 : i1
          %sub3A_627 = arith.constant 1 : i32
          %sub3A_628 = arith.subi %div3A_607, %sub3A_627 : i32
          %select_n3A_629 = arith.select %and3A_626, %sub3A_628, %div3A_607 : i32
          %mul3A_630 = arith.constant 10000 : i32
          %mul3A_631 = arith.muli %select_n3A_629, %mul3A_630 : i32
          %get3A_632 = arith.constant 0 : index
          %get3A_633 = tpu.vector_load %arg6[%get3A_632] {strides = array<i32>} : memref<160xi32, #tpu.memory_space<vmem>>, vector<16xi32>,
          %get3A_634 = vector.shape_cast %get3A_633 : vector<16xi32> to vector<16xi32>
          %add3A_635 = vector.broadcast %mul3A_631 : i32 to vector<16xi32>
          %add3A_636 = arith.addi %get3A_634, %add3A_635 : vector<16xi32>
          %dma_start3A_637 = arith.constant 0 : i32
          %dma_start3A_638 = arith.constant 0 : i32
          %dma_start3A_639 = tpu.memref_slice %arg10[%dma_start3A_637, %dma_start3A_638] : memref<160x128xf32, #tpu.memory_space<vmem>> -> memref<16x128xf32, #tpu.memory_space<vmem>>
          %dma_start3A_640 = arith.constant 0 : i32
          %dma_start3A_641 = arith.constant 0 : i32
          %dma_start3A_642 = tpu.memref_slice %arg2[%dma_start3A_640, %dma_start3A_641] : memref<80000x128xf32, #tpu.memory_space<hbm>> -> memref<80000x128xf32, #tpu.memory_space<hbm>>
          tpu.enqueue_indirect_dma source(%dma_start3A_642 : memref<80000x128xf32, #tpu.memory_space<hbm>>) target(%dma_start3A_639 : memref<16x128xf32, #tpu.memory_space<vmem>>) offsets(%add3A_636 : vector<16xi32>) semaphore(%arg12 : memref<!tpu.dma_semaphore, #tpu.memory_space<semaphore_mem>>)
          %add3A_643 = arith.constant 16 : i32
          %add3A_644 = arith.addi %mul3A_599, %add3A_643 : i32
          %jit3A_645 = arith.constant 10000 : i32
          %div3A_646 = arith.divsi %add3A_644, %jit3A_645 : i32
          %sign3A_647 = arith.constant 0 : i32
          %sign3A_648 = arith.cmpi sgt, %add3A_644, %sign3A_647 : i32
          %sign3A_649 = arith.extui %sign3A_648 : i1 to i32
          %sign3A_650 = arith.constant 0 : i32
          %sign3A_651 = arith.cmpi slt, %add3A_644, %sign3A_650 : i32
          %sign3A_652 = arith.extui %sign3A_651 : i1 to i32
          %sign3A_653 = arith.subi %sign3A_649, %sign3A_652 : i32
          %sign3A_654 = arith.constant 0 : i32
          %sign3A_655 = arith.cmpi sgt, %jit3A_645, %sign3A_654 : i32
          %sign3A_656 = arith.extui %sign3A_655 : i1 to i32
          %sign3A_657 = arith.constant 0 : i32
          %sign3A_658 = arith.cmpi slt, %jit3A_645, %sign3A_657 : i32
          %sign3A_659 = arith.extui %sign3A_658 : i1 to i32
          %sign3A_660 = arith.subi %sign3A_656, %sign3A_659 : i32
          %ne3A_661 = arith.cmpi ne, %sign3A_653, %sign3A_660 : i32
          %rem3A_662 = arith.remsi %add3A_644, %jit3A_645 : i32
          %ne3A_663 = arith.constant 0 : i32
          %ne3A_664 = arith.cmpi ne, %rem3A_662, %ne3A_663 : i32
          %and3A_665 = arith.andi %ne3A_661, %ne3A_664 : i1
          %sub3A_666 = arith.constant 1 : i32
          %sub3A_667 = arith.subi %div3A_646, %sub3A_666 : i32
          %select_n3A_668 = arith.select %and3A_665, %sub3A_667, %div3A_646 : i32
          %mul3A_669 = arith.constant 10000 : i32
          %mul3A_670 = arith.muli %select_n3A_668, %mul3A_669 : i32
          %get3A_671 = arith.constant 16 : index
          %get3A_672 = tpu.vector_load %arg6[%get3A_671] {strides = array<i32>} : memref<160xi32, #tpu.memory_space<vmem>>, vector<16xi32>,
          %get3A_673 = vector.shape_cast %get3A_672 : vector<16xi32> to vector<16xi32>
          %add3A_674 = vector.broadcast %mul3A_670 : i32 to vector<16xi32>
          %add3A_675 = arith.addi %get3A_673, %add3A_674 : vector<16xi32>
          %dma_start3A_676 = arith.constant 16 : i32
          %dma_start3A_677 = arith.constant 0 : i32
          %dma_start3A_678 = tpu.memref_slice %arg10[%dma_start3A_676, %dma_start3A_677] : memref<160x128xf32, #tpu.memory_space<vmem>> -> memref<16x128xf32, #tpu.memory_space<vmem>>
          %dma_start3A_679 = arith.constant 0 : i32
          %dma_start3A_680 = arith.constant 0 : i32
          %dma_start3A_681 = tpu.memref_slice %arg2[%dma_start3A_679, %dma_start3A_680] : memref<80000x128xf32, #tpu.memory_space<hbm>> -> memref<80000x128xf32, #tpu.memory_space<hbm>>
          tpu.enqueue_indirect_dma source(%dma_start3A_681 : memref<80000x128xf32, #tpu.memory_space<hbm>>) target(%dma_start3A_678 : memref<16x128xf32, #tpu.memory_space<vmem>>) offsets(%add3A_675 : vector<16xi32>) semaphore(%arg12 : memref<!tpu.dma_semaphore, #tpu.memory_space<semaphore_mem>>)
          %add3A_682 = arith.constant 32 : i32
          %add3A_683 = arith.addi %mul3A_599, %add3A_682 : i32
          %jit3A_684 = arith.constant 10000 : i32
          %div3A_685 = arith.divsi %add3A_683, %jit3A_684 : i32
          %sign3A_686 = arith.constant 0 : i32
          %sign3A_687 = arith.cmpi sgt, %add3A_683, %sign3A_686 : i32
          %sign3A_688 = arith.extui %sign3A_687 : i1 to i32
          %sign3A_689 = arith.constant 0 : i32
          %sign3A_690 = arith.cmpi slt, %add3A_683, %sign3A_689 : i32
          %sign3A_691 = arith.extui %sign3A_690 : i1 to i32
          %sign3A_692 = arith.subi %sign3A_688, %sign3A_691 : i32
          %sign3A_693 = arith.constant 0 : i32
          %sign3A_694 = arith.cmpi sgt, %jit3A_684, %sign3A_693 : i32
          %sign3A_695 = arith.extui %sign3A_694 : i1 to i32
          %sign3A_696 = arith.constant 0 : i32
          %sign3A_697 = arith.cmpi slt, %jit3A_684, %sign3A_696 : i32
          %sign3A_698 = arith.extui %sign3A_697 : i1 to i32
          %sign3A_699 = arith.subi %sign3A_695, %sign3A_698 : i32
          %ne3A_700 = arith.cmpi ne, %sign3A_692, %sign3A_699 : i32
          %rem3A_701 = arith.remsi %add3A_683, %jit3A_684 : i32
          %ne3A_702 = arith.constant 0 : i32
          %ne3A_703 = arith.cmpi ne, %rem3A_701, %ne3A_702 : i32
          %and3A_704 = arith.andi %ne3A_700, %ne3A_703 : i1
          %sub3A_705 = arith.constant 1 : i32
          %sub3A_706 = arith.subi %div3A_685, %sub3A_705 : i32
          %select_n3A_707 = arith.select %and3A_704, %sub3A_706, %div3A_685 : i32
          %mul3A_708 = arith.constant 10000 : i32
          %mul3A_709 = arith.muli %select_n3A_707, %mul3A_708 : i32
          %get3A_710 = arith.constant 32 : index
          %get3A_711 = tpu.vector_load %arg6[%get3A_710] {strides = array<i32>} : memref<160xi32, #tpu.memory_space<vmem>>, vector<16xi32>,
          %get3A_712 = vector.shape_cast %get3A_711 : vector<16xi32> to vector<16xi32>
          %add3A_713 = vector.broadcast %mul3A_709 : i32 to vector<16xi32>
          %add3A_714 = arith.addi %get3A_712, %add3A_713 : vector<16xi32>
          %dma_start3A_715 = arith.constant 32 : i32
          %dma_start3A_716 = arith.constant 0 : i32
          %dma_start3A_717 = tpu.memref_slice %arg10[%dma_start3A_715, %dma_start3A_716] : memref<160x128xf32, #tpu.memory_space<vmem>> -> memref<16x128xf32, #tpu.memory_space<vmem>>
          %dma_start3A_718 = arith.constant 0 : i32
          %dma_start3A_719 = arith.constant 0 : i32
          %dma_start3A_720 = tpu.memref_slice %arg2[%dma_start3A_718, %dma_start3A_719] : memref<80000x128xf32, #tpu.memory_space<hbm>> -> memref<80000x128xf32, #tpu.memory_space<hbm>>
          tpu.enqueue_indirect_dma source(%dma_start3A_720 : memref<80000x128xf32, #tpu.memory_space<hbm>>) target(%dma_start3A_717 : memref<16x128xf32, #tpu.memory_space<vmem>>) offsets(%add3A_714 : vector<16xi32>) semaphore(%arg12 : memref<!tpu.dma_semaphore, #tpu.memory_space<semaphore_mem>>)
          %add3A_721 = arith.constant 48 : i32
          %add3A_722 = arith.addi %mul3A_599, %add3A_721 : i32
          %jit3A_723 = arith.constant 10000 : i32
          %div3A_724 = arith.divsi %add3A_722, %jit3A_723 : i32
          %sign3A_725 = arith.constant 0 : i32
          %sign3A_726 = arith.cmpi sgt, %add3A_722, %sign3A_725 : i32
          %sign3A_727 = arith.extui %sign3A_726 : i1 to i32
          %sign3A_728 = arith.constant 0 : i32
          %sign3A_729 = arith.cmpi slt, %add3A_722, %sign3A_728 : i32
          %sign3A_730 = arith.extui %sign3A_729 : i1 to i32
          %sign3A_731 = arith.subi %sign3A_727, %sign3A_730 : i32
          %sign3A_732 = arith.constant 0 : i32
          %sign3A_733 = arith.cmpi sgt, %jit3A_723, %sign3A_732 : i32
          %sign3A_734 = arith.extui %sign3A_733 : i1 to i32
          %sign3A_735 = arith.constant 0 : i32
          %sign3A_736 = arith.cmpi slt, %jit3A_723, %sign3A_735 : i32
          %sign3A_737 = arith.extui %sign3A_736 : i1 to i32
          %sign3A_738 = arith.subi %sign3A_734, %sign3A_737 : i32
          %ne3A_739 = arith.cmpi ne, %sign3A_731, %sign3A_738 : i32
          %rem3A_740 = arith.remsi %add3A_722, %jit3A_723 : i32
          %ne3A_741 = arith.constant 0 : i32
          %ne3A_742 = arith.cmpi ne, %rem3A_740, %ne3A_741 : i32
          %and3A_743 = arith.andi %ne3A_739, %ne3A_742 : i1
          %sub3A_744 = arith.constant 1 : i32
          %sub3A_745 = arith.subi %div3A_724, %sub3A_744 : i32
          %select_n3A_746 = arith.select %and3A_743, %sub3A_745, %div3A_724 : i32
          %mul3A_747 = arith.constant 10000 : i32
          %mul3A_748 = arith.muli %select_n3A_746, %mul3A_747 : i32
          %get3A_749 = arith.constant 48 : index
          %get3A_750 = tpu.vector_load %arg6[%get3A_749] {strides = array<i32>} : memref<160xi32, #tpu.memory_space<vmem>>, vector<16xi32>,
          %get3A_751 = vector.shape_cast %get3A_750 : vector<16xi32> to vector<16xi32>
          %add3A_752 = vector.broadcast %mul3A_748 : i32 to vector<16xi32>
          %add3A_753 = arith.addi %get3A_751, %add3A_752 : vector<16xi32>
          %dma_start3A_754 = arith.constant 48 : i32
          %dma_start3A_755 = arith.constant 0 : i32
          %dma_start3A_756 = tpu.memref_slice %arg10[%dma_start3A_754, %dma_start3A_755] : memref<160x128xf32, #tpu.memory_space<vmem>> -> memref<16x128xf32, #tpu.memory_space<vmem>>
          %dma_start3A_757 = arith.constant 0 : i32
          %dma_start3A_758 = arith.constant 0 : i32
          %dma_start3A_759 = tpu.memref_slice %arg2[%dma_start3A_757, %dma_start3A_758] : memref<80000x128xf32, #tpu.memory_space<hbm>> -> memref<80000x128xf32, #tpu.memory_space<hbm>>
          tpu.enqueue_indirect_dma source(%dma_start3A_759 : memref<80000x128xf32, #tpu.memory_space<hbm>>) target(%dma_start3A_756 : memref<16x128xf32, #tpu.memory_space<vmem>>) offsets(%add3A_753 : vector<16xi32>) semaphore(%arg12 : memref<!tpu.dma_semaphore, #tpu.memory_space<semaphore_mem>>)
          %add3A_760 = arith.constant 64 : i32
          %add3A_761 = arith.addi %mul3A_599, %add3A_760 : i32
          %jit3A_762 = arith.constant 10000 : i32
          %div3A_763 = arith.divsi %add3A_761, %jit3A_762 : i32
          %sign3A_764 = arith.constant 0 : i32
          %sign3A_765 = arith.cmpi sgt, %add3A_761, %sign3A_764 : i32
          %sign3A_766 = arith.extui %sign3A_765 : i1 to i32
          %sign3A_767 = arith.constant 0 : i32
          %sign3A_768 = arith.cmpi slt, %add3A_761, %sign3A_767 : i32
          %sign3A_769 = arith.extui %sign3A_768 : i1 to i32
          %sign3A_770 = arith.subi %sign3A_766, %sign3A_769 : i32
          %sign3A_771 = arith.constant 0 : i32
          %sign3A_772 = arith.cmpi sgt, %jit3A_762, %sign3A_771 : i32
          %sign3A_773 = arith.extui %sign3A_772 : i1 to i32
          %sign3A_774 = arith.constant 0 : i32
          %sign3A_775 = arith.cmpi slt, %jit3A_762, %sign3A_774 : i32
          %sign3A_776 = arith.extui %sign3A_775 : i1 to i32
          %sign3A_777 = arith.subi %sign3A_773, %sign3A_776 : i32
          %ne3A_778 = arith.cmpi ne, %sign3A_770, %sign3A_777 : i32
          %rem3A_779 = arith.remsi %add3A_761, %jit3A_762 : i32
          %ne3A_780 = arith.constant 0 : i32
          %ne3A_781 = arith.cmpi ne, %rem3A_779, %ne3A_780 : i32
          %and3A_782 = arith.andi %ne3A_778, %ne3A_781 : i1
          %sub3A_783 = arith.constant 1 : i32
          %sub3A_784 = arith.subi %div3A_763, %sub3A_783 : i32
          %select_n3A_785 = arith.select %and3A_782, %sub3A_784, %div3A_763 : i32
          %mul3A_786 = arith.constant 10000 : i32
          %mul3A_787 = arith.muli %select_n3A_785, %mul3A_786 : i32
          %get3A_788 = arith.constant 64 : index
          %get3A_789 = tpu.vector_load %arg6[%get3A_788] {strides = array<i32>} : memref<160xi32, #tpu.memory_space<vmem>>, vector<16xi32>,
          %get3A_790 = vector.shape_cast %get3A_789 : vector<16xi32> to vector<16xi32>
          %add3A_791 = vector.broadcast %mul3A_787 : i32 to vector<16xi32>
          %add3A_792 = arith.addi %get3A_790, %add3A_791 : vector<16xi32>
          %dma_start3A_793 = arith.constant 64 : i32
          %dma_start3A_794 = arith.constant 0 : i32
          %dma_start3A_795 = tpu.memref_slice %arg10[%dma_start3A_793, %dma_start3A_794] : memref<160x128xf32, #tpu.memory_space<vmem>> -> memref<16x128xf32, #tpu.memory_space<vmem>>
          %dma_start3A_796 = arith.constant 0 : i32
          %dma_start3A_797 = arith.constant 0 : i32
          %dma_start3A_798 = tpu.memref_slice %arg2[%dma_start3A_796, %dma_start3A_797] : memref<80000x128xf32, #tpu.memory_space<hbm>> -> memref<80000x128xf32, #tpu.memory_space<hbm>>
          tpu.enqueue_indirect_dma source(%dma_start3A_798 : memref<80000x128xf32, #tpu.memory_space<hbm>>) target(%dma_start3A_795 : memref<16x128xf32, #tpu.memory_space<vmem>>) offsets(%add3A_792 : vector<16xi32>) semaphore(%arg12 : memref<!tpu.dma_semaphore, #tpu.memory_space<semaphore_mem>>)
          %add3A_799 = arith.constant 80 : i32
          %add3A_800 = arith.addi %mul3A_599, %add3A_799 : i32
          %jit3A_801 = arith.constant 10000 : i32
          %div3A_802 = arith.divsi %add3A_800, %jit3A_801 : i32
          %sign3A_803 = arith.constant 0 : i32
          %sign3A_804 = arith.cmpi sgt, %add3A_800, %sign3A_803 : i32
          %sign3A_805 = arith.extui %sign3A_804 : i1 to i32
          %sign3A_806 = arith.constant 0 : i32
          %sign3A_807 = arith.cmpi slt, %add3A_800, %sign3A_806 : i32
          %sign3A_808 = arith.extui %sign3A_807 : i1 to i32
          %sign3A_809 = arith.subi %sign3A_805, %sign3A_808 : i32
          %sign3A_810 = arith.constant 0 : i32
          %sign3A_811 = arith.cmpi sgt, %jit3A_801, %sign3A_810 : i32
          %sign3A_812 = arith.extui %sign3A_811 : i1 to i32
          %sign3A_813 = arith.constant 0 : i32
          %sign3A_814 = arith.cmpi slt, %jit3A_801, %sign3A_813 : i32
          %sign3A_815 = arith.extui %sign3A_814 : i1 to i32
          %sign3A_816 = arith.subi %sign3A_812, %sign3A_815 : i32
          %ne3A_817 = arith.cmpi ne, %sign3A_809, %sign3A_816 : i32
          %rem3A_818 = arith.remsi %add3A_800, %jit3A_801 : i32
          %ne3A_819 = arith.constant 0 : i32
          %ne3A_820 = arith.cmpi ne, %rem3A_818, %ne3A_819 : i32
          %and3A_821 = arith.andi %ne3A_817, %ne3A_820 : i1
          %sub3A_822 = arith.constant 1 : i32
          %sub3A_823 = arith.subi %div3A_802, %sub3A_822 : i32
          %select_n3A_824 = arith.select %and3A_821, %sub3A_823, %div3A_802 : i32
          %mul3A_825 = arith.constant 10000 : i32
          %mul3A_826 = arith.muli %select_n3A_824, %mul3A_825 : i32
          %get3A_827 = arith.constant 80 : index
          %get3A_828 = tpu.vector_load %arg6[%get3A_827] {strides = array<i32>} : memref<160xi32, #tpu.memory_space<vmem>>, vector<16xi32>,
          %get3A_829 = vector.shape_cast %get3A_828 : vector<16xi32> to vector<16xi32>
          %add3A_830 = vector.broadcast %mul3A_826 : i32 to vector<16xi32>
          %add3A_831 = arith.addi %get3A_829, %add3A_830 : vector<16xi32>
          %dma_start3A_832 = arith.constant 80 : i32
          %dma_start3A_833 = arith.constant 0 : i32
          %dma_start3A_834 = tpu.memref_slice %arg10[%dma_start3A_832, %dma_start3A_833] : memref<160x128xf32, #tpu.memory_space<vmem>> -> memref<16x128xf32, #tpu.memory_space<vmem>>
          %dma_start3A_835 = arith.constant 0 : i32
          %dma_start3A_836 = arith.constant 0 : i32
          %dma_start3A_837 = tpu.memref_slice %arg2[%dma_start3A_835, %dma_start3A_836] : memref<80000x128xf32, #tpu.memory_space<hbm>> -> memref<80000x128xf32, #tpu.memory_space<hbm>>
          tpu.enqueue_indirect_dma source(%dma_start3A_837 : memref<80000x128xf32, #tpu.memory_space<hbm>>) target(%dma_start3A_834 : memref<16x128xf32, #tpu.memory_space<vmem>>) offsets(%add3A_831 : vector<16xi32>) semaphore(%arg12 : memref<!tpu.dma_semaphore, #tpu.memory_space<semaphore_mem>>)
          %add3A_838 = arith.constant 96 : i32
          %add3A_839 = arith.addi %mul3A_599, %add3A_838 : i32
          %jit3A_840 = arith.constant 10000 : i32
          %div3A_841 = arith.divsi %add3A_839, %jit3A_840 : i32
          %sign3A_842 = arith.constant 0 : i32
          %sign3A_843 = arith.cmpi sgt, %add3A_839, %sign3A_842 : i32
          %sign3A_844 = arith.extui %sign3A_843 : i1 to i32
          %sign3A_845 = arith.constant 0 : i32
          %sign3A_846 = arith.cmpi slt, %add3A_839, %sign3A_845 : i32
          %sign3A_847 = arith.extui %sign3A_846 : i1 to i32
          %sign3A_848 = arith.subi %sign3A_844, %sign3A_847 : i32
          %sign3A_849 = arith.constant 0 : i32
          %sign3A_850 = arith.cmpi sgt, %jit3A_840, %sign3A_849 : i32
          %sign3A_851 = arith.extui %sign3A_850 : i1 to i32
          %sign3A_852 = arith.constant 0 : i32
          %sign3A_853 = arith.cmpi slt, %jit3A_840, %sign3A_852 : i32
          %sign3A_854 = arith.extui %sign3A_853 : i1 to i32
          %sign3A_855 = arith.subi %sign3A_851, %sign3A_854 : i32
          %ne3A_856 = arith.cmpi ne, %sign3A_848, %sign3A_855 : i32
          %rem3A_857 = arith.remsi %add3A_839, %jit3A_840 : i32
          %ne3A_858 = arith.constant 0 : i32
          %ne3A_859 = arith.cmpi ne, %rem3A_857, %ne3A_858 : i32
          %and3A_860 = arith.andi %ne3A_856, %ne3A_859 : i1
          %sub3A_861 = arith.constant 1 : i32
          %sub3A_862 = arith.subi %div3A_841, %sub3A_861 : i32
          %select_n3A_863 = arith.select %and3A_860, %sub3A_862, %div3A_841 : i32
          %mul3A_864 = arith.constant 10000 : i32
          %mul3A_865 = arith.muli %select_n3A_863, %mul3A_864 : i32
          %get3A_866 = arith.constant 96 : index
          %get3A_867 = tpu.vector_load %arg6[%get3A_866] {strides = array<i32>} : memref<160xi32, #tpu.memory_space<vmem>>, vector<16xi32>,
          %get3A_868 = vector.shape_cast %get3A_867 : vector<16xi32> to vector<16xi32>
          %add3A_869 = vector.broadcast %mul3A_865 : i32 to vector<16xi32>
          %add3A_870 = arith.addi %get3A_868, %add3A_869 : vector<16xi32>
          %dma_start3A_871 = arith.constant 96 : i32
          %dma_start3A_872 = arith.constant 0 : i32
          %dma_start3A_873 = tpu.memref_slice %arg10[%dma_start3A_871, %dma_start3A_872] : memref<160x128xf32, #tpu.memory_space<vmem>> -> memref<16x128xf32, #tpu.memory_space<vmem>>
          %dma_start3A_874 = arith.constant 0 : i32
          %dma_start3A_875 = arith.constant 0 : i32
          %dma_start3A_876 = tpu.memref_slice %arg2[%dma_start3A_874, %dma_start3A_875] : memref<80000x128xf32, #tpu.memory_space<hbm>> -> memref<80000x128xf32, #tpu.memory_space<hbm>>
          tpu.enqueue_indirect_dma source(%dma_start3A_876 : memref<80000x128xf32, #tpu.memory_space<hbm>>) target(%dma_start3A_873 : memref<16x128xf32, #tpu.memory_space<vmem>>) offsets(%add3A_870 : vector<16xi32>) semaphore(%arg12 : memref<!tpu.dma_semaphore, #tpu.memory_space<semaphore_mem>>)
          %add3A_877 = arith.constant 112 : i32
          %add3A_878 = arith.addi %mul3A_599, %add3A_877 : i32
          %jit3A_879 = arith.constant 10000 : i32
          %div3A_880 = arith.divsi %add3A_878, %jit3A_879 : i32
          %sign3A_881 = arith.constant 0 : i32
          %sign3A_882 = arith.cmpi sgt, %add3A_878, %sign3A_881 : i32
          %sign3A_883 = arith.extui %sign3A_882 : i1 to i32
          %sign3A_884 = arith.constant 0 : i32
          %sign3A_885 = arith.cmpi slt, %add3A_878, %sign3A_884 : i32
          %sign3A_886 = arith.extui %sign3A_885 : i1 to i32
          %sign3A_887 = arith.subi %sign3A_883, %sign3A_886 : i32
          %sign3A_888 = arith.constant 0 : i32
          %sign3A_889 = arith.cmpi sgt, %jit3A_879, %sign3A_888 : i32
          %sign3A_890 = arith.extui %sign3A_889 : i1 to i32
          %sign3A_891 = arith.constant 0 : i32
          %sign3A_892 = arith.cmpi slt, %jit3A_879, %sign3A_891 : i32
          %sign3A_893 = arith.extui %sign3A_892 : i1 to i32
          %sign3A_894 = arith.subi %sign3A_890, %sign3A_893 : i32
          %ne3A_895 = arith.cmpi ne, %sign3A_887, %sign3A_894 : i32
          %rem3A_896 = arith.remsi %add3A_878, %jit3A_879 : i32
          %ne3A_897 = arith.constant 0 : i32
          %ne3A_898 = arith.cmpi ne, %rem3A_896, %ne3A_897 : i32
          %and3A_899 = arith.andi %ne3A_895, %ne3A_898 : i1
          %sub3A_900 = arith.constant 1 : i32
          %sub3A_901 = arith.subi %div3A_880, %sub3A_900 : i32
          %select_n3A_902 = arith.select %and3A_899, %sub3A_901, %div3A_880 : i32
          %mul3A_903 = arith.constant 10000 : i32
          %mul3A_904 = arith.muli %select_n3A_902, %mul3A_903 : i32
          %get3A_905 = arith.constant 112 : index
          %get3A_906 = tpu.vector_load %arg6[%get3A_905] {strides = array<i32>} : memref<160xi32, #tpu.memory_space<vmem>>, vector<16xi32>,
          %get3A_907 = vector.shape_cast %get3A_906 : vector<16xi32> to vector<16xi32>
          %add3A_908 = vector.broadcast %mul3A_904 : i32 to vector<16xi32>
          %add3A_909 = arith.addi %get3A_907, %add3A_908 : vector<16xi32>
          %dma_start3A_910 = arith.constant 112 : i32
          %dma_start3A_911 = arith.constant 0 : i32
          %dma_start3A_912 = tpu.memref_slice %arg10[%dma_start3A_910, %dma_start3A_911] : memref<160x128xf32, #tpu.memory_space<vmem>> -> memref<16x128xf32, #tpu.memory_space<vmem>>
          %dma_start3A_913 = arith.constant 0 : i32
          %dma_start3A_914 = arith.constant 0 : i32
          %dma_start3A_915 = tpu.memref_slice %arg2[%dma_start3A_913, %dma_start3A_914] : memref<80000x128xf32, #tpu.memory_space<hbm>> -> memref<80000x128xf32, #tpu.memory_space<hbm>>
          tpu.enqueue_indirect_dma source(%dma_start3A_915 : memref<80000x128xf32, #tpu.memory_space<hbm>>) target(%dma_start3A_912 : memref<16x128xf32, #tpu.memory_space<vmem>>) offsets(%add3A_909 : vector<16xi32>) semaphore(%arg12 : memref<!tpu.dma_semaphore, #tpu.memory_space<semaphore_mem>>)
          %add3A_916 = arith.constant 128 : i32
          %add3A_917 = arith.addi %mul3A_599, %add3A_916 : i32
          %jit3A_918 = arith.constant 10000 : i32
          %div3A_919 = arith.divsi %add3A_917, %jit3A_918 : i32
          %sign3A_920 = arith.constant 0 : i32
          %sign3A_921 = arith.cmpi sgt, %add3A_917, %sign3A_920 : i32
          %sign3A_922 = arith.extui %sign3A_921 : i1 to i32
          %sign3A_923 = arith.constant 0 : i32
          %sign3A_924 = arith.cmpi slt, %add3A_917, %sign3A_923 : i32
          %sign3A_925 = arith.extui %sign3A_924 : i1 to i32
          %sign3A_926 = arith.subi %sign3A_922, %sign3A_925 : i32
          %sign3A_927 = arith.constant 0 : i32
          %sign3A_928 = arith.cmpi sgt, %jit3A_918, %sign3A_927 : i32
          %sign3A_929 = arith.extui %sign3A_928 : i1 to i32
          %sign3A_930 = arith.constant 0 : i32
          %sign3A_931 = arith.cmpi slt, %jit3A_918, %sign3A_930 : i32
          %sign3A_932 = arith.extui %sign3A_931 : i1 to i32
          %sign3A_933 = arith.subi %sign3A_929, %sign3A_932 : i32
          %ne3A_934 = arith.cmpi ne, %sign3A_926, %sign3A_933 : i32
          %rem3A_935 = arith.remsi %add3A_917, %jit3A_918 : i32
          %ne3A_936 = arith.constant 0 : i32
          %ne3A_937 = arith.cmpi ne, %rem3A_935, %ne3A_936 : i32
          %and3A_938 = arith.andi %ne3A_934, %ne3A_937 : i1
          %sub3A_939 = arith.constant 1 : i32
          %sub3A_940 = arith.subi %div3A_919, %sub3A_939 : i32
          %select_n3A_941 = arith.select %and3A_938, %sub3A_940, %div3A_919 : i32
          %mul3A_942 = arith.constant 10000 : i32
          %mul3A_943 = arith.muli %select_n3A_941, %mul3A_942 : i32
          %get3A_944 = arith.constant 128 : index
          %get3A_945 = tpu.vector_load %arg6[%get3A_944] {strides = array<i32>} : memref<160xi32, #tpu.memory_space<vmem>>, vector<16xi32>,
          %get3A_946 = vector.shape_cast %get3A_945 : vector<16xi32> to vector<16xi32>
          %add3A_947 = vector.broadcast %mul3A_943 : i32 to vector<16xi32>
          %add3A_948 = arith.addi %get3A_946, %add3A_947 : vector<16xi32>
          %dma_start3A_949 = arith.constant 128 : i32
          %dma_start3A_950 = arith.constant 0 : i32
          %dma_start3A_951 = tpu.memref_slice %arg10[%dma_start3A_949, %dma_start3A_950] : memref<160x128xf32, #tpu.memory_space<vmem>> -> memref<16x128xf32, #tpu.memory_space<vmem>>
          %dma_start3A_952 = arith.constant 0 : i32
          %dma_start3A_953 = arith.constant 0 : i32
          %dma_start3A_954 = tpu.memref_slice %arg2[%dma_start3A_952, %dma_start3A_953] : memref<80000x128xf32, #tpu.memory_space<hbm>> -> memref<80000x128xf32, #tpu.memory_space<hbm>>
          tpu.enqueue_indirect_dma source(%dma_start3A_954 : memref<80000x128xf32, #tpu.memory_space<hbm>>) target(%dma_start3A_951 : memref<16x128xf32, #tpu.memory_space<vmem>>) offsets(%add3A_948 : vector<16xi32>) semaphore(%arg12 : memref<!tpu.dma_semaphore, #tpu.memory_space<semaphore_mem>>)
          %add3A_955 = arith.constant 144 : i32
          %add3A_956 = arith.addi %mul3A_599, %add3A_955 : i32
          %jit3A_957 = arith.constant 10000 : i32
          %div3A_958 = arith.divsi %add3A_956, %jit3A_957 : i32
          %sign3A_959 = arith.constant 0 : i32
          %sign3A_960 = arith.cmpi sgt, %add3A_956, %sign3A_959 : i32
          %sign3A_961 = arith.extui %sign3A_960 : i1 to i32
          %sign3A_962 = arith.constant 0 : i32
          %sign3A_963 = arith.cmpi slt, %add3A_956, %sign3A_962 : i32
          %sign3A_964 = arith.extui %sign3A_963 : i1 to i32
          %sign3A_965 = arith.subi %sign3A_961, %sign3A_964 : i32
          %sign3A_966 = arith.constant 0 : i32
          %sign3A_967 = arith.cmpi sgt, %jit3A_957, %sign3A_966 : i32
          %sign3A_968 = arith.extui %sign3A_967 : i1 to i32
          %sign3A_969 = arith.constant 0 : i32
          %sign3A_970 = arith.cmpi slt, %jit3A_957, %sign3A_969 : i32
          %sign3A_971 = arith.extui %sign3A_970 : i1 to i32
          %sign3A_972 = arith.subi %sign3A_968, %sign3A_971 : i32
          %ne3A_973 = arith.cmpi ne, %sign3A_965, %sign3A_972 : i32
          %rem3A_974 = arith.remsi %add3A_956, %jit3A_957 : i32
          %ne3A_975 = arith.constant 0 : i32
          %ne3A_976 = arith.cmpi ne, %rem3A_974, %ne3A_975 : i32
          %and3A_977 = arith.andi %ne3A_973, %ne3A_976 : i1
          %sub3A_978 = arith.constant 1 : i32
          %sub3A_979 = arith.subi %div3A_958, %sub3A_978 : i32
          %select_n3A_980 = arith.select %and3A_977, %sub3A_979, %div3A_958 : i32
          %mul3A_981 = arith.constant 10000 : i32
          %mul3A_982 = arith.muli %select_n3A_980, %mul3A_981 : i32
          %get3A_983 = arith.constant 144 : index
          %get3A_984 = tpu.vector_load %arg6[%get3A_983] {strides = array<i32>} : memref<160xi32, #tpu.memory_space<vmem>>, vector<16xi32>,
          %get3A_985 = vector.shape_cast %get3A_984 : vector<16xi32> to vector<16xi32>
          %add3A_986 = vector.broadcast %mul3A_982 : i32 to vector<16xi32>
          %add3A_987 = arith.addi %get3A_985, %add3A_986 : vector<16xi32>
          %dma_start3A_988 = arith.constant 144 : i32
          %dma_start3A_989 = arith.constant 0 : i32
          %dma_start3A_990 = tpu.memref_slice %arg10[%dma_start3A_988, %dma_start3A_989] : memref<160x128xf32, #tpu.memory_space<vmem>> -> memref<16x128xf32, #tpu.memory_space<vmem>>
          %dma_start3A_991 = arith.constant 0 : i32
          %dma_start3A_992 = arith.constant 0 : i32
          %dma_start3A_993 = tpu.memref_slice %arg2[%dma_start3A_991, %dma_start3A_992] : memref<80000x128xf32, #tpu.memory_space<hbm>> -> memref<80000x128xf32, #tpu.memory_space<hbm>>
          tpu.enqueue_indirect_dma source(%dma_start3A_993 : memref<80000x128xf32, #tpu.memory_space<hbm>>) target(%dma_start3A_990 : memref<16x128xf32, #tpu.memory_space<vmem>>) offsets(%add3A_987 : vector<16xi32>) semaphore(%arg12 : memref<!tpu.dma_semaphore, #tpu.memory_space<semaphore_mem>>)
        } else {
        }
        %dma_wait3A = arith.constant 0 : i32
        %dma_wait3A_522 = arith.constant 0 : i32
        %dma_wait3A_523 = tpu.memref_slice %arg2[%dma_wait3A, %dma_wait3A_522] : memref<80000x128xf32, #tpu.memory_space<hbm>> -> memref<160x128xf32, #tpu.memory_space<hbm>>
        %dma_wait3A_524 = arith.constant 0 : i32
        %dma_wait3A_525 = arith.constant 0 : i32
        %dma_wait3A_526 = tpu.memref_slice %arg2[%dma_wait3A_524, %dma_wait3A_525] : memref<80000x128xf32, #tpu.memory_space<hbm>> -> memref<160x128xf32, #tpu.memory_space<hbm>>
        tpu.wait_dma2 semaphore(%arg11 : memref<!tpu.dma_semaphore, #tpu.memory_space<semaphore_mem>>) src(%dma_wait3A_526 : memref<160x128xf32, #tpu.memory_space<hbm>>) dst(%arg7 : memref<160x128xf32, #tpu.memory_space<vmem>>)
        %broadcast_in_dim3A = arith.constant 0 : i32
        %broadcast_in_dim3A_527 = vector.broadcast %broadcast_in_dim3A : i32 to vector<16xi32>
        %dma_wait3A_528 = arith.constant 0 : i32
        %dma_wait3A_529 = arith.constant 0 : i32
        %dma_wait3A_530 = tpu.memref_slice %arg9[%dma_wait3A_528, %dma_wait3A_529] : memref<160x128xf32, #tpu.memory_space<vmem>> -> memref<16x128xf32, #tpu.memory_space<vmem>>
        %dma_wait3A_531 = arith.constant 0 : i32
        %dma_wait3A_532 = arith.constant 0 : i32
        %dma_wait3A_533 = tpu.memref_slice %arg2[%dma_wait3A_531, %dma_wait3A_532] : memref<80000x128xf32, #tpu.memory_space<hbm>> -> memref<80000x128xf32, #tpu.memory_space<hbm>>
        tpu.wait_indirect_dma semaphore(%arg11 : memref<!tpu.dma_semaphore, #tpu.memory_space<semaphore_mem>>) src(%dma_wait3A_533 : memref<80000x128xf32, #tpu.memory_space<hbm>>) dst(%dma_wait3A_530 : memref<16x128xf32, #tpu.memory_space<vmem>>)
        %dma_wait3A_534 = arith.constant 16 : i32
        %dma_wait3A_535 = arith.constant 0 : i32
        %dma_wait3A_536 = tpu.memref_slice %arg9[%dma_wait3A_534, %dma_wait3A_535] : memref<160x128xf32, #tpu.memory_space<vmem>> -> memref<16x128xf32, #tpu.memory_space<vmem>>
        %dma_wait3A_537 = arith.constant 0 : i32
        %dma_wait3A_538 = arith.constant 0 : i32
        %dma_wait3A_539 = tpu.memref_slice %arg2[%dma_wait3A_537, %dma_wait3A_538] : memref<80000x128xf32, #tpu.memory_space<hbm>> -> memref<80000x128xf32, #tpu.memory_space<hbm>>
        tpu.wait_indirect_dma semaphore(%arg11 : memref<!tpu.dma_semaphore, #tpu.memory_space<semaphore_mem>>) src(%dma_wait3A_539 : memref<80000x128xf32, #tpu.memory_space<hbm>>) dst(%dma_wait3A_536 : memref<16x128xf32, #tpu.memory_space<vmem>>)
        %dma_wait3A_540 = arith.constant 32 : i32
        %dma_wait3A_541 = arith.constant 0 : i32
        %dma_wait3A_542 = tpu.memref_slice %arg9[%dma_wait3A_540, %dma_wait3A_541] : memref<160x128xf32, #tpu.memory_space<vmem>> -> memref<16x128xf32, #tpu.memory_space<vmem>>
        %dma_wait3A_543 = arith.constant 0 : i32
        %dma_wait3A_544 = arith.constant 0 : i32
        %dma_wait3A_545 = tpu.memref_slice %arg2[%dma_wait3A_543, %dma_wait3A_544] : memref<80000x128xf32, #tpu.memory_space<hbm>> -> memref<80000x128xf32, #tpu.memory_space<hbm>>
        tpu.wait_indirect_dma semaphore(%arg11 : memref<!tpu.dma_semaphore, #tpu.memory_space<semaphore_mem>>) src(%dma_wait3A_545 : memref<80000x128xf32, #tpu.memory_space<hbm>>) dst(%dma_wait3A_542 : memref<16x128xf32, #tpu.memory_space<vmem>>)
        %dma_wait3A_546 = arith.constant 48 : i32
        %dma_wait3A_547 = arith.constant 0 : i32
        %dma_wait3A_548 = tpu.memref_slice %arg9[%dma_wait3A_546, %dma_wait3A_547] : memref<160x128xf32, #tpu.memory_space<vmem>> -> memref<16x128xf32, #tpu.memory_space<vmem>>
        %dma_wait3A_549 = arith.constant 0 : i32
        %dma_wait3A_550 = arith.constant 0 : i32
        %dma_wait3A_551 = tpu.memref_slice %arg2[%dma_wait3A_549, %dma_wait3A_550] : memref<80000x128xf32, #tpu.memory_space<hbm>> -> memref<80000x128xf32, #tpu.memory_space<hbm>>
        tpu.wait_indirect_dma semaphore(%arg11 : memref<!tpu.dma_semaphore, #tpu.memory_space<semaphore_mem>>) src(%dma_wait3A_551 : memref<80000x128xf32, #tpu.memory_space<hbm>>) dst(%dma_wait3A_548 : memref<16x128xf32, #tpu.memory_space<vmem>>)
        %dma_wait3A_552 = arith.constant 64 : i32
        %dma_wait3A_553 = arith.constant 0 : i32
        %dma_wait3A_554 = tpu.memref_slice %arg9[%dma_wait3A_552, %dma_wait3A_553] : memref<160x128xf32, #tpu.memory_space<vmem>> -> memref<16x128xf32, #tpu.memory_space<vmem>>
        %dma_wait3A_555 = arith.constant 0 : i32
        %dma_wait3A_556 = arith.constant 0 : i32
        %dma_wait3A_557 = tpu.memref_slice %arg2[%dma_wait3A_555, %dma_wait3A_556] : memref<80000x128xf32, #tpu.memory_space<hbm>> -> memref<80000x128xf32, #tpu.memory_space<hbm>>
        tpu.wait_indirect_dma semaphore(%arg11 : memref<!tpu.dma_semaphore, #tpu.memory_space<semaphore_mem>>) src(%dma_wait3A_557 : memref<80000x128xf32, #tpu.memory_space<hbm>>) dst(%dma_wait3A_554 : memref<16x128xf32, #tpu.memory_space<vmem>>)
        %dma_wait3A_558 = arith.constant 80 : i32
        %dma_wait3A_559 = arith.constant 0 : i32
        %dma_wait3A_560 = tpu.memref_slice %arg9[%dma_wait3A_558, %dma_wait3A_559] : memref<160x128xf32, #tpu.memory_space<vmem>> -> memref<16x128xf32, #tpu.memory_space<vmem>>
        %dma_wait3A_561 = arith.constant 0 : i32
        %dma_wait3A_562 = arith.constant 0 : i32
        %dma_wait3A_563 = tpu.memref_slice %arg2[%dma_wait3A_561, %dma_wait3A_562] : memref<80000x128xf32, #tpu.memory_space<hbm>> -> memref<80000x128xf32, #tpu.memory_space<hbm>>
        tpu.wait_indirect_dma semaphore(%arg11 : memref<!tpu.dma_semaphore, #tpu.memory_space<semaphore_mem>>) src(%dma_wait3A_563 : memref<80000x128xf32, #tpu.memory_space<hbm>>) dst(%dma_wait3A_560 : memref<16x128xf32, #tpu.memory_space<vmem>>)
        %dma_wait3A_564 = arith.constant 96 : i32
        %dma_wait3A_565 = arith.constant 0 : i32
        %dma_wait3A_566 = tpu.memref_slice %arg9[%dma_wait3A_564, %dma_wait3A_565] : memref<160x128xf32, #tpu.memory_space<vmem>> -> memref<16x128xf32, #tpu.memory_space<vmem>>
        %dma_wait3A_567 = arith.constant 0 : i32
        %dma_wait3A_568 = arith.constant 0 : i32
        %dma_wait3A_569 = tpu.memref_slice %arg2[%dma_wait3A_567, %dma_wait3A_568] : memref<80000x128xf32, #tpu.memory_space<hbm>> -> memref<80000x128xf32, #tpu.memory_space<hbm>>
        tpu.wait_indirect_dma semaphore(%arg11 : memref<!tpu.dma_semaphore, #tpu.memory_space<semaphore_mem>>) src(%dma_wait3A_569 : memref<80000x128xf32, #tpu.memory_space<hbm>>) dst(%dma_wait3A_566 : memref<16x128xf32, #tpu.memory_space<vmem>>)
        %dma_wait3A_570 = arith.constant 112 : i32
        %dma_wait3A_571 = arith.constant 0 : i32
        %dma_wait3A_572 = tpu.memref_slice %arg9[%dma_wait3A_570, %dma_wait3A_571] : memref<160x128xf32, #tpu.memory_space<vmem>> -> memref<16x128xf32, #tpu.memory_space<vmem>>
        %dma_wait3A_573 = arith.constant 0 : i32
        %dma_wait3A_574 = arith.constant 0 : i32
        %dma_wait3A_575 = tpu.memref_slice %arg2[%dma_wait3A_573, %dma_wait3A_574] : memref<80000x128xf32, #tpu.memory_space<hbm>> -> memref<80000x128xf32, #tpu.memory_space<hbm>>
        tpu.wait_indirect_dma semaphore(%arg11 : memref<!tpu.dma_semaphore, #tpu.memory_space<semaphore_mem>>) src(%dma_wait3A_575 : memref<80000x128xf32, #tpu.memory_space<hbm>>) dst(%dma_wait3A_572 : memref<16x128xf32, #tpu.memory_space<vmem>>)
        %dma_wait3A_576 = arith.constant 128 : i32
        %dma_wait3A_577 = arith.constant 0 : i32
        %dma_wait3A_578 = tpu.memref_slice %arg9[%dma_wait3A_576, %dma_wait3A_577] : memref<160x128xf32, #tpu.memory_space<vmem>> -> memref<16x128xf32, #tpu.memory_space<vmem>>
        %dma_wait3A_579 = arith.constant 0 : i32
        %dma_wait3A_580 = arith.constant 0 : i32
        %dma_wait3A_581 = tpu.memref_slice %arg2[%dma_wait3A_579, %dma_wait3A_580] : memref<80000x128xf32, #tpu.memory_space<hbm>> -> memref<80000x128xf32, #tpu.memory_space<hbm>>
        tpu.wait_indirect_dma semaphore(%arg11 : memref<!tpu.dma_semaphore, #tpu.memory_space<semaphore_mem>>) src(%dma_wait3A_581 : memref<80000x128xf32, #tpu.memory_space<hbm>>) dst(%dma_wait3A_578 : memref<16x128xf32, #tpu.memory_space<vmem>>)
        %dma_wait3A_582 = arith.constant 144 : i32
        %dma_wait3A_583 = arith.constant 0 : i32
        %dma_wait3A_584 = tpu.memref_slice %arg9[%dma_wait3A_582, %dma_wait3A_583] : memref<160x128xf32, #tpu.memory_space<vmem>> -> memref<16x128xf32, #tpu.memory_space<vmem>>
        %dma_wait3A_585 = arith.constant 0 : i32
        %dma_wait3A_586 = arith.constant 0 : i32
        %dma_wait3A_587 = tpu.memref_slice %arg2[%dma_wait3A_585, %dma_wait3A_586] : memref<80000x128xf32, #tpu.memory_space<hbm>> -> memref<80000x128xf32, #tpu.memory_space<hbm>>
        tpu.wait_indirect_dma semaphore(%arg11 : memref<!tpu.dma_semaphore, #tpu.memory_space<semaphore_mem>>) src(%dma_wait3A_587 : memref<80000x128xf32, #tpu.memory_space<hbm>>) dst(%dma_wait3A_584 : memref<16x128xf32, #tpu.memory_space<vmem>>)
        %parallel_loop3A = arith.constant 0 : i32
        %parallel_loop3A_588 = arith.constant 160 : i32
        %parallel_loop3A_589 = arith.constant 1 : i32
        scf.for %parallel_loop3A_596 = %parallel_loop3A to %parallel_loop3A_588 step %parallel_loop3A_589  : i32 {
          %parallel_loop3A_597 = arith.index_cast %parallel_loop3A_596 : i32 to index
          %parallel_loop3A_598 = arith.constant 0 : index
          %parallel_loop3A_599 = tpu.vector_load %arg7[%parallel_loop3A_597, %parallel_loop3A_598] {strides = array<i32>} : memref<160x128xf32, #tpu.memory_space<vmem>>, vector<1x16xf32>,
          %parallel_loop3A_600 = vector.shape_cast %parallel_loop3A_599 : vector<1x16xf32> to vector<16xf32>
          %parallel_loop3A_601 = arith.index_cast %parallel_loop3A_596 : i32 to index
          %parallel_loop3A_602 = arith.constant 0 : index
          %parallel_loop3A_603 = tpu.vector_load %arg9[%parallel_loop3A_601, %parallel_loop3A_602] {strides = array<i32>} : memref<160x128xf32, #tpu.memory_space<vmem>>, vector<1x16xf32>,
          %parallel_loop3A_604 = vector.shape_cast %parallel_loop3A_603 : vector<1x16xf32> to vector<16xf32>
          %parallel_loop3A_605 = arith.subf %parallel_loop3A_604, %parallel_loop3A_600 : vector<16xf32>
          %parallel_loop3A_606 = arith.mulf %parallel_loop3A_605, %parallel_loop3A_600 : vector<16xf32>
          %parallel_loop3A_607 = arith.index_cast %parallel_loop3A_596 : i32 to index
          %parallel_loop3A_608 = arith.constant 16 : index
          %parallel_loop3A_609 = tpu.vector_load %arg7[%parallel_loop3A_607, %parallel_loop3A_608] {strides = array<i32>} : memref<160x128xf32, #tpu.memory_space<vmem>>, vector<1x16xf32>,
          %parallel_loop3A_610 = vector.shape_cast %parallel_loop3A_609 : vector<1x16xf32> to vector<16xf32>
          %parallel_loop3A_611 = arith.index_cast %parallel_loop3A_596 : i32 to index
          %parallel_loop3A_612 = arith.constant 16 : index
          %parallel_loop3A_613 = tpu.vector_load %arg9[%parallel_loop3A_611, %parallel_loop3A_612] {strides = array<i32>} : memref<160x128xf32, #tpu.memory_space<vmem>>, vector<1x16xf32>,
          %parallel_loop3A_614 = vector.shape_cast %parallel_loop3A_613 : vector<1x16xf32> to vector<16xf32>
          %parallel_loop3A_615 = arith.subf %parallel_loop3A_614, %parallel_loop3A_610 : vector<16xf32>
          %parallel_loop3A_616 = arith.mulf %parallel_loop3A_615, %parallel_loop3A_610 : vector<16xf32>
          %parallel_loop3A_617 = arith.index_cast %parallel_loop3A_596 : i32 to index
          %parallel_loop3A_618 = arith.constant 32 : index
          %parallel_loop3A_619 = tpu.vector_load %arg7[%parallel_loop3A_617, %parallel_loop3A_618] {strides = array<i32>} : memref<160x128xf32, #tpu.memory_space<vmem>>, vector<1x16xf32>,
          %parallel_loop3A_620 = vector.shape_cast %parallel_loop3A_619 : vector<1x16xf32> to vector<16xf32>
          %parallel_loop3A_621 = arith.index_cast %parallel_loop3A_596 : i32 to index
          %parallel_loop3A_622 = arith.constant 32 : index
          %parallel_loop3A_623 = tpu.vector_load %arg9[%parallel_loop3A_621, %parallel_loop3A_622] {strides = array<i32>} : memref<160x128xf32, #tpu.memory_space<vmem>>, vector<1x16xf32>,
          %parallel_loop3A_624 = vector.shape_cast %parallel_loop3A_623 : vector<1x16xf32> to vector<16xf32>
          %parallel_loop3A_625 = arith.subf %parallel_loop3A_624, %parallel_loop3A_620 : vector<16xf32>
          %parallel_loop3A_626 = arith.mulf %parallel_loop3A_625, %parallel_loop3A_620 : vector<16xf32>
          %parallel_loop3A_627 = arith.index_cast %parallel_loop3A_596 : i32 to index
          %parallel_loop3A_628 = arith.constant 48 : index
          %parallel_loop3A_629 = tpu.vector_load %arg7[%parallel_loop3A_627, %parallel_loop3A_628] {strides = array<i32>} : memref<160x128xf32, #tpu.memory_space<vmem>>, vector<1x16xf32>,
          %parallel_loop3A_630 = vector.shape_cast %parallel_loop3A_629 : vector<1x16xf32> to vector<16xf32>
          %parallel_loop3A_631 = arith.index_cast %parallel_loop3A_596 : i32 to index
          %parallel_loop3A_632 = arith.constant 48 : index
          %parallel_loop3A_633 = tpu.vector_load %arg9[%parallel_loop3A_631, %parallel_loop3A_632] {strides = array<i32>} : memref<160x128xf32, #tpu.memory_space<vmem>>, vector<1x16xf32>,
          %parallel_loop3A_634 = vector.shape_cast %parallel_loop3A_633 : vector<1x16xf32> to vector<16xf32>
          %parallel_loop3A_635 = arith.subf %parallel_loop3A_634, %parallel_loop3A_630 : vector<16xf32>
          %parallel_loop3A_636 = arith.mulf %parallel_loop3A_635, %parallel_loop3A_630 : vector<16xf32>
          %parallel_loop3A_637 = arith.index_cast %parallel_loop3A_596 : i32 to index
          %parallel_loop3A_638 = arith.constant 64 : index
          %parallel_loop3A_639 = tpu.vector_load %arg7[%parallel_loop3A_637, %parallel_loop3A_638] {strides = array<i32>} : memref<160x128xf32, #tpu.memory_space<vmem>>, vector<1x16xf32>,
          %parallel_loop3A_640 = vector.shape_cast %parallel_loop3A_639 : vector<1x16xf32> to vector<16xf32>
          %parallel_loop3A_641 = arith.index_cast %parallel_loop3A_596 : i32 to index
          %parallel_loop3A_642 = arith.constant 64 : index
          %parallel_loop3A_643 = tpu.vector_load %arg9[%parallel_loop3A_641, %parallel_loop3A_642] {strides = array<i32>} : memref<160x128xf32, #tpu.memory_space<vmem>>, vector<1x16xf32>,
          %parallel_loop3A_644 = vector.shape_cast %parallel_loop3A_643 : vector<1x16xf32> to vector<16xf32>
          %parallel_loop3A_645 = arith.subf %parallel_loop3A_644, %parallel_loop3A_640 : vector<16xf32>
          %parallel_loop3A_646 = arith.mulf %parallel_loop3A_645, %parallel_loop3A_640 : vector<16xf32>
          %parallel_loop3A_647 = arith.index_cast %parallel_loop3A_596 : i32 to index
          %parallel_loop3A_648 = arith.constant 80 : index
          %parallel_loop3A_649 = tpu.vector_load %arg7[%parallel_loop3A_647, %parallel_loop3A_648] {strides = array<i32>} : memref<160x128xf32, #tpu.memory_space<vmem>>, vector<1x16xf32>,
          %parallel_loop3A_650 = vector.shape_cast %parallel_loop3A_649 : vector<1x16xf32> to vector<16xf32>
          %parallel_loop3A_651 = arith.index_cast %parallel_loop3A_596 : i32 to index
          %parallel_loop3A_652 = arith.constant 80 : index
          %parallel_loop3A_653 = tpu.vector_load %arg9[%parallel_loop3A_651, %parallel_loop3A_652] {strides = array<i32>} : memref<160x128xf32, #tpu.memory_space<vmem>>, vector<1x16xf32>,
          %parallel_loop3A_654 = vector.shape_cast %parallel_loop3A_653 : vector<1x16xf32> to vector<16xf32>
          %parallel_loop3A_655 = arith.subf %parallel_loop3A_654, %parallel_loop3A_650 : vector<16xf32>
          %parallel_loop3A_656 = arith.mulf %parallel_loop3A_655, %parallel_loop3A_650 : vector<16xf32>
          %parallel_loop3A_657 = arith.index_cast %parallel_loop3A_596 : i32 to index
          %parallel_loop3A_658 = arith.constant 96 : index
          %parallel_loop3A_659 = tpu.vector_load %arg7[%parallel_loop3A_657, %parallel_loop3A_658] {strides = array<i32>} : memref<160x128xf32, #tpu.memory_space<vmem>>, vector<1x16xf32>,
          %parallel_loop3A_660 = vector.shape_cast %parallel_loop3A_659 : vector<1x16xf32> to vector<16xf32>
          %parallel_loop3A_661 = arith.index_cast %parallel_loop3A_596 : i32 to index
          %parallel_loop3A_662 = arith.constant 96 : index
          %parallel_loop3A_663 = tpu.vector_load %arg9[%parallel_loop3A_661, %parallel_loop3A_662] {strides = array<i32>} : memref<160x128xf32, #tpu.memory_space<vmem>>, vector<1x16xf32>,
          %parallel_loop3A_664 = vector.shape_cast %parallel_loop3A_663 : vector<1x16xf32> to vector<16xf32>
          %parallel_loop3A_665 = arith.subf %parallel_loop3A_664, %parallel_loop3A_660 : vector<16xf32>
          %parallel_loop3A_666 = arith.mulf %parallel_loop3A_665, %parallel_loop3A_660 : vector<16xf32>
          %parallel_loop3A_667 = arith.index_cast %parallel_loop3A_596 : i32 to index
          %parallel_loop3A_668 = arith.constant 112 : index
          %parallel_loop3A_669 = tpu.vector_load %arg7[%parallel_loop3A_667, %parallel_loop3A_668] {strides = array<i32>} : memref<160x128xf32, #tpu.memory_space<vmem>>, vector<1x16xf32>,
          %parallel_loop3A_670 = vector.shape_cast %parallel_loop3A_669 : vector<1x16xf32> to vector<16xf32>
          %parallel_loop3A_671 = arith.index_cast %parallel_loop3A_596 : i32 to index
          %parallel_loop3A_672 = arith.constant 112 : index
          %parallel_loop3A_673 = tpu.vector_load %arg9[%parallel_loop3A_671, %parallel_loop3A_672] {strides = array<i32>} : memref<160x128xf32, #tpu.memory_space<vmem>>, vector<1x16xf32>,
          %parallel_loop3A_674 = vector.shape_cast %parallel_loop3A_673 : vector<1x16xf32> to vector<16xf32>
          %parallel_loop3A_675 = arith.subf %parallel_loop3A_674, %parallel_loop3A_670 : vector<16xf32>
          %parallel_loop3A_676 = arith.mulf %parallel_loop3A_675, %parallel_loop3A_670 : vector<16xf32>
          %parallel_loop3A_677 = arith.addf %parallel_loop3A_606, %parallel_loop3A_616 : vector<16xf32>
          %parallel_loop3A_678 = arith.addf %parallel_loop3A_626, %parallel_loop3A_636 : vector<16xf32>
          %parallel_loop3A_679 = arith.addf %parallel_loop3A_646, %parallel_loop3A_656 : vector<16xf32>
          %parallel_loop3A_680 = arith.addf %parallel_loop3A_666, %parallel_loop3A_676 : vector<16xf32>
          %parallel_loop3A_681 = arith.addf %parallel_loop3A_677, %parallel_loop3A_678 : vector<16xf32>
          %parallel_loop3A_682 = arith.addf %parallel_loop3A_679, %parallel_loop3A_680 : vector<16xf32>
          %parallel_loop3A_683 = arith.addf %parallel_loop3A_681, %parallel_loop3A_682 : vector<16xf32>
          %parallel_loop3A_684 = tpu.iota {dimensions = array<i32: 0>} : vector<16xi32>
          %parallel_loop3A_685 = arith.constant 8 : i32
          %parallel_loop3A_686 = vector.broadcast %parallel_loop3A_685 : i32 to vector<16xi32>
          %parallel_loop3A_687 = arith.xori %parallel_loop3A_684, %parallel_loop3A_686 : vector<16xi32>
          %parallel_loop3A_688 = arith.constant 0 : i32
          %parallel_loop3A_689 = vector.broadcast %parallel_loop3A_688 : i32 to vector<16xi32>
          %parallel_loop3A_690 = arith.cmpi slt, %parallel_loop3A_687, %parallel_loop3A_689 : vector<16xi32>
          %parallel_loop3A_691 = arith.constant 16 : i32
          %parallel_loop3A_692 = vector.broadcast %parallel_loop3A_691 : i32 to vector<16xi32>
          %parallel_loop3A_693 = arith.addi %parallel_loop3A_687, %parallel_loop3A_692 : vector<16xi32>
          %parallel_loop3A_694 = arith.select %parallel_loop3A_690, %parallel_loop3A_693, %parallel_loop3A_687 : vector<16xi1>, vector<16xi32>
          %parallel_loop3A_695 = vector.shape_cast %parallel_loop3A_694 : vector<16xi32> to vector<16x1xi32>
          %parallel_loop3A_696 = vector.shape_cast %parallel_loop3A_695 : vector<16x1xi32> to vector<16xi32>
          %parallel_loop3A_697 = tpu.dynamic_gather %parallel_loop3A_683[%parallel_loop3A_696] in [0] : vector<16xf32>, vector<16xi32> -> vector<16xf32>
          %parallel_loop3A_698 = arith.addf %parallel_loop3A_683, %parallel_loop3A_697 : vector<16xf32>
          %parallel_loop3A_699 = arith.constant 4 : i32
          %parallel_loop3A_700 = vector.broadcast %parallel_loop3A_699 : i32 to vector<16xi32>
          %parallel_loop3A_701 = arith.xori %parallel_loop3A_684, %parallel_loop3A_700 : vector<16xi32>
          %parallel_loop3A_702 = arith.constant 0 : i32
          %parallel_loop3A_703 = vector.broadcast %parallel_loop3A_702 : i32 to vector<16xi32>
          %parallel_loop3A_704 = arith.cmpi slt, %parallel_loop3A_701, %parallel_loop3A_703 : vector<16xi32>
          %parallel_loop3A_705 = arith.constant 16 : i32
          %parallel_loop3A_706 = vector.broadcast %parallel_loop3A_705 : i32 to vector<16xi32>
          %parallel_loop3A_707 = arith.addi %parallel_loop3A_701, %parallel_loop3A_706 : vector<16xi32>
          %parallel_loop3A_708 = arith.select %parallel_loop3A_704, %parallel_loop3A_707, %parallel_loop3A_701 : vector<16xi1>, vector<16xi32>
          %parallel_loop3A_709 = vector.shape_cast %parallel_loop3A_708 : vector<16xi32> to vector<16x1xi32>
          %parallel_loop3A_710 = vector.shape_cast %parallel_loop3A_709 : vector<16x1xi32> to vector<16xi32>
          %parallel_loop3A_711 = tpu.dynamic_gather %parallel_loop3A_698[%parallel_loop3A_710] in [0] : vector<16xf32>, vector<16xi32> -> vector<16xf32>
          %parallel_loop3A_712 = arith.addf %parallel_loop3A_698, %parallel_loop3A_711 : vector<16xf32>
          %parallel_loop3A_713 = arith.constant 2 : i32
          %parallel_loop3A_714 = vector.broadcast %parallel_loop3A_713 : i32 to vector<16xi32>
          %parallel_loop3A_715 = arith.xori %parallel_loop3A_684, %parallel_loop3A_714 : vector<16xi32>
          %parallel_loop3A_716 = arith.constant 0 : i32
          %parallel_loop3A_717 = vector.broadcast %parallel_loop3A_716 : i32 to vector<16xi32>
          %parallel_loop3A_718 = arith.cmpi slt, %parallel_loop3A_715, %parallel_loop3A_717 : vector<16xi32>
          %parallel_loop3A_719 = arith.constant 16 : i32
          %parallel_loop3A_720 = vector.broadcast %parallel_loop3A_719 : i32 to vector<16xi32>
          %parallel_loop3A_721 = arith.addi %parallel_loop3A_715, %parallel_loop3A_720 : vector<16xi32>
          %parallel_loop3A_722 = arith.select %parallel_loop3A_718, %parallel_loop3A_721, %parallel_loop3A_715 : vector<16xi1>, vector<16xi32>
          %parallel_loop3A_723 = vector.shape_cast %parallel_loop3A_722 : vector<16xi32> to vector<16x1xi32>
          %parallel_loop3A_724 = vector.shape_cast %parallel_loop3A_723 : vector<16x1xi32> to vector<16xi32>
          %parallel_loop3A_725 = tpu.dynamic_gather %parallel_loop3A_712[%parallel_loop3A_724] in [0] : vector<16xf32>, vector<16xi32> -> vector<16xf32>
          %parallel_loop3A_726 = arith.addf %parallel_loop3A_712, %parallel_loop3A_725 : vector<16xf32>
          %parallel_loop3A_727 = arith.constant 1 : i32
          %parallel_loop3A_728 = vector.broadcast %parallel_loop3A_727 : i32 to vector<16xi32>
          %parallel_loop3A_729 = arith.xori %parallel_loop3A_684, %parallel_loop3A_728 : vector<16xi32>
          %parallel_loop3A_730 = arith.constant 0 : i32
          %parallel_loop3A_731 = vector.broadcast %parallel_loop3A_730 : i32 to vector<16xi32>
          %parallel_loop3A_732 = arith.cmpi slt, %parallel_loop3A_729, %parallel_loop3A_731 : vector<16xi32>
          %parallel_loop3A_733 = arith.constant 16 : i32
          %parallel_loop3A_734 = vector.broadcast %parallel_loop3A_733 : i32 to vector<16xi32>
          %parallel_loop3A_735 = arith.addi %parallel_loop3A_729, %parallel_loop3A_734 : vector<16xi32>
          %parallel_loop3A_736 = arith.select %parallel_loop3A_732, %parallel_loop3A_735, %parallel_loop3A_729 : vector<16xi1>, vector<16xi32>
          %parallel_loop3A_737 = vector.shape_cast %parallel_loop3A_736 : vector<16xi32> to vector<16x1xi32>
          %parallel_loop3A_738 = vector.shape_cast %parallel_loop3A_737 : vector<16x1xi32> to vector<16xi32>
          %parallel_loop3A_739 = tpu.dynamic_gather %parallel_loop3A_726[%parallel_loop3A_738] in [0] : vector<16xf32>, vector<16xi32> -> vector<16xf32>
          %parallel_loop3A_740 = arith.addf %parallel_loop3A_726, %parallel_loop3A_739 : vector<16xf32>
          %parallel_loop3A_741 = arith.constant -0.0883883461 : f32
          %parallel_loop3A_742 = vector.broadcast %parallel_loop3A_741 : f32 to vector<16xf32>
          %parallel_loop3A_743 = arith.mulf %parallel_loop3A_740, %parallel_loop3A_742 : vector<16xf32>
          %parallel_loop3A_744 = math.exp %parallel_loop3A_743 : vector<16xf32>
          %parallel_loop3A_745 = arith.constant 1.000000e+00 : f32
          %parallel_loop3A_746 = vector.broadcast %parallel_loop3A_745 : f32 to vector<16xf32>
          %parallel_loop3A_747 = arith.addf %parallel_loop3A_746, %parallel_loop3A_744 : vector<16xf32>
          %parallel_loop3A_748 = arith.constant 1.000000e+00 : f32
          %parallel_loop3A_749 = vector.broadcast %parallel_loop3A_748 : f32 to vector<16xf32>
          %parallel_loop3A_750 = arith.divf %parallel_loop3A_749, %parallel_loop3A_747 : vector<16xf32>
          %parallel_loop3A_751 = arith.mulf %parallel_loop3A_750, %parallel_loop3A_605 : vector<16xf32>
          %parallel_loop3A_752 = arith.addf %parallel_loop3A_600, %parallel_loop3A_751 : vector<16xf32>
          %parallel_loop3A_753 = arith.index_cast %parallel_loop3A_596 : i32 to index
          %parallel_loop3A_754 = arith.constant 0 : index
          %parallel_loop3A_755 = tpu.vector_load %arg9[%parallel_loop3A_753, %parallel_loop3A_754] {strides = array<i32>} : memref<160x128xf32, #tpu.memory_space<vmem>>, vector<1x16xf32>,
          %parallel_loop3A_756 = vector.shape_cast %parallel_loop3A_755 : vector<1x16xf32> to vector<16xf32>
          %parallel_loop3A_757 = vector.shape_cast %parallel_loop3A_752 : vector<16xf32> to vector<1x16xf32>
          tpu.vector_store %arg9[%parallel_loop3A_753, %parallel_loop3A_754], %parallel_loop3A_757 {strides = array<i32>} : memref<160x128xf32, #tpu.memory_space<vmem>>, vector<1x16xf32>,
          %parallel_loop3A_758 = arith.mulf %parallel_loop3A_750, %parallel_loop3A_615 : vector<16xf32>
          %parallel_loop3A_759 = arith.addf %parallel_loop3A_610, %parallel_loop3A_758 : vector<16xf32>
          %parallel_loop3A_760 = arith.index_cast %parallel_loop3A_596 : i32 to index
          %parallel_loop3A_761 = arith.constant 16 : index
          %parallel_loop3A_762 = tpu.vector_load %arg9[%parallel_loop3A_760, %parallel_loop3A_761] {strides = array<i32>} : memref<160x128xf32, #tpu.memory_space<vmem>>, vector<1x16xf32>,
          %parallel_loop3A_763 = vector.shape_cast %parallel_loop3A_762 : vector<1x16xf32> to vector<16xf32>
          %parallel_loop3A_764 = vector.shape_cast %parallel_loop3A_759 : vector<16xf32> to vector<1x16xf32>
          tpu.vector_store %arg9[%parallel_loop3A_760, %parallel_loop3A_761], %parallel_loop3A_764 {strides = array<i32>} : memref<160x128xf32, #tpu.memory_space<vmem>>, vector<1x16xf32>,
          %parallel_loop3A_765 = arith.mulf %parallel_loop3A_750, %parallel_loop3A_625 : vector<16xf32>
          %parallel_loop3A_766 = arith.addf %parallel_loop3A_620, %parallel_loop3A_765 : vector<16xf32>
          %parallel_loop3A_767 = arith.index_cast %parallel_loop3A_596 : i32 to index
          %parallel_loop3A_768 = arith.constant 32 : index
          %parallel_loop3A_769 = tpu.vector_load %arg9[%parallel_loop3A_767, %parallel_loop3A_768] {strides = array<i32>} : memref<160x128xf32, #tpu.memory_space<vmem>>, vector<1x16xf32>,
          %parallel_loop3A_770 = vector.shape_cast %parallel_loop3A_769 : vector<1x16xf32> to vector<16xf32>
          %parallel_loop3A_771 = vector.shape_cast %parallel_loop3A_766 : vector<16xf32> to vector<1x16xf32>
          tpu.vector_store %arg9[%parallel_loop3A_767, %parallel_loop3A_768], %parallel_loop3A_771 {strides = array<i32>} : memref<160x128xf32, #tpu.memory_space<vmem>>, vector<1x16xf32>,
          %parallel_loop3A_772 = arith.mulf %parallel_loop3A_750, %parallel_loop3A_635 : vector<16xf32>
          %parallel_loop3A_773 = arith.addf %parallel_loop3A_630, %parallel_loop3A_772 : vector<16xf32>
          %parallel_loop3A_774 = arith.index_cast %parallel_loop3A_596 : i32 to index
          %parallel_loop3A_775 = arith.constant 48 : index
          %parallel_loop3A_776 = tpu.vector_load %arg9[%parallel_loop3A_774, %parallel_loop3A_775] {strides = array<i32>} : memref<160x128xf32, #tpu.memory_space<vmem>>, vector<1x16xf32>,
          %parallel_loop3A_777 = vector.shape_cast %parallel_loop3A_776 : vector<1x16xf32> to vector<16xf32>
          %parallel_loop3A_778 = vector.shape_cast %parallel_loop3A_773 : vector<16xf32> to vector<1x16xf32>
          tpu.vector_store %arg9[%parallel_loop3A_774, %parallel_loop3A_775], %parallel_loop3A_778 {strides = array<i32>} : memref<160x128xf32, #tpu.memory_space<vmem>>, vector<1x16xf32>,
          %parallel_loop3A_779 = arith.mulf %parallel_loop3A_750, %parallel_loop3A_645 : vector<16xf32>
          %parallel_loop3A_780 = arith.addf %parallel_loop3A_640, %parallel_loop3A_779 : vector<16xf32>
          %parallel_loop3A_781 = arith.index_cast %parallel_loop3A_596 : i32 to index
          %parallel_loop3A_782 = arith.constant 64 : index
          %parallel_loop3A_783 = tpu.vector_load %arg9[%parallel_loop3A_781, %parallel_loop3A_782] {strides = array<i32>} : memref<160x128xf32, #tpu.memory_space<vmem>>, vector<1x16xf32>,
          %parallel_loop3A_784 = vector.shape_cast %parallel_loop3A_783 : vector<1x16xf32> to vector<16xf32>
          %parallel_loop3A_785 = vector.shape_cast %parallel_loop3A_780 : vector<16xf32> to vector<1x16xf32>
          tpu.vector_store %arg9[%parallel_loop3A_781, %parallel_loop3A_782], %parallel_loop3A_785 {strides = array<i32>} : memref<160x128xf32, #tpu.memory_space<vmem>>, vector<1x16xf32>,
          %parallel_loop3A_786 = arith.mulf %parallel_loop3A_750, %parallel_loop3A_655 : vector<16xf32>
          %parallel_loop3A_787 = arith.addf %parallel_loop3A_650, %parallel_loop3A_786 : vector<16xf32>
          %parallel_loop3A_788 = arith.index_cast %parallel_loop3A_596 : i32 to index
          %parallel_loop3A_789 = arith.constant 80 : index
          %parallel_loop3A_790 = tpu.vector_load %arg9[%parallel_loop3A_788, %parallel_loop3A_789] {strides = array<i32>} : memref<160x128xf32, #tpu.memory_space<vmem>>, vector<1x16xf32>,
          %parallel_loop3A_791 = vector.shape_cast %parallel_loop3A_790 : vector<1x16xf32> to vector<16xf32>
          %parallel_loop3A_792 = vector.shape_cast %parallel_loop3A_787 : vector<16xf32> to vector<1x16xf32>
          tpu.vector_store %arg9[%parallel_loop3A_788, %parallel_loop3A_789], %parallel_loop3A_792 {strides = array<i32>} : memref<160x128xf32, #tpu.memory_space<vmem>>, vector<1x16xf32>,
          %parallel_loop3A_793 = arith.mulf %parallel_loop3A_750, %parallel_loop3A_665 : vector<16xf32>
          %parallel_loop3A_794 = arith.addf %parallel_loop3A_660, %parallel_loop3A_793 : vector<16xf32>
          %parallel_loop3A_795 = arith.index_cast %parallel_loop3A_596 : i32 to index
          %parallel_loop3A_796 = arith.constant 96 : index
          %parallel_loop3A_797 = tpu.vector_load %arg9[%parallel_loop3A_795, %parallel_loop3A_796] {strides = array<i32>} : memref<160x128xf32, #tpu.memory_space<vmem>>, vector<1x16xf32>,
          %parallel_loop3A_798 = vector.shape_cast %parallel_loop3A_797 : vector<1x16xf32> to vector<16xf32>
          %parallel_loop3A_799 = vector.shape_cast %parallel_loop3A_794 : vector<16xf32> to vector<1x16xf32>
          tpu.vector_store %arg9[%parallel_loop3A_795, %parallel_loop3A_796], %parallel_loop3A_799 {strides = array<i32>} : memref<160x128xf32, #tpu.memory_space<vmem>>, vector<1x16xf32>,
          %parallel_loop3A_800 = arith.mulf %parallel_loop3A_750, %parallel_loop3A_675 : vector<16xf32>
          %parallel_loop3A_801 = arith.addf %parallel_loop3A_670, %parallel_loop3A_800 : vector<16xf32>
          %parallel_loop3A_802 = arith.index_cast %parallel_loop3A_596 : i32 to index
          %parallel_loop3A_803 = arith.constant 112 : index
          %parallel_loop3A_804 = tpu.vector_load %arg9[%parallel_loop3A_802, %parallel_loop3A_803] {strides = array<i32>} : memref<160x128xf32, #tpu.memory_space<vmem>>, vector<1x16xf32>,
          %parallel_loop3A_805 = vector.shape_cast %parallel_loop3A_804 : vector<1x16xf32> to vector<16xf32>
          %parallel_loop3A_806 = vector.shape_cast %parallel_loop3A_801 : vector<16xf32> to vector<1x16xf32>
          tpu.vector_store %arg9[%parallel_loop3A_802, %parallel_loop3A_803], %parallel_loop3A_806 {strides = array<i32>} : memref<160x128xf32, #tpu.memory_space<vmem>>, vector<1x16xf32>,
        } {sc.loop_unroll_factor = 1 : i64, sc.parallel_access}
        %mul3A_590 = arith.constant 160 : i32
        %mul3A_591 = arith.muli %add3A_511, %mul3A_590 : i32
        %dma_start3A_592 = arith.constant 0 : i32
        %dma_start3A_593 = tpu.memref_slice %arg4[%mul3A_591, %dma_start3A_592] : memref<80000x128xf32, #tpu.memory_space<hbm>> -> memref<160x128xf32, #tpu.memory_space<hbm>>
        %dma_start3A_594 = arith.constant 0 : i32
        %dma_start3A_595 = tpu.memref_slice %arg4[%mul3A_591, %dma_start3A_594] : memref<80000x128xf32, #tpu.memory_space<hbm>> -> memref<160x128xf32, #tpu.memory_space<hbm>>
        tpu.enqueue_dma source(%arg9 : memref<160x128xf32, #tpu.memory_space<vmem>>) target(%dma_start3A_595 : memref<160x128xf32, #tpu.memory_space<hbm>>) target_semaphore(%arg13 : memref<!tpu.dma_semaphore, #tpu.memory_space<semaphore_mem>>)
      } else {
      }
      %jit3A_488 = arith.constant 2 : i32
      %eq3A_489 = arith.constant 0 : i32
      %eq3A_490 = arith.cmpi eq, %jit3A_488, %eq3A_489 : i32
      %jit3A_491 = arith.constant 1 : i32
      %select_n3A_492 = arith.select %eq3A_490, %jit3A_491, %jit3A_488 : i32
      %rem3A_493 = arith.remsi %while3A_466, %select_n3A_492 : i32
      %ne3A_494 = arith.constant 0 : i32
      %ne3A_495 = arith.cmpi ne, %rem3A_493, %ne3A_494 : i32
      %lt3A_496 = arith.constant 0 : i32
      %lt3A_497 = arith.cmpi slt, %rem3A_493, %lt3A_496 : i32
      %lt3A_498 = arith.constant 0 : i32
      %lt3A_499 = arith.cmpi slt, %select_n3A_492, %lt3A_498 : i32
      %ne3A_500 = arith.xori %lt3A_497, %lt3A_499 : i1
      %and3A_501 = arith.andi %ne3A_500, %ne3A_495 : i1
      %add3A_502 = arith.addi %rem3A_493, %select_n3A_492 : i32
      %select_n3A_503 = arith.select %and3A_501, %add3A_502, %rem3A_493 : i32
      %eq3A_504 = arith.constant 1 : i32
      %eq3A_505 = arith.cmpi eq, %select_n3A_503, %eq3A_504 : i32
      %convert_element_type3A_506 = arith.extui %eq3A_505 : i1 to i32
      %cond3A_507 = arith.constant 0 : i32
      %cond3A_508 = arith.cmpi ne, %convert_element_type3A_506, %cond3A_507 : i32
      scf.if %cond3A_508 {
        %mul3A_509 = arith.constant 32 : i32
        %mul3A_510 = arith.muli %while3A_466, %mul3A_509 : i32
        %add3A_511 = arith.addi %add3A, %mul3A_510 : i32
        %ge3A = arith.constant 1 : i32
        %ge3A_512 = arith.cmpi sge, %while3A_466, %ge3A : i32
        %convert_element_type3A_513 = arith.extui %ge3A_512 : i1 to i32
        %cond3A_514 = arith.constant 0 : i32
        %cond3A_515 = arith.cmpi ne, %convert_element_type3A_513, %cond3A_514 : i32
        scf.if %cond3A_515 {
          %dma_wait3A_596 = arith.constant 0 : i32
          %dma_wait3A_597 = arith.constant 0 : i32
          %dma_wait3A_598 = tpu.memref_slice %arg4[%dma_wait3A_596, %dma_wait3A_597] : memref<80000x128xf32, #tpu.memory_space<hbm>> -> memref<160x128xf32, #tpu.memory_space<hbm>>
          %dma_wait3A_599 = arith.constant 0 : i32
          %dma_wait3A_600 = arith.constant 0 : i32
          %dma_wait3A_601 = tpu.memref_slice %arg4[%dma_wait3A_599, %dma_wait3A_600] : memref<80000x128xf32, #tpu.memory_space<hbm>> -> memref<160x128xf32, #tpu.memory_space<hbm>>
          tpu.wait_dma2 semaphore(%arg13 : memref<!tpu.dma_semaphore, #tpu.memory_space<semaphore_mem>>) src(%arg9 : memref<160x128xf32, #tpu.memory_space<vmem>>) dst(%dma_wait3A_601 : memref<160x128xf32, #tpu.memory_space<hbm>>)
        } else {
        }
        %add3A_516 = arith.constant 1 : i32
        %add3A_517 = arith.addi %while3A_466, %add3A_516 : i32
        %lt3A_518 = arith.cmpi slt, %add3A_517, %add3A_20 : i32
        %convert_element_type3A_519 = arith.extui %lt3A_518 : i1 to i32
        %cond3A_520 = arith.constant 0 : i32
        %cond3A_521 = arith.cmpi ne, %convert_element_type3A_519, %cond3A_520 : i32
        scf.if %cond3A_521 {
          %add3A_596 = arith.constant 32 : i32
          %add3A_597 = arith.addi %add3A_511, %add3A_596 : i32
          %mul3A_598 = arith.constant 160 : i32
          %mul3A_599 = arith.muli %add3A_597, %mul3A_598 : i32
          %dma_start3A_600 = arith.constant 0 : i32
          %dma_start3A_601 = tpu.memref_slice %arg2[%mul3A_599, %dma_start3A_600] : memref<80000x128xf32, #tpu.memory_space<hbm>> -> memref<160x128xf32, #tpu.memory_space<hbm>>
          %dma_start3A_602 = arith.constant 0 : i32
          %dma_start3A_603 = tpu.memref_slice %arg2[%mul3A_599, %dma_start3A_602] : memref<80000x128xf32, #tpu.memory_space<hbm>> -> memref<160x128xf32, #tpu.memory_space<hbm>>
          tpu.enqueue_dma source(%dma_start3A_603 : memref<160x128xf32, #tpu.memory_space<hbm>>) target(%arg7 : memref<160x128xf32, #tpu.memory_space<vmem>>) target_semaphore(%arg11 : memref<!tpu.dma_semaphore, #tpu.memory_space<semaphore_mem>>)
          "tpu.region"() ({
            %run_scoped3A = tpu.sem_alloc : memref<!tpu.dma_semaphore, #tpu.memory_space<semaphore_mem>>
            %dma_start3A_994 = tpu.memref_slice %arg3[%mul3A_599] : memref<80000xi32, #tpu.memory_space<hbm>> -> memref<160xi32, #tpu.memory_space<hbm>>
            %dma_start3A_995 = tpu.memref_slice %arg3[%mul3A_599] : memref<80000xi32, #tpu.memory_space<hbm>> -> memref<160xi32, #tpu.memory_space<hbm>>
            tpu.enqueue_dma source(%dma_start3A_995 : memref<160xi32, #tpu.memory_space<hbm>>) target(%arg5 : memref<160xi32, #tpu.memory_space<vmem>>) target_semaphore(%run_scoped3A : memref<!tpu.dma_semaphore, #tpu.memory_space<semaphore_mem>>)
            %dma_wait3A_996 = tpu.memref_slice %arg3[%mul3A_599] : memref<80000xi32, #tpu.memory_space<hbm>> -> memref<160xi32, #tpu.memory_space<hbm>>
            %dma_wait3A_997 = tpu.memref_slice %arg3[%mul3A_599] : memref<80000xi32, #tpu.memory_space<hbm>> -> memref<160xi32, #tpu.memory_space<hbm>>
            tpu.wait_dma2 semaphore(%run_scoped3A : memref<!tpu.dma_semaphore, #tpu.memory_space<semaphore_mem>>) src(%dma_wait3A_997 : memref<160xi32, #tpu.memory_space<hbm>>) dst(%arg5 : memref<160xi32, #tpu.memory_space<vmem>>)
            tpu.yield
          }) : () -> ()
          %add3A_604 = arith.constant 0 : i32
          %add3A_605 = arith.addi %mul3A_599, %add3A_604 : i32
          %jit3A_606 = arith.constant 10000 : i32
          %div3A_607 = arith.divsi %add3A_605, %jit3A_606 : i32
          %sign3A_608 = arith.constant 0 : i32
          %sign3A_609 = arith.cmpi sgt, %add3A_605, %sign3A_608 : i32
          %sign3A_610 = arith.extui %sign3A_609 : i1 to i32
          %sign3A_611 = arith.constant 0 : i32
          %sign3A_612 = arith.cmpi slt, %add3A_605, %sign3A_611 : i32
          %sign3A_613 = arith.extui %sign3A_612 : i1 to i32
          %sign3A_614 = arith.subi %sign3A_610, %sign3A_613 : i32
          %sign3A_615 = arith.constant 0 : i32
          %sign3A_616 = arith.cmpi sgt, %jit3A_606, %sign3A_615 : i32
          %sign3A_617 = arith.extui %sign3A_616 : i1 to i32
          %sign3A_618 = arith.constant 0 : i32
          %sign3A_619 = arith.cmpi slt, %jit3A_606, %sign3A_618 : i32
          %sign3A_620 = arith.extui %sign3A_619 : i1 to i32
          %sign3A_621 = arith.subi %sign3A_617, %sign3A_620 : i32
          %ne3A_622 = arith.cmpi ne, %sign3A_614, %sign3A_621 : i32
          %rem3A_623 = arith.remsi %add3A_605, %jit3A_606 : i32
          %ne3A_624 = arith.constant 0 : i32
          %ne3A_625 = arith.cmpi ne, %rem3A_623, %ne3A_624 : i32
          %and3A_626 = arith.andi %ne3A_622, %ne3A_625 : i1
          %sub3A_627 = arith.constant 1 : i32
          %sub3A_628 = arith.subi %div3A_607, %sub3A_627 : i32
          %select_n3A_629 = arith.select %and3A_626, %sub3A_628, %div3A_607 : i32
          %mul3A_630 = arith.constant 10000 : i32
          %mul3A_631 = arith.muli %select_n3A_629, %mul3A_630 : i32
          %get3A_632 = arith.constant 0 : index
          %get3A_633 = tpu.vector_load %arg5[%get3A_632] {strides = array<i32>} : memref<160xi32, #tpu.memory_space<vmem>>, vector<16xi32>,
          %get3A_634 = vector.shape_cast %get3A_633 : vector<16xi32> to vector<16xi32>
          %add3A_635 = vector.broadcast %mul3A_631 : i32 to vector<16xi32>
          %add3A_636 = arith.addi %get3A_634, %add3A_635 : vector<16xi32>
          %dma_start3A_637 = arith.constant 0 : i32
          %dma_start3A_638 = arith.constant 0 : i32
          %dma_start3A_639 = tpu.memref_slice %arg9[%dma_start3A_637, %dma_start3A_638] : memref<160x128xf32, #tpu.memory_space<vmem>> -> memref<16x128xf32, #tpu.memory_space<vmem>>
          %dma_start3A_640 = arith.constant 0 : i32
          %dma_start3A_641 = arith.constant 0 : i32
          %dma_start3A_642 = tpu.memref_slice %arg2[%dma_start3A_640, %dma_start3A_641] : memref<80000x128xf32, #tpu.memory_space<hbm>> -> memref<80000x128xf32, #tpu.memory_space<hbm>>
          tpu.enqueue_indirect_dma source(%dma_start3A_642 : memref<80000x128xf32, #tpu.memory_space<hbm>>) target(%dma_start3A_639 : memref<16x128xf32, #tpu.memory_space<vmem>>) offsets(%add3A_636 : vector<16xi32>) semaphore(%arg11 : memref<!tpu.dma_semaphore, #tpu.memory_space<semaphore_mem>>)
          %add3A_643 = arith.constant 16 : i32
          %add3A_644 = arith.addi %mul3A_599, %add3A_643 : i32
          %jit3A_645 = arith.constant 10000 : i32
          %div3A_646 = arith.divsi %add3A_644, %jit3A_645 : i32
          %sign3A_647 = arith.constant 0 : i32
          %sign3A_648 = arith.cmpi sgt, %add3A_644, %sign3A_647 : i32
          %sign3A_649 = arith.extui %sign3A_648 : i1 to i32
          %sign3A_650 = arith.constant 0 : i32
          %sign3A_651 = arith.cmpi slt, %add3A_644, %sign3A_650 : i32
          %sign3A_652 = arith.extui %sign3A_651 : i1 to i32
          %sign3A_653 = arith.subi %sign3A_649, %sign3A_652 : i32
          %sign3A_654 = arith.constant 0 : i32
          %sign3A_655 = arith.cmpi sgt, %jit3A_645, %sign3A_654 : i32
          %sign3A_656 = arith.extui %sign3A_655 : i1 to i32
          %sign3A_657 = arith.constant 0 : i32
          %sign3A_658 = arith.cmpi slt, %jit3A_645, %sign3A_657 : i32
          %sign3A_659 = arith.extui %sign3A_658 : i1 to i32
          %sign3A_660 = arith.subi %sign3A_656, %sign3A_659 : i32
          %ne3A_661 = arith.cmpi ne, %sign3A_653, %sign3A_660 : i32
          %rem3A_662 = arith.remsi %add3A_644, %jit3A_645 : i32
          %ne3A_663 = arith.constant 0 : i32
          %ne3A_664 = arith.cmpi ne, %rem3A_662, %ne3A_663 : i32
          %and3A_665 = arith.andi %ne3A_661, %ne3A_664 : i1
          %sub3A_666 = arith.constant 1 : i32
          %sub3A_667 = arith.subi %div3A_646, %sub3A_666 : i32
          %select_n3A_668 = arith.select %and3A_665, %sub3A_667, %div3A_646 : i32
          %mul3A_669 = arith.constant 10000 : i32
          %mul3A_670 = arith.muli %select_n3A_668, %mul3A_669 : i32
          %get3A_671 = arith.constant 16 : index
          %get3A_672 = tpu.vector_load %arg5[%get3A_671] {strides = array<i32>} : memref<160xi32, #tpu.memory_space<vmem>>, vector<16xi32>,
          %get3A_673 = vector.shape_cast %get3A_672 : vector<16xi32> to vector<16xi32>
          %add3A_674 = vector.broadcast %mul3A_670 : i32 to vector<16xi32>
          %add3A_675 = arith.addi %get3A_673, %add3A_674 : vector<16xi32>
          %dma_start3A_676 = arith.constant 16 : i32
          %dma_start3A_677 = arith.constant 0 : i32
          %dma_start3A_678 = tpu.memref_slice %arg9[%dma_start3A_676, %dma_start3A_677] : memref<160x128xf32, #tpu.memory_space<vmem>> -> memref<16x128xf32, #tpu.memory_space<vmem>>
          %dma_start3A_679 = arith.constant 0 : i32
          %dma_start3A_680 = arith.constant 0 : i32
          %dma_start3A_681 = tpu.memref_slice %arg2[%dma_start3A_679, %dma_start3A_680] : memref<80000x128xf32, #tpu.memory_space<hbm>> -> memref<80000x128xf32, #tpu.memory_space<hbm>>
          tpu.enqueue_indirect_dma source(%dma_start3A_681 : memref<80000x128xf32, #tpu.memory_space<hbm>>) target(%dma_start3A_678 : memref<16x128xf32, #tpu.memory_space<vmem>>) offsets(%add3A_675 : vector<16xi32>) semaphore(%arg11 : memref<!tpu.dma_semaphore, #tpu.memory_space<semaphore_mem>>)
          %add3A_682 = arith.constant 32 : i32
          %add3A_683 = arith.addi %mul3A_599, %add3A_682 : i32
          %jit3A_684 = arith.constant 10000 : i32
          %div3A_685 = arith.divsi %add3A_683, %jit3A_684 : i32
          %sign3A_686 = arith.constant 0 : i32
          %sign3A_687 = arith.cmpi sgt, %add3A_683, %sign3A_686 : i32
          %sign3A_688 = arith.extui %sign3A_687 : i1 to i32
          %sign3A_689 = arith.constant 0 : i32
          %sign3A_690 = arith.cmpi slt, %add3A_683, %sign3A_689 : i32
          %sign3A_691 = arith.extui %sign3A_690 : i1 to i32
          %sign3A_692 = arith.subi %sign3A_688, %sign3A_691 : i32
          %sign3A_693 = arith.constant 0 : i32
          %sign3A_694 = arith.cmpi sgt, %jit3A_684, %sign3A_693 : i32
          %sign3A_695 = arith.extui %sign3A_694 : i1 to i32
          %sign3A_696 = arith.constant 0 : i32
          %sign3A_697 = arith.cmpi slt, %jit3A_684, %sign3A_696 : i32
          %sign3A_698 = arith.extui %sign3A_697 : i1 to i32
          %sign3A_699 = arith.subi %sign3A_695, %sign3A_698 : i32
          %ne3A_700 = arith.cmpi ne, %sign3A_692, %sign3A_699 : i32
          %rem3A_701 = arith.remsi %add3A_683, %jit3A_684 : i32
          %ne3A_702 = arith.constant 0 : i32
          %ne3A_703 = arith.cmpi ne, %rem3A_701, %ne3A_702 : i32
          %and3A_704 = arith.andi %ne3A_700, %ne3A_703 : i1
          %sub3A_705 = arith.constant 1 : i32
          %sub3A_706 = arith.subi %div3A_685, %sub3A_705 : i32
          %select_n3A_707 = arith.select %and3A_704, %sub3A_706, %div3A_685 : i32
          %mul3A_708 = arith.constant 10000 : i32
          %mul3A_709 = arith.muli %select_n3A_707, %mul3A_708 : i32
          %get3A_710 = arith.constant 32 : index
          %get3A_711 = tpu.vector_load %arg5[%get3A_710] {strides = array<i32>} : memref<160xi32, #tpu.memory_space<vmem>>, vector<16xi32>,
          %get3A_712 = vector.shape_cast %get3A_711 : vector<16xi32> to vector<16xi32>
          %add3A_713 = vector.broadcast %mul3A_709 : i32 to vector<16xi32>
          %add3A_714 = arith.addi %get3A_712, %add3A_713 : vector<16xi32>
          %dma_start3A_715 = arith.constant 32 : i32
          %dma_start3A_716 = arith.constant 0 : i32
          %dma_start3A_717 = tpu.memref_slice %arg9[%dma_start3A_715, %dma_start3A_716] : memref<160x128xf32, #tpu.memory_space<vmem>> -> memref<16x128xf32, #tpu.memory_space<vmem>>
          %dma_start3A_718 = arith.constant 0 : i32
          %dma_start3A_719 = arith.constant 0 : i32
          %dma_start3A_720 = tpu.memref_slice %arg2[%dma_start3A_718, %dma_start3A_719] : memref<80000x128xf32, #tpu.memory_space<hbm>> -> memref<80000x128xf32, #tpu.memory_space<hbm>>
          tpu.enqueue_indirect_dma source(%dma_start3A_720 : memref<80000x128xf32, #tpu.memory_space<hbm>>) target(%dma_start3A_717 : memref<16x128xf32, #tpu.memory_space<vmem>>) offsets(%add3A_714 : vector<16xi32>) semaphore(%arg11 : memref<!tpu.dma_semaphore, #tpu.memory_space<semaphore_mem>>)
          %add3A_721 = arith.constant 48 : i32
          %add3A_722 = arith.addi %mul3A_599, %add3A_721 : i32
          %jit3A_723 = arith.constant 10000 : i32
          %div3A_724 = arith.divsi %add3A_722, %jit3A_723 : i32
          %sign3A_725 = arith.constant 0 : i32
          %sign3A_726 = arith.cmpi sgt, %add3A_722, %sign3A_725 : i32
          %sign3A_727 = arith.extui %sign3A_726 : i1 to i32
          %sign3A_728 = arith.constant 0 : i32
          %sign3A_729 = arith.cmpi slt, %add3A_722, %sign3A_728 : i32
          %sign3A_730 = arith.extui %sign3A_729 : i1 to i32
          %sign3A_731 = arith.subi %sign3A_727, %sign3A_730 : i32
          %sign3A_732 = arith.constant 0 : i32
          %sign3A_733 = arith.cmpi sgt, %jit3A_723, %sign3A_732 : i32
          %sign3A_734 = arith.extui %sign3A_733 : i1 to i32
          %sign3A_735 = arith.constant 0 : i32
          %sign3A_736 = arith.cmpi slt, %jit3A_723, %sign3A_735 : i32
          %sign3A_737 = arith.extui %sign3A_736 : i1 to i32
          %sign3A_738 = arith.subi %sign3A_734, %sign3A_737 : i32
          %ne3A_739 = arith.cmpi ne, %sign3A_731, %sign3A_738 : i32
          %rem3A_740 = arith.remsi %add3A_722, %jit3A_723 : i32
          %ne3A_741 = arith.constant 0 : i32
          %ne3A_742 = arith.cmpi ne, %rem3A_740, %ne3A_741 : i32
          %and3A_743 = arith.andi %ne3A_739, %ne3A_742 : i1
          %sub3A_744 = arith.constant 1 : i32
          %sub3A_745 = arith.subi %div3A_724, %sub3A_744 : i32
          %select_n3A_746 = arith.select %and3A_743, %sub3A_745, %div3A_724 : i32
          %mul3A_747 = arith.constant 10000 : i32
          %mul3A_748 = arith.muli %select_n3A_746, %mul3A_747 : i32
          %get3A_749 = arith.constant 48 : index
          %get3A_750 = tpu.vector_load %arg5[%get3A_749] {strides = array<i32>} : memref<160xi32, #tpu.memory_space<vmem>>, vector<16xi32>,
          %get3A_751 = vector.shape_cast %get3A_750 : vector<16xi32> to vector<16xi32>
          %add3A_752 = vector.broadcast %mul3A_748 : i32 to vector<16xi32>
          %add3A_753 = arith.addi %get3A_751, %add3A_752 : vector<16xi32>
          %dma_start3A_754 = arith.constant 48 : i32
          %dma_start3A_755 = arith.constant 0 : i32
          %dma_start3A_756 = tpu.memref_slice %arg9[%dma_start3A_754, %dma_start3A_755] : memref<160x128xf32, #tpu.memory_space<vmem>> -> memref<16x128xf32, #tpu.memory_space<vmem>>
          %dma_start3A_757 = arith.constant 0 : i32
          %dma_start3A_758 = arith.constant 0 : i32
          %dma_start3A_759 = tpu.memref_slice %arg2[%dma_start3A_757, %dma_start3A_758] : memref<80000x128xf32, #tpu.memory_space<hbm>> -> memref<80000x128xf32, #tpu.memory_space<hbm>>
          tpu.enqueue_indirect_dma source(%dma_start3A_759 : memref<80000x128xf32, #tpu.memory_space<hbm>>) target(%dma_start3A_756 : memref<16x128xf32, #tpu.memory_space<vmem>>) offsets(%add3A_753 : vector<16xi32>) semaphore(%arg11 : memref<!tpu.dma_semaphore, #tpu.memory_space<semaphore_mem>>)
          %add3A_760 = arith.constant 64 : i32
          %add3A_761 = arith.addi %mul3A_599, %add3A_760 : i32
          %jit3A_762 = arith.constant 10000 : i32
          %div3A_763 = arith.divsi %add3A_761, %jit3A_762 : i32
          %sign3A_764 = arith.constant 0 : i32
          %sign3A_765 = arith.cmpi sgt, %add3A_761, %sign3A_764 : i32
          %sign3A_766 = arith.extui %sign3A_765 : i1 to i32
          %sign3A_767 = arith.constant 0 : i32
          %sign3A_768 = arith.cmpi slt, %add3A_761, %sign3A_767 : i32
          %sign3A_769 = arith.extui %sign3A_768 : i1 to i32
          %sign3A_770 = arith.subi %sign3A_766, %sign3A_769 : i32
          %sign3A_771 = arith.constant 0 : i32
          %sign3A_772 = arith.cmpi sgt, %jit3A_762, %sign3A_771 : i32
          %sign3A_773 = arith.extui %sign3A_772 : i1 to i32
          %sign3A_774 = arith.constant 0 : i32
          %sign3A_775 = arith.cmpi slt, %jit3A_762, %sign3A_774 : i32
          %sign3A_776 = arith.extui %sign3A_775 : i1 to i32
          %sign3A_777 = arith.subi %sign3A_773, %sign3A_776 : i32
          %ne3A_778 = arith.cmpi ne, %sign3A_770, %sign3A_777 : i32
          %rem3A_779 = arith.remsi %add3A_761, %jit3A_762 : i32
          %ne3A_780 = arith.constant 0 : i32
          %ne3A_781 = arith.cmpi ne, %rem3A_779, %ne3A_780 : i32
          %and3A_782 = arith.andi %ne3A_778, %ne3A_781 : i1
          %sub3A_783 = arith.constant 1 : i32
          %sub3A_784 = arith.subi %div3A_763, %sub3A_783 : i32
          %select_n3A_785 = arith.select %and3A_782, %sub3A_784, %div3A_763 : i32
          %mul3A_786 = arith.constant 10000 : i32
          %mul3A_787 = arith.muli %select_n3A_785, %mul3A_786 : i32
          %get3A_788 = arith.constant 64 : index
          %get3A_789 = tpu.vector_load %arg5[%get3A_788] {strides = array<i32>} : memref<160xi32, #tpu.memory_space<vmem>>, vector<16xi32>,
          %get3A_790 = vector.shape_cast %get3A_789 : vector<16xi32> to vector<16xi32>
          %add3A_791 = vector.broadcast %mul3A_787 : i32 to vector<16xi32>
          %add3A_792 = arith.addi %get3A_790, %add3A_791 : vector<16xi32>
          %dma_start3A_793 = arith.constant 64 : i32
          %dma_start3A_794 = arith.constant 0 : i32
          %dma_start3A_795 = tpu.memref_slice %arg9[%dma_start3A_793, %dma_start3A_794] : memref<160x128xf32, #tpu.memory_space<vmem>> -> memref<16x128xf32, #tpu.memory_space<vmem>>
          %dma_start3A_796 = arith.constant 0 : i32
          %dma_start3A_797 = arith.constant 0 : i32
          %dma_start3A_798 = tpu.memref_slice %arg2[%dma_start3A_796, %dma_start3A_797] : memref<80000x128xf32, #tpu.memory_space<hbm>> -> memref<80000x128xf32, #tpu.memory_space<hbm>>
          tpu.enqueue_indirect_dma source(%dma_start3A_798 : memref<80000x128xf32, #tpu.memory_space<hbm>>) target(%dma_start3A_795 : memref<16x128xf32, #tpu.memory_space<vmem>>) offsets(%add3A_792 : vector<16xi32>) semaphore(%arg11 : memref<!tpu.dma_semaphore, #tpu.memory_space<semaphore_mem>>)
          %add3A_799 = arith.constant 80 : i32
          %add3A_800 = arith.addi %mul3A_599, %add3A_799 : i32
          %jit3A_801 = arith.constant 10000 : i32
          %div3A_802 = arith.divsi %add3A_800, %jit3A_801 : i32
          %sign3A_803 = arith.constant 0 : i32
          %sign3A_804 = arith.cmpi sgt, %add3A_800, %sign3A_803 : i32
          %sign3A_805 = arith.extui %sign3A_804 : i1 to i32
          %sign3A_806 = arith.constant 0 : i32
          %sign3A_807 = arith.cmpi slt, %add3A_800, %sign3A_806 : i32
          %sign3A_808 = arith.extui %sign3A_807 : i1 to i32
          %sign3A_809 = arith.subi %sign3A_805, %sign3A_808 : i32
          %sign3A_810 = arith.constant 0 : i32
          %sign3A_811 = arith.cmpi sgt, %jit3A_801, %sign3A_810 : i32
          %sign3A_812 = arith.extui %sign3A_811 : i1 to i32
          %sign3A_813 = arith.constant 0 : i32
          %sign3A_814 = arith.cmpi slt, %jit3A_801, %sign3A_813 : i32
          %sign3A_815 = arith.extui %sign3A_814 : i1 to i32
          %sign3A_816 = arith.subi %sign3A_812, %sign3A_815 : i32
          %ne3A_817 = arith.cmpi ne, %sign3A_809, %sign3A_816 : i32
          %rem3A_818 = arith.remsi %add3A_800, %jit3A_801 : i32
          %ne3A_819 = arith.constant 0 : i32
          %ne3A_820 = arith.cmpi ne, %rem3A_818, %ne3A_819 : i32
          %and3A_821 = arith.andi %ne3A_817, %ne3A_820 : i1
          %sub3A_822 = arith.constant 1 : i32
          %sub3A_823 = arith.subi %div3A_802, %sub3A_822 : i32
          %select_n3A_824 = arith.select %and3A_821, %sub3A_823, %div3A_802 : i32
          %mul3A_825 = arith.constant 10000 : i32
          %mul3A_826 = arith.muli %select_n3A_824, %mul3A_825 : i32
          %get3A_827 = arith.constant 80 : index
          %get3A_828 = tpu.vector_load %arg5[%get3A_827] {strides = array<i32>} : memref<160xi32, #tpu.memory_space<vmem>>, vector<16xi32>,
          %get3A_829 = vector.shape_cast %get3A_828 : vector<16xi32> to vector<16xi32>
          %add3A_830 = vector.broadcast %mul3A_826 : i32 to vector<16xi32>
          %add3A_831 = arith.addi %get3A_829, %add3A_830 : vector<16xi32>
          %dma_start3A_832 = arith.constant 80 : i32
          %dma_start3A_833 = arith.constant 0 : i32
          %dma_start3A_834 = tpu.memref_slice %arg9[%dma_start3A_832, %dma_start3A_833] : memref<160x128xf32, #tpu.memory_space<vmem>> -> memref<16x128xf32, #tpu.memory_space<vmem>>
          %dma_start3A_835 = arith.constant 0 : i32
          %dma_start3A_836 = arith.constant 0 : i32
          %dma_start3A_837 = tpu.memref_slice %arg2[%dma_start3A_835, %dma_start3A_836] : memref<80000x128xf32, #tpu.memory_space<hbm>> -> memref<80000x128xf32, #tpu.memory_space<hbm>>
          tpu.enqueue_indirect_dma source(%dma_start3A_837 : memref<80000x128xf32, #tpu.memory_space<hbm>>) target(%dma_start3A_834 : memref<16x128xf32, #tpu.memory_space<vmem>>) offsets(%add3A_831 : vector<16xi32>) semaphore(%arg11 : memref<!tpu.dma_semaphore, #tpu.memory_space<semaphore_mem>>)
          %add3A_838 = arith.constant 96 : i32
          %add3A_839 = arith.addi %mul3A_599, %add3A_838 : i32
          %jit3A_840 = arith.constant 10000 : i32
          %div3A_841 = arith.divsi %add3A_839, %jit3A_840 : i32
          %sign3A_842 = arith.constant 0 : i32
          %sign3A_843 = arith.cmpi sgt, %add3A_839, %sign3A_842 : i32
          %sign3A_844 = arith.extui %sign3A_843 : i1 to i32
          %sign3A_845 = arith.constant 0 : i32
          %sign3A_846 = arith.cmpi slt, %add3A_839, %sign3A_845 : i32
          %sign3A_847 = arith.extui %sign3A_846 : i1 to i32
          %sign3A_848 = arith.subi %sign3A_844, %sign3A_847 : i32
          %sign3A_849 = arith.constant 0 : i32
          %sign3A_850 = arith.cmpi sgt, %jit3A_840, %sign3A_849 : i32
          %sign3A_851 = arith.extui %sign3A_850 : i1 to i32
          %sign3A_852 = arith.constant 0 : i32
          %sign3A_853 = arith.cmpi slt, %jit3A_840, %sign3A_852 : i32
          %sign3A_854 = arith.extui %sign3A_853 : i1 to i32
          %sign3A_855 = arith.subi %sign3A_851, %sign3A_854 : i32
          %ne3A_856 = arith.cmpi ne, %sign3A_848, %sign3A_855 : i32
          %rem3A_857 = arith.remsi %add3A_839, %jit3A_840 : i32
          %ne3A_858 = arith.constant 0 : i32
          %ne3A_859 = arith.cmpi ne, %rem3A_857, %ne3A_858 : i32
          %and3A_860 = arith.andi %ne3A_856, %ne3A_859 : i1
          %sub3A_861 = arith.constant 1 : i32
          %sub3A_862 = arith.subi %div3A_841, %sub3A_861 : i32
          %select_n3A_863 = arith.select %and3A_860, %sub3A_862, %div3A_841 : i32
          %mul3A_864 = arith.constant 10000 : i32
          %mul3A_865 = arith.muli %select_n3A_863, %mul3A_864 : i32
          %get3A_866 = arith.constant 96 : index
          %get3A_867 = tpu.vector_load %arg5[%get3A_866] {strides = array<i32>} : memref<160xi32, #tpu.memory_space<vmem>>, vector<16xi32>,
          %get3A_868 = vector.shape_cast %get3A_867 : vector<16xi32> to vector<16xi32>
          %add3A_869 = vector.broadcast %mul3A_865 : i32 to vector<16xi32>
          %add3A_870 = arith.addi %get3A_868, %add3A_869 : vector<16xi32>
          %dma_start3A_871 = arith.constant 96 : i32
          %dma_start3A_872 = arith.constant 0 : i32
          %dma_start3A_873 = tpu.memref_slice %arg9[%dma_start3A_871, %dma_start3A_872] : memref<160x128xf32, #tpu.memory_space<vmem>> -> memref<16x128xf32, #tpu.memory_space<vmem>>
          %dma_start3A_874 = arith.constant 0 : i32
          %dma_start3A_875 = arith.constant 0 : i32
          %dma_start3A_876 = tpu.memref_slice %arg2[%dma_start3A_874, %dma_start3A_875] : memref<80000x128xf32, #tpu.memory_space<hbm>> -> memref<80000x128xf32, #tpu.memory_space<hbm>>
          tpu.enqueue_indirect_dma source(%dma_start3A_876 : memref<80000x128xf32, #tpu.memory_space<hbm>>) target(%dma_start3A_873 : memref<16x128xf32, #tpu.memory_space<vmem>>) offsets(%add3A_870 : vector<16xi32>) semaphore(%arg11 : memref<!tpu.dma_semaphore, #tpu.memory_space<semaphore_mem>>)
          %add3A_877 = arith.constant 112 : i32
          %add3A_878 = arith.addi %mul3A_599, %add3A_877 : i32
          %jit3A_879 = arith.constant 10000 : i32
          %div3A_880 = arith.divsi %add3A_878, %jit3A_879 : i32
          %sign3A_881 = arith.constant 0 : i32
          %sign3A_882 = arith.cmpi sgt, %add3A_878, %sign3A_881 : i32
          %sign3A_883 = arith.extui %sign3A_882 : i1 to i32
          %sign3A_884 = arith.constant 0 : i32
          %sign3A_885 = arith.cmpi slt, %add3A_878, %sign3A_884 : i32
          %sign3A_886 = arith.extui %sign3A_885 : i1 to i32
          %sign3A_887 = arith.subi %sign3A_883, %sign3A_886 : i32
          %sign3A_888 = arith.constant 0 : i32
          %sign3A_889 = arith.cmpi sgt, %jit3A_879, %sign3A_888 : i32
          %sign3A_890 = arith.extui %sign3A_889 : i1 to i32
          %sign3A_891 = arith.constant 0 : i32
          %sign3A_892 = arith.cmpi slt, %jit3A_879, %sign3A_891 : i32
          %sign3A_893 = arith.extui %sign3A_892 : i1 to i32
          %sign3A_894 = arith.subi %sign3A_890, %sign3A_893 : i32
          %ne3A_895 = arith.cmpi ne, %sign3A_887, %sign3A_894 : i32
          %rem3A_896 = arith.remsi %add3A_878, %jit3A_879 : i32
          %ne3A_897 = arith.constant 0 : i32
          %ne3A_898 = arith.cmpi ne, %rem3A_896, %ne3A_897 : i32
          %and3A_899 = arith.andi %ne3A_895, %ne3A_898 : i1
          %sub3A_900 = arith.constant 1 : i32
          %sub3A_901 = arith.subi %div3A_880, %sub3A_900 : i32
          %select_n3A_902 = arith.select %and3A_899, %sub3A_901, %div3A_880 : i32
          %mul3A_903 = arith.constant 10000 : i32
          %mul3A_904 = arith.muli %select_n3A_902, %mul3A_903 : i32
          %get3A_905 = arith.constant 112 : index
          %get3A_906 = tpu.vector_load %arg5[%get3A_905] {strides = array<i32>} : memref<160xi32, #tpu.memory_space<vmem>>, vector<16xi32>,
          %get3A_907 = vector.shape_cast %get3A_906 : vector<16xi32> to vector<16xi32>
          %add3A_908 = vector.broadcast %mul3A_904 : i32 to vector<16xi32>
          %add3A_909 = arith.addi %get3A_907, %add3A_908 : vector<16xi32>
          %dma_start3A_910 = arith.constant 112 : i32
          %dma_start3A_911 = arith.constant 0 : i32
          %dma_start3A_912 = tpu.memref_slice %arg9[%dma_start3A_910, %dma_start3A_911] : memref<160x128xf32, #tpu.memory_space<vmem>> -> memref<16x128xf32, #tpu.memory_space<vmem>>
          %dma_start3A_913 = arith.constant 0 : i32
          %dma_start3A_914 = arith.constant 0 : i32
          %dma_start3A_915 = tpu.memref_slice %arg2[%dma_start3A_913, %dma_start3A_914] : memref<80000x128xf32, #tpu.memory_space<hbm>> -> memref<80000x128xf32, #tpu.memory_space<hbm>>
          tpu.enqueue_indirect_dma source(%dma_start3A_915 : memref<80000x128xf32, #tpu.memory_space<hbm>>) target(%dma_start3A_912 : memref<16x128xf32, #tpu.memory_space<vmem>>) offsets(%add3A_909 : vector<16xi32>) semaphore(%arg11 : memref<!tpu.dma_semaphore, #tpu.memory_space<semaphore_mem>>)
          %add3A_916 = arith.constant 128 : i32
          %add3A_917 = arith.addi %mul3A_599, %add3A_916 : i32
          %jit3A_918 = arith.constant 10000 : i32
          %div3A_919 = arith.divsi %add3A_917, %jit3A_918 : i32
          %sign3A_920 = arith.constant 0 : i32
          %sign3A_921 = arith.cmpi sgt, %add3A_917, %sign3A_920 : i32
          %sign3A_922 = arith.extui %sign3A_921 : i1 to i32
          %sign3A_923 = arith.constant 0 : i32
          %sign3A_924 = arith.cmpi slt, %add3A_917, %sign3A_923 : i32
          %sign3A_925 = arith.extui %sign3A_924 : i1 to i32
          %sign3A_926 = arith.subi %sign3A_922, %sign3A_925 : i32
          %sign3A_927 = arith.constant 0 : i32
          %sign3A_928 = arith.cmpi sgt, %jit3A_918, %sign3A_927 : i32
          %sign3A_929 = arith.extui %sign3A_928 : i1 to i32
          %sign3A_930 = arith.constant 0 : i32
          %sign3A_931 = arith.cmpi slt, %jit3A_918, %sign3A_930 : i32
          %sign3A_932 = arith.extui %sign3A_931 : i1 to i32
          %sign3A_933 = arith.subi %sign3A_929, %sign3A_932 : i32
          %ne3A_934 = arith.cmpi ne, %sign3A_926, %sign3A_933 : i32
          %rem3A_935 = arith.remsi %add3A_917, %jit3A_918 : i32
          %ne3A_936 = arith.constant 0 : i32
          %ne3A_937 = arith.cmpi ne, %rem3A_935, %ne3A_936 : i32
          %and3A_938 = arith.andi %ne3A_934, %ne3A_937 : i1
          %sub3A_939 = arith.constant 1 : i32
          %sub3A_940 = arith.subi %div3A_919, %sub3A_939 : i32
          %select_n3A_941 = arith.select %and3A_938, %sub3A_940, %div3A_919 : i32
          %mul3A_942 = arith.constant 10000 : i32
          %mul3A_943 = arith.muli %select_n3A_941, %mul3A_942 : i32
          %get3A_944 = arith.constant 128 : index
          %get3A_945 = tpu.vector_load %arg5[%get3A_944] {strides = array<i32>} : memref<160xi32, #tpu.memory_space<vmem>>, vector<16xi32>,
          %get3A_946 = vector.shape_cast %get3A_945 : vector<16xi32> to vector<16xi32>
          %add3A_947 = vector.broadcast %mul3A_943 : i32 to vector<16xi32>
          %add3A_948 = arith.addi %get3A_946, %add3A_947 : vector<16xi32>
          %dma_start3A_949 = arith.constant 128 : i32
          %dma_start3A_950 = arith.constant 0 : i32
          %dma_start3A_951 = tpu.memref_slice %arg9[%dma_start3A_949, %dma_start3A_950] : memref<160x128xf32, #tpu.memory_space<vmem>> -> memref<16x128xf32, #tpu.memory_space<vmem>>
          %dma_start3A_952 = arith.constant 0 : i32
          %dma_start3A_953 = arith.constant 0 : i32
          %dma_start3A_954 = tpu.memref_slice %arg2[%dma_start3A_952, %dma_start3A_953] : memref<80000x128xf32, #tpu.memory_space<hbm>> -> memref<80000x128xf32, #tpu.memory_space<hbm>>
          tpu.enqueue_indirect_dma source(%dma_start3A_954 : memref<80000x128xf32, #tpu.memory_space<hbm>>) target(%dma_start3A_951 : memref<16x128xf32, #tpu.memory_space<vmem>>) offsets(%add3A_948 : vector<16xi32>) semaphore(%arg11 : memref<!tpu.dma_semaphore, #tpu.memory_space<semaphore_mem>>)
          %add3A_955 = arith.constant 144 : i32
          %add3A_956 = arith.addi %mul3A_599, %add3A_955 : i32
          %jit3A_957 = arith.constant 10000 : i32
          %div3A_958 = arith.divsi %add3A_956, %jit3A_957 : i32
          %sign3A_959 = arith.constant 0 : i32
          %sign3A_960 = arith.cmpi sgt, %add3A_956, %sign3A_959 : i32
          %sign3A_961 = arith.extui %sign3A_960 : i1 to i32
          %sign3A_962 = arith.constant 0 : i32
          %sign3A_963 = arith.cmpi slt, %add3A_956, %sign3A_962 : i32
          %sign3A_964 = arith.extui %sign3A_963 : i1 to i32
          %sign3A_965 = arith.subi %sign3A_961, %sign3A_964 : i32
          %sign3A_966 = arith.constant 0 : i32
          %sign3A_967 = arith.cmpi sgt, %jit3A_957, %sign3A_966 : i32
          %sign3A_968 = arith.extui %sign3A_967 : i1 to i32
          %sign3A_969 = arith.constant 0 : i32
          %sign3A_970 = arith.cmpi slt, %jit3A_957, %sign3A_969 : i32
          %sign3A_971 = arith.extui %sign3A_970 : i1 to i32
          %sign3A_972 = arith.subi %sign3A_968, %sign3A_971 : i32
          %ne3A_973 = arith.cmpi ne, %sign3A_965, %sign3A_972 : i32
          %rem3A_974 = arith.remsi %add3A_956, %jit3A_957 : i32
          %ne3A_975 = arith.constant 0 : i32
          %ne3A_976 = arith.cmpi ne, %rem3A_974, %ne3A_975 : i32
          %and3A_977 = arith.andi %ne3A_973, %ne3A_976 : i1
          %sub3A_978 = arith.constant 1 : i32
          %sub3A_979 = arith.subi %div3A_958, %sub3A_978 : i32
          %select_n3A_980 = arith.select %and3A_977, %sub3A_979, %div3A_958 : i32
          %mul3A_981 = arith.constant 10000 : i32
          %mul3A_982 = arith.muli %select_n3A_980, %mul3A_981 : i32
          %get3A_983 = arith.constant 144 : index
          %get3A_984 = tpu.vector_load %arg5[%get3A_983] {strides = array<i32>} : memref<160xi32, #tpu.memory_space<vmem>>, vector<16xi32>,
          %get3A_985 = vector.shape_cast %get3A_984 : vector<16xi32> to vector<16xi32>
          %add3A_986 = vector.broadcast %mul3A_982 : i32 to vector<16xi32>
          %add3A_987 = arith.addi %get3A_985, %add3A_986 : vector<16xi32>
          %dma_start3A_988 = arith.constant 144 : i32
          %dma_start3A_989 = arith.constant 0 : i32
          %dma_start3A_990 = tpu.memref_slice %arg9[%dma_start3A_988, %dma_start3A_989] : memref<160x128xf32, #tpu.memory_space<vmem>> -> memref<16x128xf32, #tpu.memory_space<vmem>>
          %dma_start3A_991 = arith.constant 0 : i32
          %dma_start3A_992 = arith.constant 0 : i32
          %dma_start3A_993 = tpu.memref_slice %arg2[%dma_start3A_991, %dma_start3A_992] : memref<80000x128xf32, #tpu.memory_space<hbm>> -> memref<80000x128xf32, #tpu.memory_space<hbm>>
          tpu.enqueue_indirect_dma source(%dma_start3A_993 : memref<80000x128xf32, #tpu.memory_space<hbm>>) target(%dma_start3A_990 : memref<16x128xf32, #tpu.memory_space<vmem>>) offsets(%add3A_987 : vector<16xi32>) semaphore(%arg11 : memref<!tpu.dma_semaphore, #tpu.memory_space<semaphore_mem>>)
        } else {
        }
        %dma_wait3A = arith.constant 0 : i32
        %dma_wait3A_522 = arith.constant 0 : i32
        %dma_wait3A_523 = tpu.memref_slice %arg2[%dma_wait3A, %dma_wait3A_522] : memref<80000x128xf32, #tpu.memory_space<hbm>> -> memref<160x128xf32, #tpu.memory_space<hbm>>
        %dma_wait3A_524 = arith.constant 0 : i32
        %dma_wait3A_525 = arith.constant 0 : i32
        %dma_wait3A_526 = tpu.memref_slice %arg2[%dma_wait3A_524, %dma_wait3A_525] : memref<80000x128xf32, #tpu.memory_space<hbm>> -> memref<160x128xf32, #tpu.memory_space<hbm>>
        tpu.wait_dma2 semaphore(%arg12 : memref<!tpu.dma_semaphore, #tpu.memory_space<semaphore_mem>>) src(%dma_wait3A_526 : memref<160x128xf32, #tpu.memory_space<hbm>>) dst(%arg8 : memref<160x128xf32, #tpu.memory_space<vmem>>)
        %broadcast_in_dim3A = arith.constant 0 : i32
        %broadcast_in_dim3A_527 = vector.broadcast %broadcast_in_dim3A : i32 to vector<16xi32>
        %dma_wait3A_528 = arith.constant 0 : i32
        %dma_wait3A_529 = arith.constant 0 : i32
        %dma_wait3A_530 = tpu.memref_slice %arg10[%dma_wait3A_528, %dma_wait3A_529] : memref<160x128xf32, #tpu.memory_space<vmem>> -> memref<16x128xf32, #tpu.memory_space<vmem>>
        %dma_wait3A_531 = arith.constant 0 : i32
        %dma_wait3A_532 = arith.constant 0 : i32
        %dma_wait3A_533 = tpu.memref_slice %arg2[%dma_wait3A_531, %dma_wait3A_532] : memref<80000x128xf32, #tpu.memory_space<hbm>> -> memref<80000x128xf32, #tpu.memory_space<hbm>>
        tpu.wait_indirect_dma semaphore(%arg12 : memref<!tpu.dma_semaphore, #tpu.memory_space<semaphore_mem>>) src(%dma_wait3A_533 : memref<80000x128xf32, #tpu.memory_space<hbm>>) dst(%dma_wait3A_530 : memref<16x128xf32, #tpu.memory_space<vmem>>)
        %dma_wait3A_534 = arith.constant 16 : i32
        %dma_wait3A_535 = arith.constant 0 : i32
        %dma_wait3A_536 = tpu.memref_slice %arg10[%dma_wait3A_534, %dma_wait3A_535] : memref<160x128xf32, #tpu.memory_space<vmem>> -> memref<16x128xf32, #tpu.memory_space<vmem>>
        %dma_wait3A_537 = arith.constant 0 : i32
        %dma_wait3A_538 = arith.constant 0 : i32
        %dma_wait3A_539 = tpu.memref_slice %arg2[%dma_wait3A_537, %dma_wait3A_538] : memref<80000x128xf32, #tpu.memory_space<hbm>> -> memref<80000x128xf32, #tpu.memory_space<hbm>>
        tpu.wait_indirect_dma semaphore(%arg12 : memref<!tpu.dma_semaphore, #tpu.memory_space<semaphore_mem>>) src(%dma_wait3A_539 : memref<80000x128xf32, #tpu.memory_space<hbm>>) dst(%dma_wait3A_536 : memref<16x128xf32, #tpu.memory_space<vmem>>)
        %dma_wait3A_540 = arith.constant 32 : i32
        %dma_wait3A_541 = arith.constant 0 : i32
        %dma_wait3A_542 = tpu.memref_slice %arg10[%dma_wait3A_540, %dma_wait3A_541] : memref<160x128xf32, #tpu.memory_space<vmem>> -> memref<16x128xf32, #tpu.memory_space<vmem>>
        %dma_wait3A_543 = arith.constant 0 : i32
        %dma_wait3A_544 = arith.constant 0 : i32
        %dma_wait3A_545 = tpu.memref_slice %arg2[%dma_wait3A_543, %dma_wait3A_544] : memref<80000x128xf32, #tpu.memory_space<hbm>> -> memref<80000x128xf32, #tpu.memory_space<hbm>>
        tpu.wait_indirect_dma semaphore(%arg12 : memref<!tpu.dma_semaphore, #tpu.memory_space<semaphore_mem>>) src(%dma_wait3A_545 : memref<80000x128xf32, #tpu.memory_space<hbm>>) dst(%dma_wait3A_542 : memref<16x128xf32, #tpu.memory_space<vmem>>)
        %dma_wait3A_546 = arith.constant 48 : i32
        %dma_wait3A_547 = arith.constant 0 : i32
        %dma_wait3A_548 = tpu.memref_slice %arg10[%dma_wait3A_546, %dma_wait3A_547] : memref<160x128xf32, #tpu.memory_space<vmem>> -> memref<16x128xf32, #tpu.memory_space<vmem>>
        %dma_wait3A_549 = arith.constant 0 : i32
        %dma_wait3A_550 = arith.constant 0 : i32
        %dma_wait3A_551 = tpu.memref_slice %arg2[%dma_wait3A_549, %dma_wait3A_550] : memref<80000x128xf32, #tpu.memory_space<hbm>> -> memref<80000x128xf32, #tpu.memory_space<hbm>>
        tpu.wait_indirect_dma semaphore(%arg12 : memref<!tpu.dma_semaphore, #tpu.memory_space<semaphore_mem>>) src(%dma_wait3A_551 : memref<80000x128xf32, #tpu.memory_space<hbm>>) dst(%dma_wait3A_548 : memref<16x128xf32, #tpu.memory_space<vmem>>)
        %dma_wait3A_552 = arith.constant 64 : i32
        %dma_wait3A_553 = arith.constant 0 : i32
        %dma_wait3A_554 = tpu.memref_slice %arg10[%dma_wait3A_552, %dma_wait3A_553] : memref<160x128xf32, #tpu.memory_space<vmem>> -> memref<16x128xf32, #tpu.memory_space<vmem>>
        %dma_wait3A_555 = arith.constant 0 : i32
        %dma_wait3A_556 = arith.constant 0 : i32
        %dma_wait3A_557 = tpu.memref_slice %arg2[%dma_wait3A_555, %dma_wait3A_556] : memref<80000x128xf32, #tpu.memory_space<hbm>> -> memref<80000x128xf32, #tpu.memory_space<hbm>>
        tpu.wait_indirect_dma semaphore(%arg12 : memref<!tpu.dma_semaphore, #tpu.memory_space<semaphore_mem>>) src(%dma_wait3A_557 : memref<80000x128xf32, #tpu.memory_space<hbm>>) dst(%dma_wait3A_554 : memref<16x128xf32, #tpu.memory_space<vmem>>)
        %dma_wait3A_558 = arith.constant 80 : i32
        %dma_wait3A_559 = arith.constant 0 : i32
        %dma_wait3A_560 = tpu.memref_slice %arg10[%dma_wait3A_558, %dma_wait3A_559] : memref<160x128xf32, #tpu.memory_space<vmem>> -> memref<16x128xf32, #tpu.memory_space<vmem>>
        %dma_wait3A_561 = arith.constant 0 : i32
        %dma_wait3A_562 = arith.constant 0 : i32
        %dma_wait3A_563 = tpu.memref_slice %arg2[%dma_wait3A_561, %dma_wait3A_562] : memref<80000x128xf32, #tpu.memory_space<hbm>> -> memref<80000x128xf32, #tpu.memory_space<hbm>>
        tpu.wait_indirect_dma semaphore(%arg12 : memref<!tpu.dma_semaphore, #tpu.memory_space<semaphore_mem>>) src(%dma_wait3A_563 : memref<80000x128xf32, #tpu.memory_space<hbm>>) dst(%dma_wait3A_560 : memref<16x128xf32, #tpu.memory_space<vmem>>)
        %dma_wait3A_564 = arith.constant 96 : i32
        %dma_wait3A_565 = arith.constant 0 : i32
        %dma_wait3A_566 = tpu.memref_slice %arg10[%dma_wait3A_564, %dma_wait3A_565] : memref<160x128xf32, #tpu.memory_space<vmem>> -> memref<16x128xf32, #tpu.memory_space<vmem>>
        %dma_wait3A_567 = arith.constant 0 : i32
        %dma_wait3A_568 = arith.constant 0 : i32
        %dma_wait3A_569 = tpu.memref_slice %arg2[%dma_wait3A_567, %dma_wait3A_568] : memref<80000x128xf32, #tpu.memory_space<hbm>> -> memref<80000x128xf32, #tpu.memory_space<hbm>>
        tpu.wait_indirect_dma semaphore(%arg12 : memref<!tpu.dma_semaphore, #tpu.memory_space<semaphore_mem>>) src(%dma_wait3A_569 : memref<80000x128xf32, #tpu.memory_space<hbm>>) dst(%dma_wait3A_566 : memref<16x128xf32, #tpu.memory_space<vmem>>)
        %dma_wait3A_570 = arith.constant 112 : i32
        %dma_wait3A_571 = arith.constant 0 : i32
        %dma_wait3A_572 = tpu.memref_slice %arg10[%dma_wait3A_570, %dma_wait3A_571] : memref<160x128xf32, #tpu.memory_space<vmem>> -> memref<16x128xf32, #tpu.memory_space<vmem>>
        %dma_wait3A_573 = arith.constant 0 : i32
        %dma_wait3A_574 = arith.constant 0 : i32
        %dma_wait3A_575 = tpu.memref_slice %arg2[%dma_wait3A_573, %dma_wait3A_574] : memref<80000x128xf32, #tpu.memory_space<hbm>> -> memref<80000x128xf32, #tpu.memory_space<hbm>>
        tpu.wait_indirect_dma semaphore(%arg12 : memref<!tpu.dma_semaphore, #tpu.memory_space<semaphore_mem>>) src(%dma_wait3A_575 : memref<80000x128xf32, #tpu.memory_space<hbm>>) dst(%dma_wait3A_572 : memref<16x128xf32, #tpu.memory_space<vmem>>)
        %dma_wait3A_576 = arith.constant 128 : i32
        %dma_wait3A_577 = arith.constant 0 : i32
        %dma_wait3A_578 = tpu.memref_slice %arg10[%dma_wait3A_576, %dma_wait3A_577] : memref<160x128xf32, #tpu.memory_space<vmem>> -> memref<16x128xf32, #tpu.memory_space<vmem>>
        %dma_wait3A_579 = arith.constant 0 : i32
        %dma_wait3A_580 = arith.constant 0 : i32
        %dma_wait3A_581 = tpu.memref_slice %arg2[%dma_wait3A_579, %dma_wait3A_580] : memref<80000x128xf32, #tpu.memory_space<hbm>> -> memref<80000x128xf32, #tpu.memory_space<hbm>>
        tpu.wait_indirect_dma semaphore(%arg12 : memref<!tpu.dma_semaphore, #tpu.memory_space<semaphore_mem>>) src(%dma_wait3A_581 : memref<80000x128xf32, #tpu.memory_space<hbm>>) dst(%dma_wait3A_578 : memref<16x128xf32, #tpu.memory_space<vmem>>)
        %dma_wait3A_582 = arith.constant 144 : i32
        %dma_wait3A_583 = arith.constant 0 : i32
        %dma_wait3A_584 = tpu.memref_slice %arg10[%dma_wait3A_582, %dma_wait3A_583] : memref<160x128xf32, #tpu.memory_space<vmem>> -> memref<16x128xf32, #tpu.memory_space<vmem>>
        %dma_wait3A_585 = arith.constant 0 : i32
        %dma_wait3A_586 = arith.constant 0 : i32
        %dma_wait3A_587 = tpu.memref_slice %arg2[%dma_wait3A_585, %dma_wait3A_586] : memref<80000x128xf32, #tpu.memory_space<hbm>> -> memref<80000x128xf32, #tpu.memory_space<hbm>>
        tpu.wait_indirect_dma semaphore(%arg12 : memref<!tpu.dma_semaphore, #tpu.memory_space<semaphore_mem>>) src(%dma_wait3A_587 : memref<80000x128xf32, #tpu.memory_space<hbm>>) dst(%dma_wait3A_584 : memref<16x128xf32, #tpu.memory_space<vmem>>)
        %parallel_loop3A = arith.constant 0 : i32
        %parallel_loop3A_588 = arith.constant 160 : i32
        %parallel_loop3A_589 = arith.constant 1 : i32
        scf.for %parallel_loop3A_596 = %parallel_loop3A to %parallel_loop3A_588 step %parallel_loop3A_589  : i32 {
          %parallel_loop3A_597 = arith.index_cast %parallel_loop3A_596 : i32 to index
          %parallel_loop3A_598 = arith.constant 0 : index
          %parallel_loop3A_599 = tpu.vector_load %arg8[%parallel_loop3A_597, %parallel_loop3A_598] {strides = array<i32>} : memref<160x128xf32, #tpu.memory_space<vmem>>, vector<1x16xf32>,
          %parallel_loop3A_600 = vector.shape_cast %parallel_loop3A_599 : vector<1x16xf32> to vector<16xf32>
          %parallel_loop3A_601 = arith.index_cast %parallel_loop3A_596 : i32 to index
          %parallel_loop3A_602 = arith.constant 0 : index
          %parallel_loop3A_603 = tpu.vector_load %arg10[%parallel_loop3A_601, %parallel_loop3A_602] {strides = array<i32>} : memref<160x128xf32, #tpu.memory_space<vmem>>, vector<1x16xf32>,
          %parallel_loop3A_604 = vector.shape_cast %parallel_loop3A_603 : vector<1x16xf32> to vector<16xf32>
          %parallel_loop3A_605 = arith.subf %parallel_loop3A_604, %parallel_loop3A_600 : vector<16xf32>
          %parallel_loop3A_606 = arith.mulf %parallel_loop3A_605, %parallel_loop3A_600 : vector<16xf32>
          %parallel_loop3A_607 = arith.index_cast %parallel_loop3A_596 : i32 to index
          %parallel_loop3A_608 = arith.constant 16 : index
          %parallel_loop3A_609 = tpu.vector_load %arg8[%parallel_loop3A_607, %parallel_loop3A_608] {strides = array<i32>} : memref<160x128xf32, #tpu.memory_space<vmem>>, vector<1x16xf32>,
          %parallel_loop3A_610 = vector.shape_cast %parallel_loop3A_609 : vector<1x16xf32> to vector<16xf32>
          %parallel_loop3A_611 = arith.index_cast %parallel_loop3A_596 : i32 to index
          %parallel_loop3A_612 = arith.constant 16 : index
          %parallel_loop3A_613 = tpu.vector_load %arg10[%parallel_loop3A_611, %parallel_loop3A_612] {strides = array<i32>} : memref<160x128xf32, #tpu.memory_space<vmem>>, vector<1x16xf32>,
          %parallel_loop3A_614 = vector.shape_cast %parallel_loop3A_613 : vector<1x16xf32> to vector<16xf32>
          %parallel_loop3A_615 = arith.subf %parallel_loop3A_614, %parallel_loop3A_610 : vector<16xf32>
          %parallel_loop3A_616 = arith.mulf %parallel_loop3A_615, %parallel_loop3A_610 : vector<16xf32>
          %parallel_loop3A_617 = arith.index_cast %parallel_loop3A_596 : i32 to index
          %parallel_loop3A_618 = arith.constant 32 : index
          %parallel_loop3A_619 = tpu.vector_load %arg8[%parallel_loop3A_617, %parallel_loop3A_618] {strides = array<i32>} : memref<160x128xf32, #tpu.memory_space<vmem>>, vector<1x16xf32>,
          %parallel_loop3A_620 = vector.shape_cast %parallel_loop3A_619 : vector<1x16xf32> to vector<16xf32>
          %parallel_loop3A_621 = arith.index_cast %parallel_loop3A_596 : i32 to index
          %parallel_loop3A_622 = arith.constant 32 : index
          %parallel_loop3A_623 = tpu.vector_load %arg10[%parallel_loop3A_621, %parallel_loop3A_622] {strides = array<i32>} : memref<160x128xf32, #tpu.memory_space<vmem>>, vector<1x16xf32>,
          %parallel_loop3A_624 = vector.shape_cast %parallel_loop3A_623 : vector<1x16xf32> to vector<16xf32>
          %parallel_loop3A_625 = arith.subf %parallel_loop3A_624, %parallel_loop3A_620 : vector<16xf32>
          %parallel_loop3A_626 = arith.mulf %parallel_loop3A_625, %parallel_loop3A_620 : vector<16xf32>
          %parallel_loop3A_627 = arith.index_cast %parallel_loop3A_596 : i32 to index
          %parallel_loop3A_628 = arith.constant 48 : index
          %parallel_loop3A_629 = tpu.vector_load %arg8[%parallel_loop3A_627, %parallel_loop3A_628] {strides = array<i32>} : memref<160x128xf32, #tpu.memory_space<vmem>>, vector<1x16xf32>,
          %parallel_loop3A_630 = vector.shape_cast %parallel_loop3A_629 : vector<1x16xf32> to vector<16xf32>
          %parallel_loop3A_631 = arith.index_cast %parallel_loop3A_596 : i32 to index
          %parallel_loop3A_632 = arith.constant 48 : index
          %parallel_loop3A_633 = tpu.vector_load %arg10[%parallel_loop3A_631, %parallel_loop3A_632] {strides = array<i32>} : memref<160x128xf32, #tpu.memory_space<vmem>>, vector<1x16xf32>,
          %parallel_loop3A_634 = vector.shape_cast %parallel_loop3A_633 : vector<1x16xf32> to vector<16xf32>
          %parallel_loop3A_635 = arith.subf %parallel_loop3A_634, %parallel_loop3A_630 : vector<16xf32>
          %parallel_loop3A_636 = arith.mulf %parallel_loop3A_635, %parallel_loop3A_630 : vector<16xf32>
          %parallel_loop3A_637 = arith.index_cast %parallel_loop3A_596 : i32 to index
          %parallel_loop3A_638 = arith.constant 64 : index
          %parallel_loop3A_639 = tpu.vector_load %arg8[%parallel_loop3A_637, %parallel_loop3A_638] {strides = array<i32>} : memref<160x128xf32, #tpu.memory_space<vmem>>, vector<1x16xf32>,
          %parallel_loop3A_640 = vector.shape_cast %parallel_loop3A_639 : vector<1x16xf32> to vector<16xf32>
          %parallel_loop3A_641 = arith.index_cast %parallel_loop3A_596 : i32 to index
          %parallel_loop3A_642 = arith.constant 64 : index
          %parallel_loop3A_643 = tpu.vector_load %arg10[%parallel_loop3A_641, %parallel_loop3A_642] {strides = array<i32>} : memref<160x128xf32, #tpu.memory_space<vmem>>, vector<1x16xf32>,
          %parallel_loop3A_644 = vector.shape_cast %parallel_loop3A_643 : vector<1x16xf32> to vector<16xf32>
          %parallel_loop3A_645 = arith.subf %parallel_loop3A_644, %parallel_loop3A_640 : vector<16xf32>
          %parallel_loop3A_646 = arith.mulf %parallel_loop3A_645, %parallel_loop3A_640 : vector<16xf32>
          %parallel_loop3A_647 = arith.index_cast %parallel_loop3A_596 : i32 to index
          %parallel_loop3A_648 = arith.constant 80 : index
          %parallel_loop3A_649 = tpu.vector_load %arg8[%parallel_loop3A_647, %parallel_loop3A_648] {strides = array<i32>} : memref<160x128xf32, #tpu.memory_space<vmem>>, vector<1x16xf32>,
          %parallel_loop3A_650 = vector.shape_cast %parallel_loop3A_649 : vector<1x16xf32> to vector<16xf32>
          %parallel_loop3A_651 = arith.index_cast %parallel_loop3A_596 : i32 to index
          %parallel_loop3A_652 = arith.constant 80 : index
          %parallel_loop3A_653 = tpu.vector_load %arg10[%parallel_loop3A_651, %parallel_loop3A_652] {strides = array<i32>} : memref<160x128xf32, #tpu.memory_space<vmem>>, vector<1x16xf32>,
          %parallel_loop3A_654 = vector.shape_cast %parallel_loop3A_653 : vector<1x16xf32> to vector<16xf32>
          %parallel_loop3A_655 = arith.subf %parallel_loop3A_654, %parallel_loop3A_650 : vector<16xf32>
          %parallel_loop3A_656 = arith.mulf %parallel_loop3A_655, %parallel_loop3A_650 : vector<16xf32>
          %parallel_loop3A_657 = arith.index_cast %parallel_loop3A_596 : i32 to index
          %parallel_loop3A_658 = arith.constant 96 : index
          %parallel_loop3A_659 = tpu.vector_load %arg8[%parallel_loop3A_657, %parallel_loop3A_658] {strides = array<i32>} : memref<160x128xf32, #tpu.memory_space<vmem>>, vector<1x16xf32>,
          %parallel_loop3A_660 = vector.shape_cast %parallel_loop3A_659 : vector<1x16xf32> to vector<16xf32>
          %parallel_loop3A_661 = arith.index_cast %parallel_loop3A_596 : i32 to index
          %parallel_loop3A_662 = arith.constant 96 : index
          %parallel_loop3A_663 = tpu.vector_load %arg10[%parallel_loop3A_661, %parallel_loop3A_662] {strides = array<i32>} : memref<160x128xf32, #tpu.memory_space<vmem>>, vector<1x16xf32>,
          %parallel_loop3A_664 = vector.shape_cast %parallel_loop3A_663 : vector<1x16xf32> to vector<16xf32>
          %parallel_loop3A_665 = arith.subf %parallel_loop3A_664, %parallel_loop3A_660 : vector<16xf32>
          %parallel_loop3A_666 = arith.mulf %parallel_loop3A_665, %parallel_loop3A_660 : vector<16xf32>
          %parallel_loop3A_667 = arith.index_cast %parallel_loop3A_596 : i32 to index
          %parallel_loop3A_668 = arith.constant 112 : index
          %parallel_loop3A_669 = tpu.vector_load %arg8[%parallel_loop3A_667, %parallel_loop3A_668] {strides = array<i32>} : memref<160x128xf32, #tpu.memory_space<vmem>>, vector<1x16xf32>,
          %parallel_loop3A_670 = vector.shape_cast %parallel_loop3A_669 : vector<1x16xf32> to vector<16xf32>
          %parallel_loop3A_671 = arith.index_cast %parallel_loop3A_596 : i32 to index
          %parallel_loop3A_672 = arith.constant 112 : index
          %parallel_loop3A_673 = tpu.vector_load %arg10[%parallel_loop3A_671, %parallel_loop3A_672] {strides = array<i32>} : memref<160x128xf32, #tpu.memory_space<vmem>>, vector<1x16xf32>,
          %parallel_loop3A_674 = vector.shape_cast %parallel_loop3A_673 : vector<1x16xf32> to vector<16xf32>
          %parallel_loop3A_675 = arith.subf %parallel_loop3A_674, %parallel_loop3A_670 : vector<16xf32>
          %parallel_loop3A_676 = arith.mulf %parallel_loop3A_675, %parallel_loop3A_670 : vector<16xf32>
          %parallel_loop3A_677 = arith.addf %parallel_loop3A_606, %parallel_loop3A_616 : vector<16xf32>
          %parallel_loop3A_678 = arith.addf %parallel_loop3A_626, %parallel_loop3A_636 : vector<16xf32>
          %parallel_loop3A_679 = arith.addf %parallel_loop3A_646, %parallel_loop3A_656 : vector<16xf32>
          %parallel_loop3A_680 = arith.addf %parallel_loop3A_666, %parallel_loop3A_676 : vector<16xf32>
          %parallel_loop3A_681 = arith.addf %parallel_loop3A_677, %parallel_loop3A_678 : vector<16xf32>
          %parallel_loop3A_682 = arith.addf %parallel_loop3A_679, %parallel_loop3A_680 : vector<16xf32>
          %parallel_loop3A_683 = arith.addf %parallel_loop3A_681, %parallel_loop3A_682 : vector<16xf32>
          %parallel_loop3A_684 = tpu.iota {dimensions = array<i32: 0>} : vector<16xi32>
          %parallel_loop3A_685 = arith.constant 8 : i32
          %parallel_loop3A_686 = vector.broadcast %parallel_loop3A_685 : i32 to vector<16xi32>
          %parallel_loop3A_687 = arith.xori %parallel_loop3A_684, %parallel_loop3A_686 : vector<16xi32>
          %parallel_loop3A_688 = arith.constant 0 : i32
          %parallel_loop3A_689 = vector.broadcast %parallel_loop3A_688 : i32 to vector<16xi32>
          %parallel_loop3A_690 = arith.cmpi slt, %parallel_loop3A_687, %parallel_loop3A_689 : vector<16xi32>
          %parallel_loop3A_691 = arith.constant 16 : i32
          %parallel_loop3A_692 = vector.broadcast %parallel_loop3A_691 : i32 to vector<16xi32>
          %parallel_loop3A_693 = arith.addi %parallel_loop3A_687, %parallel_loop3A_692 : vector<16xi32>
          %parallel_loop3A_694 = arith.select %parallel_loop3A_690, %parallel_loop3A_693, %parallel_loop3A_687 : vector<16xi1>, vector<16xi32>
          %parallel_loop3A_695 = vector.shape_cast %parallel_loop3A_694 : vector<16xi32> to vector<16x1xi32>
          %parallel_loop3A_696 = vector.shape_cast %parallel_loop3A_695 : vector<16x1xi32> to vector<16xi32>
          %parallel_loop3A_697 = tpu.dynamic_gather %parallel_loop3A_683[%parallel_loop3A_696] in [0] : vector<16xf32>, vector<16xi32> -> vector<16xf32>
          %parallel_loop3A_698 = arith.addf %parallel_loop3A_683, %parallel_loop3A_697 : vector<16xf32>
          %parallel_loop3A_699 = arith.constant 4 : i32
          %parallel_loop3A_700 = vector.broadcast %parallel_loop3A_699 : i32 to vector<16xi32>
          %parallel_loop3A_701 = arith.xori %parallel_loop3A_684, %parallel_loop3A_700 : vector<16xi32>
          %parallel_loop3A_702 = arith.constant 0 : i32
          %parallel_loop3A_703 = vector.broadcast %parallel_loop3A_702 : i32 to vector<16xi32>
          %parallel_loop3A_704 = arith.cmpi slt, %parallel_loop3A_701, %parallel_loop3A_703 : vector<16xi32>
          %parallel_loop3A_705 = arith.constant 16 : i32
          %parallel_loop3A_706 = vector.broadcast %parallel_loop3A_705 : i32 to vector<16xi32>
          %parallel_loop3A_707 = arith.addi %parallel_loop3A_701, %parallel_loop3A_706 : vector<16xi32>
          %parallel_loop3A_708 = arith.select %parallel_loop3A_704, %parallel_loop3A_707, %parallel_loop3A_701 : vector<16xi1>, vector<16xi32>
          %parallel_loop3A_709 = vector.shape_cast %parallel_loop3A_708 : vector<16xi32> to vector<16x1xi32>
          %parallel_loop3A_710 = vector.shape_cast %parallel_loop3A_709 : vector<16x1xi32> to vector<16xi32>
          %parallel_loop3A_711 = tpu.dynamic_gather %parallel_loop3A_698[%parallel_loop3A_710] in [0] : vector<16xf32>, vector<16xi32> -> vector<16xf32>
          %parallel_loop3A_712 = arith.addf %parallel_loop3A_698, %parallel_loop3A_711 : vector<16xf32>
          %parallel_loop3A_713 = arith.constant 2 : i32
          %parallel_loop3A_714 = vector.broadcast %parallel_loop3A_713 : i32 to vector<16xi32>
          %parallel_loop3A_715 = arith.xori %parallel_loop3A_684, %parallel_loop3A_714 : vector<16xi32>
          %parallel_loop3A_716 = arith.constant 0 : i32
          %parallel_loop3A_717 = vector.broadcast %parallel_loop3A_716 : i32 to vector<16xi32>
          %parallel_loop3A_718 = arith.cmpi slt, %parallel_loop3A_715, %parallel_loop3A_717 : vector<16xi32>
          %parallel_loop3A_719 = arith.constant 16 : i32
          %parallel_loop3A_720 = vector.broadcast %parallel_loop3A_719 : i32 to vector<16xi32>
          %parallel_loop3A_721 = arith.addi %parallel_loop3A_715, %parallel_loop3A_720 : vector<16xi32>
          %parallel_loop3A_722 = arith.select %parallel_loop3A_718, %parallel_loop3A_721, %parallel_loop3A_715 : vector<16xi1>, vector<16xi32>
          %parallel_loop3A_723 = vector.shape_cast %parallel_loop3A_722 : vector<16xi32> to vector<16x1xi32>
          %parallel_loop3A_724 = vector.shape_cast %parallel_loop3A_723 : vector<16x1xi32> to vector<16xi32>
          %parallel_loop3A_725 = tpu.dynamic_gather %parallel_loop3A_712[%parallel_loop3A_724] in [0] : vector<16xf32>, vector<16xi32> -> vector<16xf32>
          %parallel_loop3A_726 = arith.addf %parallel_loop3A_712, %parallel_loop3A_725 : vector<16xf32>
          %parallel_loop3A_727 = arith.constant 1 : i32
          %parallel_loop3A_728 = vector.broadcast %parallel_loop3A_727 : i32 to vector<16xi32>
          %parallel_loop3A_729 = arith.xori %parallel_loop3A_684, %parallel_loop3A_728 : vector<16xi32>
          %parallel_loop3A_730 = arith.constant 0 : i32
          %parallel_loop3A_731 = vector.broadcast %parallel_loop3A_730 : i32 to vector<16xi32>
          %parallel_loop3A_732 = arith.cmpi slt, %parallel_loop3A_729, %parallel_loop3A_731 : vector<16xi32>
          %parallel_loop3A_733 = arith.constant 16 : i32
          %parallel_loop3A_734 = vector.broadcast %parallel_loop3A_733 : i32 to vector<16xi32>
          %parallel_loop3A_735 = arith.addi %parallel_loop3A_729, %parallel_loop3A_734 : vector<16xi32>
          %parallel_loop3A_736 = arith.select %parallel_loop3A_732, %parallel_loop3A_735, %parallel_loop3A_729 : vector<16xi1>, vector<16xi32>
          %parallel_loop3A_737 = vector.shape_cast %parallel_loop3A_736 : vector<16xi32> to vector<16x1xi32>
          %parallel_loop3A_738 = vector.shape_cast %parallel_loop3A_737 : vector<16x1xi32> to vector<16xi32>
          %parallel_loop3A_739 = tpu.dynamic_gather %parallel_loop3A_726[%parallel_loop3A_738] in [0] : vector<16xf32>, vector<16xi32> -> vector<16xf32>
          %parallel_loop3A_740 = arith.addf %parallel_loop3A_726, %parallel_loop3A_739 : vector<16xf32>
          %parallel_loop3A_741 = arith.constant -0.0883883461 : f32
          %parallel_loop3A_742 = vector.broadcast %parallel_loop3A_741 : f32 to vector<16xf32>
          %parallel_loop3A_743 = arith.mulf %parallel_loop3A_740, %parallel_loop3A_742 : vector<16xf32>
          %parallel_loop3A_744 = math.exp %parallel_loop3A_743 : vector<16xf32>
          %parallel_loop3A_745 = arith.constant 1.000000e+00 : f32
          %parallel_loop3A_746 = vector.broadcast %parallel_loop3A_745 : f32 to vector<16xf32>
          %parallel_loop3A_747 = arith.addf %parallel_loop3A_746, %parallel_loop3A_744 : vector<16xf32>
          %parallel_loop3A_748 = arith.constant 1.000000e+00 : f32
          %parallel_loop3A_749 = vector.broadcast %parallel_loop3A_748 : f32 to vector<16xf32>
          %parallel_loop3A_750 = arith.divf %parallel_loop3A_749, %parallel_loop3A_747 : vector<16xf32>
          %parallel_loop3A_751 = arith.mulf %parallel_loop3A_750, %parallel_loop3A_605 : vector<16xf32>
          %parallel_loop3A_752 = arith.addf %parallel_loop3A_600, %parallel_loop3A_751 : vector<16xf32>
          %parallel_loop3A_753 = arith.index_cast %parallel_loop3A_596 : i32 to index
          %parallel_loop3A_754 = arith.constant 0 : index
          %parallel_loop3A_755 = tpu.vector_load %arg10[%parallel_loop3A_753, %parallel_loop3A_754] {strides = array<i32>} : memref<160x128xf32, #tpu.memory_space<vmem>>, vector<1x16xf32>,
          %parallel_loop3A_756 = vector.shape_cast %parallel_loop3A_755 : vector<1x16xf32> to vector<16xf32>
          %parallel_loop3A_757 = vector.shape_cast %parallel_loop3A_752 : vector<16xf32> to vector<1x16xf32>
          tpu.vector_store %arg10[%parallel_loop3A_753, %parallel_loop3A_754], %parallel_loop3A_757 {strides = array<i32>} : memref<160x128xf32, #tpu.memory_space<vmem>>, vector<1x16xf32>,
          %parallel_loop3A_758 = arith.mulf %parallel_loop3A_750, %parallel_loop3A_615 : vector<16xf32>
          %parallel_loop3A_759 = arith.addf %parallel_loop3A_610, %parallel_loop3A_758 : vector<16xf32>
          %parallel_loop3A_760 = arith.index_cast %parallel_loop3A_596 : i32 to index
          %parallel_loop3A_761 = arith.constant 16 : index
          %parallel_loop3A_762 = tpu.vector_load %arg10[%parallel_loop3A_760, %parallel_loop3A_761] {strides = array<i32>} : memref<160x128xf32, #tpu.memory_space<vmem>>, vector<1x16xf32>,
          %parallel_loop3A_763 = vector.shape_cast %parallel_loop3A_762 : vector<1x16xf32> to vector<16xf32>
          %parallel_loop3A_764 = vector.shape_cast %parallel_loop3A_759 : vector<16xf32> to vector<1x16xf32>
          tpu.vector_store %arg10[%parallel_loop3A_760, %parallel_loop3A_761], %parallel_loop3A_764 {strides = array<i32>} : memref<160x128xf32, #tpu.memory_space<vmem>>, vector<1x16xf32>,
          %parallel_loop3A_765 = arith.mulf %parallel_loop3A_750, %parallel_loop3A_625 : vector<16xf32>
          %parallel_loop3A_766 = arith.addf %parallel_loop3A_620, %parallel_loop3A_765 : vector<16xf32>
          %parallel_loop3A_767 = arith.index_cast %parallel_loop3A_596 : i32 to index
          %parallel_loop3A_768 = arith.constant 32 : index
          %parallel_loop3A_769 = tpu.vector_load %arg10[%parallel_loop3A_767, %parallel_loop3A_768] {strides = array<i32>} : memref<160x128xf32, #tpu.memory_space<vmem>>, vector<1x16xf32>,
          %parallel_loop3A_770 = vector.shape_cast %parallel_loop3A_769 : vector<1x16xf32> to vector<16xf32>
          %parallel_loop3A_771 = vector.shape_cast %parallel_loop3A_766 : vector<16xf32> to vector<1x16xf32>
          tpu.vector_store %arg10[%parallel_loop3A_767, %parallel_loop3A_768], %parallel_loop3A_771 {strides = array<i32>} : memref<160x128xf32, #tpu.memory_space<vmem>>, vector<1x16xf32>,
          %parallel_loop3A_772 = arith.mulf %parallel_loop3A_750, %parallel_loop3A_635 : vector<16xf32>
          %parallel_loop3A_773 = arith.addf %parallel_loop3A_630, %parallel_loop3A_772 : vector<16xf32>
          %parallel_loop3A_774 = arith.index_cast %parallel_loop3A_596 : i32 to index
          %parallel_loop3A_775 = arith.constant 48 : index
          %parallel_loop3A_776 = tpu.vector_load %arg10[%parallel_loop3A_774, %parallel_loop3A_775] {strides = array<i32>} : memref<160x128xf32, #tpu.memory_space<vmem>>, vector<1x16xf32>,
          %parallel_loop3A_777 = vector.shape_cast %parallel_loop3A_776 : vector<1x16xf32> to vector<16xf32>
          %parallel_loop3A_778 = vector.shape_cast %parallel_loop3A_773 : vector<16xf32> to vector<1x16xf32>
          tpu.vector_store %arg10[%parallel_loop3A_774, %parallel_loop3A_775], %parallel_loop3A_778 {strides = array<i32>} : memref<160x128xf32, #tpu.memory_space<vmem>>, vector<1x16xf32>,
          %parallel_loop3A_779 = arith.mulf %parallel_loop3A_750, %parallel_loop3A_645 : vector<16xf32>
          %parallel_loop3A_780 = arith.addf %parallel_loop3A_640, %parallel_loop3A_779 : vector<16xf32>
          %parallel_loop3A_781 = arith.index_cast %parallel_loop3A_596 : i32 to index
          %parallel_loop3A_782 = arith.constant 64 : index
          %parallel_loop3A_783 = tpu.vector_load %arg10[%parallel_loop3A_781, %parallel_loop3A_782] {strides = array<i32>} : memref<160x128xf32, #tpu.memory_space<vmem>>, vector<1x16xf32>,
          %parallel_loop3A_784 = vector.shape_cast %parallel_loop3A_783 : vector<1x16xf32> to vector<16xf32>
          %parallel_loop3A_785 = vector.shape_cast %parallel_loop3A_780 : vector<16xf32> to vector<1x16xf32>
          tpu.vector_store %arg10[%parallel_loop3A_781, %parallel_loop3A_782], %parallel_loop3A_785 {strides = array<i32>} : memref<160x128xf32, #tpu.memory_space<vmem>>, vector<1x16xf32>,
          %parallel_loop3A_786 = arith.mulf %parallel_loop3A_750, %parallel_loop3A_655 : vector<16xf32>
          %parallel_loop3A_787 = arith.addf %parallel_loop3A_650, %parallel_loop3A_786 : vector<16xf32>
          %parallel_loop3A_788 = arith.index_cast %parallel_loop3A_596 : i32 to index
          %parallel_loop3A_789 = arith.constant 80 : index
          %parallel_loop3A_790 = tpu.vector_load %arg10[%parallel_loop3A_788, %parallel_loop3A_789] {strides = array<i32>} : memref<160x128xf32, #tpu.memory_space<vmem>>, vector<1x16xf32>,
          %parallel_loop3A_791 = vector.shape_cast %parallel_loop3A_790 : vector<1x16xf32> to vector<16xf32>
          %parallel_loop3A_792 = vector.shape_cast %parallel_loop3A_787 : vector<16xf32> to vector<1x16xf32>
          tpu.vector_store %arg10[%parallel_loop3A_788, %parallel_loop3A_789], %parallel_loop3A_792 {strides = array<i32>} : memref<160x128xf32, #tpu.memory_space<vmem>>, vector<1x16xf32>,
          %parallel_loop3A_793 = arith.mulf %parallel_loop3A_750, %parallel_loop3A_665 : vector<16xf32>
          %parallel_loop3A_794 = arith.addf %parallel_loop3A_660, %parallel_loop3A_793 : vector<16xf32>
          %parallel_loop3A_795 = arith.index_cast %parallel_loop3A_596 : i32 to index
          %parallel_loop3A_796 = arith.constant 96 : index
          %parallel_loop3A_797 = tpu.vector_load %arg10[%parallel_loop3A_795, %parallel_loop3A_796] {strides = array<i32>} : memref<160x128xf32, #tpu.memory_space<vmem>>, vector<1x16xf32>,
          %parallel_loop3A_798 = vector.shape_cast %parallel_loop3A_797 : vector<1x16xf32> to vector<16xf32>
          %parallel_loop3A_799 = vector.shape_cast %parallel_loop3A_794 : vector<16xf32> to vector<1x16xf32>
          tpu.vector_store %arg10[%parallel_loop3A_795, %parallel_loop3A_796], %parallel_loop3A_799 {strides = array<i32>} : memref<160x128xf32, #tpu.memory_space<vmem>>, vector<1x16xf32>,
          %parallel_loop3A_800 = arith.mulf %parallel_loop3A_750, %parallel_loop3A_675 : vector<16xf32>
          %parallel_loop3A_801 = arith.addf %parallel_loop3A_670, %parallel_loop3A_800 : vector<16xf32>
          %parallel_loop3A_802 = arith.index_cast %parallel_loop3A_596 : i32 to index
          %parallel_loop3A_803 = arith.constant 112 : index
          %parallel_loop3A_804 = tpu.vector_load %arg10[%parallel_loop3A_802, %parallel_loop3A_803] {strides = array<i32>} : memref<160x128xf32, #tpu.memory_space<vmem>>, vector<1x16xf32>,
          %parallel_loop3A_805 = vector.shape_cast %parallel_loop3A_804 : vector<1x16xf32> to vector<16xf32>
          %parallel_loop3A_806 = vector.shape_cast %parallel_loop3A_801 : vector<16xf32> to vector<1x16xf32>
          tpu.vector_store %arg10[%parallel_loop3A_802, %parallel_loop3A_803], %parallel_loop3A_806 {strides = array<i32>} : memref<160x128xf32, #tpu.memory_space<vmem>>, vector<1x16xf32>,
        } {sc.loop_unroll_factor = 1 : i64, sc.parallel_access}
        %mul3A_590 = arith.constant 160 : i32
        %mul3A_591 = arith.muli %add3A_511, %mul3A_590 : i32
        %dma_start3A_592 = arith.constant 0 : i32
        %dma_start3A_593 = tpu.memref_slice %arg4[%mul3A_591, %dma_start3A_592] : memref<80000x128xf32, #tpu.memory_space<hbm>> -> memref<160x128xf32, #tpu.memory_space<hbm>>
        %dma_start3A_594 = arith.constant 0 : i32
        %dma_start3A_595 = tpu.memref_slice %arg4[%mul3A_591, %dma_start3A_594] : memref<80000x128xf32, #tpu.memory_space<hbm>> -> memref<160x128xf32, #tpu.memory_space<hbm>>
        tpu.enqueue_dma source(%arg10 : memref<160x128xf32, #tpu.memory_space<vmem>>) target(%dma_start3A_595 : memref<160x128xf32, #tpu.memory_space<hbm>>) target_semaphore(%arg14 : memref<!tpu.dma_semaphore, #tpu.memory_space<semaphore_mem>>)
      } else {
      }
    }
    %sub3A_424 = arith.constant 1 : i32
    %sub3A_425 = arith.subi %add3A_20, %sub3A_424 : i32
    %jit3A_426 = arith.constant 2 : i32
    %eq3A = arith.constant 0 : i32
    %eq3A_427 = arith.cmpi eq, %jit3A_426, %eq3A : i32
    %jit3A_428 = arith.constant 1 : i32
    %select_n3A_429 = arith.select %eq3A_427, %jit3A_428, %jit3A_426 : i32
    %rem3A_430 = arith.remsi %sub3A_425, %select_n3A_429 : i32
    %ne3A_431 = arith.constant 0 : i32
    %ne3A_432 = arith.cmpi ne, %rem3A_430, %ne3A_431 : i32
    %lt3A = arith.constant 0 : i32
    %lt3A_433 = arith.cmpi slt, %rem3A_430, %lt3A : i32
    %lt3A_434 = arith.constant 0 : i32
    %lt3A_435 = arith.cmpi slt, %select_n3A_429, %lt3A_434 : i32
    %ne3A_436 = arith.xori %lt3A_433, %lt3A_435 : i1
    %and3A_437 = arith.andi %ne3A_436, %ne3A_432 : i1
    %add3A_438 = arith.addi %rem3A_430, %select_n3A_429 : i32
    %select_n3A_439 = arith.select %and3A_437, %add3A_438, %rem3A_430 : i32
    %eq3A_440 = arith.constant 0 : i32
    %eq3A_441 = arith.cmpi eq, %select_n3A_439, %eq3A_440 : i32
    %convert_element_type3A = arith.extui %eq3A_441 : i1 to i32
    %cond3A = arith.constant 0 : i32
    %cond3A_442 = arith.cmpi ne, %convert_element_type3A, %cond3A : i32
    scf.if %cond3A_442 {
      %dma_wait3A = arith.constant 0 : i32
      %dma_wait3A_466 = arith.constant 0 : i32
      %dma_wait3A_467 = tpu.memref_slice %arg4[%dma_wait3A, %dma_wait3A_466] : memref<80000x128xf32, #tpu.memory_space<hbm>> -> memref<160x128xf32, #tpu.memory_space<hbm>>
      %dma_wait3A_468 = arith.constant 0 : i32
      %dma_wait3A_469 = arith.constant 0 : i32
      %dma_wait3A_470 = tpu.memref_slice %arg4[%dma_wait3A_468, %dma_wait3A_469] : memref<80000x128xf32, #tpu.memory_space<hbm>> -> memref<160x128xf32, #tpu.memory_space<hbm>>
      tpu.wait_dma2 semaphore(%arg13 : memref<!tpu.dma_semaphore, #tpu.memory_space<semaphore_mem>>) src(%arg9 : memref<160x128xf32, #tpu.memory_space<vmem>>) dst(%dma_wait3A_470 : memref<160x128xf32, #tpu.memory_space<hbm>>)
    } else {
    }
    %sub3A_443 = arith.constant 1 : i32
    %sub3A_444 = arith.subi %add3A_20, %sub3A_443 : i32
    %jit3A_445 = arith.constant 2 : i32
    %eq3A_446 = arith.constant 0 : i32
    %eq3A_447 = arith.cmpi eq, %jit3A_445, %eq3A_446 : i32
    %jit3A_448 = arith.constant 1 : i32
    %select_n3A_449 = arith.select %eq3A_447, %jit3A_448, %jit3A_445 : i32
    %rem3A_450 = arith.remsi %sub3A_444, %select_n3A_449 : i32
    %ne3A_451 = arith.constant 0 : i32
    %ne3A_452 = arith.cmpi ne, %rem3A_450, %ne3A_451 : i32
    %lt3A_453 = arith.constant 0 : i32
    %lt3A_454 = arith.cmpi slt, %rem3A_450, %lt3A_453 : i32
    %lt3A_455 = arith.constant 0 : i32
    %lt3A_456 = arith.cmpi slt, %select_n3A_449, %lt3A_455 : i32
    %ne3A_457 = arith.xori %lt3A_454, %lt3A_456 : i1
    %and3A_458 = arith.andi %ne3A_457, %ne3A_452 : i1
    %add3A_459 = arith.addi %rem3A_450, %select_n3A_449 : i32
    %select_n3A_460 = arith.select %and3A_458, %add3A_459, %rem3A_450 : i32
    %eq3A_461 = arith.constant 1 : i32
    %eq3A_462 = arith.cmpi eq, %select_n3A_460, %eq3A_461 : i32
    %convert_element_type3A_463 = arith.extui %eq3A_462 : i1 to i32
    %cond3A_464 = arith.constant 0 : i32
    %cond3A_465 = arith.cmpi ne, %convert_element_type3A_463, %cond3A_464 : i32
    scf.if %cond3A_465 {
      %dma_wait3A = arith.constant 0 : i32
      %dma_wait3A_466 = arith.constant 0 : i32
      %dma_wait3A_467 = tpu.memref_slice %arg4[%dma_wait3A, %dma_wait3A_466] : memref<80000x128xf32, #tpu.memory_space<hbm>> -> memref<160x128xf32, #tpu.memory_space<hbm>>
      %dma_wait3A_468 = arith.constant 0 : i32
      %dma_wait3A_469 = arith.constant 0 : i32
      %dma_wait3A_470 = tpu.memref_slice %arg4[%dma_wait3A_468, %dma_wait3A_469] : memref<80000x128xf32, #tpu.memory_space<hbm>> -> memref<160x128xf32, #tpu.memory_space<hbm>>
      tpu.wait_dma2 semaphore(%arg14 : memref<!tpu.dma_semaphore, #tpu.memory_space<semaphore_mem>>) src(%arg10 : memref<160x128xf32, #tpu.memory_space<vmem>>) dst(%dma_wait3A_470 : memref<160x128xf32, #tpu.memory_space<hbm>>)
    } else {
    }
    return
  }
}

</mosaic_0001>

<sc_bundles>
// kernel: _run.3.cloned.1.call-start
scs
__scs_entry_jumppad:
0x0: {  	(pc) =	sbr.rel $0x88, $3  }
0x1: {  	(tag) =	ssettag $0x0;
	lr =	simm.s32 $0x1  }
0x2: {  	[smem:$0x3F9F] =	sst lr;
	_ =	strace $0xD0000000  }
0x3: {  	_ = 	snop  }
0x4: {  	_ = 	snop  }
0x5: {  	_ = 	snop  }
0x6: {  	_ = 	snop  }
0x7: {  	_ = 	snop  }
__scs_overlays_trampoline_lowered:
0x8: {  	[smem:$0x3FAE] =	sst s0  }
0x9: {  	[smem:$0x3FAF] =	sst s1  }
0xa: {  	[smem:$0x3FB0] =	sst s2  }
0xb: {  	[smem:$0x3FB1] =	sst s3  }
0xc: {  	[smem:$0x3FB2] =	sst s4  }
0xd: {  	[smem:$0x3FB3] =	sst s5  }
0xe: {  	[smem:$0x3FB4] =	sst s6  }
0xf: {  	[smem:$0x3FB5] =	sst s7  }
0x10: {  	[smem:$0x3FB6] =	sst s8  }
0x11: {  	[smem:$0x3FB7] =	sst s9;
	s0 =	simm.s32 @!p0 $0x0  }
0x12: {  	s1 =	sld [smem:$0x3F9D];
	s0 =	simm.s32 @p0 $0x1  }
0x13: {  	[smem:$0x3FB8] =	sst s0;
	s0 =	simm.s32 @!p1 $0x0  }
0x14: {  	s2 =	sld [smem:$0x3F9C];
	s0 =	simm.s32 @p1 $0x1  }
0x15: {  	[smem:$0x3FB9] =	sst s0;
	s0 =	simm.s32 @!p2 $0x0  }
0x16: {  	s3 =	sld [smem:$0x3FDB];
	s0 =	simm.s32 @p2 $0x1  }
0x17: {  	s4 =	simm.s32 $0x1BF5;
	[smem:$0x3FBB] =	sst s0  }
0x18: {  	s0 =	sld [smem:$0x3F9E];
	_ =	swait.ge [sflag:s4], $0x0  }
0x19: {  	s7 =	sld [smem:$0x3F9F]  }
0x1a: {  	s8 =	sadd.s32 $0xFFFFE003, lr  }
0x1b: {  	s9 =	sadd.s32 $0xFFFFFEF7, lr;
	s5 =	simm.s32 $0xFFFFFFFF;
	p2 =	slt.u32 s8, $0xFFFFF086  }
0x1c: {  	p1 =	slt.u32 s9, $0xF7A;
	s5 =	simm.s32 @!p2 $0x0  }
0x1d: {  	s5 =	simm.s32 @p1 $0x1;
	p0 =	seq.s32 s7, s2  }
0x1e: {  	s7 =	smul.u32 @!p0 $0xF7A, s2;
	p2 =	seq.s32 @!p0 s5, $0x0  }
0x1f: {  	s9 =	smul.u32 $0xF7A, s1;
	s8 =	simm.s32 @!p0 $0x1BF5;
	p2 =	por !p2, p0  }
0x20: {  	[sflag:s8] =	ssyncset.s32 @!p0 $0xFFFFF086;
	s6 =	sadd.s32 @!p0 s3, s7;
	s7 =	simm.s32 @!p0 $0x108  }
0x21: {  	s3 =	sadd.s32 s3, s9;
	s6 =	sadd.s32 @!p0 $0x88, s6;
	s7 =	simm.s32 @p2 $0x1082  }
0x22: {  	[simem:s7], [sflag:s8] =	dma.local @!p0 [hbm:s6], $0xF7A  }
0x23: {  	s9 =	sor.u32 $0xD0000000, s2;
	s6 =	simm.s32 $0x108;
	_ =	swait.ge @!p0 [sflag:s8], $0x0  }
0x24: {  	s3 =	sadd.s32 $0x88, s3;
	s6 =	simm.s32 @!p1 $0x1082;
	[sflag:s4] =	ssyncset.s32 $0xFFFFF086  }
0x25: {  	[simem:s6], [sflag:s4] =	dma.local [hbm:s3], $0xF7A  }
0x26: {  	[smem:$0x3F9F] =	sst s1;
	(tag) =	ssettag s2;
	_ =	strace s9  }
0x27: {  	s1 =	sld [smem:$0x3FAF]  }
0x28: {  	s2 =	sld [smem:$0x3FB0]  }
0x29: {  	s4 =	sld [smem:$0x3FB2]  }
0x2a: {  	p0 =	seq.s32 s5, $0x0;
	s5 =	sld [smem:$0x3FB3]  }
0x2b: {  	s6 =	sld [smem:$0x3FB4]  }
0x2c: {  	s7 =	sld [smem:$0x3FB5]  }
0x2d: {  	s3 =	simm.s32 $0x108;
	s8 =	sld [smem:$0x3FB6]  }
0x2e: {  	s3 =	simm.s32 @!p0 $0x1082;
	s9 =	sld [smem:$0x3FB7]  }
0x2f: {  	lr =	sadd.s32 s0, s3;
	s0 =	sld [smem:$0x3FAE]  }
0x30: {  	s3 =	sld [smem:$0x3FB1]  }
0x31: {  	[smem:$0x3FBA] =	sst s10  }
0x32: {  	s10 =	sld [smem:$0x3FB8];
	_ =	sdelay $0x3  }
0x33: {  	p0 =	seq.s32 s10, $0x1;
	s10 =	sld [smem:$0x3FBA];
	_ =	sdelay $0x3  }
0x34: {  	[smem:$0x3FBA] =	sst s10  }
0x35: {  	s10 =	sld [smem:$0x3FB9];
	_ =	sdelay $0x3  }
0x36: {  	p1 =	seq.s32 s10, $0x1;
	s10 =	sld [smem:$0x3FBA];
	_ =	sdelay $0x3  }
0x37: {  	[smem:$0x3FBA] =	sst s10  }
0x38: {  	s10 =	sld [smem:$0x3FBB]  }
0x39: {  	_ = 	snop;
	(pc) =	sbr.ind lr, $3  }
0x3a: {  	_ = 	snop  }
0x3b: {  	_ = 	snop  }
0x3c: {  	p2 =	seq.s32 s10, $0x1;
	s10 =	sld [smem:$0x3FBA]  }
0x3d: {  	_ =	shalt  }
0x3e: {  	_ =	shalt  }
0x3f: {  	_ =	shalt  }
0x40: {  	_ =	shalt  }
0x41: {  	_ =	shalt  }
0x42: {  	_ =	shalt  }
0x43: {  	_ =	shalt  }
0x44: {  	_ =	shalt  }
0x45: {  	_ =	shalt  }
0x46: {  	_ =	shalt  }
0x47: {  	_ =	shalt  }
0x48: {  	_ =	shalt  }
0x49: {  	_ =	shalt  }
0x4a: {  	_ =	shalt  }
0x4b: {  	_ =	shalt  }
0x4c: {  	_ =	shalt  }
0x4d: {  	_ =	shalt  }
0x4e: {  	_ =	shalt  }
0x4f: {  	_ =	shalt  }
0x50: {  	_ =	shalt  }
0x51: {  	_ =	shalt  }
0x52: {  	_ =	shalt  }
0x53: {  	_ =	shalt  }
0x54: {  	_ =	shalt  }
0x55: {  	_ =	shalt  }
0x56: {  	_ =	shalt  }
0x57: {  	_ =	shalt  }
0x58: {  	_ =	shalt  }
0x59: {  	_ =	shalt  }
0x5a: {  	_ =	shalt  }
0x5b: {  	_ =	shalt  }
0x5c: {  	_ =	shalt  }
0x5d: {  	_ =	shalt  }
0x5e: {  	_ =	shalt  }
0x5f: {  	_ =	shalt  }
0x60: {  	_ =	shalt  }
0x61: {  	_ =	shalt  }
0x62: {  	_ =	shalt  }
0x63: {  	_ =	shalt  }
0x64: {  	_ =	shalt  }
0x65: {  	_ =	shalt  }
0x66: {  	_ =	shalt  }
0x67: {  	_ =	shalt  }
0x68: {  	_ =	shalt  }
0x69: {  	_ =	shalt  }
0x6a: {  	_ =	shalt  }
0x6b: {  	_ =	shalt  }
0x6c: {  	_ =	shalt  }
0x6d: {  	_ =	shalt  }
0x6e: {  	_ =	shalt  }
0x6f: {  	_ =	shalt  }
0x70: {  	_ =	shalt  }
0x71: {  	_ =	shalt  }
0x72: {  	_ =	shalt  }
0x73: {  	_ =	shalt  }
0x74: {  	_ =	shalt  }
0x75: {  	_ =	shalt  }
0x76: {  	_ =	shalt  }
0x77: {  	_ =	shalt  }
0x78: {  	_ =	shalt  }
0x79: {  	_ =	shalt  }
0x7a: {  	_ =	shalt  }
0x7b: {  	_ =	shalt  }
0x7c: {  	_ =	shalt  }
0x7d: {  	_ =	shalt  }
0x7e: {  	_ =	shalt  }
0x7f: {  	_ =	shalt  }
0x80: {  	_ =	shalt  }
0x81: {  	_ =	shalt  }
0x82: {  	_ =	shalt  }
0x83: {  	_ =	shalt  }
0x84: {  	_ =	shalt  }
0x85: {  	_ =	shalt  }
0x86: {  	_ =	shalt  }
0x87: {  	_ =	shalt  }
.Lfunc_end0:
.L_simem_size_0:
called_computation_lowered:
.L_overlay_start_0:
0x88: {  	s2 =	sld [smem:$0x3FD9]  }
0x89: {  	s3 =	sld [smem:$0x3FFE];
	_ =	sdelay $0x1  }
0x8a: {  	s1 =	srdreg.scid  }
0x8b: {  	s0 =	sand.u32 $0x1, s1  }
0x8c: {  	s18 =	sshll.u32 s0, $0xA;
	s2 =	sadd.s32 s3, s2  }
0x8d: {  	s2 =	sadd.s32 s2, s18  }
0x8e: {  	[smem:$0x3FC6] =	sst s2  }
0x8f: {  	_ = 	snop  }
0x90: {  	s2 =	sld [smem:$0x3FC9]  }
0x91: {  	s19 =	sld [smem:$0x3FC8]  }
0x92: {  	s4 =	sld [smem:$0x3FD0];
	(tm) =	ssettm $0x1  }
0x93: {  	s5 =	sld [smem:$0x3FFB];
	_ =	sdelay $0x3  }
0x94: {  	_ =	strace s5  }
0x95: {  	s5 =	sld [smem:$0x3FFC];
	_ =	sdelay $0x3  }
0x96: {  	_ =	strace s5  }
0x97: {  	s5 =	sld [smem:$0x3FFD];
	_ =	sdelay $0x3  }
0x98: {  	_ =	strace s5  }
0x99: {  	_ =	strace $0x8FFFFFFF  }
0x9a: {  	s20 =	sld [smem:$0x3FDB];
	_ =	sdelay $0x1  }
0x9b: {  	s6 =	simm.s32 $_scs_section_size  }
0x9c: {  	s7 =	simm.s32 $_size__tile_overlayer_lowered;
	s8 =	simm.s32 $_tile_overlayer_lowered  }
0x9d: {  	s23 =	simm.s32 $0x1BFF;
	s22 =	sshll.u32 s8, $0x1;
	s5 =	sadd.s32 s6, s20  }
0x9e: {  	s9 =	simm.s32 $0x0;
	s21 =	sshll.u32 s7, $0x1;
	s7 =	sadd.s32 s22, s5  }
0x9f: {  	[timem:s9], [sflag:s23] =	dma.local [hbm:s7], s21  }
0xa0: {  	_ =	swait.ge [sflag:s23], s21  }
0xa1: {  	s6 =	ssub.s32 $0x0, s21;
	[sflag:s23] =	ssyncset.done $0x0  }
0xa2: {  	[sflag:s23] =	ssyncadd.s32 s6;
	_ =	sdelay $0x1  }
0xa3: {  	s24 =	simm.s32 $0x1B8B  }
0xa4: {  	_ =	swait.ge [sflag:s24], $0x1  }
0xa5: {  	[sflag:s24] =	ssyncset.done $0x0  }
0xa6: {  	s25 =	simm.s32 $0x1B8E;
	[sflag:s24] =	ssyncadd.s32 $0xFFFFFFFF  }
0xa7: {  	s26 =	simm.s32 $execute0_lowered;
	[smem:$0x3FD2] =	sst s25  }
0xa8: {  	s6 =	sshll.u32 s26, $0x1;
	_ =	strace $0x80000046;
	[dreg:$0x1] =	wrdreg $0xFFFFFFFF  }
0xa9: {  	s28 =	simm.s32 $_size_execute0_lowered;
	s5 =	sadd.s32 s5, s6;
	[dreg:$0x0] =	wrdreg $0x0  }
0xaa: {  	s6 =	sshll.u32 s28, $0x1;
	[dreg:$0x2] =	wrdreg s5  }
0xab: {  	[dreg:$0x3] =	wrdreg s6  }
0xac: {  	[dreg:$0x4] =	wrdreg $0xC0  }
0xad: {  	_ =	task [dreg:s9], $0x5FFFF  }
0xae: {  	[dreg:$0x1] =	wrdreg $0xFFFFFFFF  }
0xaf: {  	[dreg:$0x0] =	wrdreg $0x60  }
0xb0: {  	[dreg:$0x2] =	wrdreg s2  }
0xb1: {  	[dreg:$0x3] =	wrdreg s19  }
0xb2: {  	[dreg:$0x4] =	wrdreg s4  }
0xb3: {  	[dreg:$0x5] =	wrdreg $0x9  }
0xb4: {  	_ =	task.clear_ibuf [dreg:s9], $0x6FFFF;
	_ =	strace $0x90000046  }
0xb5: {  	s29 =	simm.s32 $0x9;
	_ =	strace $0x80000048  }
0xb6: {  	_ =	swait.ge [sflag:s29], $0x1  }
0xb7: {  	[sflag:s29] =	ssyncadd.s32 $0xFFFFFFFF  }
0xb8: {  	_ =	strace $0x90000048  }
0xb9: {  	_ =	sfence  }
0xba: {  	s30 =	sld [smem:$0x0];
	_ =	sdelay $0x2  }
0xbb: {  	s31 =	sshll.u32 s1, $0xD;
	s1 =	sshrl.u32 s1, $0x2  }
0xbc: {  	s3 =	sand.u32 $0x4000, s31;
	s1 =	sadd.s32 s1, s30  }
0xbd: {  	s0 =	sor.u32 s3, s0;
	s1 =	sshll.u32 s1, $0x11  }
0xbe: {  	s0 =	sor.u32 s1, s0  }
0xbf: {  	s0 =	sadd.s32 $0x8F2B, s0  }
0xc0: {  	[sflag:s0] =	ssyncadd.remote.s32 $0x1  }
0xc1: {  	_ =	sfence.sel $0xFFFF  }
0xc2: {  	[dreg:$0x0] =	wrdreg $0xFFFFFFFF;
	(pc) =	sbr.abs _section_cstart, $3  }
0xc3: {  	[dreg:$0x1] =	wrdreg $0xFFFFFFFF  }
0xc4: {  	_ =	task.clear_ibuf [dreg:s9], $0x2FFFF;
	_ =	strace $0x9FFFFFFF  }
0xc5: {  	(tm) =	ssettm $0x7FFFFFFF  }
tec
execute0_lowered:
.L_overlay_start_1:
0x0: {  	(tag) =	ssettag $0x1  }
0x1: {  	s1 =	rddreg [dreg:$0x0]  }
0x2: {  	s3 =	rddreg [dreg:$0x1];
	s0 =	srdreg.scid;
	v0 =	vimm.s32 $0xFEDCBA98;
	s11 =	simm.s32 $0xA200  }
0x3: {  	v1 =	vimm.s32 $0x76543210;
	s12 =	simm.s32 $0xAA00;
	s13 =	simm.s32 $0xB200;
	s14 =	simm.s32 $0xBA00  }
0x4: {  	s2 =	stileid.u32;
	s15 =	simm.s32 $0xC200;
	s16 =	simm.s32 $0xCA00;
	v2 =	vimm.s32 $0xBA98FEDC;
	v3 =	vimm.s32 $0x32107654  }
0x5: {  	s4 =	rddreg [dreg:$0x2];
	s17 =	simm.s32 $0xD200;
	v4 =	vimm.s32 $0xDCFE98BA;
	s20 =	simm.s32 $0xDA00;
	v5 =	vimm.s32 $0x54761032  }
0x6: {  	s6 =	simm.s32 $0x0;
	s21 =	simm.s32 $0xE200;
	s22 =	simm.s32 $0xEA00;
	v6 =	vimm.s32 $0xEFCDAB89;
	v7 =	vimm.s32 $0x67452301;
	v0 =	vunpack.c.l.s4.s8 v0  }
0x7: {  	s23 =	simm.s32 $0x5;
	s0 =	sand.u32 $0x1, s0;
	s2 =	sshll.u32 s2, $0x1;
	v1 =	vunpack.c.l.s4.s8 v1;
	v4 =	vunpack.c.l.s4.s8 v4;
	v5 =	vunpack.c.l.s4.s8 v5  }
0x8: {  	s24 =	simm.s32 $0x3;
	s25 =	simm.s32 $0x1;
	v2 =	vunpack.c.l.s4.s8 v2;
	v3 =	vunpack.c.l.s4.s8 v3;
	v6 =	vunpack.c.l.s4.s8 v6;
	s5 =	sor.u32 s0, s2  }
0x9: {  	[smem:$0x7FF] =	sst s6;
	v7 =	vunpack.c.l.s4.s8 v7;
	s0 =	ssub.s32 $0x2, s0;
	s2 =	smul.u32 $0xA00, s5;
	v4 =	vunpack.c.0.s8.s32 v4;
	v5 =	vunpack.c.0.s8.s32 v5  }
0xa: {  	s7 =	sshrl.u32 s0, $0x1;
	s8 =	smul.u32 $0x14, s5;
	s26 =	ssub.s32 $0x1F3, s5;
	v0 =	vunpack.c.0.s8.s32 v0;
	v2 =	vunpack.c.0.s8.s32 v2;
	v3 =	vunpack.c.0.s8.s32 v3  }
0xb: {  	_ =	strace $0x80000047;
	v6 =	vunpack.c.0.s8.s32 v6;
	v7 =	vunpack.c.0.s8.s32 v7;
	s0 =	ssub.s32 s0, s7;
	s7 =	sshrl.u32 s26, $0x5;
	v57 =	vcombine.low v5, v4  }
.Ltmp0:
0xc: {  	v1 =	vunpack.c.0.s8.s32 v1;
	s2 =	sadd.s32 s1, s2;
	s29 =	sadd.s32 s3, s8;
	v46 =	vcombine.low v3, v2;
	(pc) =	sbr.rel .LBB2_1-.Ltmp0, $4  }
0xd: {  	s30 =	sand.u32 $0x1, s7;
	v0 =	vand.u32 $0xF, v0;
	s0 =	smax.u32 s0, $0x1;
	v5 =	vcombine.low v7, v6;
	[dreg:$0x4] =	wrdreg s2;
	[tilespmem:$0x1FFC0] =	vst v57  }
0xe: {  	p0 =	seq.s32 s30, $0x1;
	[dreg:$0x6] =	wrdreg s0;
	s0 =	simm.s32 $0x4;
	v9 =	vcombine.low v0, v1;
	[tilespmem:$0x1FFD0] =	vst v46  }
0xf: {  	s28 =	simm.s32 $0xF200;
	[dreg:$0x5] =	wrdreg s29;
	s0 =	simm.s32 @!p0 $0x3;
	[tilespmem:$0x1FFE0] =	vst v5  }
0x10: {  	vm0 =	vmmov $0xffff;
	s31 =	simm.s32 $0x0;
	s26 =	simm.s32 $0x2;
	[dreg:$0x7] =	wrdreg s0;
	[tilespmem:$0x1FFF0] =	vst v9  }
.LBB2_14:
0x11: {  	s2 =	rddreg [dreg:$0x7]  }
0x12: {  	_ =	swait.ge [sflag:s2], $0x5000  }
0x13: {  	s31 =	sadd.s32 $0x1, s31;
	s0 =	rddreg [dreg:$0x6]  }
0x14: {  	p0 =	sne.s32 s31, s0  }
.Ltmp1:
0x15: {  	_ = 	snop;
	(pc) =	sbr.rel @!p0 .LBB2_15-.Ltmp1, $3  }
0x16: {  	_ =	sdelay $0x1  }
0x17: {  	[sflag:s2] =	ssyncset.done $0x0  }
0x18: {  	[sflag:s2] =	ssyncadd.s32 $0xFFFFB000  }
.LBB2_1:
0x19: {  	s0 =	rddreg [dreg:$0x4];
	s2 =	simm.s32 $0x200  }
0x1a: {  	[tilespmem:s2], [sflag:$0x1] =	stream.linear.gather [hbm4b:s0+s6], $0x5000, $0x38;
	[tilespmem:$0x14200] =	vst v63  }
0x1b: {  	s30 =	rddreg [dreg:$0x5]  }
0x1c: {  	[tilespmem:s6], [sflag:$0x5] =	stream.linear.gather [hbm4b:s30+s6], $0xA0, $0x38;
	[tilespmem:$0x14200] =	vst v63  }
0x1d: {  	_ =	swait.ge [sflag:s23], $0xA0  }
0x1e: {  	[sflag:s23] =	ssyncset.done $0x0  }
0x1f: {  	[sflag:s23] =	ssyncadd.s32 $0xFFFFFF60  }
0x20: {  	v0 =	vld [tilespmem:$0x0];
	_ =	sdelay $0x7  }
0x21: {  	[tilespmem:s11], [sflag:$0x1] =	stream.indirect_vreg.gather [hbm4b:s1+s6], $0x80, v0, vm0, $0xb8;
	[tilespmem:$0x14200] =	vst v63  }
0x22: {  	v0 =	vld [tilespmem:$0x10];
	_ =	sdelay $0x7  }
0x23: {  	[tilespmem:s12], [sflag:$0x1] =	stream.indirect_vreg.gather [hbm4b:s1+s6], $0x80, v0, vm0, $0xb8;
	[tilespmem:$0x14200] =	vst v63  }
0x24: {  	v0 =	vld [tilespmem:$0x20];
	_ =	sdelay $0x7  }
0x25: {  	[tilespmem:s13], [sflag:$0x1] =	stream.indirect_vreg.gather [hbm4b:s1+s6], $0x80, v0, vm0, $0xb8;
	[tilespmem:$0x14200] =	vst v63  }
0x26: {  	v0 =	vld [tilespmem:$0x30];
	_ =	sdelay $0x7  }
0x27: {  	[tilespmem:s14], [sflag:$0x1] =	stream.indirect_vreg.gather [hbm4b:s1+s6], $0x80, v0, vm0, $0xb8;
	[tilespmem:$0x14200] =	vst v63  }
0x28: {  	v0 =	vld [tilespmem:$0x40];
	_ =	sdelay $0x7  }
0x29: {  	[tilespmem:s15], [sflag:$0x1] =	stream.indirect_vreg.gather [hbm4b:s1+s6], $0x80, v0, vm0, $0xb8;
	[tilespmem:$0x14200] =	vst v63  }
0x2a: {  	v0 =	vld [tilespmem:$0x50];
	_ =	sdelay $0x7  }
0x2b: {  	[tilespmem:s16], [sflag:$0x1] =	stream.indirect_vreg.gather [hbm4b:s1+s6], $0x80, v0, vm0, $0xb8;
	[tilespmem:$0x14200] =	vst v63  }
0x2c: {  	v0 =	vld [tilespmem:$0x60];
	_ =	sdelay $0x7  }
0x2d: {  	[tilespmem:s17], [sflag:$0x1] =	stream.indirect_vreg.gather [hbm4b:s1+s6], $0x80, v0, vm0, $0xb8;
	[tilespmem:$0x14200] =	vst v63  }
0x2e: {  	v0 =	vld [tilespmem:$0x70];
	_ =	sdelay $0x7  }
0x2f: {  	[tilespmem:s20], [sflag:$0x1] =	stream.indirect_vreg.gather [hbm4b:s1+s6], $0x80, v0, vm0, $0xb8;
	[tilespmem:$0x14200] =	vst v63  }
0x30: {  	v0 =	vld [tilespmem:$0x80];
	_ =	sdelay $0x7  }
0x31: {  	[tilespmem:s21], [sflag:$0x1] =	stream.indirect_vreg.gather [hbm4b:s1+s6], $0x80, v0, vm0, $0xb8;
	[tilespmem:$0x14200] =	vst v63  }
0x32: {  	v0 =	vld [tilespmem:$0x90];
	_ =	sdelay $0x3  }
.Ltmp2:
0x33: {  	_ = 	snop;
	(pc) =	sbr.rel .LBB2_2-.Ltmp2, $3  }
0x34: {  	_ =	sdelay $0x1  }
0x35: {  	s2 =	simm.s32 $0x0  }
0x36: {  	[tilespmem:s22], [sflag:$0x1] =	stream.indirect_vreg.gather [hbm4b:s1+s6], $0x80, v0, vm0, $0xb8;
	[tilespmem:$0x14200] =	vst v63  }
.LBB2_13:
0x37: {  	p0 =	sne.s32 s2, s7  }
.Ltmp3:
0x38: {  	_ = 	snop;
	(pc) =	sbr.rel @!p0 .LBB2_14-.Ltmp3, $3  }
0x39: {  	_ =	sdelay $0x1  }
0x3a: {  	s0 =	sadd.s32 $0x1, s2  }
0x3b: {  	s2 =	smov.u32 s0  }
.LBB2_2:
0x3c: {  	s8 =	sand.u32 $0x1, s2  }
0x3d: {  	p0 =	seq.s32 s8, $0x1  }
.Ltmp4:
0x3e: {  	_ = 	snop;
	(pc) =	sbr.rel @p0 .LBB2_8-.Ltmp4, $3  }
0x3f: {  	_ =	sdelay $0x1  }
0x40: {  	s0 =	sshll.u32 s2, $0x5  }
0x41: {  	s0 =	sor.u32 s5, s0  }
0x42: {  	p1 =	sge.u32 s2, s7  }
.Ltmp5:
0x43: {  	p0 =	seq.s32 s2, $0x0;
	(pc) =	sbr.rel @p1 .LBB2_5-.Ltmp5, $4  }
0x44: {  	s9 =	simm.s32 @!p0 $0x4  }
0x45: {  	_ =	swait.ge @!p0 [sflag:s9], $0x5000  }
0x46: {  	[sflag:s9] =	ssyncset.done @!p0 $0x0  }
0x47: {  	[sflag:s9] =	ssyncadd.s32 @!p0 $0xFFFFB000  }
0x48: {  	s9 =	smul.u32 $0xA0, s0;
	_ =	sdelay $0x1  }
0x49: {  	s10 =	sadd.s32 $0x1400, s9  }
0x4a: {  	s19 =	simm.s32 $0x5200;
	s18 =	sshll.u32 s10, $0x4;
	s29 =	sshra.s32 s10, $0x1F  }
0x4b: {  	s30 =	sshrl.u32 s10, $0x3;
	s18 =	sadd.s32 s1, s18;
	s29 =	smul.u32 $0x68DB8BAD, s29  }
0x4c: {  	[tilespmem:s19], [sflag:$0x2] =	stream.linear.gather [hbm4b:s18+s6], $0x5000, $0x38;
	[tilespmem:$0x14200] =	vst v63  }
0x4d: {  	s19 =	smulhi.u32 $0x68DB8BAD, s10;
	s18 =	sadd.s32 s3, s30;
	s30 =	simm.s32 $0x100  }
0x4e: {  	[tilespmem:s30], [sflag:$0x5] =	stream.linear.gather [hbm4b:s18+s6], $0xA0, $0x38;
	[tilespmem:$0x14200] =	vst v63  }
0x4f: {  	s29 =	sadd.s32 s29, s19  }
0x50: {  	s19 =	sshrl.u32 s29, $0x1F;
	s18 =	sshra.s32 s29, $0xC  }
0x51: {  	s18 =	sadd.s32 s19, s18  }
0x52: {  	s19 =	smul.u32 $0xFFFFD8F0, s18  }
0x53: {  	s30 =	ssub.s32 $0xFFFFEC00, s9;
	_ =	swait.ge [sflag:s23], $0xA0  }
0x54: {  	p0 =	slt.s32 s10, $0x1;
	[sflag:s23] =	ssyncset.done $0x0;
	p1 =	sne.s32 s19, s30  }
0x55: {  	[sflag:s23] =	ssyncadd.s32 $0xFFFFFF60;
	p0 =	por !p0, !p1  }
0x56: {  	s10 =	simm.s32 $0x1;
	v0 =	vld [tilespmem:$0x100];
	p0 =	por !p0, !p0  }
0x57: {  	s10 =	simm.s32 @!p0 $0x0  }
0x58: {  	s10 =	ssub.s32 s18, s10  }
0x59: {  	s10 =	smul.u32 $0x2710, s10;
	_ =	sdelay $0x1  }
0x5a: {  	v0 =	vadd.s32 s10, v0;
	s10 =	sadd.s32 $0x1410, s9  }
0x5b: {  	s30 =	smulhi.u32 $0x68DB8BAD, s10;
	s29 =	sshra.s32 s10, $0x1F  }
0x5c: {  	s19 =	smul.u32 $0x68DB8BAD, s29;
	_ =	sdelay $0x1  }
0x5d: {  	s18 =	sadd.s32 s19, s30  }
0x5e: {  	s19 =	sshrl.u32 s18, $0x1F;
	s18 =	sshra.s32 s18, $0xC  }
0x5f: {  	s18 =	sadd.s32 s19, s18  }
0x60: {  	s30 =	ssub.s32 $0xFFFFEBF0, s9;
	s19 =	smul.u32 $0xFFFFD8F0, s18  }
0x61: {  	[tilespmem:s28], [sflag:$0x2] =	stream.indirect_vreg.gather [hbm4b:s1+s6], $0x80, v0, vm0, $0xb8;
	[tilespmem:$0x14200] =	vst v63  }
0x62: {  	p1 =	slt.s32 s10, $0x0;
	p2 =	sne.s32 s19, s30  }
0x63: {  	p0 =	por !p1, !p2  }
0x64: {  	s10 =	simm.s32 $0x1;
	v0 =	vld [tilespmem:$0x110];
	p0 =	por !p0, !p0  }
0x65: {  	s10 =	simm.s32 @!p0 $0x0  }
0x66: {  	s10 =	ssub.s32 s18, s10  }
0x67: {  	s10 =	smul.u32 $0x2710, s10;
	_ =	sdelay $0x1  }
0x68: {  	v0 =	vadd.s32 s10, v0;
	s10 =	sadd.s32 $0x1420, s9  }
0x69: {  	s18 =	smulhi.u32 $0x68DB8BAD, s10;
	s29 =	sshra.s32 s10, $0x1F  }
0x6a: {  	s19 =	smul.u32 $0x68DB8BAD, s29;
	_ =	sdelay $0x1  }
0x6b: {  	s30 =	simm.s32 $0xFA00;
	s18 =	sadd.s32 s19, s18  }
0x6c: {  	[tilespmem:s30], [sflag:$0x2] =	stream.indirect_vreg.gather [hbm4b:s1+s6], $0x80, v0, vm0, $0xb8;
	[tilespmem:$0x14200] =	vst v63  }
0x6d: {  	s19 =	sshrl.u32 s18, $0x1F;
	s18 =	sshra.s32 s18, $0xC  }
0x6e: {  	s18 =	sadd.s32 s19, s18  }
0x6f: {  	s19 =	smul.u32 $0xFFFFD8F0, s18  }
0x70: {  	s30 =	ssub.s32 $0xFFFFEBE0, s9  }
0x71: {  	p3 =	slt.s32 s10, $0x1;
	p4 =	sne.s32 s19, s30  }
0x72: {  	p0 =	por !p3, !p4  }
0x73: {  	s10 =	simm.s32 $0x1;
	v0 =	vld [tilespmem:$0x120];
	p0 =	por !p0, !p0  }
0x74: {  	s10 =	simm.s32 @!p0 $0x0  }
0x75: {  	s10 =	ssub.s32 s18, s10  }
0x76: {  	s10 =	smul.u32 $0x2710, s10;
	_ =	sdelay $0x1  }
0x77: {  	v0 =	vadd.s32 s10, v0;
	s10 =	sadd.s32 $0x1430, s9  }
0x78: {  	s18 =	smulhi.u32 $0x68DB8BAD, s10;
	s29 =	sshra.s32 s10, $0x1F  }
0x79: {  	s19 =	smul.u32 $0x68DB8BAD, s29;
	_ =	sdelay $0x1  }
0x7a: {  	s30 =	simm.s32 $0x10200;
	s18 =	sadd.s32 s19, s18  }
0x7b: {  	[tilespmem:s30], [sflag:$0x2] =	stream.indirect_vreg.gather [hbm4b:s1+s6], $0x80, v0, vm0, $0xb8;
	[tilespmem:$0x14200] =	vst v63  }
0x7c: {  	s19 =	sshrl.u32 s18, $0x1F;
	s18 =	sshra.s32 s18, $0xC  }
0x7d: {  	s18 =	sadd.s32 s19, s18  }
0x7e: {  	s19 =	smul.u32 $0xFFFFD8F0, s18  }
0x7f: {  	s30 =	ssub.s32 $0xFFFFEBD0, s9  }
0x80: {  	p5 =	slt.s32 s10, $0x0;
	p6 =	sne.s32 s19, s30  }
0x81: {  	p0 =	por !p5, !p6  }
0x82: {  	s10 =	simm.s32 $0x1;
	v0 =	vld [tilespmem:$0x130];
	p0 =	por !p0, !p0  }
0x83: {  	s10 =	simm.s32 @!p0 $0x0  }
0x84: {  	s10 =	ssub.s32 s18, s10  }
0x85: {  	s10 =	smul.u32 $0x2710, s10;
	_ =	sdelay $0x1  }
0x86: {  	v0 =	vadd.s32 s10, v0;
	s10 =	sadd.s32 $0x1440, s9  }
0x87: {  	s18 =	smulhi.u32 $0x68DB8BAD, s10;
	s29 =	sshra.s32 s10, $0x1F  }
0x88: {  	s19 =	smul.u32 $0x68DB8BAD, s29;
	_ =	sdelay $0x1  }
0x89: {  	s30 =	simm.s32 $0x10A00;
	s18 =	sadd.s32 s19, s18  }
0x8a: {  	[tilespmem:s30], [sflag:$0x2] =	stream.indirect_vreg.gather [hbm4b:s1+s6], $0x80, v0, vm0, $0xb8;
	[tilespmem:$0x14200] =	vst v63  }
0x8b: {  	s19 =	sshrl.u32 s18, $0x1F;
	s18 =	sshra.s32 s18, $0xC  }
0x8c: {  	s18 =	sadd.s32 s19, s18  }
0x8d: {  	s19 =	smul.u32 $0xFFFFD8F0, s18  }
0x8e: {  	s30 =	ssub.s32 $0xFFFFEBC0, s9  }
0x8f: {  	p1 =	slt.s32 s10, $0x1;
	p2 =	sne.s32 s19, s30  }
0x90: {  	p0 =	por !p1, !p2  }
0x91: {  	s10 =	simm.s32 $0x1;
	v0 =	vld [tilespmem:$0x140];
	p0 =	por !p0, !p0  }
0x92: {  	s10 =	simm.s32 @!p0 $0x0  }
0x93: {  	s10 =	ssub.s32 s18, s10  }
0x94: {  	s10 =	smul.u32 $0x2710, s10;
	_ =	sdelay $0x1  }
0x95: {  	v0 =	vadd.s32 s10, v0;
	s10 =	sadd.s32 $0x1450, s9  }
0x96: {  	s18 =	smulhi.u32 $0x68DB8BAD, s10;
	s29 =	sshra.s32 s10, $0x1F  }
0x97: {  	s19 =	smul.u32 $0x68DB8BAD, s29;
	_ =	sdelay $0x1  }
0x98: {  	s30 =	simm.s32 $0x11200;
	s18 =	sadd.s32 s19, s18  }
0x99: {  	[tilespmem:s30], [sflag:$0x2] =	stream.indirect_vreg.gather [hbm4b:s1+s6], $0x80, v0, vm0, $0xb8;
	[tilespmem:$0x14200] =	vst v63  }
0x9a: {  	s19 =	sshrl.u32 s18, $0x1F;
	s18 =	sshra.s32 s18, $0xC  }
0x9b: {  	s18 =	sadd.s32 s19, s18  }
0x9c: {  	s19 =	smul.u32 $0xFFFFD8F0, s18  }
0x9d: {  	s30 =	ssub.s32 $0xFFFFEBB0, s9  }
0x9e: {  	p3 =	slt.s32 s10, $0x0;
	p4 =	sne.s32 s19, s30  }
0x9f: {  	p0 =	por !p3, !p4  }
0xa0: {  	s10 =	simm.s32 $0x1;
	v0 =	vld [tilespmem:$0x150];
	p0 =	por !p0, !p0  }
0xa1: {  	s10 =	simm.s32 @!p0 $0x0  }
0xa2: {  	s10 =	ssub.s32 s18, s10  }
0xa3: {  	s10 =	smul.u32 $0x2710, s10;
	_ =	sdelay $0x1  }
0xa4: {  	v0 =	vadd.s32 s10, v0;
	s10 =	sadd.s32 $0x1460, s9  }
0xa5: {  	s18 =	smulhi.u32 $0x68DB8BAD, s10;
	s29 =	sshra.s32 s10, $0x1F  }
0xa6: {  	s19 =	smul.u32 $0x68DB8BAD, s29;
	_ =	sdelay $0x1  }
0xa7: {  	s30 =	simm.s32 $0x11A00;
	s18 =	sadd.s32 s19, s18  }
0xa8: {  	[tilespmem:s30], [sflag:$0x2] =	stream.indirect_vreg.gather [hbm4b:s1+s6], $0x80, v0, vm0, $0xb8;
	[tilespmem:$0x14200] =	vst v63  }
0xa9: {  	s19 =	sshrl.u32 s18, $0x1F;
	s18 =	sshra.s32 s18, $0xC  }
0xaa: {  	s18 =	sadd.s32 s19, s18  }
0xab: {  	s19 =	smul.u32 $0xFFFFD8F0, s18  }
0xac: {  	s30 =	ssub.s32 $0xFFFFEBA0, s9  }
0xad: {  	p5 =	slt.s32 s10, $0x1;
	p6 =	sne.s32 s19, s30  }
0xae: {  	p0 =	por !p5, !p6  }
0xaf: {  	s10 =	simm.s32 $0x1;
	v0 =	vld [tilespmem:$0x160];
	p0 =	por !p0, !p0  }
0xb0: {  	s10 =	simm.s32 @!p0 $0x0  }
0xb1: {  	s10 =	ssub.s32 s18, s10  }
0xb2: {  	s10 =	smul.u32 $0x2710, s10;
	_ =	sdelay $0x1  }
0xb3: {  	v0 =	vadd.s32 s10, v0;
	s10 =	sadd.s32 $0x1470, s9  }
0xb4: {  	s18 =	smulhi.u32 $0x68DB8BAD, s10;
	s29 =	sshra.s32 s10, $0x1F  }
0xb5: {  	s19 =	smul.u32 $0x68DB8BAD, s29;
	_ =	sdelay $0x1  }
0xb6: {  	s30 =	simm.s32 $0x12200;
	s18 =	sadd.s32 s19, s18  }
0xb7: {  	[tilespmem:s30], [sflag:$0x2] =	stream.indirect_vreg.gather [hbm4b:s1+s6], $0x80, v0, vm0, $0xb8;
	[tilespmem:$0x14200] =	vst v63  }
0xb8: {  	s19 =	sshrl.u32 s18, $0x1F;
	s18 =	sshra.s32 s18, $0xC  }
0xb9: {  	s18 =	sadd.s32 s19, s18  }
0xba: {  	s19 =	smul.u32 $0xFFFFD8F0, s18  }
0xbb: {  	s30 =	ssub.s32 $0xFFFFEB90, s9  }
0xbc: {  	p1 =	slt.s32 s10, $0x0;
	p2 =	sne.s32 s19, s30  }
0xbd: {  	p0 =	por !p1, !p2  }
0xbe: {  	s10 =	simm.s32 $0x1;
	v0 =	vld [tilespmem:$0x170];
	p0 =	por !p0, !p0  }
0xbf: {  	s10 =	simm.s32 @!p0 $0x0  }
0xc0: {  	s10 =	ssub.s32 s18, s10  }
0xc1: {  	s10 =	smul.u32 $0x2710, s10;
	_ =	sdelay $0x1  }
0xc2: {  	v0 =	vadd.s32 s10, v0;
	s10 =	sadd.s32 $0x1480, s9  }
0xc3: {  	s18 =	smulhi.u32 $0x68DB8BAD, s10;
	s29 =	sshra.s32 s10, $0x1F  }
0xc4: {  	s19 =	smul.u32 $0x68DB8BAD, s29;
	_ =	sdelay $0x1  }
0xc5: {  	s30 =	simm.s32 $0x12A00;
	s18 =	sadd.s32 s19, s18  }
0xc6: {  	[tilespmem:s30], [sflag:$0x2] =	stream.indirect_vreg.gather [hbm4b:s1+s6], $0x80, v0, vm0, $0xb8;
	[tilespmem:$0x14200] =	vst v63  }
0xc7: {  	s19 =	sshrl.u32 s18, $0x1F;
	s18 =	sshra.s32 s18, $0xC  }
0xc8: {  	s18 =	sadd.s32 s19, s18  }
0xc9: {  	s19 =	smul.u32 $0xFFFFD8F0, s18  }
0xca: {  	s30 =	ssub.s32 $0xFFFFEB80, s9  }
0xcb: {  	p3 =	slt.s32 s10, $0x1;
	p4 =	sne.s32 s19, s30  }
0xcc: {  	p0 =	por !p3, !p4  }
0xcd: {  	s10 =	simm.s32 $0x1;
	v0 =	vld [tilespmem:$0x180];
	p0 =	por !p0, !p0  }
0xce: {  	s10 =	simm.s32 @!p0 $0x0  }
0xcf: {  	s10 =	ssub.s32 s18, s10  }
0xd0: {  	s10 =	smul.u32 $0x2710, s10;
	_ =	sdelay $0x1  }
0xd1: {  	v0 =	vadd.s32 s10, v0;
	s10 =	sadd.s32 $0x1490, s9  }
0xd2: {  	s18 =	smulhi.u32 $0x68DB8BAD, s10;
	s29 =	sshra.s32 s10, $0x1F  }
0xd3: {  	s19 =	smul.u32 $0x68DB8BAD, s29;
	_ =	sdelay $0x1  }
0xd4: {  	s18 =	sadd.s32 s19, s18  }
0xd5: {  	s19 =	sshrl.u32 s18, $0x1F;
	s18 =	sshra.s32 s18, $0xC  }
0xd6: {  	s18 =	sadd.s32 s19, s18  }
0xd7: {  	s30 =	simm.s32 $0x13200;
	s9 =	ssub.s32 $0xFFFFEB70, s9;
	s19 =	smul.u32 $0xFFFFD8F0, s18  }
0xd8: {  	[tilespmem:s30], [sflag:$0x2] =	stream.indirect_vreg.gather [hbm4b:s1+s6], $0x80, v0, vm0, $0xb8;
	[tilespmem:$0x14200] =	vst v63  }
0xd9: {  	p5 =	slt.s32 s10, $0x0;
	p6 =	sne.s32 s19, s9  }
0xda: {  	p0 =	por !p5, !p6  }
0xdb: {  	v0 =	vld [tilespmem:$0x190];
	s9 =	simm.s32 $0x1;
	p0 =	por !p0, !p0  }
0xdc: {  	s9 =	simm.s32 @!p0 $0x0  }
0xdd: {  	s9 =	ssub.s32 s18, s9  }
0xde: {  	s9 =	smul.u32 $0x2710, s9;
	_ =	sdelay $0x1  }
0xdf: {  	v0 =	vadd.s32 s9, v0;
	_ =	sdelay $0x3  }
0xe0: {  	s30 =	simm.s32 $0x13A00  }
0xe1: {  	[tilespmem:s30], [sflag:$0x2] =	stream.indirect_vreg.gather [hbm4b:s1+s6], $0x80, v0, vm0, $0xb8;
	[tilespmem:$0x14200] =	vst v63  }
.LBB2_5:
0xe2: {  	_ =	swait.ge [sflag:s25], $0x5000  }
0xe3: {  	[sflag:s25] =	ssyncset.done $0x0  }
0xe4: {  	[sflag:s25] =	ssyncadd.s32 $0xFFFFB000  }
0xe5: {  	_ =	swait.ge [sflag:s25], $0x800  }
0xe6: {  	[sflag:s25] =	ssyncset.done $0x0  }
0xe7: {  	[sflag:s25] =	ssyncadd.s32 $0xFFFFF800  }
0xe8: {  	_ =	swait.ge [sflag:s25], $0x800  }
0xe9: {  	[sflag:s25] =	ssyncset.done $0x0  }
0xea: {  	[sflag:s25] =	ssyncadd.s32 $0xFFFFF800  }
0xeb: {  	_ =	swait.ge [sflag:s25], $0x800  }
0xec: {  	[sflag:s25] =	ssyncset.done $0x0  }
0xed: {  	[sflag:s25] =	ssyncadd.s32 $0xFFFFF800  }
0xee: {  	_ =	swait.ge [sflag:s25], $0x800  }
0xef: {  	[sflag:s25] =	ssyncset.done $0x0  }
0xf0: {  	[sflag:s25] =	ssyncadd.s32 $0xFFFFF800  }
0xf1: {  	_ =	swait.ge [sflag:s25], $0x800  }
0xf2: {  	[sflag:s25] =	ssyncset.done $0x0  }
0xf3: {  	[sflag:s25] =	ssyncadd.s32 $0xFFFFF800  }
0xf4: {  	_ =	swait.ge [sflag:s25], $0x800  }
0xf5: {  	[sflag:s25] =	ssyncset.done $0x0  }
0xf6: {  	[sflag:s25] =	ssyncadd.s32 $0xFFFFF800  }
0xf7: {  	_ =	swait.ge [sflag:s25], $0x800  }
0xf8: {  	[sflag:s25] =	ssyncset.done $0x0  }
0xf9: {  	[sflag:s25] =	ssyncadd.s32 $0xFFFFF800  }
0xfa: {  	_ =	swait.ge [sflag:s25], $0x800  }
0xfb: {  	[sflag:s25] =	ssyncset.done $0x0  }
0xfc: {  	[sflag:s25] =	ssyncadd.s32 $0xFFFFF800  }
0xfd: {  	_ =	swait.ge [sflag:s25], $0x800  }
0xfe: {  	[sflag:s25] =	ssyncset.done $0x0  }
0xff: {  	[sflag:s25] =	ssyncadd.s32 $0xFFFFF800  }
0x100: {  	_ =	swait.ge [sflag:s25], $0x800  }
0x101: {  	[sflag:s25] =	ssyncset.done $0x0  }
0x102: {  	s18 =	simm.s32 $0x0;
	[sflag:s25] =	ssyncadd.s32 $0xFFFFF800  }
0x103: {  	v47 =	vld [tilespmem:s18+$0x200]  }
0x104: {  	v0 =	vld [tilespmem:s18+$0xA200]  }
0x105: {  	v50 =	vld [tilespmem:s18+$0x210]  }
0x106: {  	v1 =	vld [tilespmem:s18+$0xA210]  }
0x107: {  	v2 =	vld [tilespmem:s18+$0x220]  }
0x108: {  	v8 =	vld [tilespmem:s18+$0xA220]  }
0x109: {  	v3 =	vld [tilespmem:s18+$0x230]  }
0x10a: {  	v10 =	vld [tilespmem:s18+$0xA230]  }
0x10b: {  	v7 =	vld [tilespmem:s18+$0x240]  }
0x10c: {  	v11 =	vld [tilespmem:s18+$0xA240]  }
0x10d: {  	v6 =	vld [tilespmem:s18+$0x250]  }
0x10e: {  	v12 =	vld [tilespmem:s18+$0xA250]  }
0x10f: {  	v17 =	vld [tilespmem:s18+$0x260]  }
0x110: {  	v13 =	vld [tilespmem:s18+$0xA260]  }
0x111: {  	v53 =	vld [tilespmem:s18+$0x270]  }
0x112: {  	v14 =	vld [tilespmem:s18+$0xA270]  }
0x113: {  	v56 =	vsub.f32 v0, v47;
	v61 =	vsub.f32 v1, v50  }
0x114: {  	v55 =	vsub.f32 v8, v2;
	v51 =	vsub.f32 v10, v3  }
0x115: {  	v52 =	vsub.f32 v11, v7;
	v12 =	vsub.f32 v12, v6;
	[tilespmem:$0x1FF30] =	vst v2  }
0x116: {  	v4 =	vsub.f32 v13, v17;
	[tilespmem:$0x1FF40] =	vst v3;
	v0 =	vmul.f32 v56, v47;
	v1 =	vmul.f32 v61, v50  }
0x117: {  	s9 =	simm.s32 $0x80;
	v44 =	vsub.f32 v14, v53;
	[tilespmem:$0x1FFB0] =	vst v12;
	v37 =	vmul.f32 v55, v2;
	v38 =	vmul.f32 v51, v3  }
0x118: {  	v2 =	vmul.f32 v52, v7;
	v3 =	vmul.f32 v12, v6;
	v39 =	vld [tilespmem:s9+$0x200];
	[tilespmem:$0x1FF50] =	vst v6  }
0x119: {  	v40 =	vmul.f32 v4, v17;
	v16 =	vld [tilespmem:s9+$0xA200];
	[tilespmem:$0x1FF60] =	vst v17;
	v17 =	vmul.f32 v44, v53  }
0x11a: {  	v0 =	vadd.f32 v1, v0;
	v1 =	vadd.f32 v38, v37  }
0x11b: {  	v41 =	vadd.f32 v3, v2;
	v42 =	vadd.f32 v17, v40  }
0x11c: {  	v13 =	vld [tilespmem:s9+$0x210]  }
0x11d: {  	v18 =	vld [tilespmem:s9+$0xA210];
	v0 =	vadd.f32 v1, v0;
	v1 =	vadd.f32 v42, v41  }
0x11e: {  	v14 =	vld [tilespmem:s9+$0x220]  }
0x11f: {  	v43 =	vld [tilespmem:s9+$0x230];
	v0 =	vadd.f32 v1, v0  }
0x120: {  	v19 =	vld [tilespmem:s9+$0xA230]  }
0x121: {  	v3 =	vld [tilespmem:s9+$0x240];
	v2 =	vperm.xlane v0, v9  }
0x122: {  	v45 =	vld [tilespmem:s9+$0x250]  }
0x123: {  	v20 =	vld [tilespmem:s9+$0xA250];
	v0 =	vadd.f32 v0, v2  }
0x124: {  	v1 =	vld [tilespmem:s9+$0xA240]  }
0x125: {  	v26 =	vld [tilespmem:s9+$0x270];
	v21 =	vperm.xlane v0, v46  }
0x126: {  	v23 =	vld [tilespmem:s9+$0xA270]  }
0x127: {  	v17 =	vld [tilespmem:s9+$0xA220];
	v0 =	vadd.f32 v0, v21;
	_ =	sdelay $0x1  }
0x128: {  	v22 =	vld [tilespmem:s9+$0xA260];
	v24 =	vsub.f32 v16, v39;
	v48 =	vsub.f32 v1, v3;
	v1 =	vperm.xlane v0, v57  }
0x129: {  	v18 =	vsub.f32 v18, v13;
	v19 =	vsub.f32 v19, v43;
	v2 =	vld [tilespmem:s9+$0x260]  }
0x12a: {  	v49 =	vsub.f32 v20, v45;
	v0 =	vadd.f32 v0, v1  }
0x12b: {  	s19 =	simm.s32 $0x100;
	v33 =	vsub.f32 v23, v26;
	v16 =	vsub.f32 v17, v14;
	[tilespmem:$0x1FF70] =	vst v43;
	v27 =	vmul.f32 v48, v3  }
0x12c: {  	v25 =	vmov v19;
	v1 =	vmul.f32 v19, v43;
	v19 =	vld [tilespmem:s19+$0x200];
	[tilespmem:$0x1FF80] =	vst v3;
	v3 =	vperm.xlane v0, v5  }
0x12d: {  	v30 =	vmov v24;
	v8 =	vmul.f32 v24, v39;
	v24 =	vmul.f32 v18, v13;
	v31 =	vld [tilespmem:s19+$0xA200];
	[tilespmem:$0x1FF90] =	vst v45  }
0x12e: {  	v32 =	vmul.f32 v49, v45;
	v34 =	vsub.f32 v22, v2;
	[tilespmem:$0x1FFA0] =	vst v49;
	v0 =	vadd.f32 v0, v3  }
0x12f: {  	v35 =	vmul.f32 v33, v26;
	v37 =	vmul.f32 v16, v14;
	v54 =	vld [tilespmem:s19+$0x210]  }
0x130: {  	v23 =	vmov v34;
	v34 =	vmul.f32 v34, v2;
	v36 =	vld [tilespmem:s19+$0xA210];
	v0 =	vmul.f32 $-8.838834610e-02, v0  }
0x131: {  	v20 =	vmov v2;
	v2 =	vadd.f32 v24, v8;
	v1 =	vadd.f32 v1, v37;
	v58 =	vld [tilespmem:s19+$0x220]  }
0x132: {  	v59 =	vld [tilespmem:s19+$0xA220];
	v3 =	vadd.f32 v32, v27;
	v27 =	vadd.f32 v35, v34;
	v0 =	vmul.f32 $1.442695020e+00, v0  }
0x133: {  	v60 =	vld [tilespmem:s19+$0x230]  }
0x134: {  	v62 =	vld [tilespmem:s19+$0xA230];
	v1 =	vadd.f32 v1, v2;
	v2 =	vadd.f32 v27, v3;
	(erf) = vpow2.f32 v0  }
0x135: {  	v38 =	vld [tilespmem:s19+$0xA240]  }
0x136: {  	v12 =	vmov v39;
	v39 =	vld [tilespmem:s19+$0xA250];
	v1 =	vadd.f32 v2, v1  }
0x137: {  	v63 =	vld [tilespmem:s19+$0x260]  }
0x138: {  	v27 =	vld [tilespmem:s19+$0x240];
	v0 =	vperm.xlane v1, v9  }
0x139: {  	v11 =	vld [tilespmem:s19+$0xA270]  }
0x13a: {  	v32 =	vld [tilespmem:s19+$0x270];
	v0 =	vadd.f32 v1, v0  }
0x13b: {  	v34 =	vsub.f32 v31, v19;
	v1 =	vld [tilespmem:s19+$0xA260]  }
0x13c: {  	v3 =	vld [tilespmem:s19+$0x250];
	v45 =	vsub.f32 v36, v54;
	v40 =	vsub.f32 v59, v58;
	v41 =	vperm.xlane v0, v46  }
0x13d: {  	v22 =	vmov v48;
	v42 =	vsub.f32 v62, v60;
	v35 =	vsub.f32 v38, v27;
	v48 =	vpop (erf)  }
0x13e: {  	v0 =	vadd.f32 v0, v41;
	v38 =	vadd.f32 $1.000000000e+00, v48  }
0x13f: {  	v49 =	vmul.f32 v34, v19;
	v43 =	vmul.f32 v45, v54;
	v2 =	vmovc v46;
	v46 =	vsub.f32 v11, v32  }
0x140: {  	v21 =	vmovc v18;
	v18 =	vmovc v14;
	v31 =	vsub.f32 v1, v63;
	v1 =	vperm.xlane v0, v57;
	(erf) = vrcp.f32 v38  }
0x141: {  	v14 =	vmovc v58;
	v6 =	vmul.f32 v40, v58;
	v58 =	vmul.f32 v42, v60;
	v37 =	vsub.f32 v39, v3  }
0x142: {  	v59 =	vmul.f32 v35, v27;
	v8 =	vmul.f32 v46, v32;
	v0 =	vadd.f32 v0, v1  }
0x143: {  	v15 =	vmovc v7;
	v17 =	vmov v13;
	v7 =	vmul.f32 v31, v63;
	v1 =	vmul.f32 v37, v3  }
0x144: {  	s29 =	simm.s32 $0x180;
	v13 =	vmovc v60;
	v41 =	vadd.f32 v43, v49;
	v57 =	vadd.f32 v58, v6;
	v60 =	vperm.xlane v0, v5  }
0x145: {  	v36 =	vld [tilespmem:s29+$0x220];
	v1 =	vadd.f32 v1, v59;
	v38 =	vadd.f32 v8, v7  }
0x146: {  	v24 =	vmov v54;
	v54 =	vld [tilespmem:s29+$0xA200];
	v0 =	vadd.f32 v0, v60  }
0x147: {  	v39 =	vld [tilespmem:s29+$0x200];
	v41 =	vadd.f32 v57, v41;
	v1 =	vadd.f32 v38, v1  }
0x148: {  	v43 =	vld [tilespmem:s29+$0x210];
	v0 =	vmul.f32 $-8.838834610e-02, v0  }
0x149: {  	v49 =	vld [tilespmem:s29+$0xA210];
	v1 =	vadd.f32 v1, v41;
	v10 =	vpop (erf)  }
0x14a: {  	v28 =	vmov v63;
	v58 =	vld [tilespmem:s29+$0xA220];
	v63 =	vmul.f32 $1.442695020e+00, v0;
	v0 =	vmul.f32 v10, v44  }
0x14b: {  	v59 =	vld [tilespmem:s29+$0xA230];
	v62 =	vperm.xlane v1, v9  }
0x14c: {  	v38 =	vld [tilespmem:s29+$0x230];
	v11 =	vadd.f32 v0, v53  }
0x14d: {  	v60 =	vld [tilespmem:s29+$0xA240];
	(erf) = vpow2.f32 v63;
	v63 =	vadd.f32 v1, v62;
	v1 =	vmul.f32 v10, v56  }
0x14e: {  	v41 =	vld [tilespmem:s29+$0x240];
	[tilespmem:s18+$0xA270] =	vst v11  }
0x14f: {  	v48 =	vadd.f32 v1, v47;
	v1 =	vperm.xlane v63, v2;
	v2 =	vld [tilespmem:$0x1FFB0]  }
0x150: {  	v62 =	vld [tilespmem:s29+$0xA250]  }
0x151: {  	v44 =	vld [tilespmem:s29+$0x250];
	v0 =	vmul.f32 v10, v61  }
0x152: {  	v29 =	vmovc v16;
	v16 =	vmov v26;
	v55 =	vmul.f32 v10, v55;
	v52 =	vmul.f32 v10, v52;
	v47 =	vld [tilespmem:s29+$0x260]  }
0x153: {  	v26 =	vmovc v3;
	v53 =	vmul.f32 v10, v51;
	v61 =	vadd.f32 v0, v50;
	v0 =	vld [tilespmem:s29+$0xA260];
	v50 =	vsub.f32 v49, v43  }
0x154: {  	s30 =	simm.s32 $0x800;
	v49 =	vld [tilespmem:s29+$0x270];
	[tilespmem:s18+$0xA200] =	vst v48;
	v48 =	vsub.f32 v54, v39;
	v54 =	vmul.f32 v10, v4;
	v51 =	vmul.f32 v10, v2  }
.LBB2_6:
0x155: {  	_ =	sdelay $0x1  }
0x156: {  	v10 =	vld [tilespmem:s29+$0xA270]  }
0x157: {  	v56 =	vmov v23;
	v23 =	vmov v31;
	v31 =	vsub.f32 v0, v47;
	v0 =	vld [tilespmem:$0x1FFC0];
	_ =	sdelay $0x2  }
0x158: {  	v5 =	vmov v37;
	v1 =	vadd.f32 v63, v1;
	v37 =	vsub.f32 v62, v44;
	v62 =	vld [tilespmem:$0x1FF30]  }
0x159: {  	v57 =	vsub.f32 v58, v36;
	v2 =	vmov v22;
	v7 =	vsub.f32 v10, v49;
	v10 =	vld [tilespmem:$0x1FFE0]  }
0x15a: {  	v4 =	vld [tilespmem:$0x1FFA0];
	[tilespmem:s18+$0xA210] =	vst v61;
	v61 =	vmovc v25;
	v25 =	vmov v42;
	v42 =	vsub.f32 v59, v38;
	v0 =	vperm.xlane v1, v0  }
0x15b: {  	v22 =	vmovc v35;
	v35 =	vsub.f32 v60, v41;
	v59 =	vmul.f32 v48, v39;
	v60 =	vmul.f32 v50, v43  }
0x15c: {  	s10 =	sshra.s32 s30, $0x2;
	v8 =	vmovc v45;
	v63 =	vmul.f32 v57, v36;
	v6 =	vmul.f32 v42, v38;
	v0 =	vadd.f32 v1, v0  }
0x15d: {  	[tilespmem:$0x1FFA0] =	vst v5;
	v9 =	vld [tilespmem:s10+$0xA200];
	v59 =	vadd.f32 v60, v59;
	v55 =	vadd.f32 v55, v62;
	v62 =	vmul.f32 v31, v47  }
0x15e: {  	v5 =	vmovc v17;
	v60 =	vadd.f32 v52, v15;
	v52 =	vld [tilespmem:$0x1FF50];
	v45 =	vperm.xlane v0, v10;
	v10 =	vmul.f32 v7, v49  }
0x15f: {  	v17 =	vmovc v24;
	v24 =	vmovc v43;
	v43 =	vmov v18;
	v3 =	vmov v4;
	v6 =	vadd.f32 v6, v63;
	v63 =	vld [tilespmem:$0x1FF70]  }
0x160: {  	v4 =	vmov v12;
	v12 =	vmov v19;
	v19 =	vpop (erf);
	v10 =	vadd.f32 v10, v62;
	v62 =	vld [tilespmem:$0x1FF40]  }
0x161: {  	[tilespmem:$0x1FF30] =	vst v43;
	v43 =	vld [tilespmem:s10+$0x210];
	v11 =	vadd.f32 $1.000000000e+00, v19  }
0x162: {  	v19 =	vmov v39;
	v39 =	vld [tilespmem:s10+$0x200];
	v0 =	vadd.f32 v0, v45  }
0x163: {  	v18 =	vmov v14;
	v58 =	vmul.f32 v37, v44;
	(erf) = vrcp.f32 v11;
	v11 =	vld [tilespmem:s10+$0xA210]  }
0x164: {  	v14 =	vmovc v36;
	v1 =	vmul.f32 v35, v41;
	[tilespmem:s18+$0xA220] =	vst v55;
	v55 =	vld [tilespmem:$0x1FF90];
	v45 =	vmovc v50;
	v50 =	vmov v16;
	v0 =	vmul.f32 $-8.838834610e-02, v0  }
0x165: {  	v36 =	vld [tilespmem:s10+$0x220];
	v16 =	vmovc v32;
	v32 =	vmovc v49;
	v49 =	vadd.f32 v53, v62;
	v62 =	vmov v63;
	v63 =	vmov v13  }
0x166: {  	v0 =	vmul.f32 $1.442695020e+00, v0;
	[tilespmem:$0x1FF70] =	vst v63;
	v63 =	vld [tilespmem:$0x1FF80]  }
0x167: {  	v1 =	vadd.f32 v58, v1;
	[tilespmem:$0x1FF40] =	vst v62;
	v62 =	vadd.f32 v6, v59;
	v6 =	vmov v27;
	v27 =	vld [tilespmem:$0x1FF60]  }
0x168: {  	(erf) = vpow2.f32 v0;
	v0 =	vld [tilespmem:$0x1FFF0]  }
0x169: {  	v58 =	vld [tilespmem:s10+$0xA220];
	v1 =	vadd.f32 v10, v1  }
0x16a: {  	v13 =	vmov v38;
	v38 =	vld [tilespmem:s10+$0x230];
	[tilespmem:$0x1FF80] =	vst v6  }
0x16b: {  	v59 =	vld [tilespmem:s10+$0xA230];
	[tilespmem:s18+$0xA230] =	vst v49;
	v1 =	vadd.f32 v1, v62  }
0x16c: {  	v10 =	vadd.f32 v51, v52;
	v49 =	vadd.f32 v54, v27;
	v27 =	vmovc v41;
	v41 =	vld [tilespmem:s10+$0x240];
	[tilespmem:s18+$0xA240] =	vst v60;
	v60 =	vmov v55  }
0x16d: {  	v6 =	vpop (erf);
	v15 =	vmov v63;
	v63 =	vmov v20;
	v0 =	vperm.xlane v1, v0;
	[tilespmem:$0x1FF50] =	vst v60  }
0x16e: {  	v62 =	vmov v26;
	v26 =	vmov v44;
	v53 =	vmul.f32 v6, v61;
	[tilespmem:$0x1FF60] =	vst v63;
	v60 =	vld [tilespmem:s10+$0xA240]  }
0x16f: {  	p0 =	sne.s32 s30, $0x13E00;
	v52 =	vmul.f32 v6, v2;
	[tilespmem:s18+$0xA250] =	vst v10;
	v10 =	vmul.f32 v6, v33;
	v63 =	vadd.f32 v1, v0;
	v1 =	vld [tilespmem:$0x1FFD0]  }
.Ltmp6:
0x170: {  	v51 =	vmul.f32 v6, v3;
	v33 =	vmovc v46;
	v46 =	vmov v7;
	v7 =	vmul.f32 v6, v30;
	v44 =	vld [tilespmem:s10+$0x250];
	[tilespmem:s18+$0xA260] =	vst v49;
	s18 =	smov.u32 s9;
	(pc) =	sbr.rel @p0 .LBB2_6-.Ltmp6, $4  }
0x171: {  	[tilespmem:$0x1FF90] =	vst v62;
	v20 =	vmovc v28;
	s9 =	smov.u32 s19;
	s19 =	smov.u32 s29;
	v49 =	vmul.f32 v6, v21;
	v21 =	vmov v8;
	s29 =	smov.u32 s10;
	v62 =	vld [tilespmem:s10+$0xA250];
	v8 =	vadd.f32 v10, v50  }
0x172: {  	v28 =	vmovc v47;
	v55 =	vmul.f32 v6, v29;
	v29 =	vmovc v40;
	v40 =	vmov v57;
	v47 =	vld [tilespmem:s29+$0x260];
	v4 =	vadd.f32 v7, v4  }
0x173: {  	v54 =	vmul.f32 v6, v56;
	v30 =	vmovc v34;
	v34 =	vmov v48;
	v48 =	vsub.f32 v9, v39;
	v0 =	vld [tilespmem:s29+$0xA260];
	[tilespmem:s18+$0xA270] =	vst v8  }
0x174: {  	s30 =	sadd.s32 $0x200, s30;
	v50 =	vsub.f32 v11, v43;
	v61 =	vadd.f32 v49, v5;
	v49 =	vld [tilespmem:s29+$0x270];
	[tilespmem:s18+$0xA200] =	vst v4;
	v1 =	vperm.xlane v63, v1  }
0x175: {  	v2 =	vld [tilespmem:s29+$0xA270];
	v3 =	vsub.f32 v58, v36  }
0x176: {  	v4 =	vsub.f32 v59, v38;
	v5 =	vsub.f32 v60, v41  }
0x177: {  	v7 =	vmul.f32 v48, v39;
	v6 =	vsub.f32 v62, v44;
	v8 =	vmul.f32 v50, v43  }
0x178: {  	v9 =	vmul.f32 v3, v36;
	v10 =	vmul.f32 v4, v38  }
0x179: {  	v11 =	vmul.f32 v5, v41;
	v0 =	vsub.f32 v0, v47;
	v56 =	vmul.f32 v6, v44  }
0x17a: {  	v7 =	vadd.f32 v8, v7;
	v2 =	vsub.f32 v2, v49  }
0x17b: {  	v8 =	vadd.f32 v10, v9;
	v9 =	vadd.f32 v56, v11;
	v56 =	vld [tilespmem:$0x1FFC0]  }
0x17c: {  	v57 =	vmul.f32 v0, v47;
	v60 =	vmul.f32 v2, v49;
	_ =	sdelay $0x1  }
0x17d: {  	v58 =	vld [tilespmem:$0x1FFE0];
	v1 =	vadd.f32 v63, v1;
	v10 =	vadd.f32 v60, v57  }
0x17e: {  	v59 =	vld [tilespmem:$0x1FFF0]  }
0x17f: {  	v7 =	vadd.f32 v8, v7;
	v11 =	vperm.xlane v1, v56;
	v8 =	vadd.f32 v10, v9;
	_ =	sdelay $0x1  }
0x180: {  	v1 =	vadd.f32 v1, v11;
	v7 =	vadd.f32 v8, v7  }
0x181: {  	v57 =	vld [tilespmem:$0x1FFD0]  }
0x182: {  	v8 =	vperm.xlane v1, v58;
	v9 =	vperm.xlane v7, v59;
	_ =	sdelay $0x1  }
0x183: {  	v1 =	vadd.f32 v1, v8;
	v7 =	vadd.f32 v7, v9;
	_ =	sdelay $0x1  }
0x184: {  	v8 =	vpop (erf);
	v1 =	vmul.f32 $-8.838834610e-02, v1;
	v9 =	vperm.xlane v7, v57  }
0x185: {  	v8 =	vadd.f32 $1.000000000e+00, v8  }
0x186: {  	v1 =	vmul.f32 $1.442695020e+00, v1;
	v7 =	vadd.f32 v7, v9  }
0x187: {  	(erf) = vrcp.f32 v8  }
0x188: {  	(erf) = vpow2.f32 v1;
	v62 =	vperm.xlane v7, v56;
	_ =	sdelay $0x1  }
0x189: {  	v1 =	vadd.f32 v7, v62;
	_ =	sdelay $0x1  }
0x18a: {  	v7 =	vperm.xlane v1, v58;
	_ =	sdelay $0x3  }
0x18b: {  	v1 =	vadd.f32 v1, v7;
	v7 =	vpop (erf)  }
0x18c: {  	v8 =	vpop (erf)  }
0x18d: {  	v8 =	vadd.f32 $1.000000000e+00, v8  }
0x18e: {  	v63 =	vld [tilespmem:$0x1FF30];
	[tilespmem:s18+$0xA210] =	vst v61  }
0x18f: {  	v1 =	vmul.f32 $-8.838834610e-02, v1;
	(erf) = vrcp.f32 v8;
	v8 =	vld [tilespmem:$0x1FF40];
	_ =	sdelay $0x1  }
0x190: {  	v1 =	vmul.f32 $1.442695020e+00, v1;
	_ =	sdelay $0x1  }
0x191: {  	(erf) = vpow2.f32 v1;
	v1 =	vadd.f32 v55, v63  }
0x192: {  	v8 =	vadd.f32 v53, v8  }
0x193: {  	[tilespmem:s18+$0xA220] =	vst v1  }
0x194: {  	[tilespmem:s18+$0xA230] =	vst v8  }
0x195: {  	v8 =	vld [tilespmem:$0x1FF50];
	_ =	sdelay $0x2  }
0x196: {  	v10 =	vld [tilespmem:$0x1FF60]  }
0x197: {  	v15 =	vadd.f32 v52, v15;
	v9 =	vmul.f32 v7, v33  }
0x198: {  	v30 =	vmul.f32 v7, v30;
	v8 =	vadd.f32 v51, v8  }
0x199: {  	v9 =	vadd.f32 v9, v16;
	[tilespmem:s18+$0xA240] =	vst v15  }
0x19a: {  	v1 =	vadd.f32 v30, v12;
	[tilespmem:s18+$0xA250] =	vst v8;
	v8 =	vmul.f32 v7, v21  }
0x19b: {  	[tilespmem:s9+$0xA270] =	vst v9;
	v10 =	vadd.f32 v54, v10  }
0x19c: {  	[tilespmem:s9+$0xA200] =	vst v1;
	v8 =	vadd.f32 v8, v17  }
0x19d: {  	[tilespmem:s18+$0xA260] =	vst v10  }
0x19e: {  	[tilespmem:s9+$0xA210] =	vst v8  }
0x19f: {  	v8 =	vld [tilespmem:$0x1FF70];
	_ =	sdelay $0x1  }
0x1a0: {  	v10 =	vmul.f32 v7, v29  }
0x1a1: {  	v9 =	vmul.f32 v7, v25  }
0x1a2: {  	v51 =	vadd.f32 v10, v18  }
0x1a3: {  	v8 =	vadd.f32 v9, v8;
	v9 =	vld [tilespmem:$0x1FFA0]  }
0x1a4: {  	[tilespmem:s9+$0xA220] =	vst v51  }
0x1a5: {  	v11 =	vpop (erf);
	v1 =	vld [tilespmem:$0x1FF80];
	[tilespmem:s9+$0xA230] =	vst v8  }
0x1a6: {  	v33 =	vpop (erf);
	v8 =	vld [tilespmem:$0x1FF90]  }
0x1a7: {  	v12 =	vadd.f32 $1.000000000e+00, v33;
	v10 =	vmul.f32 v7, v22  }
0x1a8: {  	v9 =	vmul.f32 v7, v9;
	v7 =	vmul.f32 v7, v23  }
0x1a9: {  	(erf) = vrcp.f32 v12  }
0x1aa: {  	v7 =	vadd.f32 v7, v20  }
0x1ab: {  	v8 =	vadd.f32 v9, v8;
	v9 =	vmul.f32 v11, v46  }
0x1ac: {  	v52 =	vmul.f32 v11, v34;
	v1 =	vadd.f32 v10, v1;
	[tilespmem:s9+$0xA260] =	vst v7;
	v7 =	vmul.f32 v11, v40  }
0x1ad: {  	[tilespmem:s9+$0xA250] =	vst v8;
	v8 =	vadd.f32 v9, v32;
	v9 =	vmul.f32 v11, v45  }
0x1ae: {  	[tilespmem:s9+$0xA240] =	vst v1;
	v1 =	vadd.f32 v52, v19;
	v53 =	vadd.f32 v7, v14;
	v7 =	vmul.f32 v11, v35  }
0x1af: {  	v9 =	vadd.f32 v9, v24;
	[tilespmem:s19+$0xA270] =	vst v8;
	v8 =	vmul.f32 v11, v42  }
0x1b0: {  	[tilespmem:s19+$0xA200] =	vst v1  }
0x1b1: {  	[tilespmem:s19+$0xA210] =	vst v9;
	v8 =	vadd.f32 v8, v13;
	v9 =	vmul.f32 v11, v37  }
0x1b2: {  	v10 =	vmul.f32 v11, v31;
	[tilespmem:s19+$0xA220] =	vst v53;
	v54 =	vadd.f32 v7, v27;
	v7 =	vpop (erf)  }
0x1b3: {  	[tilespmem:s19+$0xA230] =	vst v8;
	v8 =	vadd.f32 v9, v26;
	v2 =	vmul.f32 v7, v2  }
0x1b4: {  	[tilespmem:s19+$0xA240] =	vst v54;
	v9 =	vadd.f32 v10, v28;
	v55 =	vmul.f32 v7, v48  }
0x1b5: {  	v3 =	vmul.f32 v7, v3;
	[tilespmem:s19+$0xA250] =	vst v8;
	v2 =	vadd.f32 v2, v49  }
0x1b6: {  	v60 =	vmul.f32 v7, v4;
	v4 =	vmul.f32 v7, v6;
	[tilespmem:s19+$0xA260] =	vst v9;
	v1 =	vadd.f32 v55, v39  }
0x1b7: {  	v0 =	vmul.f32 v7, v0;
	v61 =	vadd.f32 v3, v36;
	[tilespmem:s29+$0xA270] =	vst v2  }
0x1b8: {  	v8 =	vmul.f32 v7, v50;
	v63 =	vadd.f32 v4, v44;
	[tilespmem:s29+$0xA200] =	vst v1  }
0x1b9: {  	v0 =	vadd.f32 v0, v47;
	[tilespmem:s29+$0xA220] =	vst v61  }
0x1ba: {  	s30 =	smul.u32 $0x5000, s0;
	p0 =	seq.s32 s8, $0x0;
	v3 =	vmul.f32 v7, v5;
	v8 =	vadd.f32 v8, v43;
	[tilespmem:s29+$0xA250] =	vst v63  }
.Ltmp7:
0x1bb: {  	v2 =	vadd.f32 v60, v38;
	[tilespmem:s29+$0xA260] =	vst v0;
	(pc) =	sbr.rel @p0 .LBB2_13-.Ltmp7, $4  }
0x1bc: {  	v62 =	vadd.f32 v3, v41;
	[tilespmem:s29+$0xA210] =	vst v8  }
0x1bd: {  	s9 =	sshrl.u32 s30, $0x3;
	[tilespmem:s29+$0xA230] =	vst v2  }
0x1be: {  	s9 =	sadd.s32 s4, s9;
	[tilespmem:s29+$0xA240] =	vst v62  }
0x1bf: {  	v46 =	vmovc v57;
	v57 =	vmov v56;
	v5 =	vmov v58;
	v9 =	vmov v59;
	[hbm4b:s9+s6] =	stream.linear.scatter [tilespmem:s11], [sflag:$0x3], $0x5000, $0x38;
	[tilespmem:$0x14200] =	vst v63  }
.LBB2_8:
0x1c0: {  	p0 =	sge.u32 s2, s7  }
.Ltmp8:
0x1c1: {  	_ = 	snop;
	(pc) =	sbr.rel @p0 .LBB2_10-.Ltmp8, $4  }
0x1c2: {  	_ = 	snop  }
0x1c3: {  	_ =	swait.ge [sflag:s24], $0x5000  }
0x1c4: {  	[sflag:s24] =	ssyncset.done $0x0  }
0x1c5: {  	[sflag:s24] =	ssyncadd.s32 $0xFFFFB000  }
0x1c6: {  	s8 =	smul.u32 $0xA0, s0;
	_ =	sdelay $0x1  }
0x1c7: {  	s18 =	simm.s32 $0x200;
	s9 =	sadd.s32 $0x1400, s8  }
0x1c8: {  	s10 =	sshll.u32 s9, $0x4;
	s30 =	smulhi.u32 $0x68DB8BAD, s9;
	s19 =	sshra.s32 s9, $0x1F  }
0x1c9: {  	s29 =	sshrl.u32 s9, $0x3;
	s10 =	sadd.s32 s1, s10;
	s19 =	smul.u32 $0x68DB8BAD, s19  }
0x1ca: {  	[tilespmem:s18], [sflag:$0x1] =	stream.linear.gather [hbm4b:s10+s6], $0x5000, $0x38;
	[tilespmem:$0x14200] =	vst v63  }
0x1cb: {  	s10 =	sadd.s32 s3, s29;
	s29 =	sadd.s32 s19, s30  }
0x1cc: {  	[tilespmem:s6], [sflag:$0x5] =	stream.linear.gather [hbm4b:s10+s6], $0xA0, $0x38;
	[tilespmem:$0x14200] =	vst v63  }
0x1cd: {  	s18 =	sshrl.u32 s29, $0x1F;
	s10 =	sshra.s32 s29, $0xC  }
0x1ce: {  	s10 =	sadd.s32 s18, s10  }
0x1cf: {  	s18 =	smul.u32 $0xFFFFD8F0, s10  }
0x1d0: {  	s30 =	ssub.s32 $0xFFFFEC00, s8;
	_ =	swait.ge [sflag:s23], $0xA0  }
0x1d1: {  	p0 =	slt.s32 s9, $0x1;
	[sflag:s23] =	ssyncset.done $0x0;
	p1 =	sne.s32 s18, s30  }
0x1d2: {  	[sflag:s23] =	ssyncadd.s32 $0xFFFFFF60;
	p0 =	por !p0, !p1  }
0x1d3: {  	s9 =	simm.s32 $0x1;
	v0 =	vld [tilespmem:$0x0];
	p0 =	por !p0, !p0  }
0x1d4: {  	s9 =	simm.s32 @!p0 $0x0  }
0x1d5: {  	s9 =	ssub.s32 s10, s9  }
0x1d6: {  	s9 =	smul.u32 $0x2710, s9;
	_ =	sdelay $0x1  }
0x1d7: {  	v0 =	vadd.s32 s9, v0;
	s9 =	sadd.s32 $0x1410, s8  }
0x1d8: {  	s19 =	smulhi.u32 $0x68DB8BAD, s9;
	s29 =	sshra.s32 s9, $0x1F  }
0x1d9: {  	s18 =	smul.u32 $0x68DB8BAD, s29;
	_ =	sdelay $0x1  }
0x1da: {  	s10 =	sadd.s32 s18, s19  }
0x1db: {  	s18 =	sshrl.u32 s10, $0x1F;
	s10 =	sshra.s32 s10, $0xC  }
0x1dc: {  	s10 =	sadd.s32 s18, s10  }
0x1dd: {  	s30 =	ssub.s32 $0xFFFFEBF0, s8;
	s18 =	smul.u32 $0xFFFFD8F0, s10  }
0x1de: {  	[tilespmem:s11], [sflag:$0x1] =	stream.indirect_vreg.gather [hbm4b:s1+s6], $0x80, v0, vm0, $0xb8;
	[tilespmem:$0x14200] =	vst v63  }
0x1df: {  	p1 =	slt.s32 s9, $0x0;
	p2 =	sne.s32 s18, s30  }
0x1e0: {  	p0 =	por !p1, !p2  }
0x1e1: {  	s9 =	simm.s32 $0x1;
	v0 =	vld [tilespmem:$0x10];
	p0 =	por !p0, !p0  }
0x1e2: {  	s9 =	simm.s32 @!p0 $0x0  }
0x1e3: {  	s9 =	ssub.s32 s10, s9  }
0x1e4: {  	s9 =	smul.u32 $0x2710, s9;
	_ =	sdelay $0x1  }
0x1e5: {  	v0 =	vadd.s32 s9, v0;
	s9 =	sadd.s32 $0x1420, s8  }
0x1e6: {  	s19 =	smulhi.u32 $0x68DB8BAD, s9;
	s29 =	sshra.s32 s9, $0x1F  }
0x1e7: {  	s18 =	smul.u32 $0x68DB8BAD, s29;
	_ =	sdelay $0x1  }
0x1e8: {  	s10 =	sadd.s32 s18, s19  }
0x1e9: {  	s18 =	sshrl.u32 s10, $0x1F;
	s10 =	sshra.s32 s10, $0xC  }
0x1ea: {  	s10 =	sadd.s32 s18, s10  }
0x1eb: {  	s30 =	ssub.s32 $0xFFFFEBE0, s8;
	s18 =	smul.u32 $0xFFFFD8F0, s10  }
0x1ec: {  	[tilespmem:s12], [sflag:$0x1] =	stream.indirect_vreg.gather [hbm4b:s1+s6], $0x80, v0, vm0, $0xb8;
	[tilespmem:$0x14200] =	vst v63  }
0x1ed: {  	p3 =	slt.s32 s9, $0x1;
	p4 =	sne.s32 s18, s30  }
0x1ee: {  	p0 =	por !p3, !p4  }
0x1ef: {  	s9 =	simm.s32 $0x1;
	v0 =	vld [tilespmem:$0x20];
	p0 =	por !p0, !p0  }
0x1f0: {  	s9 =	simm.s32 @!p0 $0x0  }
0x1f1: {  	s9 =	ssub.s32 s10, s9  }
0x1f2: {  	s9 =	smul.u32 $0x2710, s9;
	_ =	sdelay $0x1  }
0x1f3: {  	v0 =	vadd.s32 s9, v0;
	s9 =	sadd.s32 $0x1430, s8  }
0x1f4: {  	s19 =	smulhi.u32 $0x68DB8BAD, s9;
	s29 =	sshra.s32 s9, $0x1F  }
0x1f5: {  	s18 =	smul.u32 $0x68DB8BAD, s29;
	_ =	sdelay $0x1  }
0x1f6: {  	s10 =	sadd.s32 s18, s19  }
0x1f7: {  	s18 =	sshrl.u32 s10, $0x1F;
	s10 =	sshra.s32 s10, $0xC  }
0x1f8: {  	s10 =	sadd.s32 s18, s10  }
0x1f9: {  	s30 =	ssub.s32 $0xFFFFEBD0, s8;
	s18 =	smul.u32 $0xFFFFD8F0, s10  }
0x1fa: {  	[tilespmem:s13], [sflag:$0x1] =	stream.indirect_vreg.gather [hbm4b:s1+s6], $0x80, v0, vm0, $0xb8;
	[tilespmem:$0x14200] =	vst v63  }
0x1fb: {  	p5 =	slt.s32 s9, $0x0;
	p6 =	sne.s32 s18, s30  }
0x1fc: {  	p0 =	por !p5, !p6  }
0x1fd: {  	s9 =	simm.s32 $0x1;
	v0 =	vld [tilespmem:$0x30];
	p0 =	por !p0, !p0  }
0x1fe: {  	s9 =	simm.s32 @!p0 $0x0  }
0x1ff: {  	s9 =	ssub.s32 s10, s9  }
0x200: {  	s9 =	smul.u32 $0x2710, s9;
	_ =	sdelay $0x1  }
0x201: {  	v0 =	vadd.s32 s9, v0;
	s9 =	sadd.s32 $0x1440, s8  }
0x202: {  	s19 =	smulhi.u32 $0x68DB8BAD, s9;
	s29 =	sshra.s32 s9, $0x1F  }
0x203: {  	s18 =	smul.u32 $0x68DB8BAD, s29;
	_ =	sdelay $0x1  }
0x204: {  	s10 =	sadd.s32 s18, s19  }
0x205: {  	s18 =	sshrl.u32 s10, $0x1F;
	s10 =	sshra.s32 s10, $0xC  }
0x206: {  	s10 =	sadd.s32 s18, s10  }
0x207: {  	s30 =	ssub.s32 $0xFFFFEBC0, s8;
	s18 =	smul.u32 $0xFFFFD8F0, s10  }
0x208: {  	[tilespmem:s14], [sflag:$0x1] =	stream.indirect_vreg.gather [hbm4b:s1+s6], $0x80, v0, vm0, $0xb8;
	[tilespmem:$0x14200] =	vst v63  }
0x209: {  	p1 =	slt.s32 s9, $0x1;
	p2 =	sne.s32 s18, s30  }
0x20a: {  	p0 =	por !p1, !p2  }
0x20b: {  	s9 =	simm.s32 $0x1;
	v0 =	vld [tilespmem:$0x40];
	p0 =	por !p0, !p0  }
0x20c: {  	s9 =	simm.s32 @!p0 $0x0  }
0x20d: {  	s9 =	ssub.s32 s10, s9  }
0x20e: {  	s9 =	smul.u32 $0x2710, s9;
	_ =	sdelay $0x1  }
0x20f: {  	v0 =	vadd.s32 s9, v0;
	s9 =	sadd.s32 $0x1450, s8  }
0x210: {  	s19 =	smulhi.u32 $0x68DB8BAD, s9;
	s29 =	sshra.s32 s9, $0x1F  }
0x211: {  	s18 =	smul.u32 $0x68DB8BAD, s29;
	_ =	sdelay $0x1  }
0x212: {  	s10 =	sadd.s32 s18, s19  }
0x213: {  	s18 =	sshrl.u32 s10, $0x1F;
	s10 =	sshra.s32 s10, $0xC  }
0x214: {  	s10 =	sadd.s32 s18, s10  }
0x215: {  	s30 =	ssub.s32 $0xFFFFEBB0, s8;
	s18 =	smul.u32 $0xFFFFD8F0, s10  }
0x216: {  	[tilespmem:s15], [sflag:$0x1] =	stream.indirect_vreg.gather [hbm4b:s1+s6], $0x80, v0, vm0, $0xb8;
	[tilespmem:$0x14200] =	vst v63  }
0x217: {  	p3 =	slt.s32 s9, $0x0;
	p4 =	sne.s32 s18, s30  }
0x218: {  	p0 =	por !p3, !p4  }
0x219: {  	s9 =	simm.s32 $0x1;
	v0 =	vld [tilespmem:$0x50];
	p0 =	por !p0, !p0  }
0x21a: {  	s9 =	simm.s32 @!p0 $0x0  }
0x21b: {  	s9 =	ssub.s32 s10, s9  }
0x21c: {  	s9 =	smul.u32 $0x2710, s9;
	_ =	sdelay $0x1  }
0x21d: {  	v0 =	vadd.s32 s9, v0;
	s9 =	sadd.s32 $0x1460, s8  }
0x21e: {  	s19 =	smulhi.u32 $0x68DB8BAD, s9;
	s29 =	sshra.s32 s9, $0x1F  }
0x21f: {  	s18 =	smul.u32 $0x68DB8BAD, s29;
	_ =	sdelay $0x1  }
0x220: {  	s10 =	sadd.s32 s18, s19  }
0x221: {  	s18 =	sshrl.u32 s10, $0x1F;
	s10 =	sshra.s32 s10, $0xC  }
0x222: {  	s10 =	sadd.s32 s18, s10  }
0x223: {  	s30 =	ssub.s32 $0xFFFFEBA0, s8;
	s18 =	smul.u32 $0xFFFFD8F0, s10  }
0x224: {  	[tilespmem:s16], [sflag:$0x1] =	stream.indirect_vreg.gather [hbm4b:s1+s6], $0x80, v0, vm0, $0xb8;
	[tilespmem:$0x14200] =	vst v63  }
0x225: {  	p5 =	slt.s32 s9, $0x1;
	p6 =	sne.s32 s18, s30  }
0x226: {  	p0 =	por !p5, !p6  }
0x227: {  	s9 =	simm.s32 $0x1;
	v0 =	vld [tilespmem:$0x60];
	p0 =	por !p0, !p0  }
0x228: {  	s9 =	simm.s32 @!p0 $0x0  }
0x229: {  	s9 =	ssub.s32 s10, s9  }
0x22a: {  	s9 =	smul.u32 $0x2710, s9;
	_ =	sdelay $0x1  }
0x22b: {  	v0 =	vadd.s32 s9, v0;
	s9 =	sadd.s32 $0x1470, s8  }
0x22c: {  	s19 =	smulhi.u32 $0x68DB8BAD, s9;
	s29 =	sshra.s32 s9, $0x1F  }
0x22d: {  	s18 =	smul.u32 $0x68DB8BAD, s29;
	_ =	sdelay $0x1  }
0x22e: {  	s10 =	sadd.s32 s18, s19  }
0x22f: {  	s18 =	sshrl.u32 s10, $0x1F;
	s10 =	sshra.s32 s10, $0xC  }
0x230: {  	s10 =	sadd.s32 s18, s10  }
0x231: {  	s30 =	ssub.s32 $0xFFFFEB90, s8;
	s18 =	smul.u32 $0xFFFFD8F0, s10  }
0x232: {  	[tilespmem:s17], [sflag:$0x1] =	stream.indirect_vreg.gather [hbm4b:s1+s6], $0x80, v0, vm0, $0xb8;
	[tilespmem:$0x14200] =	vst v63  }
0x233: {  	p1 =	slt.s32 s9, $0x0;
	p2 =	sne.s32 s18, s30  }
0x234: {  	p0 =	por !p1, !p2  }
0x235: {  	s9 =	simm.s32 $0x1;
	v0 =	vld [tilespmem:$0x70];
	p0 =	por !p0, !p0  }
0x236: {  	s9 =	simm.s32 @!p0 $0x0  }
0x237: {  	s9 =	ssub.s32 s10, s9  }
0x238: {  	s9 =	smul.u32 $0x2710, s9;
	_ =	sdelay $0x1  }
0x239: {  	v0 =	vadd.s32 s9, v0;
	s9 =	sadd.s32 $0x1480, s8  }
0x23a: {  	s19 =	smulhi.u32 $0x68DB8BAD, s9;
	s29 =	sshra.s32 s9, $0x1F  }
0x23b: {  	s18 =	smul.u32 $0x68DB8BAD, s29;
	_ =	sdelay $0x1  }
0x23c: {  	s10 =	sadd.s32 s18, s19  }
0x23d: {  	s18 =	sshrl.u32 s10, $0x1F;
	s10 =	sshra.s32 s10, $0xC  }
0x23e: {  	s10 =	sadd.s32 s18, s10  }
0x23f: {  	s30 =	ssub.s32 $0xFFFFEB80, s8;
	s18 =	smul.u32 $0xFFFFD8F0, s10  }
0x240: {  	[tilespmem:s20], [sflag:$0x1] =	stream.indirect_vreg.gather [hbm4b:s1+s6], $0x80, v0, vm0, $0xb8;
	[tilespmem:$0x14200] =	vst v63  }
0x241: {  	p3 =	slt.s32 s9, $0x1;
	p4 =	sne.s32 s18, s30  }
0x242: {  	s9 =	simm.s32 $0x1;
	s19 =	sadd.s32 $0x1490, s8;
	p0 =	por !p3, !p4  }
0x243: {  	s29 =	smulhi.u32 $0x68DB8BAD, s19;
	v0 =	vld [tilespmem:$0x80];
	s30 =	sshra.s32 s19, $0x1F;
	p0 =	por !p0, !p0  }
0x244: {  	s18 =	smul.u32 $0x68DB8BAD, s30;
	s9 =	simm.s32 @!p0 $0x0  }
0x245: {  	s9 =	ssub.s32 s10, s9  }
0x246: {  	s10 =	sadd.s32 s18, s29;
	s9 =	smul.u32 $0x2710, s9  }
0x247: {  	s18 =	sshrl.u32 s10, $0x1F;
	s10 =	sshra.s32 s10, $0xC  }
0x248: {  	s10 =	sadd.s32 s18, s10;
	v0 =	vadd.s32 s9, v0  }
0x249: {  	s18 =	smul.u32 $0xFFFFD8F0, s10  }
0x24a: {  	s8 =	ssub.s32 $0xFFFFEB70, s8  }
0x24b: {  	p5 =	slt.s32 s19, $0x0;
	p6 =	sne.s32 s18, s8  }
0x24c: {  	p0 =	por !p5, !p6  }
0x24d: {  	[tilespmem:s21], [sflag:$0x1] =	stream.indirect_vreg.gather [hbm4b:s1+s6], $0x80, v0, vm0, $0xb8;
	[tilespmem:$0x14200] =	vst v63  }
0x24e: {  	s8 =	simm.s32 $0x1;
	p0 =	por !p0, !p0;
	v0 =	vld [tilespmem:$0x90]  }
0x24f: {  	s8 =	simm.s32 @!p0 $0x0  }
0x250: {  	s8 =	ssub.s32 s10, s8  }
0x251: {  	s8 =	smul.u32 $0x2710, s8;
	_ =	sdelay $0x1  }
0x252: {  	v0 =	vadd.s32 s8, v0;
	_ =	sdelay $0x4  }
0x253: {  	[tilespmem:s22], [sflag:$0x1] =	stream.indirect_vreg.gather [hbm4b:s1+s6], $0x80, v0, vm0, $0xb8;
	[tilespmem:$0x14200] =	vst v63  }
.LBB2_10:
0x254: {  	_ =	swait.ge [sflag:s26], $0x5000  }
0x255: {  	[sflag:s26] =	ssyncset.done $0x0  }
0x256: {  	[sflag:s26] =	ssyncadd.s32 $0xFFFFB000  }
0x257: {  	_ =	swait.ge [sflag:s26], $0x800  }
0x258: {  	[sflag:s26] =	ssyncset.done $0x0  }
0x259: {  	[sflag:s26] =	ssyncadd.s32 $0xFFFFF800  }
0x25a: {  	_ =	swait.ge [sflag:s26], $0x800  }
0x25b: {  	[sflag:s26] =	ssyncset.done $0x0  }
0x25c: {  	[sflag:s26] =	ssyncadd.s32 $0xFFFFF800  }
0x25d: {  	_ =	swait.ge [sflag:s26], $0x800  }
0x25e: {  	[sflag:s26] =	ssyncset.done $0x0  }
0x25f: {  	[sflag:s26] =	ssyncadd.s32 $0xFFFFF800  }
0x260: {  	_ =	swait.ge [sflag:s26], $0x800  }
0x261: {  	[sflag:s26] =	ssyncset.done $0x0  }
0x262: {  	[sflag:s26] =	ssyncadd.s32 $0xFFFFF800  }
0x263: {  	_ =	swait.ge [sflag:s26], $0x800  }
0x264: {  	[sflag:s26] =	ssyncset.done $0x0  }
0x265: {  	[sflag:s26] =	ssyncadd.s32 $0xFFFFF800  }
0x266: {  	_ =	swait.ge [sflag:s26], $0x800  }
0x267: {  	[sflag:s26] =	ssyncset.done $0x0  }
0x268: {  	[sflag:s26] =	ssyncadd.s32 $0xFFFFF800  }
0x269: {  	_ =	swait.ge [sflag:s26], $0x800  }
0x26a: {  	[sflag:s26] =	ssyncset.done $0x0  }
0x26b: {  	[sflag:s26] =	ssyncadd.s32 $0xFFFFF800  }
0x26c: {  	_ =	swait.ge [sflag:s26], $0x800  }
0x26d: {  	[sflag:s26] =	ssyncset.done $0x0  }
0x26e: {  	[sflag:s26] =	ssyncadd.s32 $0xFFFFF800  }
0x26f: {  	_ =	swait.ge [sflag:s26], $0x800  }
0x270: {  	[sflag:s26] =	ssyncset.done $0x0  }
0x271: {  	[sflag:s26] =	ssyncadd.s32 $0xFFFFF800  }
0x272: {  	_ =	swait.ge [sflag:s26], $0x800  }
0x273: {  	[sflag:s26] =	ssyncset.done $0x0  }
0x274: {  	s9 =	simm.s32 $0x0;
	[sflag:s26] =	ssyncadd.s32 $0xFFFFF800  }
0x275: {  	v47 =	vld [tilespmem:s9+$0x5200]  }
0x276: {  	v0 =	vld [tilespmem:s9+$0xF200]  }
0x277: {  	v48 =	vld [tilespmem:s9+$0x5210]  }
0x278: {  	v1 =	vld [tilespmem:s9+$0xF210]  }
0x279: {  	v6 =	vld [tilespmem:s9+$0x5220]  }
0x27a: {  	v2 =	vld [tilespmem:s9+$0xF220]  }
0x27b: {  	v14 =	vld [tilespmem:s9+$0x5230]  }
0x27c: {  	v3 =	vld [tilespmem:s9+$0xF230]  }
0x27d: {  	v17 =	vld [tilespmem:s9+$0x5240]  }
0x27e: {  	v8 =	vld [tilespmem:s9+$0xF240]  }
0x27f: {  	v16 =	vld [tilespmem:s9+$0x5250]  }
0x280: {  	v10 =	vld [tilespmem:s9+$0xF250]  }
0x281: {  	v12 =	vld [tilespmem:s9+$0x5260]  }
0x282: {  	v11 =	vld [tilespmem:s9+$0xF260]  }
0x283: {  	v53 =	vld [tilespmem:s9+$0x5270]  }
0x284: {  	v7 =	vld [tilespmem:s9+$0xF270]  }
0x285: {  	v56 =	vsub.f32 v0, v47;
	v61 =	vsub.f32 v1, v48  }
0x286: {  	v55 =	vsub.f32 v2, v6;
	v51 =	vsub.f32 v3, v14  }
0x287: {  	v52 =	vsub.f32 v8, v17;
	v50 =	vsub.f32 v10, v16  }
0x288: {  	v49 =	vsub.f32 v11, v12;
	v0 =	vmul.f32 v56, v47;
	v1 =	vmul.f32 v61, v48  }
0x289: {  	[tilespmem:$0x1FEB0] =	vst v6;
	v44 =	vsub.f32 v7, v53;
	v2 =	vmul.f32 v55, v6;
	v3 =	vmul.f32 v51, v14  }
0x28a: {  	s8 =	simm.s32 $0x80;
	[tilespmem:$0x1FEC0] =	vst v14;
	v37 =	vmul.f32 v52, v17;
	v38 =	vmul.f32 v50, v16  }
0x28b: {  	v36 =	vld [tilespmem:s8+$0x5200];
	[tilespmem:$0x1FED0] =	vst v16;
	v39 =	vmul.f32 v49, v12;
	v7 =	vmul.f32 v44, v53  }
0x28c: {  	v16 =	vld [tilespmem:s8+$0xF200];
	v0 =	vadd.f32 v1, v0;
	v1 =	vadd.f32 v3, v2  }
0x28d: {  	v14 =	vld [tilespmem:s8+$0x5210];
	v3 =	vadd.f32 v38, v37;
	v40 =	vadd.f32 v7, v39  }
0x28e: {  	v23 =	vld [tilespmem:s8+$0x5220]  }
0x28f: {  	v15 =	vmov v17;
	v17 =	vld [tilespmem:s8+$0xF220];
	v0 =	vadd.f32 v1, v0;
	v1 =	vadd.f32 v40, v3  }
0x290: {  	v41 =	vld [tilespmem:s8+$0x5230]  }
0x291: {  	v42 =	vld [tilespmem:s8+$0x5240];
	v0 =	vadd.f32 v1, v0  }
0x292: {  	v45 =	vld [tilespmem:s8+$0x5250]  }
0x293: {  	v18 =	vld [tilespmem:s8+$0xF250];
	v43 =	vperm.xlane v0, v9  }
0x294: {  	v54 =	vld [tilespmem:s8+$0x5260]  }
0x295: {  	v19 =	vld [tilespmem:s8+$0xF260];
	v0 =	vadd.f32 v0, v43  }
0x296: {  	v1 =	vld [tilespmem:s8+$0xF240]  }
0x297: {  	v28 =	vld [tilespmem:s8+$0x5270];
	v20 =	vperm.xlane v0, v46  }
0x298: {  	v29 =	vld [tilespmem:s8+$0xF270]  }
0x299: {  	v3 =	vld [tilespmem:s8+$0xF230];
	v0 =	vadd.f32 v0, v20  }
0x29a: {  	v2 =	vld [tilespmem:s8+$0xF210];
	v25 =	vsub.f32 v16, v36  }
0x29b: {  	v17 =	vsub.f32 v17, v23;
	v16 =	vsub.f32 v1, v42;
	v1 =	vperm.xlane v0, v57  }
0x29c: {  	s18 =	simm.s32 $0x100;
	v32 =	vsub.f32 v18, v45;
	v27 =	vsub.f32 v19, v54;
	[tilespmem:$0x1FEE0] =	vst v41  }
0x29d: {  	v33 =	vsub.f32 v29, v28;
	v19 =	vld [tilespmem:s18+$0x5200];
	[tilespmem:$0x1FEF0] =	vst v42;
	v0 =	vadd.f32 v0, v1  }
0x29e: {  	v22 =	vmov v25;
	v58 =	vmul.f32 v17, v23;
	v31 =	vld [tilespmem:s18+$0xF200];
	[tilespmem:$0x1FF00] =	vst v45;
	v24 =	vsub.f32 v3, v41  }
0x29f: {  	[tilespmem:$0x1FF10] =	vst v32;
	v20 =	vsub.f32 v2, v14;
	v2 =	vmul.f32 v25, v36;
	v25 =	vperm.xlane v0, v5  }
0x2a0: {  	v60 =	vmul.f32 v32, v45;
	v62 =	vmul.f32 v33, v28;
	v10 =	vld [tilespmem:s18+$0x5210];
	[tilespmem:$0x1FF20] =	vst v54  }
0x2a1: {  	v63 =	vld [tilespmem:s18+$0x5220];
	v3 =	vmul.f32 v20, v14;
	v1 =	vmul.f32 v24, v41;
	v0 =	vadd.f32 v0, v25  }
0x2a2: {  	v35 =	vld [tilespmem:s18+$0xF220];
	v26 =	vmovc v24;
	v59 =	vmul.f32 v16, v42;
	v24 =	vmov v27;
	v27 =	vmul.f32 v27, v54  }
0x2a3: {  	v7 =	vld [tilespmem:s18+$0x5250];
	v2 =	vadd.f32 v3, v2;
	v1 =	vadd.f32 v1, v58;
	v0 =	vmul.f32 $-8.838834610e-02, v0  }
0x2a4: {  	v37 =	vld [tilespmem:s18+$0xF250];
	v58 =	vadd.f32 v60, v59;
	v25 =	vadd.f32 v62, v27  }
0x2a5: {  	v32 =	vld [tilespmem:s18+$0x5270];
	v0 =	vmul.f32 $1.442695020e+00, v0  }
0x2a6: {  	v13 =	vmovc v12;
	v12 =	vmov v36;
	v36 =	vld [tilespmem:s18+$0xF230];
	v1 =	vadd.f32 v1, v2;
	v2 =	vadd.f32 v25, v58  }
0x2a7: {  	v3 =	vld [tilespmem:s18+$0xF210];
	(erf) = vpow2.f32 v0  }
0x2a8: {  	v18 =	vmov v14;
	v14 =	vld [tilespmem:s18+$0x5240];
	v1 =	vadd.f32 v2, v1  }
0x2a9: {  	v54 =	vld [tilespmem:s18+$0x5260]  }
0x2aa: {  	v59 =	vld [tilespmem:s18+$0x5230];
	v0 =	vperm.xlane v1, v9  }
0x2ab: {  	v2 =	vld [tilespmem:s18+$0xF240]  }
0x2ac: {  	v45 =	vsub.f32 v3, v10;
	v3 =	vld [tilespmem:s18+$0xF270];
	v0 =	vadd.f32 v1, v0  }
0x2ad: {  	v34 =	vsub.f32 v31, v19;
	v40 =	vsub.f32 v35, v63;
	v1 =	vld [tilespmem:s18+$0xF260]  }
0x2ae: {  	v6 =	vmov v46;
	v37 =	vsub.f32 v37, v7;
	v38 =	vperm.xlane v0, v46  }
0x2af: {  	v21 =	vmovc v20;
	v41 =	vmul.f32 v40, v63;
	v60 =	vmul.f32 v34, v19;
	v42 =	vsub.f32 v36, v59  }
0x2b0: {  	v62 =	vmul.f32 v45, v10;
	v35 =	vsub.f32 v2, v14;
	v0 =	vadd.f32 v0, v38;
	v2 =	vpop (erf)  }
0x2b1: {  	v20 =	vmovc v23;
	v23 =	vmovc v16;
	v43 =	vmul.f32 v42, v59;
	v46 =	vsub.f32 v3, v32;
	v2 =	vadd.f32 $1.000000000e+00, v2  }
0x2b2: {  	v16 =	vmovc v63;
	v63 =	vmul.f32 v35, v14;
	v31 =	vsub.f32 v1, v54;
	v1 =	vperm.xlane v0, v57  }
0x2b3: {  	s19 =	simm.s32 $0x180;
	v3 =	vmul.f32 v46, v32;
	(erf) = vrcp.f32 v2  }
0x2b4: {  	v39 =	vld [tilespmem:s19+$0x5200];
	v0 =	vadd.f32 v0, v1;
	v1 =	vmul.f32 v37, v7;
	v2 =	vmul.f32 v31, v54  }
0x2b5: {  	v8 =	vld [tilespmem:s19+$0xF200];
	v41 =	vadd.f32 v43, v41;
	v38 =	vadd.f32 v62, v60  }
0x2b6: {  	v36 =	vld [tilespmem:s19+$0x5220];
	v58 =	vperm.xlane v0, v5;
	v1 =	vadd.f32 v1, v63;
	v2 =	vadd.f32 v3, v2  }
0x2b7: {  	v30 =	vmovc v17;
	v17 =	vmov v28;
	v28 =	vmov v59;
	v59 =	vld [tilespmem:s19+$0xF230];
	v41 =	vadd.f32 v41, v38  }
0x2b8: {  	v43 =	vld [tilespmem:s19+$0x5210];
	v0 =	vadd.f32 v0, v58;
	v1 =	vadd.f32 v2, v1  }
0x2b9: {  	v60 =	vld [tilespmem:s19+$0xF240]  }
0x2ba: {  	v38 =	vld [tilespmem:s19+$0x5230];
	v0 =	vmul.f32 $-8.838834610e-02, v0;
	v1 =	vadd.f32 v1, v41  }
0x2bb: {  	v3 =	vld [tilespmem:s19+$0xF210]  }
0x2bc: {  	v58 =	vld [tilespmem:s19+$0xF220];
	v0 =	vmul.f32 $1.442695020e+00, v0;
	v9 =	vperm.xlane v1, v9;
	v2 =	vpop (erf)  }
0x2bd: {  	v41 =	vld [tilespmem:s19+$0x5240];
	v62 =	vmul.f32 v2, v44  }
0x2be: {  	v29 =	vmovc v14;
	v27 =	vmovc v54;
	(erf) = vpow2.f32 v0;
	v63 =	vadd.f32 v1, v9;
	v44 =	vld [tilespmem:s19+$0x5250];
	v0 =	vmul.f32 v2, v56  }
0x2bf: {  	v25 =	vmovc v10;
	v10 =	vmul.f32 v2, v61;
	v54 =	vmul.f32 v2, v49;
	v49 =	vld [tilespmem:s19+$0x5270];
	v1 =	vadd.f32 v62, v53  }
0x2c0: {  	v14 =	vmovc v7;
	v55 =	vmul.f32 v2, v55;
	v52 =	vmul.f32 v2, v52;
	v11 =	vadd.f32 v0, v47;
	v47 =	vld [tilespmem:s19+$0x5260]  }
0x2c1: {  	v53 =	vmul.f32 v2, v51;
	v61 =	vadd.f32 v10, v48;
	v0 =	vld [tilespmem:s19+$0xF260];
	v51 =	vmul.f32 v2, v50;
	[tilespmem:s9+$0xF270] =	vst v1  }
0x2c2: {  	s29 =	simm.s32 $0x800;
	v62 =	vld [tilespmem:s19+$0xF250];
	v48 =	vsub.f32 v8, v39;
	v50 =	vsub.f32 v3, v43;
	v1 =	vperm.xlane v63, v6;
	[tilespmem:s9+$0xF200] =	vst v11  }
.LBB2_11:
0x2c3: {  	_ = 	snop  }
0x2c4: {  	v2 =	vld [tilespmem:s19+$0xF270];
	v6 =	vmov v37  }
0x2c5: {  	v3 =	vmov v26;
	v5 =	vld [tilespmem:$0x1FF10]  }
0x2c6: {  	v26 =	vmovc v42;
	v56 =	vmovc v24;
	v42 =	vsub.f32 v59, v38;
	v24 =	vmov v31;
	v31 =	vsub.f32 v0, v47;
	v0 =	vld [tilespmem:$0x1FFC0]  }
0x2c7: {  	[tilespmem:$0x1FF10] =	vst v6;
	v59 =	vmul.f32 v50, v43;
	v6 =	vmovc v18;
	v18 =	vmov v25;
	v25 =	vmov v43;
	v43 =	vld [tilespmem:$0x1FEB0]  }
0x2c8: {  	v57 =	vsub.f32 v58, v36;
	v1 =	vadd.f32 v63, v1  }
0x2c9: {  	[tilespmem:s9+$0xF210] =	vst v61;
	v61 =	vmovc v23;
	v23 =	vmov v35;
	v35 =	vsub.f32 v60, v41;
	v58 =	vmul.f32 v48, v39  }
0x2ca: {  	s10 =	sshra.s32 s29, $0x2;
	v9 =	vld [tilespmem:$0x1FFE0];
	v63 =	vmul.f32 v42, v38;
	v37 =	vsub.f32 v62, v44;
	v62 =	vmul.f32 v57, v36  }
0x2cb: {  	v8 =	vld [tilespmem:s10+$0xF200];
	v4 =	vmovc v5;
	v5 =	vmovc v12;
	v12 =	vmov v19;
	v2 =	vsub.f32 v2, v49;
	v0 =	vperm.xlane v1, v0  }
0x2cc: {  	v60 =	vmul.f32 v37, v44;
	v62 =	vadd.f32 v63, v62;
	v63 =	vld [tilespmem:$0x1FEE0];
	v19 =	vpop (erf);
	v55 =	vadd.f32 v55, v43  }
0x2cd: {  	v43 =	vmovc v20;
	v11 =	vadd.f32 $1.000000000e+00, v19;
	v19 =	vmovc v39;
	v39 =	vld [tilespmem:s10+$0x5200];
	v0 =	vadd.f32 v1, v0;
	v1 =	vmul.f32 v35, v41  }
0x2ce: {  	[tilespmem:$0x1FEB0] =	vst v43;
	v43 =	vld [tilespmem:s10+$0x5210]  }
0x2cf: {  	v10 =	vmul.f32 v2, v49;
	v1 =	vadd.f32 v60, v1;
	v60 =	vld [tilespmem:$0x1FEC0]  }
0x2d0: {  	v7 =	vmov v45;
	(erf) = vrcp.f32 v11;
	v11 =	vld [tilespmem:s10+$0xF210];
	v45 =	vperm.xlane v0, v9  }
0x2d1: {  	[tilespmem:s9+$0xF220] =	vst v55;
	v55 =	vld [tilespmem:$0x1FF00];
	v9 =	vmul.f32 v31, v47  }
0x2d2: {  	v20 =	vmov v16;
	v16 =	vmov v36;
	v36 =	vld [tilespmem:s10+$0x5220];
	v0 =	vadd.f32 v0, v45  }
0x2d3: {  	v59 =	vadd.f32 v59, v58;
	v58 =	vld [tilespmem:s10+$0xF220];
	v9 =	vadd.f32 v10, v9;
	v10 =	vmovc v17;
	v17 =	vmovc v32;
	v32 =	vmov v49  }
0x2d4: {  	v0 =	vmul.f32 $-8.838834610e-02, v0;
	v49 =	vadd.f32 v53, v60;
	v60 =	vmovc v63;
	v63 =	vmovc v28;
	v28 =	vmov v38;
	v38 =	vld [tilespmem:s10+$0x5230]  }
0x2d5: {  	[tilespmem:$0x1FEC0] =	vst v60;
	v60 =	vadd.f32 v62, v59;
	v62 =	vld [tilespmem:$0x1FEF0]  }
0x2d6: {  	[tilespmem:$0x1FEE0] =	vst v63;
	v59 =	vld [tilespmem:s10+$0xF230]  }
0x2d7: {  	[tilespmem:s9+$0xF230] =	vst v49;
	v49 =	vld [tilespmem:$0x1FED0];
	v63 =	vmov v29  }
0x2d8: {  	v53 =	vmul.f32 $1.442695020e+00, v0;
	v0 =	vmov v27;
	[tilespmem:$0x1FEF0] =	vst v63;
	v63 =	vld [tilespmem:$0x1FF20]  }
0x2d9: {  	[tilespmem:$0x1FF20] =	vst v0;
	v0 =	vld [tilespmem:$0x1FFF0]  }
0x2da: {  	v1 =	vadd.f32 v9, v1  }
0x2db: {  	v45 =	vmov v50;
	v50 =	vadd.f32 v52, v15  }
0x2dc: {  	v1 =	vadd.f32 v1, v60  }
0x2dd: {  	v29 =	vmov v41;
	v41 =	vld [tilespmem:s10+$0x5240];
	[tilespmem:s9+$0xF240] =	vst v50;
	(erf) = vpow2.f32 v53;
	v27 =	vmov v47  }
0x2de: {  	v50 =	vsub.f32 v11, v43;
	v60 =	vmovc v55;
	v9 =	vadd.f32 v51, v49;
	v0 =	vperm.xlane v1, v0  }
0x2df: {  	v15 =	vmov v62;
	[tilespmem:$0x1FED0] =	vst v60;
	v62 =	vmov v14;
	v60 =	vld [tilespmem:s10+$0xF240];
	v49 =	vadd.f32 v54, v13;
	v54 =	vpop (erf)  }
0x2e0: {  	p0 =	sne.s32 s29, $0x13E00;
	v14 =	vmovc v44;
	v13 =	vmov v63;
	[tilespmem:s9+$0xF250] =	vst v9;
	v9 =	vmul.f32 v54, v33;
	v63 =	vadd.f32 v1, v0;
	v1 =	vld [tilespmem:$0x1FFD0]  }
.Ltmp9:
0x2e1: {  	v55 =	vmul.f32 v54, v30;
	v33 =	vmovc v46;
	v46 =	vmov v2;
	v2 =	vmul.f32 v54, v22;
	v44 =	vld [tilespmem:s10+$0x5250];
	[tilespmem:s9+$0xF260] =	vst v49;
	s9 =	smov.u32 s8;
	(pc) =	sbr.rel @p0 .LBB2_11-.Ltmp9, $4  }
0x2e2: {  	[tilespmem:$0x1FF00] =	vst v62;
	v53 =	vmul.f32 v54, v3;
	v52 =	vmul.f32 v54, v61;
	s8 =	smov.u32 s18;
	s18 =	smov.u32 s19;
	s19 =	smov.u32 s10;
	v62 =	vld [tilespmem:s10+$0xF250];
	v10 =	vadd.f32 v9, v10  }
0x2e3: {  	v30 =	vmovc v40;
	v51 =	vmul.f32 v54, v4;
	v49 =	vmul.f32 v54, v21;
	v47 =	vld [tilespmem:s19+$0x5260];
	v2 =	vadd.f32 v2, v5  }
0x2e4: {  	v40 =	vmovc v57;
	v22 =	vmovc v34;
	v34 =	vmov v48;
	v48 =	vsub.f32 v8, v39;
	v21 =	vmov v7;
	v0 =	vld [tilespmem:s19+$0xF260];
	[tilespmem:s9+$0xF270] =	vst v10  }
0x2e5: {  	s29 =	sadd.s32 $0x200, s29;
	v54 =	vmul.f32 v54, v56;
	v61 =	vadd.f32 v49, v6;
	v49 =	vld [tilespmem:s19+$0x5270];
	[tilespmem:s9+$0xF200] =	vst v2;
	v1 =	vperm.xlane v63, v1  }
0x2e6: {  	v2 =	vld [tilespmem:s19+$0xF270];
	v3 =	vsub.f32 v58, v36  }
0x2e7: {  	v4 =	vsub.f32 v59, v38;
	v5 =	vsub.f32 v60, v41  }
0x2e8: {  	v7 =	vmul.f32 v48, v39;
	v8 =	vmul.f32 v50, v43;
	v6 =	vsub.f32 v62, v44  }
0x2e9: {  	v9 =	vmul.f32 v3, v36;
	v10 =	vmul.f32 v4, v38  }
0x2ea: {  	v11 =	vmul.f32 v5, v41;
	v7 =	vadd.f32 v8, v7;
	v56 =	vmul.f32 v6, v44  }
0x2eb: {  	v0 =	vsub.f32 v0, v47;
	v2 =	vsub.f32 v2, v49  }
0x2ec: {  	v8 =	vadd.f32 v10, v9;
	v9 =	vadd.f32 v56, v11;
	v56 =	vld [tilespmem:$0x1FFC0]  }
0x2ed: {  	v57 =	vmul.f32 v0, v47;
	v60 =	vmul.f32 v2, v49;
	_ =	sdelay $0x1  }
0x2ee: {  	v58 =	vld [tilespmem:$0x1FFE0];
	v1 =	vadd.f32 v63, v1;
	v10 =	vadd.f32 v60, v57  }
0x2ef: {  	v59 =	vld [tilespmem:$0x1FFF0]  }
0x2f0: {  	v7 =	vadd.f32 v8, v7;
	v11 =	vperm.xlane v1, v56;
	v8 =	vadd.f32 v10, v9;
	_ =	sdelay $0x1  }
0x2f1: {  	v1 =	vadd.f32 v1, v11;
	v7 =	vadd.f32 v8, v7  }
0x2f2: {  	v57 =	vld [tilespmem:$0x1FFD0]  }
0x2f3: {  	v8 =	vperm.xlane v1, v58;
	v9 =	vperm.xlane v7, v59;
	_ =	sdelay $0x1  }
0x2f4: {  	v1 =	vadd.f32 v1, v8;
	v7 =	vadd.f32 v7, v9;
	_ =	sdelay $0x1  }
0x2f5: {  	v8 =	vpop (erf);
	v1 =	vmul.f32 $-8.838834610e-02, v1;
	v9 =	vperm.xlane v7, v57  }
0x2f6: {  	v8 =	vadd.f32 $1.000000000e+00, v8  }
0x2f7: {  	v1 =	vmul.f32 $1.442695020e+00, v1;
	v7 =	vadd.f32 v7, v9  }
0x2f8: {  	(erf) = vrcp.f32 v8  }
0x2f9: {  	(erf) = vpow2.f32 v1;
	v62 =	vperm.xlane v7, v56;
	_ =	sdelay $0x1  }
0x2fa: {  	v1 =	vadd.f32 v7, v62;
	_ =	sdelay $0x1  }
0x2fb: {  	v7 =	vperm.xlane v1, v58;
	_ =	sdelay $0x3  }
0x2fc: {  	v1 =	vadd.f32 v1, v7;
	v7 =	vpop (erf)  }
0x2fd: {  	v8 =	vpop (erf)  }
0x2fe: {  	v8 =	vadd.f32 $1.000000000e+00, v8  }
0x2ff: {  	v63 =	vld [tilespmem:$0x1FEB0];
	[tilespmem:s9+$0xF210] =	vst v61  }
0x300: {  	v1 =	vmul.f32 $-8.838834610e-02, v1;
	(erf) = vrcp.f32 v8;
	v8 =	vld [tilespmem:$0x1FEC0];
	_ =	sdelay $0x1  }
0x301: {  	v1 =	vmul.f32 $1.442695020e+00, v1;
	_ =	sdelay $0x1  }
0x302: {  	(erf) = vpow2.f32 v1;
	v1 =	vadd.f32 v55, v63  }
0x303: {  	v8 =	vadd.f32 v53, v8  }
0x304: {  	[tilespmem:s9+$0xF220] =	vst v1  }
0x305: {  	[tilespmem:s9+$0xF230] =	vst v8  }
0x306: {  	v8 =	vld [tilespmem:$0x1FED0];
	_ =	sdelay $0x3  }
0x307: {  	v15 =	vadd.f32 v52, v15  }
0x308: {  	v9 =	vmul.f32 v7, v33;
	v8 =	vadd.f32 v51, v8  }
0x309: {  	v10 =	vadd.f32 v54, v13;
	v22 =	vmul.f32 v7, v22;
	[tilespmem:s9+$0xF240] =	vst v15  }
0x30a: {  	v9 =	vadd.f32 v9, v17;
	[tilespmem:s9+$0xF250] =	vst v8;
	v8 =	vmul.f32 v7, v21  }
0x30b: {  	v1 =	vadd.f32 v22, v12;
	[tilespmem:s9+$0xF260] =	vst v10  }
0x30c: {  	[tilespmem:s8+$0xF270] =	vst v9;
	v8 =	vadd.f32 v8, v18  }
0x30d: {  	[tilespmem:s8+$0xF200] =	vst v1  }
0x30e: {  	[tilespmem:s8+$0xF210] =	vst v8  }
0x30f: {  	v8 =	vld [tilespmem:$0x1FEE0]  }
0x310: {  	v10 =	vmul.f32 v7, v30;
	_ =	sdelay $0x1  }
0x311: {  	v9 =	vmul.f32 v7, v26;
	v51 =	vadd.f32 v10, v20;
	_ =	sdelay $0x1  }
0x312: {  	v8 =	vadd.f32 v9, v8;
	v9 =	vld [tilespmem:$0x1FF10];
	[tilespmem:s8+$0xF220] =	vst v51  }
0x313: {  	v1 =	vld [tilespmem:$0x1FEF0];
	_ =	sdelay $0x2  }
0x314: {  	v10 =	vmul.f32 v7, v23;
	[tilespmem:s8+$0xF230] =	vst v8  }
0x315: {  	v8 =	vld [tilespmem:$0x1FF00]  }
0x316: {  	v11 =	vpop (erf);
	v1 =	vadd.f32 v10, v1;
	v10 =	vld [tilespmem:$0x1FF20]  }
0x317: {  	v30 =	vpop (erf)  }
0x318: {  	v33 =	vadd.f32 $1.000000000e+00, v30;
	v9 =	vmul.f32 v7, v9  }
0x319: {  	v7 =	vmul.f32 v7, v24  }
0x31a: {  	(erf) = vrcp.f32 v33;
	v8 =	vadd.f32 v9, v8;
	v9 =	vmul.f32 v11, v46  }
0x31b: {  	v7 =	vadd.f32 v7, v10  }
0x31c: {  	[tilespmem:s8+$0xF250] =	vst v8;
	v8 =	vadd.f32 v9, v32;
	v9 =	vmul.f32 v11, v45  }
0x31d: {  	[tilespmem:s8+$0xF260] =	vst v7;
	v7 =	vmul.f32 v11, v40  }
0x31e: {  	v52 =	vmul.f32 v11, v34;
	v9 =	vadd.f32 v9, v25  }
0x31f: {  	[tilespmem:s18+$0xF270] =	vst v8;
	v8 =	vmul.f32 v11, v42;
	v53 =	vadd.f32 v7, v16;
	v7 =	vmul.f32 v11, v35  }
0x320: {  	[tilespmem:s8+$0xF240] =	vst v1;
	v1 =	vadd.f32 v52, v19  }
0x321: {  	[tilespmem:s18+$0xF210] =	vst v9;
	v8 =	vadd.f32 v8, v28;
	v9 =	vmul.f32 v11, v37  }
0x322: {  	[tilespmem:s18+$0xF200] =	vst v1;
	v10 =	vmul.f32 v11, v31  }
0x323: {  	[tilespmem:s18+$0xF230] =	vst v8;
	v8 =	vadd.f32 v9, v14;
	v54 =	vadd.f32 v7, v29;
	v7 =	vpop (erf)  }
0x324: {  	v9 =	vadd.f32 v10, v27;
	[tilespmem:s18+$0xF220] =	vst v53;
	v2 =	vmul.f32 v7, v2  }
0x325: {  	[tilespmem:s18+$0xF250] =	vst v8;
	v55 =	vmul.f32 v7, v48  }
0x326: {  	[tilespmem:s18+$0xF260] =	vst v9;
	v8 =	vmul.f32 v7, v50;
	v2 =	vadd.f32 v2, v49  }
0x327: {  	[tilespmem:s18+$0xF240] =	vst v54;
	v3 =	vmul.f32 v7, v3;
	v1 =	vadd.f32 v55, v39  }
0x328: {  	v60 =	vmul.f32 v7, v4;
	v4 =	vmul.f32 v7, v6;
	v8 =	vadd.f32 v8, v43;
	[tilespmem:s19+$0xF270] =	vst v2  }
0x329: {  	v0 =	vmul.f32 v7, v0;
	v61 =	vadd.f32 v3, v36;
	[tilespmem:s19+$0xF200] =	vst v1  }
0x32a: {  	v63 =	vadd.f32 v4, v44;
	[tilespmem:s19+$0xF210] =	vst v8  }
0x32b: {  	s0 =	smul.u32 $0x5000, s0;
	v3 =	vmul.f32 v7, v5;
	v0 =	vadd.f32 v0, v47;
	[tilespmem:s19+$0xF220] =	vst v61  }
.Ltmp10:
0x32c: {  	v2 =	vadd.f32 v60, v38;
	[tilespmem:s19+$0xF250] =	vst v63;
	(pc) =	sbr.rel .LBB2_13-.Ltmp10, $4  }
0x32d: {  	v62 =	vadd.f32 v3, v41;
	[tilespmem:s19+$0xF260] =	vst v0  }
0x32e: {  	s0 =	sshrl.u32 s0, $0x3;
	[tilespmem:s19+$0xF230] =	vst v2  }
0x32f: {  	s0 =	sadd.s32 s4, s0;
	[tilespmem:s19+$0xF240] =	vst v62  }
0x330: {  	v46 =	vmovc v57;
	v57 =	vmov v56;
	v9 =	vmov v59;
	v5 =	vmov v58;
	[hbm4b:s0+s6] =	stream.linear.scatter [tilespmem:s28], [sflag:$0x4], $0x5000, $0x38;
	[tilespmem:$0x14200] =	vst v63  }
.LBB2_15:
0x331: {  	_ =	sfence.sel $0x180000  }
0x332: {  	[bflag:$0x0] =	sbarrier.arrive $0xFFFF  }
0x333: {  	_ =	strace $0x90000047  }
0x334: {  	s0 =	stileid.u32;
	[bflag:$0x2] =	sbarrier.arrive $0xFFFF  }
0x335: {  	p0 =	sne.s32 s0, $0x0;
	s0 =	rddreg [dreg:$0x3]  }
0x336: {  	s0 =	sadd.s32 @!p0 $0x100000, s0  }
0x337: {  	[sflag:s0] =	ssyncadd.tile.s32 @!p0 $0x1;
	_ =	shalt  }
.Lfunc_end2:
_tile_overlayer_lowered:
.L_overlay_start_2:
0x338: {  	(tag) =	ssettag $0x2  }
0x339: {  	s0 =	rddreg [dreg:$0x0];
	s2 =	stileid.u32  }
0x33a: {  	s1 =	rddreg [dreg:$0x1];
	p0 =	sne.s32 s2, $0x0  }
0x33b: {  	s3 =	rddreg [dreg:$0x2];
	[bflag:$0x3] =	sbarrier.arrive $0xFFFF;
	s2 =	simm.s32 @!p0 $0x1C05  }
0x33c: {  	[timem:s3], [sflag:s2] =	dma.local @!p0 [hbm:s0], s1  }
0x33d: {  	s0 =	simm.s32 @!p0 $0x5  }
0x33e: {  	_ =	swait.ge @!p0 [sflag:s0], s1  }
0x33f: {  	s1 =	ssub.s32 @!p0 $0x0, s1;
	[sflag:s0] =	ssyncset.done @!p0 $0x0  }
0x340: {  	[sflag:s0] =	ssyncadd.s32 @!p0 s1  }
0x341: {  	[bflag:$0x3] =	sbarrier.arrive $0xFFFF  }
0x342: {  	_ =	shalt  }

</sc_bundles>
